<compile_context>
chip_gen: v7x
topology: tpu7x:2x2x1
jax: 0.10.2.dev20260603
libtpu: 0.0.44.dev20260713+nightly
codegen_flags: <defaults>
</compile_context>

<pallas_src>
import functools

import jax
import jax.numpy as jnp
from jax import lax
from jax.experimental import pallas as pl
from jax.experimental.pallas import tpu as pltpu
import jax.experimental.pallas.tpu_sc as plsc

N0 = 25000
N1 = 25000
E = 400000
D_IN = 128
D = 64
GCN_LAYERS = 2

NP0 = 25088
NPF = 50176
BT = 3136

NC = 2
NS = 16
CHUNK = 128
NBUF = 4
SEG = 20


def _leaky(v):
    return jnp.where(v >= 0, v, 0.01 * v)


TOTCH = E // CHUNK
SEGSZ = 49


@functools.lru_cache(maxsize=None)
def _make_seg_sum(x_rows, acc_rows, win_lo, win_rows, src_pl, dst_pl,
                  nplanes, src_off=0):
    rpw = win_rows // NS
    mesh = plsc.VectorSubcoreMesh(core_axis_name="c", subcore_axis_name="s")

    @functools.partial(
        pl.kernel,
        out_type=jax.ShapeDtypeStruct((NC * win_rows, D), jnp.bfloat16),
        mesh=mesh,
        scratch_types=[
            pltpu.VMEM((SEGSZ, CHUNK), jnp.int32),
            pltpu.VMEM((SEGSZ, CHUNK), jnp.int32),
            pltpu.VMEM((NBUF, CHUNK, D), jnp.bfloat16),
            pltpu.VMEM_SHARED((acc_rows, D), jnp.bfloat16),
            pltpu.SemaphoreType.DMA,
        ],
        compiler_params=pltpu.CompilerParams(use_tc_tiling_on_sc=False),
    )
    def seg_sum(x_hbm, ei_hbm, zeros_hbm, out_hbm, sidx, didx, rows, acc,
                sem):
        c = lax.axis_index("c")
        s = lax.axis_index("s")
        w = c * NS + s
        lo = w * TOTCH // (NC * NS)
        cnt = (w + 1) * TOTCH // (NC * NS) - lo
        pltpu.sync_copy(zeros_hbm.at[pl.ds(s * rpw, rpw)],
                        acc.at[pl.ds(win_lo + s * rpw, rpw)])
        plsc.subcore_barrier()

        def seg_body(t, carry):
            seg_lo = lo + t * SEGSZ
            seg_cnt = jnp.minimum(cnt - t * SEGSZ, SEGSZ)
            pltpu.sync_copy(ei_hbm.at[src_pl, pl.ds(seg_lo, SEGSZ)], sidx)
            pltpu.sync_copy(ei_hbm.at[dst_pl, pl.ds(seg_lo, SEGSZ)], didx)
            if src_off:
                def sub_body(i, carry3):
                    r = i // (CHUNK // 16)
                    l = (i % (CHUNK // 16)) * 16
                    sidx[r, pl.ds(l, 16)] = sidx[r, pl.ds(l, 16)] - src_off
                    return carry3
                lax.fori_loop(0, SEGSZ * (CHUNK // 16), sub_body, 0)
            for b in range(NBUF):
                pltpu.async_copy(x_hbm.at[sidx.at[b]], rows.at[b], sem)

            def body(j, carry2):
                for b in range(NBUF):
                    @pl.when((j % NBUF == b) & (j < seg_cnt))
                    def _():
                        pltpu.make_async_copy(x_hbm.at[sidx.at[j]],
                                              rows.at[b], sem).wait()
                        pltpu.sync_copy(rows.at[b], acc.at[didx.at[j]],
                                        add=True)

                        @pl.when(j + NBUF < seg_cnt)
                        def _():
                            pltpu.async_copy(x_hbm.at[sidx.at[j + NBUF]],
                                             rows.at[b], sem)
                return carry2

            lax.fori_loop(0, SEGSZ, body, 0)
            return carry

        lax.fori_loop(0, 2, seg_body, 0)
        plsc.subcore_barrier()
        pltpu.sync_copy(acc.at[pl.ds(win_lo + s * rpw, rpw)],
                        out_hbm.at[pl.ds(c * win_rows + s * rpw, rpw)])

    return seg_sum


def _seg_sum(x_bf, ei, src_pl, dst_pl, acc_rows, win_lo, win_rows,
             src_off=0):
    nplanes = ei.shape[0] * ei.shape[1]
    ei_r = ei.reshape(nplanes, TOTCH, CHUNK)
    zeros = jnp.zeros((win_rows, D), jnp.bfloat16)
    return _make_seg_sum(x_bf.shape[0], acc_rows, win_lo, win_rows,
                         src_pl, dst_pl, nplanes, src_off)(x_bf, ei_r, zeros)


def _proj(x, w, b, n_out):
    n, k = x.shape
    m = w.shape[1]

    def body(x_ref, w_ref, b_ref, o_ref):
        o = jnp.dot(x_ref[...], w_ref[...],
                    preferred_element_type=jnp.float32) + b_ref[...]
        o_ref[...] = _leaky(o).astype(jnp.bfloat16)

    return pl.pallas_call(
        body,
        grid=(n_out // BT,),
        in_specs=[pl.BlockSpec((BT, k), lambda i: (i, 0)),
                  pl.BlockSpec((k, m), lambda i: (0, 0)),
                  pl.BlockSpec((1, m), lambda i: (0, 0))],
        out_specs=pl.BlockSpec((BT, m), lambda i: (i, 0)),
        out_shape=jax.ShapeDtypeStruct((n_out, m), jnp.bfloat16),
    )(x, w, b.reshape(1, -1))


def _conv_combine(x_bf, parts, wr, wn, b, g, beta):
    n = parts.shape[0] // 2
    nblk = n // BT

    def body(x_ref, a0_ref, a1_ref, wr_ref, wn_ref, b_ref, g_ref, be_ref,
             o_ref):
        agg = (a0_ref[...].astype(jnp.float32)
               + a1_ref[...].astype(jnp.float32))
        h = (jnp.dot(x_ref[...], wr_ref[...],
                     preferred_element_type=jnp.float32)
             + jnp.dot(agg, wn_ref[...], preferred_element_type=jnp.float32)
             + b_ref[...])
        mu = jnp.mean(h, axis=-1, keepdims=True)
        var = jnp.mean((h - mu) ** 2, axis=-1, keepdims=True)
        o = (h - mu) / jnp.sqrt(var + 1e-5) * g_ref[...] + be_ref[...]
        o_ref[...] = _leaky(o).astype(jnp.bfloat16)

    mat = pl.BlockSpec((BT, D), lambda i: (i, 0))
    par = pl.BlockSpec((D, D), lambda i: (0, 0))
    vec = pl.BlockSpec((1, D), lambda i: (0, 0))
    return pl.pallas_call(
        body,
        grid=(nblk,),
        in_specs=[mat,
                  pl.BlockSpec((BT, D), lambda i: (i, 0)),
                  pl.BlockSpec((BT, D), lambda i: (i + nblk, 0)),
                  par, par, vec, vec, vec],
        out_specs=mat,
        out_shape=jax.ShapeDtypeStruct((n, D), jnp.bfloat16),
    )(x_bf, parts, parts, wr, wn, b.reshape(1, -1),
      g.reshape(1, -1), beta.reshape(1, -1))


def _conv_full(x_bf, parts, h, wr, wn, b, g, beta):
    nblk = NPF // BT
    half = NP0 // BT

    def body(x_ref, a0_ref, a1_ref, h_ref, wr_ref, wn_ref, b_ref, g_ref,
             be_ref, o_ref):
        i = pl.program_id(0)

        @pl.when(i < half)
        def _():
            agg = (a0_ref[...].astype(jnp.float32)
                   + a1_ref[...].astype(jnp.float32))
            hh = (jnp.dot(x_ref[...], wr_ref[...],
                          preferred_element_type=jnp.float32)
                  + jnp.dot(agg, wn_ref[...],
                            preferred_element_type=jnp.float32)
                  + b_ref[...])
            mu = jnp.mean(hh, axis=-1, keepdims=True)
            var = jnp.mean((hh - mu) ** 2, axis=-1, keepdims=True)
            o = (hh - mu) / jnp.sqrt(var + 1e-5) * g_ref[...] + be_ref[...]
            o_ref[...] = _leaky(o).astype(jnp.bfloat16)

        @pl.when(i >= half)
        def _():
            o_ref[...] = h_ref[...]

    clam = lambda i: (jnp.minimum(i, half - 1), 0)
    return pl.pallas_call(
        body,
        grid=(nblk,),
        in_specs=[pl.BlockSpec((BT, D), clam),
                  pl.BlockSpec((BT, D), clam),
                  pl.BlockSpec((BT, D),
                               lambda i: (jnp.minimum(i, half - 1) + half, 0)),
                  pl.BlockSpec((BT, D), lambda i: (i, 0)),
                  pl.BlockSpec((D, D), lambda i: (0, 0)),
                  pl.BlockSpec((D, D), lambda i: (0, 0)),
                  pl.BlockSpec((1, D), lambda i: (0, 0)),
                  pl.BlockSpec((1, D), lambda i: (0, 0)),
                  pl.BlockSpec((1, D), lambda i: (0, 0))],
        out_specs=pl.BlockSpec((BT, D), lambda i: (i, 0)),
        out_shape=jax.ShapeDtypeStruct((NPF, D), jnp.bfloat16),
    )(x_bf, parts, parts, h, wr, wn, b.reshape(1, -1), g.reshape(1, -1),
      beta.reshape(1, -1))


def _att_xs(f1, f2, f3, w, b):
    n = NP0
    k = 3 * D

    def body(f1_ref, f2_ref, f3_ref, w_ref, b_ref, o_ref):
        cat = jnp.concatenate([f1_ref[...], f2_ref[...], f3_ref[...]],
                              axis=-1)
        o = jnp.dot(cat, w_ref[...],
                    preferred_element_type=jnp.float32) + b_ref[...]
        o_ref[...] = _leaky(o).astype(jnp.bfloat16)

    mat = pl.BlockSpec((BT, D), lambda i: (i, 0))
    return pl.pallas_call(
        body,
        grid=(n // BT,),
        in_specs=[mat, mat, mat,
                  pl.BlockSpec((k, k), lambda i: (0, 0)),
                  pl.BlockSpec((1, k), lambda i: (0, 0))],
        out_specs=pl.BlockSpec((BT, k), lambda i: (i, 0)),
        out_shape=jax.ShapeDtypeStruct((n, k), jnp.bfloat16),
    )(f1, f2, f3, w.astype(jnp.bfloat16), b.reshape(1, -1))


def _att_logits(xs, w1, b1, w2, b2, w3, n_valid):
    n, k = xs.shape

    def body(xs_ref, w1_ref, b1_ref, w2_ref, b2_ref, w3_ref, o_ref):
        xv = xs_ref[...]
        t = jnp.tanh(jnp.dot(xv, w1_ref[...],
                             preferred_element_type=jnp.float32) + b1_ref[...])
        s = jax.nn.sigmoid(jnp.dot(xv, w2_ref[...],
                                   preferred_element_type=jnp.float32)
                           + b2_ref[...])
        lg = jnp.dot(t * s, w3_ref[...], preferred_element_type=jnp.float32)
        row = (pl.program_id(0) * BT
               + jax.lax.broadcasted_iota(jnp.int32, (BT, 1), 0))
        o_ref[...] = jnp.where(row < n_valid, lg, -1e30)

    return pl.pallas_call(
        body,
        grid=(n // BT,),
        in_specs=[pl.BlockSpec((BT, k), lambda i: (i, 0)),
                  pl.BlockSpec((k, k), lambda i: (0, 0)),
                  pl.BlockSpec((1, k), lambda i: (0, 0)),
                  pl.BlockSpec((k, k), lambda i: (0, 0)),
                  pl.BlockSpec((1, k), lambda i: (0, 0)),
                  pl.BlockSpec((k, 1), lambda i: (0, 0))],
        out_specs=pl.BlockSpec((BT, 1), lambda i: (i, 0)),
        out_shape=jax.ShapeDtypeStruct((n, 1), jnp.float32),
    )(xs, w1.astype(jnp.bfloat16), b1.reshape(1, -1),
      w2.astype(jnp.bfloat16), b2.reshape(1, -1), w3)


def _softmax_row(l):
    n = l.shape[1]

    def body(l_ref, o_ref):
        lv = l_ref[...]
        m = jnp.max(lv, axis=-1, keepdims=True)
        e = jnp.exp(lv - m)
        o_ref[...] = e / jnp.sum(e, axis=-1, keepdims=True)

    return pl.pallas_call(
        body,
        out_shape=jax.ShapeDtypeStruct((1, n), jnp.float32),
    )(l)


def _pool(atts, xs):
    n, k = xs.shape
    bt = 3584

    def body(a_ref, xs_ref, o_ref):
        @pl.when(pl.program_id(0) == 0)
        def _():
            o_ref[...] = jnp.zeros_like(o_ref)
        o_ref[...] += jnp.dot(a_ref[...], xs_ref[...].astype(jnp.float32),
                              preferred_element_type=jnp.float32)

    return pl.pallas_call(
        body,
        grid=(n // bt,),
        in_specs=[pl.BlockSpec((1, bt), lambda i: (0, i)),
                  pl.BlockSpec((bt, k), lambda i: (i, 0))],
        out_specs=pl.BlockSpec((1, k), lambda i: (0, 0)),
        out_shape=jax.ShapeDtypeStruct((1, k), jnp.float32),
    )(atts, xs)


def _head(xv, wl, bl, wc, bc):
    def body(v_ref, wl_ref, bl_ref, wc_ref, bc_ref, o_ref):
        h1 = _leaky(jnp.dot(v_ref[...], wl_ref[...],
                            preferred_element_type=jnp.float32) + bl_ref[...])
        o_ref[...] = jax.nn.sigmoid(
            jnp.dot(h1, wc_ref[...], preferred_element_type=jnp.float32)
            + bc_ref[...])

    return pl.pallas_call(
        body,
        out_shape=jax.ShapeDtypeStruct((1, 2), jnp.float32),
    )(xv, wl, bl.reshape(1, -1), wc, bc.reshape(1, -1))


def kernel(x, edge_index, edge_index_diff, feats_size_list, mask_prob, params):
    p = params
    h = _proj(x, p['l0_W'], p['l0_b'], NPF)

    ei = edge_index.astype(jnp.int32)
    eid = edge_index_diff.astype(jnp.int32)

    parts = _seg_sum(h, ei, 0, 1, NP0, 0, NP0)
    xx1 = _conv_combine(h, parts, p['g0_0_Wr'], p['g0_0_Wn'], p['g0_0_b'],
                        p['g0_0_ln_g'], p['g0_0_ln_b'])
    parts = _seg_sum(xx1, ei, 0, 1, NP0, 0, NP0)
    full0 = _conv_full(xx1, parts, h, p['g0_1_Wr'], p['g0_1_Wn'],
                       p['g0_1_b'], p['g0_1_ln_g'], p['g0_1_ln_b'])
    cat0 = [h, xx1, full0]

    parts = _seg_sum(full0, eid, 0, 1, NPF, 0, NPF)
    fulld = _conv_combine(full0, parts, p['diff0_Wr'], p['diff0_Wn'],
                          p['diff0_b'], p['diff0_ln_g'], p['diff0_ln_b'])

    s1 = jnp.concatenate(
        [fulld[N0:N0 + N1], jnp.zeros((NP0 - N1, D), jnp.bfloat16)], axis=0)
    parts = _seg_sum(fulld, ei, 2, 3, NPF, N0, NP0)
    xx2 = _conv_combine(s1, parts, p['g1_0_Wr'], p['g1_0_Wn'], p['g1_0_b'],
                        p['g1_0_ln_g'], p['g1_0_ln_b'])
    parts = _seg_sum(xx2, ei, 2, 3, NPF, N0, NP0, src_off=N0)
    xx3 = _conv_combine(xx2, parts, p['g1_1_Wr'], p['g1_1_Wn'], p['g1_1_b'],
                        p['g1_1_ln_g'], p['g1_1_ln_b'])
    cat1 = [s1, xx2, xx3]

    pooled = []
    atts = []
    for i, cat in enumerate([cat0, cat1]):
        xs = _att_xs(cat[0], cat[1], cat[2],
                     p['attl1_%d_W' % i], p['attl1_%d_b' % i])
        logit = _att_logits(xs, p['att1_%d_W' % i], p['att1_%d_b' % i],
                            p['att2_%d_W' % i], p['att2_%d_b' % i],
                            p['att3_%d_W' % i], N0)
        a = _softmax_row(logit.reshape(1, NP0))
        atts.append(a[:, :N0])
        pooled.append(_pool(a, xs))

    x_v = jnp.concatenate(pooled, axis=1)
    x_v = _head(x_v, p['llast_W'], p['llast_b'], p['lcla_W'], p['lcla_b'])
    return (x_v, atts[0], atts[1])

# --- scband reference (transcript-rebuilt; emitter-appended) ---
"""Pipeline reference for scband-mil-8615704395807 (READ-ONLY COPY).

The authoritative reference and input builder live on the scoring server;
editing this copy changes nothing except your own understanding.
"""

import jax, jax.numpy as jnp
import numpy as np

N0 = 25000
N1 = 25000
E = 400000
D_IN = 128
D = 64
GCN_LAYERS = 2
NUM_SCALE = 2


def _leaky(x):
    return jnp.where(x >= 0, x, 0.01 * x)


def _layer_norm(x, g, b):
    mu = jnp.mean(x, axis=-1, keepdims=True)
    var = jnp.var(x, axis=-1, keepdims=True)
    return (x - mu) / jnp.sqrt(var + 1e-5) * g + b


def _conv(x, ei, Wr, Wn, b, n):
    # MaskAddGraphConv with mask_prob=0 (no edge masking at eval):
    # add-aggregation message passing: out = x @ W_root + scatter_add(x[src] -> dst) @ W_nbr + b
    src = ei[0]
    dst = ei[1]
    msg = jnp.take(x, src, axis=0)
    agg = jax.ops.segment_sum(msg, dst, num_segments=n)
    return x @ Wr + agg @ Wn + b


def _deep(x, ei, p, pre, n):
    # DeepGCNLayer(block='plain'): conv -> LayerNorm -> LeakyReLU -> dropout(eval: identity)
    h = _conv(x, ei, p[pre + '_Wr'], p[pre + '_Wn'], p[pre + '_b'], n)
    h = _layer_norm(h, p[pre + '_ln_g'], p[pre + '_ln_b'])
    return _leaky(h)


def setup_inputs(seed: int = 0):
    key = jax.random.key(seed)
    ks = jax.random.split(key, 64)
    x = jax.random.normal(ks[0], (N0 + N1, D_IN), dtype=jnp.float32)
    ei0 = jax.random.randint(ks[1], (2, E), 0, N0)
    ei1 = jax.random.randint(ks[2], (2, E), 0, N1) + N0
    edge_index = jnp.stack([ei0, ei1], axis=0)
    edge_index_diff = jax.random.randint(ks[3], (1, 2, E), 0, N0 + N1)
    feats_size_list = jnp.array([N0, N1], dtype=jnp.int32)
    idx = [4]
    def nrm(shape):
        k = ks[idx[0]]
        idx[0] += 1
        return jax.random.normal(k, shape, dtype=jnp.float32) * 0.05
    params = {}
    params['l0_W'] = nrm((D_IN, D))
    params['l0_b'] = jnp.zeros((D,), jnp.float32)
    for i in range(NUM_SCALE):
        for j in range(GCN_LAYERS):
            pre = 'g%d_%d' % (i, j)
            params[pre + '_Wr'] = nrm((D, D))
            params[pre + '_Wn'] = nrm((D, D))
            params[pre + '_b'] = jnp.zeros((D,), jnp.float32)
            params[pre + '_ln_g'] = jnp.ones((D,), jnp.float32)
            params[pre + '_ln_b'] = jnp.zeros((D,), jnp.float32)
    pre = 'diff0'
    params[pre + '_Wr'] = nrm((D, D))
    params[pre + '_Wn'] = nrm((D, D))
    params[pre + '_b'] = jnp.zeros((D,), jnp.float32)
    params[pre + '_ln_g'] = jnp.ones((D,), jnp.float32)
    params[pre + '_ln_b'] = jnp.zeros((D,), jnp.float32)
    dcat = D * (GCN_LAYERS + 1)
    for i in range(NUM_SCALE):
        params['attl1_%d_W' % i] = nrm((dcat, dcat))
        params['attl1_%d_b' % i] = jnp.zeros((dcat,), jnp.float32)
        params['att1_%d_W' % i] = nrm((dcat, dcat))
        params['att1_%d_b' % i] = jnp.zeros((dcat,), jnp.float32)
        params['att2_%d_W' % i] = nrm((dcat, dcat))
        params['att2_%d_b' % i] = jnp.zeros((dcat,), jnp.float32)
        params['att3_%d_W' % i] = nrm((dcat, 1))
        params['att3_%d_b' % i] = jnp.zeros((1,), jnp.float32)
    dfull = dcat * NUM_SCALE
    params['llast_W'] = nrm((dfull, dfull))
    params['llast_b'] = jnp.zeros((dfull,), jnp.float32)
    params['lcla_W'] = nrm((dfull, 2))
    params['lcla_b'] = jnp.zeros((2,), jnp.float32)
    return {'x': x, 'edge_index': edge_index, 'edge_index_diff': edge_index_diff,
            'feats_size_list': feats_size_list, 'mask_prob': 0, 'params': params}


def reference(x, edge_index, edge_index_diff, feats_size_list, mask_prob, params):
    p = params
    h = _leaky(x @ p['l0_W'] + p['l0_b'])
    # scale 0
    xx = h[:N0]
    ei = edge_index[0]
    cat0 = xx
    for j in range(GCN_LAYERS):
        xx = _deep(xx, ei, p, 'g0_%d' % j, N0)
        cat0 = jnp.concatenate([cat0, xx], axis=-1)
    full = jnp.concatenate([xx, h[N0:]], axis=0)
    # diff graph between scale 0 and scale 1 nodes
    xx = full[:N0 + N1]
    xx = _deep(xx, edge_index_diff[0], p, 'diff0', N0 + N1)
    full = xx
    # scale 1 (rm_x_count = N0)
    xx = full[N0:N0 + N1]
    ei = edge_index[1] - N0
    cat1 = xx
    for j in range(GCN_LAYERS):
        xx = _deep(xx, ei, p, 'g1_%d' % j, N1)
        cat1 = jnp.concatenate([cat1, xx], axis=-1)
    # gated attention pooling per scale
    x_v_list = []
    atts = []
    for i, x_sub in enumerate([cat0, cat1]):
        x_sub = _leaky(x_sub @ p['attl1_%d_W' % i] + p['attl1_%d_b' % i])
        at1 = jnp.tanh(x_sub @ p['att1_%d_W' % i] + p['att1_%d_b' % i])
        at2 = jax.nn.sigmoid(x_sub @ p['att2_%d_W' % i] + p['att2_%d_b' % i])
        a = (at1 * at2) @ p['att3_%d_W' % i] + p['att3_%d_b' % i]
        a = a.T
        a = jax.nn.softmax(a, axis=-1)
        atts.append(a)
        x_v_list.append(a @ x_sub)
    x_v = jnp.concatenate(x_v_list, axis=1)
    x_v = _leaky(x_v @ p['llast_W'] + p['llast_b'])
    x_v = jax.nn.sigmoid(x_v @ p['lcla_W'] + p['lcla_b'])
    return (x_v, atts[0], atts[1])

if __name__ == "__main__":
    import jax
    _d = setup_inputs()
    print(jax.jit(kernel)(*tuple(_d.values())))

</pallas_src>

<mosaic_0001>
#map = affine_map<(d0, d1) -> (0, 0)>
#map1 = affine_map<(d0, d1) -> (0, 0, 0)>
module attributes {stable_mosaic.version = 14 : i64} {
  func.func @seg_sum(%arg0: i32, %arg1: i32, %arg2: memref<25088x64xbf16, #tpu.memory_space<hbm>>, %arg3: memref<4x3125x128xi32, #tpu.memory_space<hbm>>, %arg4: memref<25088x64xbf16, #tpu.memory_space<hbm>>, %arg5: memref<50176x64xbf16, #tpu.memory_space<hbm>>, %arg6: memref<49x128xi32, #tpu.memory_space<vmem>>, %arg7: memref<49x128xi32, #tpu.memory_space<vmem>>, %arg8: memref<4x128x64xbf16, #tpu.memory_space<vmem>>, %arg9: memref<25088x64xbf16, #tpu.memory_space<vmem_shared>>, %arg10: memref<!tpu.dma_semaphore, #tpu.memory_space<semaphore_mem>>) attributes {dimension_semantics = [#tpu.dimension_semantics<core_parallel>, #tpu.dimension_semantics<subcore_parallel>], iteration_bounds = array<i64: 2, 16>, scalar_prefetch = 0 : i64, scratch_operands = 5 : i64, tpu.core_type = #tpu.core_type<sc_vector_subcore>, window_params = [{transform_indices = #map}, {transform_indices = #map1}, {transform_indices = #map}, {transform_indices = #map}]} {
    %mul3A = arith.constant 16 : i32
    %mul3A_0 = arith.muli %arg0, %mul3A : i32
    %add3A = arith.addi %mul3A_0, %arg1 : i32
    %mul3A_1 = arith.constant 3125 : i32
    %mul3A_2 = arith.muli %add3A, %mul3A_1 : i32
    %jit3A = arith.constant 32 : i32
    %div3A = arith.divsi %mul3A_2, %jit3A : i32
    %sign3A = arith.constant 0 : i32
    %sign3A_3 = arith.cmpi sgt, %mul3A_2, %sign3A : i32
    %sign3A_4 = arith.extui %sign3A_3 : i1 to i32
    %sign3A_5 = arith.constant 0 : i32
    %sign3A_6 = arith.cmpi slt, %mul3A_2, %sign3A_5 : i32
    %sign3A_7 = arith.extui %sign3A_6 : i1 to i32
    %sign3A_8 = arith.subi %sign3A_4, %sign3A_7 : i32
    %sign3A_9 = arith.constant 0 : i32
    %sign3A_10 = arith.cmpi sgt, %jit3A, %sign3A_9 : i32
    %sign3A_11 = arith.extui %sign3A_10 : i1 to i32
    %sign3A_12 = arith.constant 0 : i32
    %sign3A_13 = arith.cmpi slt, %jit3A, %sign3A_12 : i32
    %sign3A_14 = arith.extui %sign3A_13 : i1 to i32
    %sign3A_15 = arith.subi %sign3A_11, %sign3A_14 : i32
    %ne3A = arith.cmpi ne, %sign3A_8, %sign3A_15 : i32
    %rem3A = arith.remsi %mul3A_2, %jit3A : i32
    %ne3A_16 = arith.constant 0 : i32
    %ne3A_17 = arith.cmpi ne, %rem3A, %ne3A_16 : i32
    %and3A = arith.andi %ne3A, %ne3A_17 : i1
    %sub3A = arith.constant 1 : i32
    %sub3A_18 = arith.subi %div3A, %sub3A : i32
    %select_n3A = arith.select %and3A, %sub3A_18, %div3A : i32
    %add3A_19 = arith.constant 1 : i32
    %add3A_20 = arith.addi %add3A, %add3A_19 : i32
    %mul3A_21 = arith.constant 3125 : i32
    %mul3A_22 = arith.muli %add3A_20, %mul3A_21 : i32
    %jit3A_23 = arith.constant 32 : i32
    %div3A_24 = arith.divsi %mul3A_22, %jit3A_23 : i32
    %sign3A_25 = arith.constant 0 : i32
    %sign3A_26 = arith.cmpi sgt, %mul3A_22, %sign3A_25 : i32
    %sign3A_27 = arith.extui %sign3A_26 : i1 to i32
    %sign3A_28 = arith.constant 0 : i32
    %sign3A_29 = arith.cmpi slt, %mul3A_22, %sign3A_28 : i32
    %sign3A_30 = arith.extui %sign3A_29 : i1 to i32
    %sign3A_31 = arith.subi %sign3A_27, %sign3A_30 : i32
    %sign3A_32 = arith.constant 0 : i32
    %sign3A_33 = arith.cmpi sgt, %jit3A_23, %sign3A_32 : i32
    %sign3A_34 = arith.extui %sign3A_33 : i1 to i32
    %sign3A_35 = arith.constant 0 : i32
    %sign3A_36 = arith.cmpi slt, %jit3A_23, %sign3A_35 : i32
    %sign3A_37 = arith.extui %sign3A_36 : i1 to i32
    %sign3A_38 = arith.subi %sign3A_34, %sign3A_37 : i32
    %ne3A_39 = arith.cmpi ne, %sign3A_31, %sign3A_38 : i32
    %rem3A_40 = arith.remsi %mul3A_22, %jit3A_23 : i32
    %ne3A_41 = arith.constant 0 : i32
    %ne3A_42 = arith.cmpi ne, %rem3A_40, %ne3A_41 : i32
    %and3A_43 = arith.andi %ne3A_39, %ne3A_42 : i1
    %sub3A_44 = arith.constant 1 : i32
    %sub3A_45 = arith.subi %div3A_24, %sub3A_44 : i32
    %select_n3A_46 = arith.select %and3A_43, %sub3A_45, %div3A_24 : i32
    %sub3A_47 = arith.subi %select_n3A_46, %select_n3A : i32
    %mul3A_48 = arith.constant 1568 : i32
    %mul3A_49 = arith.muli %arg1, %mul3A_48 : i32
    %mul3A_50 = arith.constant 1568 : i32
    %mul3A_51 = arith.muli %arg1, %mul3A_50 : i32
    %add3A_52 = arith.constant 0 : i32
    %add3A_53 = arith.addi %add3A_52, %mul3A_51 : i32
    "tpu.region"() ({
      %run_scoped3A = tpu.sem_alloc : memref<!tpu.dma_semaphore, #tpu.memory_space<semaphore_mem>>
      %dma_start3A = arith.constant 0 : i32
      %dma_start3A_69 = tpu.memref_slice %arg9[%add3A_53, %dma_start3A] : memref<25088x64xbf16, #tpu.memory_space<vmem_shared>> -> memref<1568x64xbf16, #tpu.memory_space<vmem_shared>>
      %dma_start3A_70 = arith.constant 0 : i32
      %dma_start3A_71 = tpu.memref_slice %arg4[%mul3A_49, %dma_start3A_70] : memref<25088x64xbf16, #tpu.memory_space<hbm>> -> memref<1568x64xbf16, #tpu.memory_space<hbm>>
      tpu.enqueue_dma source(%dma_start3A_71 : memref<1568x64xbf16, #tpu.memory_space<hbm>>) target(%dma_start3A_69 : memref<1568x64xbf16, #tpu.memory_space<vmem_shared>>) target_semaphore(%run_scoped3A : memref<!tpu.dma_semaphore, #tpu.memory_space<semaphore_mem>>)
      %dma_wait3A = arith.constant 0 : i32
      %dma_wait3A_72 = tpu.memref_slice %arg9[%add3A_53, %dma_wait3A] : memref<25088x64xbf16, #tpu.memory_space<vmem_shared>> -> memref<1568x64xbf16, #tpu.memory_space<vmem_shared>>
      %dma_wait3A_73 = arith.constant 0 : i32
      %dma_wait3A_74 = tpu.memref_slice %arg4[%mul3A_49, %dma_wait3A_73] : memref<25088x64xbf16, #tpu.memory_space<hbm>> -> memref<1568x64xbf16, #tpu.memory_space<hbm>>
      tpu.wait_dma2 semaphore(%run_scoped3A : memref<!tpu.dma_semaphore, #tpu.memory_space<semaphore_mem>>) src(%dma_wait3A_74 : memref<1568x64xbf16, #tpu.memory_space<hbm>>) dst(%dma_wait3A_72 : memref<1568x64xbf16, #tpu.memory_space<vmem_shared>>)
      tpu.yield
    }) : () -> ()
    %barrier3A = arith.constant 0 : index
    tpu.barrier barrier_id(%barrier3A)
    %scan3A = arith.constant 0 : i32
    %scan3A_54 = arith.constant 0 : i32
    %scan3A_55 = arith.constant 2 : i32
    %scan3A_56 = arith.addi %scan3A_54, %scan3A_55 : i32
    %scan3A_57 = arith.constant 1 : i32
    scf.for %scan3A_69 = %scan3A_54 to %scan3A_56 step %scan3A_57  : i32 {
      %mul3A_70 = arith.constant 49 : i32
      %mul3A_71 = arith.muli %scan3A_69, %mul3A_70 : i32
      %add3A_72 = arith.addi %select_n3A, %mul3A_71 : i32
      %mul3A_73 = arith.constant 49 : i32
      %mul3A_74 = arith.muli %scan3A_69, %mul3A_73 : i32
      %sub3A_75 = arith.subi %sub3A_47, %mul3A_74 : i32
      %min3A = arith.constant 49 : i32
      %min3A_76 = arith.minsi %sub3A_75, %min3A : i32
      %run_scoped3A = arith.constant 0 : i32
      "tpu.region"() ({
        %run_scoped3A_131 = tpu.sem_alloc : memref<!tpu.dma_semaphore, #tpu.memory_space<semaphore_mem>>
        %dma_start3A_132 = arith.constant 0 : i32
        %dma_start3A_133 = tpu.memref_slice %arg3[%run_scoped3A, %add3A_72, %dma_start3A_132] : memref<4x3125x128xi32, #tpu.memory_space<hbm>> -> memref<1x49x128xi32, #tpu.memory_space<hbm>>
        %dma_start3A_134 = tpu.memref_squeeze %dma_start3A_133 : memref<1x49x128xi32, #tpu.memory_space<hbm>> -> memref<49x128xi32, #tpu.memory_space<hbm>>
        %dma_start3A_135 = arith.constant 0 : i32
        %dma_start3A_136 = tpu.memref_slice %arg3[%run_scoped3A, %add3A_72, %dma_start3A_135] : memref<4x3125x128xi32, #tpu.memory_space<hbm>> -> memref<1x49x128xi32, #tpu.memory_space<hbm>>
        %dma_start3A_137 = tpu.memref_squeeze %dma_start3A_136 : memref<1x49x128xi32, #tpu.memory_space<hbm>> -> memref<49x128xi32, #tpu.memory_space<hbm>>
        tpu.enqueue_dma source(%dma_start3A_137 : memref<49x128xi32, #tpu.memory_space<hbm>>) target(%arg6 : memref<49x128xi32, #tpu.memory_space<vmem>>) target_semaphore(%run_scoped3A_131 : memref<!tpu.dma_semaphore, #tpu.memory_space<semaphore_mem>>)
        %dma_wait3A = arith.constant 0 : i32
        %dma_wait3A_138 = tpu.memref_slice %arg3[%run_scoped3A, %add3A_72, %dma_wait3A] : memref<4x3125x128xi32, #tpu.memory_space<hbm>> -> memref<1x49x128xi32, #tpu.memory_space<hbm>>
        %dma_wait3A_139 = tpu.memref_squeeze %dma_wait3A_138 : memref<1x49x128xi32, #tpu.memory_space<hbm>> -> memref<49x128xi32, #tpu.memory_space<hbm>>
        %dma_wait3A_140 = arith.constant 0 : i32
        %dma_wait3A_141 = tpu.memref_slice %arg3[%run_scoped3A, %add3A_72, %dma_wait3A_140] : memref<4x3125x128xi32, #tpu.memory_space<hbm>> -> memref<1x49x128xi32, #tpu.memory_space<hbm>>
        %dma_wait3A_142 = tpu.memref_squeeze %dma_wait3A_141 : memref<1x49x128xi32, #tpu.memory_space<hbm>> -> memref<49x128xi32, #tpu.memory_space<hbm>>
        tpu.wait_dma2 semaphore(%run_scoped3A_131 : memref<!tpu.dma_semaphore, #tpu.memory_space<semaphore_mem>>) src(%dma_wait3A_142 : memref<49x128xi32, #tpu.memory_space<hbm>>) dst(%arg6 : memref<49x128xi32, #tpu.memory_space<vmem>>)
        tpu.yield
      }) : () -> ()
      %run_scoped3A_77 = arith.constant 1 : i32
      "tpu.region"() ({
        %run_scoped3A_131 = tpu.sem_alloc : memref<!tpu.dma_semaphore, #tpu.memory_space<semaphore_mem>>
        %dma_start3A_132 = arith.constant 0 : i32
        %dma_start3A_133 = tpu.memref_slice %arg3[%run_scoped3A_77, %add3A_72, %dma_start3A_132] : memref<4x3125x128xi32, #tpu.memory_space<hbm>> -> memref<1x49x128xi32, #tpu.memory_space<hbm>>
        %dma_start3A_134 = tpu.memref_squeeze %dma_start3A_133 : memref<1x49x128xi32, #tpu.memory_space<hbm>> -> memref<49x128xi32, #tpu.memory_space<hbm>>
        %dma_start3A_135 = arith.constant 0 : i32
        %dma_start3A_136 = tpu.memref_slice %arg3[%run_scoped3A_77, %add3A_72, %dma_start3A_135] : memref<4x3125x128xi32, #tpu.memory_space<hbm>> -> memref<1x49x128xi32, #tpu.memory_space<hbm>>
        %dma_start3A_137 = tpu.memref_squeeze %dma_start3A_136 : memref<1x49x128xi32, #tpu.memory_space<hbm>> -> memref<49x128xi32, #tpu.memory_space<hbm>>
        tpu.enqueue_dma source(%dma_start3A_137 : memref<49x128xi32, #tpu.memory_space<hbm>>) target(%arg7 : memref<49x128xi32, #tpu.memory_space<vmem>>) target_semaphore(%run_scoped3A_131 : memref<!tpu.dma_semaphore, #tpu.memory_space<semaphore_mem>>)
        %dma_wait3A = arith.constant 0 : i32
        %dma_wait3A_138 = tpu.memref_slice %arg3[%run_scoped3A_77, %add3A_72, %dma_wait3A] : memref<4x3125x128xi32, #tpu.memory_space<hbm>> -> memref<1x49x128xi32, #tpu.memory_space<hbm>>
        %dma_wait3A_139 = tpu.memref_squeeze %dma_wait3A_138 : memref<1x49x128xi32, #tpu.memory_space<hbm>> -> memref<49x128xi32, #tpu.memory_space<hbm>>
        %dma_wait3A_140 = arith.constant 0 : i32
        %dma_wait3A_141 = tpu.memref_slice %arg3[%run_scoped3A_77, %add3A_72, %dma_wait3A_140] : memref<4x3125x128xi32, #tpu.memory_space<hbm>> -> memref<1x49x128xi32, #tpu.memory_space<hbm>>
        %dma_wait3A_142 = tpu.memref_squeeze %dma_wait3A_141 : memref<1x49x128xi32, #tpu.memory_space<hbm>> -> memref<49x128xi32, #tpu.memory_space<hbm>>
        tpu.wait_dma2 semaphore(%run_scoped3A_131 : memref<!tpu.dma_semaphore, #tpu.memory_space<semaphore_mem>>) src(%dma_wait3A_142 : memref<49x128xi32, #tpu.memory_space<hbm>>) dst(%arg7 : memref<49x128xi32, #tpu.memory_space<vmem>>)
        tpu.yield
      }) : () -> ()
      %dma_start3A = arith.constant 0 : i32
      %dma_start3A_78 = arith.constant 0 : i32
      %dma_start3A_79 = arith.constant 0 : i32
      %dma_start3A_80 = arith.constant 0 : i32
      %dma_start3A_81 = tpu.memref_slice %arg8[%dma_start3A_78, %dma_start3A_79, %dma_start3A_80] : memref<4x128x64xbf16, #tpu.memory_space<vmem>> -> memref<1x128x64xbf16, #tpu.memory_space<vmem>>
      %dma_start3A_82 = tpu.memref_squeeze %dma_start3A_81 : memref<1x128x64xbf16, #tpu.memory_space<vmem>> -> memref<128x64xbf16, #tpu.memory_space<vmem>>
      %dma_start3A_83 = arith.constant 0 : i32
      %dma_start3A_84 = tpu.memref_slice %arg6[%dma_start3A, %dma_start3A_83] : memref<49x128xi32, #tpu.memory_space<vmem>> -> memref<1x128xi32, #tpu.memory_space<vmem>>
      %dma_start3A_85 = tpu.memref_squeeze %dma_start3A_84 : memref<1x128xi32, #tpu.memory_space<vmem>> -> memref<128xi32, #tpu.memory_space<vmem>>
      %dma_start3A_86 = arith.constant 0 : i32
      %dma_start3A_87 = arith.constant 0 : i32
      %dma_start3A_88 = tpu.memref_slice %arg2[%dma_start3A_86, %dma_start3A_87] : memref<25088x64xbf16, #tpu.memory_space<hbm>> -> memref<25088x64xbf16, #tpu.memory_space<hbm>>
      tpu.enqueue_indirect_dma source(%dma_start3A_88 : memref<25088x64xbf16, #tpu.memory_space<hbm>>) target(%dma_start3A_82 : memref<128x64xbf16, #tpu.memory_space<vmem>>) offsets(%dma_start3A_85 : memref<128xi32, #tpu.memory_space<vmem>>) semaphore(%arg10 : memref<!tpu.dma_semaphore, #tpu.memory_space<semaphore_mem>>)
      %dma_start3A_89 = arith.constant 1 : i32
      %dma_start3A_90 = arith.constant 1 : i32
      %dma_start3A_91 = arith.constant 0 : i32
      %dma_start3A_92 = arith.constant 0 : i32
      %dma_start3A_93 = tpu.memref_slice %arg8[%dma_start3A_90, %dma_start3A_91, %dma_start3A_92] : memref<4x128x64xbf16, #tpu.memory_space<vmem>> -> memref<1x128x64xbf16, #tpu.memory_space<vmem>>
      %dma_start3A_94 = tpu.memref_squeeze %dma_start3A_93 : memref<1x128x64xbf16, #tpu.memory_space<vmem>> -> memref<128x64xbf16, #tpu.memory_space<vmem>>
      %dma_start3A_95 = arith.constant 0 : i32
      %dma_start3A_96 = tpu.memref_slice %arg6[%dma_start3A_89, %dma_start3A_95] : memref<49x128xi32, #tpu.memory_space<vmem>> -> memref<1x128xi32, #tpu.memory_space<vmem>>
      %dma_start3A_97 = tpu.memref_squeeze %dma_start3A_96 : memref<1x128xi32, #tpu.memory_space<vmem>> -> memref<128xi32, #tpu.memory_space<vmem>>
      %dma_start3A_98 = arith.constant 0 : i32
      %dma_start3A_99 = arith.constant 0 : i32
      %dma_start3A_100 = tpu.memref_slice %arg2[%dma_start3A_98, %dma_start3A_99] : memref<25088x64xbf16, #tpu.memory_space<hbm>> -> memref<25088x64xbf16, #tpu.memory_space<hbm>>
      tpu.enqueue_indirect_dma source(%dma_start3A_100 : memref<25088x64xbf16, #tpu.memory_space<hbm>>) target(%dma_start3A_94 : memref<128x64xbf16, #tpu.memory_space<vmem>>) offsets(%dma_start3A_97 : memref<128xi32, #tpu.memory_space<vmem>>) semaphore(%arg10 : memref<!tpu.dma_semaphore, #tpu.memory_space<semaphore_mem>>)
      %dma_start3A_101 = arith.constant 2 : i32
      %dma_start3A_102 = arith.constant 2 : i32
      %dma_start3A_103 = arith.constant 0 : i32
      %dma_start3A_104 = arith.constant 0 : i32
      %dma_start3A_105 = tpu.memref_slice %arg8[%dma_start3A_102, %dma_start3A_103, %dma_start3A_104] : memref<4x128x64xbf16, #tpu.memory_space<vmem>> -> memref<1x128x64xbf16, #tpu.memory_space<vmem>>
      %dma_start3A_106 = tpu.memref_squeeze %dma_start3A_105 : memref<1x128x64xbf16, #tpu.memory_space<vmem>> -> memref<128x64xbf16, #tpu.memory_space<vmem>>
      %dma_start3A_107 = arith.constant 0 : i32
      %dma_start3A_108 = tpu.memref_slice %arg6[%dma_start3A_101, %dma_start3A_107] : memref<49x128xi32, #tpu.memory_space<vmem>> -> memref<1x128xi32, #tpu.memory_space<vmem>>
      %dma_start3A_109 = tpu.memref_squeeze %dma_start3A_108 : memref<1x128xi32, #tpu.memory_space<vmem>> -> memref<128xi32, #tpu.memory_space<vmem>>
      %dma_start3A_110 = arith.constant 0 : i32
      %dma_start3A_111 = arith.constant 0 : i32
      %dma_start3A_112 = tpu.memref_slice %arg2[%dma_start3A_110, %dma_start3A_111] : memref<25088x64xbf16, #tpu.memory_space<hbm>> -> memref<25088x64xbf16, #tpu.memory_space<hbm>>
      tpu.enqueue_indirect_dma source(%dma_start3A_112 : memref<25088x64xbf16, #tpu.memory_space<hbm>>) target(%dma_start3A_106 : memref<128x64xbf16, #tpu.memory_space<vmem>>) offsets(%dma_start3A_109 : memref<128xi32, #tpu.memory_space<vmem>>) semaphore(%arg10 : memref<!tpu.dma_semaphore, #tpu.memory_space<semaphore_mem>>)
      %dma_start3A_113 = arith.constant 3 : i32
      %dma_start3A_114 = arith.constant 3 : i32
      %dma_start3A_115 = arith.constant 0 : i32
      %dma_start3A_116 = arith.constant 0 : i32
      %dma_start3A_117 = tpu.memref_slice %arg8[%dma_start3A_114, %dma_start3A_115, %dma_start3A_116] : memref<4x128x64xbf16, #tpu.memory_space<vmem>> -> memref<1x128x64xbf16, #tpu.memory_space<vmem>>
      %dma_start3A_118 = tpu.memref_squeeze %dma_start3A_117 : memref<1x128x64xbf16, #tpu.memory_space<vmem>> -> memref<128x64xbf16, #tpu.memory_space<vmem>>
      %dma_start3A_119 = arith.constant 0 : i32
      %dma_start3A_120 = tpu.memref_slice %arg6[%dma_start3A_113, %dma_start3A_119] : memref<49x128xi32, #tpu.memory_space<vmem>> -> memref<1x128xi32, #tpu.memory_space<vmem>>
      %dma_start3A_121 = tpu.memref_squeeze %dma_start3A_120 : memref<1x128xi32, #tpu.memory_space<vmem>> -> memref<128xi32, #tpu.memory_space<vmem>>
      %dma_start3A_122 = arith.constant 0 : i32
      %dma_start3A_123 = arith.constant 0 : i32
      %dma_start3A_124 = tpu.memref_slice %arg2[%dma_start3A_122, %dma_start3A_123] : memref<25088x64xbf16, #tpu.memory_space<hbm>> -> memref<25088x64xbf16, #tpu.memory_space<hbm>>
      tpu.enqueue_indirect_dma source(%dma_start3A_124 : memref<25088x64xbf16, #tpu.memory_space<hbm>>) target(%dma_start3A_118 : memref<128x64xbf16, #tpu.memory_space<vmem>>) offsets(%dma_start3A_121 : memref<128xi32, #tpu.memory_space<vmem>>) semaphore(%arg10 : memref<!tpu.dma_semaphore, #tpu.memory_space<semaphore_mem>>)
      %scan3A_125 = arith.constant 0 : i32
      %scan3A_126 = arith.constant 0 : i32
      %scan3A_127 = arith.constant 49 : i32
      %scan3A_128 = arith.addi %scan3A_126, %scan3A_127 : i32
      %scan3A_129 = arith.constant 1 : i32
      scf.for %scan3A_131 = %scan3A_126 to %scan3A_128 step %scan3A_129  : i32 {
        %jit3A_132 = arith.constant 4 : i32
        %eq3A = arith.constant 0 : i32
        %eq3A_133 = arith.cmpi eq, %jit3A_132, %eq3A : i32
        %jit3A_134 = arith.constant 1 : i32
        %select_n3A_135 = arith.select %eq3A_133, %jit3A_134, %jit3A_132 : i32
        %rem3A_136 = arith.remsi %scan3A_131, %select_n3A_135 : i32
        %ne3A_137 = arith.constant 0 : i32
        %ne3A_138 = arith.cmpi ne, %rem3A_136, %ne3A_137 : i32
        %lt3A = arith.constant 0 : i32
        %lt3A_139 = arith.cmpi slt, %rem3A_136, %lt3A : i32
        %lt3A_140 = arith.constant 0 : i32
        %lt3A_141 = arith.cmpi slt, %select_n3A_135, %lt3A_140 : i32
        %ne3A_142 = arith.xori %lt3A_139, %lt3A_141 : i1
        %and3A_143 = arith.andi %ne3A_142, %ne3A_138 : i1
        %add3A_144 = arith.addi %rem3A_136, %select_n3A_135 : i32
        %select_n3A_145 = arith.select %and3A_143, %add3A_144, %rem3A_136 : i32
        %eq3A_146 = arith.constant 0 : i32
        %eq3A_147 = arith.cmpi eq, %select_n3A_145, %eq3A_146 : i32
        %lt3A_148 = arith.cmpi slt, %scan3A_131, %min3A_76 : i32
        %and3A_149 = arith.andi %eq3A_147, %lt3A_148 : i1
        %convert_element_type3A = arith.extui %and3A_149 : i1 to i32
        %cond3A = arith.constant 0 : i32
        %cond3A_150 = arith.cmpi ne, %convert_element_type3A, %cond3A : i32
        scf.if %cond3A_150 {
          %dma_wait3A = arith.constant 0 : i32
          %dma_wait3A_220 = arith.constant 0 : i32
          %dma_wait3A_221 = arith.constant 0 : i32
          %dma_wait3A_222 = tpu.memref_slice %arg8[%dma_wait3A, %dma_wait3A_220, %dma_wait3A_221] : memref<4x128x64xbf16, #tpu.memory_space<vmem>> -> memref<1x128x64xbf16, #tpu.memory_space<vmem>>
          %dma_wait3A_223 = tpu.memref_squeeze %dma_wait3A_222 : memref<1x128x64xbf16, #tpu.memory_space<vmem>> -> memref<128x64xbf16, #tpu.memory_space<vmem>>
          %dma_wait3A_224 = arith.constant 0 : i32
          %dma_wait3A_225 = tpu.memref_slice %arg6[%scan3A_131, %dma_wait3A_224] : memref<49x128xi32, #tpu.memory_space<vmem>> -> memref<1x128xi32, #tpu.memory_space<vmem>>
          %dma_wait3A_226 = tpu.memref_squeeze %dma_wait3A_225 : memref<1x128xi32, #tpu.memory_space<vmem>> -> memref<128xi32, #tpu.memory_space<vmem>>
          %dma_wait3A_227 = arith.constant 0 : i32
          %dma_wait3A_228 = arith.constant 0 : i32
          %dma_wait3A_229 = tpu.memref_slice %arg2[%dma_wait3A_227, %dma_wait3A_228] : memref<25088x64xbf16, #tpu.memory_space<hbm>> -> memref<25088x64xbf16, #tpu.memory_space<hbm>>
          tpu.wait_indirect_dma semaphore(%arg10 : memref<!tpu.dma_semaphore, #tpu.memory_space<semaphore_mem>>) src(%dma_wait3A_229 : memref<25088x64xbf16, #tpu.memory_space<hbm>>) dst(%dma_wait3A_223 : memref<128x64xbf16, #tpu.memory_space<vmem>>)
          %run_scoped3A_230 = arith.constant 0 : i32
          "tpu.region"() ({
            %run_scoped3A_237 = tpu.sem_alloc : memref<!tpu.dma_semaphore, #tpu.memory_space<semaphore_mem>>
            %dma_start3A_238 = arith.constant 0 : i32
            %dma_start3A_239 = arith.constant 0 : i32
            %dma_start3A_240 = tpu.memref_slice %arg8[%run_scoped3A_230, %dma_start3A_238, %dma_start3A_239] : memref<4x128x64xbf16, #tpu.memory_space<vmem>> -> memref<1x128x64xbf16, #tpu.memory_space<vmem>>
            %dma_start3A_241 = tpu.memref_squeeze %dma_start3A_240 : memref<1x128x64xbf16, #tpu.memory_space<vmem>> -> memref<128x64xbf16, #tpu.memory_space<vmem>>
            %dma_start3A_242 = arith.constant 0 : i32
            %dma_start3A_243 = tpu.memref_slice %arg7[%scan3A_131, %dma_start3A_242] : memref<49x128xi32, #tpu.memory_space<vmem>> -> memref<1x128xi32, #tpu.memory_space<vmem>>
            %dma_start3A_244 = tpu.memref_squeeze %dma_start3A_243 : memref<1x128xi32, #tpu.memory_space<vmem>> -> memref<128xi32, #tpu.memory_space<vmem>>
            %dma_start3A_245 = arith.constant 0 : i32
            %dma_start3A_246 = arith.constant 0 : i32
            %dma_start3A_247 = tpu.memref_slice %arg9[%dma_start3A_245, %dma_start3A_246] : memref<25088x64xbf16, #tpu.memory_space<vmem_shared>> -> memref<25088x64xbf16, #tpu.memory_space<vmem_shared>>
            tpu.enqueue_indirect_dma source(%dma_start3A_241 : memref<128x64xbf16, #tpu.memory_space<vmem>>) target(%dma_start3A_247 : memref<25088x64xbf16, #tpu.memory_space<vmem_shared>>) offsets(%dma_start3A_244 : memref<128xi32, #tpu.memory_space<vmem>>) semaphore(%run_scoped3A_237 : memref<!tpu.dma_semaphore, #tpu.memory_space<semaphore_mem>>) {add = true}
            %dma_wait3A_248 = arith.constant 0 : i32
            %dma_wait3A_249 = arith.constant 0 : i32
            %dma_wait3A_250 = tpu.memref_slice %arg8[%run_scoped3A_230, %dma_wait3A_248, %dma_wait3A_249] : memref<4x128x64xbf16, #tpu.memory_space<vmem>> -> memref<1x128x64xbf16, #tpu.memory_space<vmem>>
            %dma_wait3A_251 = tpu.memref_squeeze %dma_wait3A_250 : memref<1x128x64xbf16, #tpu.memory_space<vmem>> -> memref<128x64xbf16, #tpu.memory_space<vmem>>
            %dma_wait3A_252 = arith.constant 0 : i32
            %dma_wait3A_253 = tpu.memref_slice %arg7[%scan3A_131, %dma_wait3A_252] : memref<49x128xi32, #tpu.memory_space<vmem>> -> memref<1x128xi32, #tpu.memory_space<vmem>>
            %dma_wait3A_254 = tpu.memref_squeeze %dma_wait3A_253 : memref<1x128xi32, #tpu.memory_space<vmem>> -> memref<128xi32, #tpu.memory_space<vmem>>
            %dma_wait3A_255 = arith.constant 0 : i32
            %dma_wait3A_256 = arith.constant 0 : i32
            %dma_wait3A_257 = tpu.memref_slice %arg9[%dma_wait3A_255, %dma_wait3A_256] : memref<25088x64xbf16, #tpu.memory_space<vmem_shared>> -> memref<25088x64xbf16, #tpu.memory_space<vmem_shared>>
            tpu.wait_indirect_dma semaphore(%run_scoped3A_237 : memref<!tpu.dma_semaphore, #tpu.memory_space<semaphore_mem>>) src(%dma_wait3A_251 : memref<128x64xbf16, #tpu.memory_space<vmem>>) dst(%dma_wait3A_257 : memref<25088x64xbf16, #tpu.memory_space<vmem_shared>>)
            tpu.yield
          }) : () -> ()
          %add3A_231 = arith.constant 4 : i32
          %add3A_232 = arith.addi %scan3A_131, %add3A_231 : i32
          %lt3A_233 = arith.cmpi slt, %add3A_232, %min3A_76 : i32
          %convert_element_type3A_234 = arith.extui %lt3A_233 : i1 to i32
          %cond3A_235 = arith.constant 0 : i32
          %cond3A_236 = arith.cmpi ne, %convert_element_type3A_234, %cond3A_235 : i32
          scf.if %cond3A_236 {
            %add3A_237 = arith.constant 4 : i32
            %add3A_238 = arith.addi %scan3A_131, %add3A_237 : i32
            %dma_start3A_239 = arith.constant 0 : i32
            %dma_start3A_240 = arith.constant 0 : i32
            %dma_start3A_241 = arith.constant 0 : i32
            %dma_start3A_242 = tpu.memref_slice %arg8[%dma_start3A_239, %dma_start3A_240, %dma_start3A_241] : memref<4x128x64xbf16, #tpu.memory_space<vmem>> -> memref<1x128x64xbf16, #tpu.memory_space<vmem>>
            %dma_start3A_243 = tpu.memref_squeeze %dma_start3A_242 : memref<1x128x64xbf16, #tpu.memory_space<vmem>> -> memref<128x64xbf16, #tpu.memory_space<vmem>>
            %dma_start3A_244 = arith.constant 0 : i32
            %dma_start3A_245 = tpu.memref_slice %arg6[%add3A_238, %dma_start3A_244] : memref<49x128xi32, #tpu.memory_space<vmem>> -> memref<1x128xi32, #tpu.memory_space<vmem>>
            %dma_start3A_246 = tpu.memref_squeeze %dma_start3A_245 : memref<1x128xi32, #tpu.memory_space<vmem>> -> memref<128xi32, #tpu.memory_space<vmem>>
            %dma_start3A_247 = arith.constant 0 : i32
            %dma_start3A_248 = arith.constant 0 : i32
            %dma_start3A_249 = tpu.memref_slice %arg2[%dma_start3A_247, %dma_start3A_248] : memref<25088x64xbf16, #tpu.memory_space<hbm>> -> memref<25088x64xbf16, #tpu.memory_space<hbm>>
            tpu.enqueue_indirect_dma source(%dma_start3A_249 : memref<25088x64xbf16, #tpu.memory_space<hbm>>) target(%dma_start3A_243 : memref<128x64xbf16, #tpu.memory_space<vmem>>) offsets(%dma_start3A_246 : memref<128xi32, #tpu.memory_space<vmem>>) semaphore(%arg10 : memref<!tpu.dma_semaphore, #tpu.memory_space<semaphore_mem>>)
          } else {
          }
        } else {
        }
        %jit3A_151 = arith.constant 4 : i32
        %eq3A_152 = arith.constant 0 : i32
        %eq3A_153 = arith.cmpi eq, %jit3A_151, %eq3A_152 : i32
        %jit3A_154 = arith.constant 1 : i32
        %select_n3A_155 = arith.select %eq3A_153, %jit3A_154, %jit3A_151 : i32
        %rem3A_156 = arith.remsi %scan3A_131, %select_n3A_155 : i32
        %ne3A_157 = arith.constant 0 : i32
        %ne3A_158 = arith.cmpi ne, %rem3A_156, %ne3A_157 : i32
        %lt3A_159 = arith.constant 0 : i32
        %lt3A_160 = arith.cmpi slt, %rem3A_156, %lt3A_159 : i32
        %lt3A_161 = arith.constant 0 : i32
        %lt3A_162 = arith.cmpi slt, %select_n3A_155, %lt3A_161 : i32
        %ne3A_163 = arith.xori %lt3A_160, %lt3A_162 : i1
        %and3A_164 = arith.andi %ne3A_163, %ne3A_158 : i1
        %add3A_165 = arith.addi %rem3A_156, %select_n3A_155 : i32
        %select_n3A_166 = arith.select %and3A_164, %add3A_165, %rem3A_156 : i32
        %eq3A_167 = arith.constant 1 : i32
        %eq3A_168 = arith.cmpi eq, %select_n3A_166, %eq3A_167 : i32
        %lt3A_169 = arith.cmpi slt, %scan3A_131, %min3A_76 : i32
        %and3A_170 = arith.andi %eq3A_168, %lt3A_169 : i1
        %convert_element_type3A_171 = arith.extui %and3A_170 : i1 to i32
        %cond3A_172 = arith.constant 0 : i32
        %cond3A_173 = arith.cmpi ne, %convert_element_type3A_171, %cond3A_172 : i32
        scf.if %cond3A_173 {
          %dma_wait3A = arith.constant 1 : i32
          %dma_wait3A_220 = arith.constant 0 : i32
          %dma_wait3A_221 = arith.constant 0 : i32
          %dma_wait3A_222 = tpu.memref_slice %arg8[%dma_wait3A, %dma_wait3A_220, %dma_wait3A_221] : memref<4x128x64xbf16, #tpu.memory_space<vmem>> -> memref<1x128x64xbf16, #tpu.memory_space<vmem>>
          %dma_wait3A_223 = tpu.memref_squeeze %dma_wait3A_222 : memref<1x128x64xbf16, #tpu.memory_space<vmem>> -> memref<128x64xbf16, #tpu.memory_space<vmem>>
          %dma_wait3A_224 = arith.constant 0 : i32
          %dma_wait3A_225 = tpu.memref_slice %arg6[%scan3A_131, %dma_wait3A_224] : memref<49x128xi32, #tpu.memory_space<vmem>> -> memref<1x128xi32, #tpu.memory_space<vmem>>
          %dma_wait3A_226 = tpu.memref_squeeze %dma_wait3A_225 : memref<1x128xi32, #tpu.memory_space<vmem>> -> memref<128xi32, #tpu.memory_space<vmem>>
          %dma_wait3A_227 = arith.constant 0 : i32
          %dma_wait3A_228 = arith.constant 0 : i32
          %dma_wait3A_229 = tpu.memref_slice %arg2[%dma_wait3A_227, %dma_wait3A_228] : memref<25088x64xbf16, #tpu.memory_space<hbm>> -> memref<25088x64xbf16, #tpu.memory_space<hbm>>
          tpu.wait_indirect_dma semaphore(%arg10 : memref<!tpu.dma_semaphore, #tpu.memory_space<semaphore_mem>>) src(%dma_wait3A_229 : memref<25088x64xbf16, #tpu.memory_space<hbm>>) dst(%dma_wait3A_223 : memref<128x64xbf16, #tpu.memory_space<vmem>>)
          %run_scoped3A_230 = arith.constant 1 : i32
          "tpu.region"() ({
            %run_scoped3A_237 = tpu.sem_alloc : memref<!tpu.dma_semaphore, #tpu.memory_space<semaphore_mem>>
            %dma_start3A_238 = arith.constant 0 : i32
            %dma_start3A_239 = arith.constant 0 : i32
            %dma_start3A_240 = tpu.memref_slice %arg8[%run_scoped3A_230, %dma_start3A_238, %dma_start3A_239] : memref<4x128x64xbf16, #tpu.memory_space<vmem>> -> memref<1x128x64xbf16, #tpu.memory_space<vmem>>
            %dma_start3A_241 = tpu.memref_squeeze %dma_start3A_240 : memref<1x128x64xbf16, #tpu.memory_space<vmem>> -> memref<128x64xbf16, #tpu.memory_space<vmem>>
            %dma_start3A_242 = arith.constant 0 : i32
            %dma_start3A_243 = tpu.memref_slice %arg7[%scan3A_131, %dma_start3A_242] : memref<49x128xi32, #tpu.memory_space<vmem>> -> memref<1x128xi32, #tpu.memory_space<vmem>>
            %dma_start3A_244 = tpu.memref_squeeze %dma_start3A_243 : memref<1x128xi32, #tpu.memory_space<vmem>> -> memref<128xi32, #tpu.memory_space<vmem>>
            %dma_start3A_245 = arith.constant 0 : i32
            %dma_start3A_246 = arith.constant 0 : i32
            %dma_start3A_247 = tpu.memref_slice %arg9[%dma_start3A_245, %dma_start3A_246] : memref<25088x64xbf16, #tpu.memory_space<vmem_shared>> -> memref<25088x64xbf16, #tpu.memory_space<vmem_shared>>
            tpu.enqueue_indirect_dma source(%dma_start3A_241 : memref<128x64xbf16, #tpu.memory_space<vmem>>) target(%dma_start3A_247 : memref<25088x64xbf16, #tpu.memory_space<vmem_shared>>) offsets(%dma_start3A_244 : memref<128xi32, #tpu.memory_space<vmem>>) semaphore(%run_scoped3A_237 : memref<!tpu.dma_semaphore, #tpu.memory_space<semaphore_mem>>) {add = true}
            %dma_wait3A_248 = arith.constant 0 : i32
            %dma_wait3A_249 = arith.constant 0 : i32
            %dma_wait3A_250 = tpu.memref_slice %arg8[%run_scoped3A_230, %dma_wait3A_248, %dma_wait3A_249] : memref<4x128x64xbf16, #tpu.memory_space<vmem>> -> memref<1x128x64xbf16, #tpu.memory_space<vmem>>
            %dma_wait3A_251 = tpu.memref_squeeze %dma_wait3A_250 : memref<1x128x64xbf16, #tpu.memory_space<vmem>> -> memref<128x64xbf16, #tpu.memory_space<vmem>>
            %dma_wait3A_252 = arith.constant 0 : i32
            %dma_wait3A_253 = tpu.memref_slice %arg7[%scan3A_131, %dma_wait3A_252] : memref<49x128xi32, #tpu.memory_space<vmem>> -> memref<1x128xi32, #tpu.memory_space<vmem>>
            %dma_wait3A_254 = tpu.memref_squeeze %dma_wait3A_253 : memref<1x128xi32, #tpu.memory_space<vmem>> -> memref<128xi32, #tpu.memory_space<vmem>>
            %dma_wait3A_255 = arith.constant 0 : i32
            %dma_wait3A_256 = arith.constant 0 : i32
            %dma_wait3A_257 = tpu.memref_slice %arg9[%dma_wait3A_255, %dma_wait3A_256] : memref<25088x64xbf16, #tpu.memory_space<vmem_shared>> -> memref<25088x64xbf16, #tpu.memory_space<vmem_shared>>
            tpu.wait_indirect_dma semaphore(%run_scoped3A_237 : memref<!tpu.dma_semaphore, #tpu.memory_space<semaphore_mem>>) src(%dma_wait3A_251 : memref<128x64xbf16, #tpu.memory_space<vmem>>) dst(%dma_wait3A_257 : memref<25088x64xbf16, #tpu.memory_space<vmem_shared>>)
            tpu.yield
          }) : () -> ()
          %add3A_231 = arith.constant 4 : i32
          %add3A_232 = arith.addi %scan3A_131, %add3A_231 : i32
          %lt3A_233 = arith.cmpi slt, %add3A_232, %min3A_76 : i32
          %convert_element_type3A_234 = arith.extui %lt3A_233 : i1 to i32
          %cond3A_235 = arith.constant 0 : i32
          %cond3A_236 = arith.cmpi ne, %convert_element_type3A_234, %cond3A_235 : i32
          scf.if %cond3A_236 {
            %add3A_237 = arith.constant 4 : i32
            %add3A_238 = arith.addi %scan3A_131, %add3A_237 : i32
            %dma_start3A_239 = arith.constant 1 : i32
            %dma_start3A_240 = arith.constant 0 : i32
            %dma_start3A_241 = arith.constant 0 : i32
            %dma_start3A_242 = tpu.memref_slice %arg8[%dma_start3A_239, %dma_start3A_240, %dma_start3A_241] : memref<4x128x64xbf16, #tpu.memory_space<vmem>> -> memref<1x128x64xbf16, #tpu.memory_space<vmem>>
            %dma_start3A_243 = tpu.memref_squeeze %dma_start3A_242 : memref<1x128x64xbf16, #tpu.memory_space<vmem>> -> memref<128x64xbf16, #tpu.memory_space<vmem>>
            %dma_start3A_244 = arith.constant 0 : i32
            %dma_start3A_245 = tpu.memref_slice %arg6[%add3A_238, %dma_start3A_244] : memref<49x128xi32, #tpu.memory_space<vmem>> -> memref<1x128xi32, #tpu.memory_space<vmem>>
            %dma_start3A_246 = tpu.memref_squeeze %dma_start3A_245 : memref<1x128xi32, #tpu.memory_space<vmem>> -> memref<128xi32, #tpu.memory_space<vmem>>
            %dma_start3A_247 = arith.constant 0 : i32
            %dma_start3A_248 = arith.constant 0 : i32
            %dma_start3A_249 = tpu.memref_slice %arg2[%dma_start3A_247, %dma_start3A_248] : memref<25088x64xbf16, #tpu.memory_space<hbm>> -> memref<25088x64xbf16, #tpu.memory_space<hbm>>
            tpu.enqueue_indirect_dma source(%dma_start3A_249 : memref<25088x64xbf16, #tpu.memory_space<hbm>>) target(%dma_start3A_243 : memref<128x64xbf16, #tpu.memory_space<vmem>>) offsets(%dma_start3A_246 : memref<128xi32, #tpu.memory_space<vmem>>) semaphore(%arg10 : memref<!tpu.dma_semaphore, #tpu.memory_space<semaphore_mem>>)
          } else {
          }
        } else {
        }
        %jit3A_174 = arith.constant 4 : i32
        %eq3A_175 = arith.constant 0 : i32
        %eq3A_176 = arith.cmpi eq, %jit3A_174, %eq3A_175 : i32
        %jit3A_177 = arith.constant 1 : i32
        %select_n3A_178 = arith.select %eq3A_176, %jit3A_177, %jit3A_174 : i32
        %rem3A_179 = arith.remsi %scan3A_131, %select_n3A_178 : i32
        %ne3A_180 = arith.constant 0 : i32
        %ne3A_181 = arith.cmpi ne, %rem3A_179, %ne3A_180 : i32
        %lt3A_182 = arith.constant 0 : i32
        %lt3A_183 = arith.cmpi slt, %rem3A_179, %lt3A_182 : i32
        %lt3A_184 = arith.constant 0 : i32
        %lt3A_185 = arith.cmpi slt, %select_n3A_178, %lt3A_184 : i32
        %ne3A_186 = arith.xori %lt3A_183, %lt3A_185 : i1
        %and3A_187 = arith.andi %ne3A_186, %ne3A_181 : i1
        %add3A_188 = arith.addi %rem3A_179, %select_n3A_178 : i32
        %select_n3A_189 = arith.select %and3A_187, %add3A_188, %rem3A_179 : i32
        %eq3A_190 = arith.constant 2 : i32
        %eq3A_191 = arith.cmpi eq, %select_n3A_189, %eq3A_190 : i32
        %lt3A_192 = arith.cmpi slt, %scan3A_131, %min3A_76 : i32
        %and3A_193 = arith.andi %eq3A_191, %lt3A_192 : i1
        %convert_element_type3A_194 = arith.extui %and3A_193 : i1 to i32
        %cond3A_195 = arith.constant 0 : i32
        %cond3A_196 = arith.cmpi ne, %convert_element_type3A_194, %cond3A_195 : i32
        scf.if %cond3A_196 {
          %dma_wait3A = arith.constant 2 : i32
          %dma_wait3A_220 = arith.constant 0 : i32
          %dma_wait3A_221 = arith.constant 0 : i32
          %dma_wait3A_222 = tpu.memref_slice %arg8[%dma_wait3A, %dma_wait3A_220, %dma_wait3A_221] : memref<4x128x64xbf16, #tpu.memory_space<vmem>> -> memref<1x128x64xbf16, #tpu.memory_space<vmem>>
          %dma_wait3A_223 = tpu.memref_squeeze %dma_wait3A_222 : memref<1x128x64xbf16, #tpu.memory_space<vmem>> -> memref<128x64xbf16, #tpu.memory_space<vmem>>
          %dma_wait3A_224 = arith.constant 0 : i32
          %dma_wait3A_225 = tpu.memref_slice %arg6[%scan3A_131, %dma_wait3A_224] : memref<49x128xi32, #tpu.memory_space<vmem>> -> memref<1x128xi32, #tpu.memory_space<vmem>>
          %dma_wait3A_226 = tpu.memref_squeeze %dma_wait3A_225 : memref<1x128xi32, #tpu.memory_space<vmem>> -> memref<128xi32, #tpu.memory_space<vmem>>
          %dma_wait3A_227 = arith.constant 0 : i32
          %dma_wait3A_228 = arith.constant 0 : i32
          %dma_wait3A_229 = tpu.memref_slice %arg2[%dma_wait3A_227, %dma_wait3A_228] : memref<25088x64xbf16, #tpu.memory_space<hbm>> -> memref<25088x64xbf16, #tpu.memory_space<hbm>>
          tpu.wait_indirect_dma semaphore(%arg10 : memref<!tpu.dma_semaphore, #tpu.memory_space<semaphore_mem>>) src(%dma_wait3A_229 : memref<25088x64xbf16, #tpu.memory_space<hbm>>) dst(%dma_wait3A_223 : memref<128x64xbf16, #tpu.memory_space<vmem>>)
          %run_scoped3A_230 = arith.constant 2 : i32
          "tpu.region"() ({
            %run_scoped3A_237 = tpu.sem_alloc : memref<!tpu.dma_semaphore, #tpu.memory_space<semaphore_mem>>
            %dma_start3A_238 = arith.constant 0 : i32
            %dma_start3A_239 = arith.constant 0 : i32
            %dma_start3A_240 = tpu.memref_slice %arg8[%run_scoped3A_230, %dma_start3A_238, %dma_start3A_239] : memref<4x128x64xbf16, #tpu.memory_space<vmem>> -> memref<1x128x64xbf16, #tpu.memory_space<vmem>>
            %dma_start3A_241 = tpu.memref_squeeze %dma_start3A_240 : memref<1x128x64xbf16, #tpu.memory_space<vmem>> -> memref<128x64xbf16, #tpu.memory_space<vmem>>
            %dma_start3A_242 = arith.constant 0 : i32
            %dma_start3A_243 = tpu.memref_slice %arg7[%scan3A_131, %dma_start3A_242] : memref<49x128xi32, #tpu.memory_space<vmem>> -> memref<1x128xi32, #tpu.memory_space<vmem>>
            %dma_start3A_244 = tpu.memref_squeeze %dma_start3A_243 : memref<1x128xi32, #tpu.memory_space<vmem>> -> memref<128xi32, #tpu.memory_space<vmem>>
            %dma_start3A_245 = arith.constant 0 : i32
            %dma_start3A_246 = arith.constant 0 : i32
            %dma_start3A_247 = tpu.memref_slice %arg9[%dma_start3A_245, %dma_start3A_246] : memref<25088x64xbf16, #tpu.memory_space<vmem_shared>> -> memref<25088x64xbf16, #tpu.memory_space<vmem_shared>>
            tpu.enqueue_indirect_dma source(%dma_start3A_241 : memref<128x64xbf16, #tpu.memory_space<vmem>>) target(%dma_start3A_247 : memref<25088x64xbf16, #tpu.memory_space<vmem_shared>>) offsets(%dma_start3A_244 : memref<128xi32, #tpu.memory_space<vmem>>) semaphore(%run_scoped3A_237 : memref<!tpu.dma_semaphore, #tpu.memory_space<semaphore_mem>>) {add = true}
            %dma_wait3A_248 = arith.constant 0 : i32
            %dma_wait3A_249 = arith.constant 0 : i32
            %dma_wait3A_250 = tpu.memref_slice %arg8[%run_scoped3A_230, %dma_wait3A_248, %dma_wait3A_249] : memref<4x128x64xbf16, #tpu.memory_space<vmem>> -> memref<1x128x64xbf16, #tpu.memory_space<vmem>>
            %dma_wait3A_251 = tpu.memref_squeeze %dma_wait3A_250 : memref<1x128x64xbf16, #tpu.memory_space<vmem>> -> memref<128x64xbf16, #tpu.memory_space<vmem>>
            %dma_wait3A_252 = arith.constant 0 : i32
            %dma_wait3A_253 = tpu.memref_slice %arg7[%scan3A_131, %dma_wait3A_252] : memref<49x128xi32, #tpu.memory_space<vmem>> -> memref<1x128xi32, #tpu.memory_space<vmem>>
            %dma_wait3A_254 = tpu.memref_squeeze %dma_wait3A_253 : memref<1x128xi32, #tpu.memory_space<vmem>> -> memref<128xi32, #tpu.memory_space<vmem>>
            %dma_wait3A_255 = arith.constant 0 : i32
            %dma_wait3A_256 = arith.constant 0 : i32
            %dma_wait3A_257 = tpu.memref_slice %arg9[%dma_wait3A_255, %dma_wait3A_256] : memref<25088x64xbf16, #tpu.memory_space<vmem_shared>> -> memref<25088x64xbf16, #tpu.memory_space<vmem_shared>>
            tpu.wait_indirect_dma semaphore(%run_scoped3A_237 : memref<!tpu.dma_semaphore, #tpu.memory_space<semaphore_mem>>) src(%dma_wait3A_251 : memref<128x64xbf16, #tpu.memory_space<vmem>>) dst(%dma_wait3A_257 : memref<25088x64xbf16, #tpu.memory_space<vmem_shared>>)
            tpu.yield
          }) : () -> ()
          %add3A_231 = arith.constant 4 : i32
          %add3A_232 = arith.addi %scan3A_131, %add3A_231 : i32
          %lt3A_233 = arith.cmpi slt, %add3A_232, %min3A_76 : i32
          %convert_element_type3A_234 = arith.extui %lt3A_233 : i1 to i32
          %cond3A_235 = arith.constant 0 : i32
          %cond3A_236 = arith.cmpi ne, %convert_element_type3A_234, %cond3A_235 : i32
          scf.if %cond3A_236 {
            %add3A_237 = arith.constant 4 : i32
            %add3A_238 = arith.addi %scan3A_131, %add3A_237 : i32
            %dma_start3A_239 = arith.constant 2 : i32
            %dma_start3A_240 = arith.constant 0 : i32
            %dma_start3A_241 = arith.constant 0 : i32
            %dma_start3A_242 = tpu.memref_slice %arg8[%dma_start3A_239, %dma_start3A_240, %dma_start3A_241] : memref<4x128x64xbf16, #tpu.memory_space<vmem>> -> memref<1x128x64xbf16, #tpu.memory_space<vmem>>
            %dma_start3A_243 = tpu.memref_squeeze %dma_start3A_242 : memref<1x128x64xbf16, #tpu.memory_space<vmem>> -> memref<128x64xbf16, #tpu.memory_space<vmem>>
            %dma_start3A_244 = arith.constant 0 : i32
            %dma_start3A_245 = tpu.memref_slice %arg6[%add3A_238, %dma_start3A_244] : memref<49x128xi32, #tpu.memory_space<vmem>> -> memref<1x128xi32, #tpu.memory_space<vmem>>
            %dma_start3A_246 = tpu.memref_squeeze %dma_start3A_245 : memref<1x128xi32, #tpu.memory_space<vmem>> -> memref<128xi32, #tpu.memory_space<vmem>>
            %dma_start3A_247 = arith.constant 0 : i32
            %dma_start3A_248 = arith.constant 0 : i32
            %dma_start3A_249 = tpu.memref_slice %arg2[%dma_start3A_247, %dma_start3A_248] : memref<25088x64xbf16, #tpu.memory_space<hbm>> -> memref<25088x64xbf16, #tpu.memory_space<hbm>>
            tpu.enqueue_indirect_dma source(%dma_start3A_249 : memref<25088x64xbf16, #tpu.memory_space<hbm>>) target(%dma_start3A_243 : memref<128x64xbf16, #tpu.memory_space<vmem>>) offsets(%dma_start3A_246 : memref<128xi32, #tpu.memory_space<vmem>>) semaphore(%arg10 : memref<!tpu.dma_semaphore, #tpu.memory_space<semaphore_mem>>)
          } else {
          }
        } else {
        }
        %jit3A_197 = arith.constant 4 : i32
        %eq3A_198 = arith.constant 0 : i32
        %eq3A_199 = arith.cmpi eq, %jit3A_197, %eq3A_198 : i32
        %jit3A_200 = arith.constant 1 : i32
        %select_n3A_201 = arith.select %eq3A_199, %jit3A_200, %jit3A_197 : i32
        %rem3A_202 = arith.remsi %scan3A_131, %select_n3A_201 : i32
        %ne3A_203 = arith.constant 0 : i32
        %ne3A_204 = arith.cmpi ne, %rem3A_202, %ne3A_203 : i32
        %lt3A_205 = arith.constant 0 : i32
        %lt3A_206 = arith.cmpi slt, %rem3A_202, %lt3A_205 : i32
        %lt3A_207 = arith.constant 0 : i32
        %lt3A_208 = arith.cmpi slt, %select_n3A_201, %lt3A_207 : i32
        %ne3A_209 = arith.xori %lt3A_206, %lt3A_208 : i1
        %and3A_210 = arith.andi %ne3A_209, %ne3A_204 : i1
        %add3A_211 = arith.addi %rem3A_202, %select_n3A_201 : i32
        %select_n3A_212 = arith.select %and3A_210, %add3A_211, %rem3A_202 : i32
        %eq3A_213 = arith.constant 3 : i32
        %eq3A_214 = arith.cmpi eq, %select_n3A_212, %eq3A_213 : i32
        %lt3A_215 = arith.cmpi slt, %scan3A_131, %min3A_76 : i32
        %and3A_216 = arith.andi %eq3A_214, %lt3A_215 : i1
        %convert_element_type3A_217 = arith.extui %and3A_216 : i1 to i32
        %cond3A_218 = arith.constant 0 : i32
        %cond3A_219 = arith.cmpi ne, %convert_element_type3A_217, %cond3A_218 : i32
        scf.if %cond3A_219 {
          %dma_wait3A = arith.constant 3 : i32
          %dma_wait3A_220 = arith.constant 0 : i32
          %dma_wait3A_221 = arith.constant 0 : i32
          %dma_wait3A_222 = tpu.memref_slice %arg8[%dma_wait3A, %dma_wait3A_220, %dma_wait3A_221] : memref<4x128x64xbf16, #tpu.memory_space<vmem>> -> memref<1x128x64xbf16, #tpu.memory_space<vmem>>
          %dma_wait3A_223 = tpu.memref_squeeze %dma_wait3A_222 : memref<1x128x64xbf16, #tpu.memory_space<vmem>> -> memref<128x64xbf16, #tpu.memory_space<vmem>>
          %dma_wait3A_224 = arith.constant 0 : i32
          %dma_wait3A_225 = tpu.memref_slice %arg6[%scan3A_131, %dma_wait3A_224] : memref<49x128xi32, #tpu.memory_space<vmem>> -> memref<1x128xi32, #tpu.memory_space<vmem>>
          %dma_wait3A_226 = tpu.memref_squeeze %dma_wait3A_225 : memref<1x128xi32, #tpu.memory_space<vmem>> -> memref<128xi32, #tpu.memory_space<vmem>>
          %dma_wait3A_227 = arith.constant 0 : i32
          %dma_wait3A_228 = arith.constant 0 : i32
          %dma_wait3A_229 = tpu.memref_slice %arg2[%dma_wait3A_227, %dma_wait3A_228] : memref<25088x64xbf16, #tpu.memory_space<hbm>> -> memref<25088x64xbf16, #tpu.memory_space<hbm>>
          tpu.wait_indirect_dma semaphore(%arg10 : memref<!tpu.dma_semaphore, #tpu.memory_space<semaphore_mem>>) src(%dma_wait3A_229 : memref<25088x64xbf16, #tpu.memory_space<hbm>>) dst(%dma_wait3A_223 : memref<128x64xbf16, #tpu.memory_space<vmem>>)
          %run_scoped3A_230 = arith.constant 3 : i32
          "tpu.region"() ({
            %run_scoped3A_237 = tpu.sem_alloc : memref<!tpu.dma_semaphore, #tpu.memory_space<semaphore_mem>>
            %dma_start3A_238 = arith.constant 0 : i32
            %dma_start3A_239 = arith.constant 0 : i32
            %dma_start3A_240 = tpu.memref_slice %arg8[%run_scoped3A_230, %dma_start3A_238, %dma_start3A_239] : memref<4x128x64xbf16, #tpu.memory_space<vmem>> -> memref<1x128x64xbf16, #tpu.memory_space<vmem>>
            %dma_start3A_241 = tpu.memref_squeeze %dma_start3A_240 : memref<1x128x64xbf16, #tpu.memory_space<vmem>> -> memref<128x64xbf16, #tpu.memory_space<vmem>>
            %dma_start3A_242 = arith.constant 0 : i32
            %dma_start3A_243 = tpu.memref_slice %arg7[%scan3A_131, %dma_start3A_242] : memref<49x128xi32, #tpu.memory_space<vmem>> -> memref<1x128xi32, #tpu.memory_space<vmem>>
            %dma_start3A_244 = tpu.memref_squeeze %dma_start3A_243 : memref<1x128xi32, #tpu.memory_space<vmem>> -> memref<128xi32, #tpu.memory_space<vmem>>
            %dma_start3A_245 = arith.constant 0 : i32
            %dma_start3A_246 = arith.constant 0 : i32
            %dma_start3A_247 = tpu.memref_slice %arg9[%dma_start3A_245, %dma_start3A_246] : memref<25088x64xbf16, #tpu.memory_space<vmem_shared>> -> memref<25088x64xbf16, #tpu.memory_space<vmem_shared>>
            tpu.enqueue_indirect_dma source(%dma_start3A_241 : memref<128x64xbf16, #tpu.memory_space<vmem>>) target(%dma_start3A_247 : memref<25088x64xbf16, #tpu.memory_space<vmem_shared>>) offsets(%dma_start3A_244 : memref<128xi32, #tpu.memory_space<vmem>>) semaphore(%run_scoped3A_237 : memref<!tpu.dma_semaphore, #tpu.memory_space<semaphore_mem>>) {add = true}
            %dma_wait3A_248 = arith.constant 0 : i32
            %dma_wait3A_249 = arith.constant 0 : i32
            %dma_wait3A_250 = tpu.memref_slice %arg8[%run_scoped3A_230, %dma_wait3A_248, %dma_wait3A_249] : memref<4x128x64xbf16, #tpu.memory_space<vmem>> -> memref<1x128x64xbf16, #tpu.memory_space<vmem>>
            %dma_wait3A_251 = tpu.memref_squeeze %dma_wait3A_250 : memref<1x128x64xbf16, #tpu.memory_space<vmem>> -> memref<128x64xbf16, #tpu.memory_space<vmem>>
            %dma_wait3A_252 = arith.constant 0 : i32
            %dma_wait3A_253 = tpu.memref_slice %arg7[%scan3A_131, %dma_wait3A_252] : memref<49x128xi32, #tpu.memory_space<vmem>> -> memref<1x128xi32, #tpu.memory_space<vmem>>
            %dma_wait3A_254 = tpu.memref_squeeze %dma_wait3A_253 : memref<1x128xi32, #tpu.memory_space<vmem>> -> memref<128xi32, #tpu.memory_space<vmem>>
            %dma_wait3A_255 = arith.constant 0 : i32
            %dma_wait3A_256 = arith.constant 0 : i32
            %dma_wait3A_257 = tpu.memref_slice %arg9[%dma_wait3A_255, %dma_wait3A_256] : memref<25088x64xbf16, #tpu.memory_space<vmem_shared>> -> memref<25088x64xbf16, #tpu.memory_space<vmem_shared>>
            tpu.wait_indirect_dma semaphore(%run_scoped3A_237 : memref<!tpu.dma_semaphore, #tpu.memory_space<semaphore_mem>>) src(%dma_wait3A_251 : memref<128x64xbf16, #tpu.memory_space<vmem>>) dst(%dma_wait3A_257 : memref<25088x64xbf16, #tpu.memory_space<vmem_shared>>)
            tpu.yield
          }) : () -> ()
          %add3A_231 = arith.constant 4 : i32
          %add3A_232 = arith.addi %scan3A_131, %add3A_231 : i32
          %lt3A_233 = arith.cmpi slt, %add3A_232, %min3A_76 : i32
          %convert_element_type3A_234 = arith.extui %lt3A_233 : i1 to i32
          %cond3A_235 = arith.constant 0 : i32
          %cond3A_236 = arith.cmpi ne, %convert_element_type3A_234, %cond3A_235 : i32
          scf.if %cond3A_236 {
            %add3A_237 = arith.constant 4 : i32
            %add3A_238 = arith.addi %scan3A_131, %add3A_237 : i32
            %dma_start3A_239 = arith.constant 3 : i32
            %dma_start3A_240 = arith.constant 0 : i32
            %dma_start3A_241 = arith.constant 0 : i32
            %dma_start3A_242 = tpu.memref_slice %arg8[%dma_start3A_239, %dma_start3A_240, %dma_start3A_241] : memref<4x128x64xbf16, #tpu.memory_space<vmem>> -> memref<1x128x64xbf16, #tpu.memory_space<vmem>>
            %dma_start3A_243 = tpu.memref_squeeze %dma_start3A_242 : memref<1x128x64xbf16, #tpu.memory_space<vmem>> -> memref<128x64xbf16, #tpu.memory_space<vmem>>
            %dma_start3A_244 = arith.constant 0 : i32
            %dma_start3A_245 = tpu.memref_slice %arg6[%add3A_238, %dma_start3A_244] : memref<49x128xi32, #tpu.memory_space<vmem>> -> memref<1x128xi32, #tpu.memory_space<vmem>>
            %dma_start3A_246 = tpu.memref_squeeze %dma_start3A_245 : memref<1x128xi32, #tpu.memory_space<vmem>> -> memref<128xi32, #tpu.memory_space<vmem>>
            %dma_start3A_247 = arith.constant 0 : i32
            %dma_start3A_248 = arith.constant 0 : i32
            %dma_start3A_249 = tpu.memref_slice %arg2[%dma_start3A_247, %dma_start3A_248] : memref<25088x64xbf16, #tpu.memory_space<hbm>> -> memref<25088x64xbf16, #tpu.memory_space<hbm>>
            tpu.enqueue_indirect_dma source(%dma_start3A_249 : memref<25088x64xbf16, #tpu.memory_space<hbm>>) target(%dma_start3A_243 : memref<128x64xbf16, #tpu.memory_space<vmem>>) offsets(%dma_start3A_246 : memref<128xi32, #tpu.memory_space<vmem>>) semaphore(%arg10 : memref<!tpu.dma_semaphore, #tpu.memory_space<semaphore_mem>>)
          } else {
          }
        } else {
        }
      }
      %scan3A_130 = arith.constant 49 : i32
    }
    %scan3A_58 = arith.constant 2 : i32
    %barrier3A_59 = arith.constant 0 : index
    tpu.barrier barrier_id(%barrier3A_59)
    %mul3A_60 = arith.constant 1568 : i32
    %mul3A_61 = arith.muli %arg1, %mul3A_60 : i32
    %add3A_62 = arith.constant 0 : i32
    %add3A_63 = arith.addi %add3A_62, %mul3A_61 : i32
    %mul3A_64 = arith.constant 25088 : i32
    %mul3A_65 = arith.muli %arg0, %mul3A_64 : i32
    %mul3A_66 = arith.constant 1568 : i32
    %mul3A_67 = arith.muli %arg1, %mul3A_66 : i32
    %add3A_68 = arith.addi %mul3A_65, %mul3A_67 : i32
    "tpu.region"() ({
      %run_scoped3A = tpu.sem_alloc : memref<!tpu.dma_semaphore, #tpu.memory_space<semaphore_mem>>
      %dma_start3A = arith.constant 0 : i32
      %dma_start3A_69 = tpu.memref_slice %arg5[%add3A_68, %dma_start3A] : memref<50176x64xbf16, #tpu.memory_space<hbm>> -> memref<1568x64xbf16, #tpu.memory_space<hbm>>
      %dma_start3A_70 = arith.constant 0 : i32
      %dma_start3A_71 = tpu.memref_slice %arg9[%add3A_63, %dma_start3A_70] : memref<25088x64xbf16, #tpu.memory_space<vmem_shared>> -> memref<1568x64xbf16, #tpu.memory_space<vmem_shared>>
      tpu.enqueue_dma source(%dma_start3A_71 : memref<1568x64xbf16, #tpu.memory_space<vmem_shared>>) target(%dma_start3A_69 : memref<1568x64xbf16, #tpu.memory_space<hbm>>) target_semaphore(%run_scoped3A : memref<!tpu.dma_semaphore, #tpu.memory_space<semaphore_mem>>)
      %dma_wait3A = arith.constant 0 : i32
      %dma_wait3A_72 = tpu.memref_slice %arg5[%add3A_68, %dma_wait3A] : memref<50176x64xbf16, #tpu.memory_space<hbm>> -> memref<1568x64xbf16, #tpu.memory_space<hbm>>
      %dma_wait3A_73 = arith.constant 0 : i32
      %dma_wait3A_74 = tpu.memref_slice %arg9[%add3A_63, %dma_wait3A_73] : memref<25088x64xbf16, #tpu.memory_space<vmem_shared>> -> memref<1568x64xbf16, #tpu.memory_space<vmem_shared>>
      tpu.wait_dma2 semaphore(%run_scoped3A : memref<!tpu.dma_semaphore, #tpu.memory_space<semaphore_mem>>) src(%dma_wait3A_74 : memref<1568x64xbf16, #tpu.memory_space<vmem_shared>>) dst(%dma_wait3A_72 : memref<1568x64xbf16, #tpu.memory_space<hbm>>)
      tpu.yield
    }) : () -> ()
    return
  }
}

#map = affine_map<(d0, d1) -> (0, 0)>
#map1 = affine_map<(d0, d1) -> (0, 0, 0)>
module attributes {stable_mosaic.version = 14 : i64} {
  func.func @seg_sum(%arg0: i32, %arg1: i32, %arg2: memref<50176x64xbf16, #tpu.memory_space<hbm>>, %arg3: memref<4x3125x128xi32, #tpu.memory_space<hbm>>, %arg4: memref<25088x64xbf16, #tpu.memory_space<hbm>>, %arg5: memref<50176x64xbf16, #tpu.memory_space<hbm>>, %arg6: memref<49x128xi32, #tpu.memory_space<vmem>>, %arg7: memref<49x128xi32, #tpu.memory_space<vmem>>, %arg8: memref<4x128x64xbf16, #tpu.memory_space<vmem>>, %arg9: memref<50176x64xbf16, #tpu.memory_space<vmem_shared>>, %arg10: memref<!tpu.dma_semaphore, #tpu.memory_space<semaphore_mem>>) attributes {dimension_semantics = [#tpu.dimension_semantics<core_parallel>, #tpu.dimension_semantics<subcore_parallel>], iteration_bounds = array<i64: 2, 16>, scalar_prefetch = 0 : i64, scratch_operands = 5 : i64, tpu.core_type = #tpu.core_type<sc_vector_subcore>, window_params = [{transform_indices = #map}, {transform_indices = #map1}, {transform_indices = #map}, {transform_indices = #map}]} {
    %mul3A = arith.constant 16 : i32
    %mul3A_0 = arith.muli %arg0, %mul3A : i32
    %add3A = arith.addi %mul3A_0, %arg1 : i32
    %mul3A_1 = arith.constant 3125 : i32
    %mul3A_2 = arith.muli %add3A, %mul3A_1 : i32
    %jit3A = arith.constant 32 : i32
    %div3A = arith.divsi %mul3A_2, %jit3A : i32
    %sign3A = arith.constant 0 : i32
    %sign3A_3 = arith.cmpi sgt, %mul3A_2, %sign3A : i32
    %sign3A_4 = arith.extui %sign3A_3 : i1 to i32
    %sign3A_5 = arith.constant 0 : i32
    %sign3A_6 = arith.cmpi slt, %mul3A_2, %sign3A_5 : i32
    %sign3A_7 = arith.extui %sign3A_6 : i1 to i32
    %sign3A_8 = arith.subi %sign3A_4, %sign3A_7 : i32
    %sign3A_9 = arith.constant 0 : i32
    %sign3A_10 = arith.cmpi sgt, %jit3A, %sign3A_9 : i32
    %sign3A_11 = arith.extui %sign3A_10 : i1 to i32
    %sign3A_12 = arith.constant 0 : i32
    %sign3A_13 = arith.cmpi slt, %jit3A, %sign3A_12 : i32
    %sign3A_14 = arith.extui %sign3A_13 : i1 to i32
    %sign3A_15 = arith.subi %sign3A_11, %sign3A_14 : i32
    %ne3A = arith.cmpi ne, %sign3A_8, %sign3A_15 : i32
    %rem3A = arith.remsi %mul3A_2, %jit3A : i32
    %ne3A_16 = arith.constant 0 : i32
    %ne3A_17 = arith.cmpi ne, %rem3A, %ne3A_16 : i32
    %and3A = arith.andi %ne3A, %ne3A_17 : i1
    %sub3A = arith.constant 1 : i32
    %sub3A_18 = arith.subi %div3A, %sub3A : i32
    %select_n3A = arith.select %and3A, %sub3A_18, %div3A : i32
    %add3A_19 = arith.constant 1 : i32
    %add3A_20 = arith.addi %add3A, %add3A_19 : i32
    %mul3A_21 = arith.constant 3125 : i32
    %mul3A_22 = arith.muli %add3A_20, %mul3A_21 : i32
    %jit3A_23 = arith.constant 32 : i32
    %div3A_24 = arith.divsi %mul3A_22, %jit3A_23 : i32
    %sign3A_25 = arith.constant 0 : i32
    %sign3A_26 = arith.cmpi sgt, %mul3A_22, %sign3A_25 : i32
    %sign3A_27 = arith.extui %sign3A_26 : i1 to i32
    %sign3A_28 = arith.constant 0 : i32
    %sign3A_29 = arith.cmpi slt, %mul3A_22, %sign3A_28 : i32
    %sign3A_30 = arith.extui %sign3A_29 : i1 to i32
    %sign3A_31 = arith.subi %sign3A_27, %sign3A_30 : i32
    %sign3A_32 = arith.constant 0 : i32
    %sign3A_33 = arith.cmpi sgt, %jit3A_23, %sign3A_32 : i32
    %sign3A_34 = arith.extui %sign3A_33 : i1 to i32
    %sign3A_35 = arith.constant 0 : i32
    %sign3A_36 = arith.cmpi slt, %jit3A_23, %sign3A_35 : i32
    %sign3A_37 = arith.extui %sign3A_36 : i1 to i32
    %sign3A_38 = arith.subi %sign3A_34, %sign3A_37 : i32
    %ne3A_39 = arith.cmpi ne, %sign3A_31, %sign3A_38 : i32
    %rem3A_40 = arith.remsi %mul3A_22, %jit3A_23 : i32
    %ne3A_41 = arith.constant 0 : i32
    %ne3A_42 = arith.cmpi ne, %rem3A_40, %ne3A_41 : i32
    %and3A_43 = arith.andi %ne3A_39, %ne3A_42 : i1
    %sub3A_44 = arith.constant 1 : i32
    %sub3A_45 = arith.subi %div3A_24, %sub3A_44 : i32
    %select_n3A_46 = arith.select %and3A_43, %sub3A_45, %div3A_24 : i32
    %sub3A_47 = arith.subi %select_n3A_46, %select_n3A : i32
    %mul3A_48 = arith.constant 1568 : i32
    %mul3A_49 = arith.muli %arg1, %mul3A_48 : i32
    %mul3A_50 = arith.constant 1568 : i32
    %mul3A_51 = arith.muli %arg1, %mul3A_50 : i32
    %add3A_52 = arith.constant 25000 : i32
    %add3A_53 = arith.addi %add3A_52, %mul3A_51 : i32
    "tpu.region"() ({
      %run_scoped3A = tpu.sem_alloc : memref<!tpu.dma_semaphore, #tpu.memory_space<semaphore_mem>>
      %dma_start3A = arith.constant 0 : i32
      %dma_start3A_69 = tpu.memref_slice %arg9[%add3A_53, %dma_start3A] : memref<50176x64xbf16, #tpu.memory_space<vmem_shared>> -> memref<1568x64xbf16, #tpu.memory_space<vmem_shared>>
      %dma_start3A_70 = arith.constant 0 : i32
      %dma_start3A_71 = tpu.memref_slice %arg4[%mul3A_49, %dma_start3A_70] : memref<25088x64xbf16, #tpu.memory_space<hbm>> -> memref<1568x64xbf16, #tpu.memory_space<hbm>>
      tpu.enqueue_dma source(%dma_start3A_71 : memref<1568x64xbf16, #tpu.memory_space<hbm>>) target(%dma_start3A_69 : memref<1568x64xbf16, #tpu.memory_space<vmem_shared>>) target_semaphore(%run_scoped3A : memref<!tpu.dma_semaphore, #tpu.memory_space<semaphore_mem>>)
      %dma_wait3A = arith.constant 0 : i32
      %dma_wait3A_72 = tpu.memref_slice %arg9[%add3A_53, %dma_wait3A] : memref<50176x64xbf16, #tpu.memory_space<vmem_shared>> -> memref<1568x64xbf16, #tpu.memory_space<vmem_shared>>
      %dma_wait3A_73 = arith.constant 0 : i32
      %dma_wait3A_74 = tpu.memref_slice %arg4[%mul3A_49, %dma_wait3A_73] : memref<25088x64xbf16, #tpu.memory_space<hbm>> -> memref<1568x64xbf16, #tpu.memory_space<hbm>>
      tpu.wait_dma2 semaphore(%run_scoped3A : memref<!tpu.dma_semaphore, #tpu.memory_space<semaphore_mem>>) src(%dma_wait3A_74 : memref<1568x64xbf16, #tpu.memory_space<hbm>>) dst(%dma_wait3A_72 : memref<1568x64xbf16, #tpu.memory_space<vmem_shared>>)
      tpu.yield
    }) : () -> ()
    %barrier3A = arith.constant 0 : index
    tpu.barrier barrier_id(%barrier3A)
    %scan3A = arith.constant 0 : i32
    %scan3A_54 = arith.constant 0 : i32
    %scan3A_55 = arith.constant 2 : i32
    %scan3A_56 = arith.addi %scan3A_54, %scan3A_55 : i32
    %scan3A_57 = arith.constant 1 : i32
    scf.for %scan3A_69 = %scan3A_54 to %scan3A_56 step %scan3A_57  : i32 {
      %mul3A_70 = arith.constant 49 : i32
      %mul3A_71 = arith.muli %scan3A_69, %mul3A_70 : i32
      %add3A_72 = arith.addi %select_n3A, %mul3A_71 : i32
      %mul3A_73 = arith.constant 49 : i32
      %mul3A_74 = arith.muli %scan3A_69, %mul3A_73 : i32
      %sub3A_75 = arith.subi %sub3A_47, %mul3A_74 : i32
      %min3A = arith.constant 49 : i32
      %min3A_76 = arith.minsi %sub3A_75, %min3A : i32
      %run_scoped3A = arith.constant 2 : i32
      "tpu.region"() ({
        %run_scoped3A_131 = tpu.sem_alloc : memref<!tpu.dma_semaphore, #tpu.memory_space<semaphore_mem>>
        %dma_start3A_132 = arith.constant 0 : i32
        %dma_start3A_133 = tpu.memref_slice %arg3[%run_scoped3A, %add3A_72, %dma_start3A_132] : memref<4x3125x128xi32, #tpu.memory_space<hbm>> -> memref<1x49x128xi32, #tpu.memory_space<hbm>>
        %dma_start3A_134 = tpu.memref_squeeze %dma_start3A_133 : memref<1x49x128xi32, #tpu.memory_space<hbm>> -> memref<49x128xi32, #tpu.memory_space<hbm>>
        %dma_start3A_135 = arith.constant 0 : i32
        %dma_start3A_136 = tpu.memref_slice %arg3[%run_scoped3A, %add3A_72, %dma_start3A_135] : memref<4x3125x128xi32, #tpu.memory_space<hbm>> -> memref<1x49x128xi32, #tpu.memory_space<hbm>>
        %dma_start3A_137 = tpu.memref_squeeze %dma_start3A_136 : memref<1x49x128xi32, #tpu.memory_space<hbm>> -> memref<49x128xi32, #tpu.memory_space<hbm>>
        tpu.enqueue_dma source(%dma_start3A_137 : memref<49x128xi32, #tpu.memory_space<hbm>>) target(%arg6 : memref<49x128xi32, #tpu.memory_space<vmem>>) target_semaphore(%run_scoped3A_131 : memref<!tpu.dma_semaphore, #tpu.memory_space<semaphore_mem>>)
        %dma_wait3A = arith.constant 0 : i32
        %dma_wait3A_138 = tpu.memref_slice %arg3[%run_scoped3A, %add3A_72, %dma_wait3A] : memref<4x3125x128xi32, #tpu.memory_space<hbm>> -> memref<1x49x128xi32, #tpu.memory_space<hbm>>
        %dma_wait3A_139 = tpu.memref_squeeze %dma_wait3A_138 : memref<1x49x128xi32, #tpu.memory_space<hbm>> -> memref<49x128xi32, #tpu.memory_space<hbm>>
        %dma_wait3A_140 = arith.constant 0 : i32
        %dma_wait3A_141 = tpu.memref_slice %arg3[%run_scoped3A, %add3A_72, %dma_wait3A_140] : memref<4x3125x128xi32, #tpu.memory_space<hbm>> -> memref<1x49x128xi32, #tpu.memory_space<hbm>>
        %dma_wait3A_142 = tpu.memref_squeeze %dma_wait3A_141 : memref<1x49x128xi32, #tpu.memory_space<hbm>> -> memref<49x128xi32, #tpu.memory_space<hbm>>
        tpu.wait_dma2 semaphore(%run_scoped3A_131 : memref<!tpu.dma_semaphore, #tpu.memory_space<semaphore_mem>>) src(%dma_wait3A_142 : memref<49x128xi32, #tpu.memory_space<hbm>>) dst(%arg6 : memref<49x128xi32, #tpu.memory_space<vmem>>)
        tpu.yield
      }) : () -> ()
      %run_scoped3A_77 = arith.constant 3 : i32
      "tpu.region"() ({
        %run_scoped3A_131 = tpu.sem_alloc : memref<!tpu.dma_semaphore, #tpu.memory_space<semaphore_mem>>
        %dma_start3A_132 = arith.constant 0 : i32
        %dma_start3A_133 = tpu.memref_slice %arg3[%run_scoped3A_77, %add3A_72, %dma_start3A_132] : memref<4x3125x128xi32, #tpu.memory_space<hbm>> -> memref<1x49x128xi32, #tpu.memory_space<hbm>>
        %dma_start3A_134 = tpu.memref_squeeze %dma_start3A_133 : memref<1x49x128xi32, #tpu.memory_space<hbm>> -> memref<49x128xi32, #tpu.memory_space<hbm>>
        %dma_start3A_135 = arith.constant 0 : i32
        %dma_start3A_136 = tpu.memref_slice %arg3[%run_scoped3A_77, %add3A_72, %dma_start3A_135] : memref<4x3125x128xi32, #tpu.memory_space<hbm>> -> memref<1x49x128xi32, #tpu.memory_space<hbm>>
        %dma_start3A_137 = tpu.memref_squeeze %dma_start3A_136 : memref<1x49x128xi32, #tpu.memory_space<hbm>> -> memref<49x128xi32, #tpu.memory_space<hbm>>
        tpu.enqueue_dma source(%dma_start3A_137 : memref<49x128xi32, #tpu.memory_space<hbm>>) target(%arg7 : memref<49x128xi32, #tpu.memory_space<vmem>>) target_semaphore(%run_scoped3A_131 : memref<!tpu.dma_semaphore, #tpu.memory_space<semaphore_mem>>)
        %dma_wait3A = arith.constant 0 : i32
        %dma_wait3A_138 = tpu.memref_slice %arg3[%run_scoped3A_77, %add3A_72, %dma_wait3A] : memref<4x3125x128xi32, #tpu.memory_space<hbm>> -> memref<1x49x128xi32, #tpu.memory_space<hbm>>
        %dma_wait3A_139 = tpu.memref_squeeze %dma_wait3A_138 : memref<1x49x128xi32, #tpu.memory_space<hbm>> -> memref<49x128xi32, #tpu.memory_space<hbm>>
        %dma_wait3A_140 = arith.constant 0 : i32
        %dma_wait3A_141 = tpu.memref_slice %arg3[%run_scoped3A_77, %add3A_72, %dma_wait3A_140] : memref<4x3125x128xi32, #tpu.memory_space<hbm>> -> memref<1x49x128xi32, #tpu.memory_space<hbm>>
        %dma_wait3A_142 = tpu.memref_squeeze %dma_wait3A_141 : memref<1x49x128xi32, #tpu.memory_space<hbm>> -> memref<49x128xi32, #tpu.memory_space<hbm>>
        tpu.wait_dma2 semaphore(%run_scoped3A_131 : memref<!tpu.dma_semaphore, #tpu.memory_space<semaphore_mem>>) src(%dma_wait3A_142 : memref<49x128xi32, #tpu.memory_space<hbm>>) dst(%arg7 : memref<49x128xi32, #tpu.memory_space<vmem>>)
        tpu.yield
      }) : () -> ()
      %dma_start3A = arith.constant 0 : i32
      %dma_start3A_78 = arith.constant 0 : i32
      %dma_start3A_79 = arith.constant 0 : i32
      %dma_start3A_80 = arith.constant 0 : i32
      %dma_start3A_81 = tpu.memref_slice %arg8[%dma_start3A_78, %dma_start3A_79, %dma_start3A_80] : memref<4x128x64xbf16, #tpu.memory_space<vmem>> -> memref<1x128x64xbf16, #tpu.memory_space<vmem>>
      %dma_start3A_82 = tpu.memref_squeeze %dma_start3A_81 : memref<1x128x64xbf16, #tpu.memory_space<vmem>> -> memref<128x64xbf16, #tpu.memory_space<vmem>>
      %dma_start3A_83 = arith.constant 0 : i32
      %dma_start3A_84 = tpu.memref_slice %arg6[%dma_start3A, %dma_start3A_83] : memref<49x128xi32, #tpu.memory_space<vmem>> -> memref<1x128xi32, #tpu.memory_space<vmem>>
      %dma_start3A_85 = tpu.memref_squeeze %dma_start3A_84 : memref<1x128xi32, #tpu.memory_space<vmem>> -> memref<128xi32, #tpu.memory_space<vmem>>
      %dma_start3A_86 = arith.constant 0 : i32
      %dma_start3A_87 = arith.constant 0 : i32
      %dma_start3A_88 = tpu.memref_slice %arg2[%dma_start3A_86, %dma_start3A_87] : memref<50176x64xbf16, #tpu.memory_space<hbm>> -> memref<50176x64xbf16, #tpu.memory_space<hbm>>
      tpu.enqueue_indirect_dma source(%dma_start3A_88 : memref<50176x64xbf16, #tpu.memory_space<hbm>>) target(%dma_start3A_82 : memref<128x64xbf16, #tpu.memory_space<vmem>>) offsets(%dma_start3A_85 : memref<128xi32, #tpu.memory_space<vmem>>) semaphore(%arg10 : memref<!tpu.dma_semaphore, #tpu.memory_space<semaphore_mem>>)
      %dma_start3A_89 = arith.constant 1 : i32
      %dma_start3A_90 = arith.constant 1 : i32
      %dma_start3A_91 = arith.constant 0 : i32
      %dma_start3A_92 = arith.constant 0 : i32
      %dma_start3A_93 = tpu.memref_slice %arg8[%dma_start3A_90, %dma_start3A_91, %dma_start3A_92] : memref<4x128x64xbf16, #tpu.memory_space<vmem>> -> memref<1x128x64xbf16, #tpu.memory_space<vmem>>
      %dma_start3A_94 = tpu.memref_squeeze %dma_start3A_93 : memref<1x128x64xbf16, #tpu.memory_space<vmem>> -> memref<128x64xbf16, #tpu.memory_space<vmem>>
      %dma_start3A_95 = arith.constant 0 : i32
      %dma_start3A_96 = tpu.memref_slice %arg6[%dma_start3A_89, %dma_start3A_95] : memref<49x128xi32, #tpu.memory_space<vmem>> -> memref<1x128xi32, #tpu.memory_space<vmem>>
      %dma_start3A_97 = tpu.memref_squeeze %dma_start3A_96 : memref<1x128xi32, #tpu.memory_space<vmem>> -> memref<128xi32, #tpu.memory_space<vmem>>
      %dma_start3A_98 = arith.constant 0 : i32
      %dma_start3A_99 = arith.constant 0 : i32
      %dma_start3A_100 = tpu.memref_slice %arg2[%dma_start3A_98, %dma_start3A_99] : memref<50176x64xbf16, #tpu.memory_space<hbm>> -> memref<50176x64xbf16, #tpu.memory_space<hbm>>
      tpu.enqueue_indirect_dma source(%dma_start3A_100 : memref<50176x64xbf16, #tpu.memory_space<hbm>>) target(%dma_start3A_94 : memref<128x64xbf16, #tpu.memory_space<vmem>>) offsets(%dma_start3A_97 : memref<128xi32, #tpu.memory_space<vmem>>) semaphore(%arg10 : memref<!tpu.dma_semaphore, #tpu.memory_space<semaphore_mem>>)
      %dma_start3A_101 = arith.constant 2 : i32
      %dma_start3A_102 = arith.constant 2 : i32
      %dma_start3A_103 = arith.constant 0 : i32
      %dma_start3A_104 = arith.constant 0 : i32
      %dma_start3A_105 = tpu.memref_slice %arg8[%dma_start3A_102, %dma_start3A_103, %dma_start3A_104] : memref<4x128x64xbf16, #tpu.memory_space<vmem>> -> memref<1x128x64xbf16, #tpu.memory_space<vmem>>
      %dma_start3A_106 = tpu.memref_squeeze %dma_start3A_105 : memref<1x128x64xbf16, #tpu.memory_space<vmem>> -> memref<128x64xbf16, #tpu.memory_space<vmem>>
      %dma_start3A_107 = arith.constant 0 : i32
      %dma_start3A_108 = tpu.memref_slice %arg6[%dma_start3A_101, %dma_start3A_107] : memref<49x128xi32, #tpu.memory_space<vmem>> -> memref<1x128xi32, #tpu.memory_space<vmem>>
      %dma_start3A_109 = tpu.memref_squeeze %dma_start3A_108 : memref<1x128xi32, #tpu.memory_space<vmem>> -> memref<128xi32, #tpu.memory_space<vmem>>
      %dma_start3A_110 = arith.constant 0 : i32
      %dma_start3A_111 = arith.constant 0 : i32
      %dma_start3A_112 = tpu.memref_slice %arg2[%dma_start3A_110, %dma_start3A_111] : memref<50176x64xbf16, #tpu.memory_space<hbm>> -> memref<50176x64xbf16, #tpu.memory_space<hbm>>
      tpu.enqueue_indirect_dma source(%dma_start3A_112 : memref<50176x64xbf16, #tpu.memory_space<hbm>>) target(%dma_start3A_106 : memref<128x64xbf16, #tpu.memory_space<vmem>>) offsets(%dma_start3A_109 : memref<128xi32, #tpu.memory_space<vmem>>) semaphore(%arg10 : memref<!tpu.dma_semaphore, #tpu.memory_space<semaphore_mem>>)
      %dma_start3A_113 = arith.constant 3 : i32
      %dma_start3A_114 = arith.constant 3 : i32
      %dma_start3A_115 = arith.constant 0 : i32
      %dma_start3A_116 = arith.constant 0 : i32
      %dma_start3A_117 = tpu.memref_slice %arg8[%dma_start3A_114, %dma_start3A_115, %dma_start3A_116] : memref<4x128x64xbf16, #tpu.memory_space<vmem>> -> memref<1x128x64xbf16, #tpu.memory_space<vmem>>
      %dma_start3A_118 = tpu.memref_squeeze %dma_start3A_117 : memref<1x128x64xbf16, #tpu.memory_space<vmem>> -> memref<128x64xbf16, #tpu.memory_space<vmem>>
      %dma_start3A_119 = arith.constant 0 : i32
      %dma_start3A_120 = tpu.memref_slice %arg6[%dma_start3A_113, %dma_start3A_119] : memref<49x128xi32, #tpu.memory_space<vmem>> -> memref<1x128xi32, #tpu.memory_space<vmem>>
      %dma_start3A_121 = tpu.memref_squeeze %dma_start3A_120 : memref<1x128xi32, #tpu.memory_space<vmem>> -> memref<128xi32, #tpu.memory_space<vmem>>
      %dma_start3A_122 = arith.constant 0 : i32
      %dma_start3A_123 = arith.constant 0 : i32
      %dma_start3A_124 = tpu.memref_slice %arg2[%dma_start3A_122, %dma_start3A_123] : memref<50176x64xbf16, #tpu.memory_space<hbm>> -> memref<50176x64xbf16, #tpu.memory_space<hbm>>
      tpu.enqueue_indirect_dma source(%dma_start3A_124 : memref<50176x64xbf16, #tpu.memory_space<hbm>>) target(%dma_start3A_118 : memref<128x64xbf16, #tpu.memory_space<vmem>>) offsets(%dma_start3A_121 : memref<128xi32, #tpu.memory_space<vmem>>) semaphore(%arg10 : memref<!tpu.dma_semaphore, #tpu.memory_space<semaphore_mem>>)
      %scan3A_125 = arith.constant 0 : i32
      %scan3A_126 = arith.constant 0 : i32
      %scan3A_127 = arith.constant 49 : i32
      %scan3A_128 = arith.addi %scan3A_126, %scan3A_127 : i32
      %scan3A_129 = arith.constant 1 : i32
      scf.for %scan3A_131 = %scan3A_126 to %scan3A_128 step %scan3A_129  : i32 {
        %jit3A_132 = arith.constant 4 : i32
        %eq3A = arith.constant 0 : i32
        %eq3A_133 = arith.cmpi eq, %jit3A_132, %eq3A : i32
        %jit3A_134 = arith.constant 1 : i32
        %select_n3A_135 = arith.select %eq3A_133, %jit3A_134, %jit3A_132 : i32
        %rem3A_136 = arith.remsi %scan3A_131, %select_n3A_135 : i32
        %ne3A_137 = arith.constant 0 : i32
        %ne3A_138 = arith.cmpi ne, %rem3A_136, %ne3A_137 : i32
        %lt3A = arith.constant 0 : i32
        %lt3A_139 = arith.cmpi slt, %rem3A_136, %lt3A : i32
        %lt3A_140 = arith.constant 0 : i32
        %lt3A_141 = arith.cmpi slt, %select_n3A_135, %lt3A_140 : i32
        %ne3A_142 = arith.xori %lt3A_139, %lt3A_141 : i1
        %and3A_143 = arith.andi %ne3A_142, %ne3A_138 : i1
        %add3A_144 = arith.addi %rem3A_136, %select_n3A_135 : i32
        %select_n3A_145 = arith.select %and3A_143, %add3A_144, %rem3A_136 : i32
        %eq3A_146 = arith.constant 0 : i32
        %eq3A_147 = arith.cmpi eq, %select_n3A_145, %eq3A_146 : i32
        %lt3A_148 = arith.cmpi slt, %scan3A_131, %min3A_76 : i32
        %and3A_149 = arith.andi %eq3A_147, %lt3A_148 : i1
        %convert_element_type3A = arith.extui %and3A_149 : i1 to i32
        %cond3A = arith.constant 0 : i32
        %cond3A_150 = arith.cmpi ne, %convert_element_type3A, %cond3A : i32
        scf.if %cond3A_150 {
          %dma_wait3A = arith.constant 0 : i32
          %dma_wait3A_220 = arith.constant 0 : i32
          %dma_wait3A_221 = arith.constant 0 : i32
          %dma_wait3A_222 = tpu.memref_slice %arg8[%dma_wait3A, %dma_wait3A_220, %dma_wait3A_221] : memref<4x128x64xbf16, #tpu.memory_space<vmem>> -> memref<1x128x64xbf16, #tpu.memory_space<vmem>>
          %dma_wait3A_223 = tpu.memref_squeeze %dma_wait3A_222 : memref<1x128x64xbf16, #tpu.memory_space<vmem>> -> memref<128x64xbf16, #tpu.memory_space<vmem>>
          %dma_wait3A_224 = arith.constant 0 : i32
          %dma_wait3A_225 = tpu.memref_slice %arg6[%scan3A_131, %dma_wait3A_224] : memref<49x128xi32, #tpu.memory_space<vmem>> -> memref<1x128xi32, #tpu.memory_space<vmem>>
          %dma_wait3A_226 = tpu.memref_squeeze %dma_wait3A_225 : memref<1x128xi32, #tpu.memory_space<vmem>> -> memref<128xi32, #tpu.memory_space<vmem>>
          %dma_wait3A_227 = arith.constant 0 : i32
          %dma_wait3A_228 = arith.constant 0 : i32
          %dma_wait3A_229 = tpu.memref_slice %arg2[%dma_wait3A_227, %dma_wait3A_228] : memref<50176x64xbf16, #tpu.memory_space<hbm>> -> memref<50176x64xbf16, #tpu.memory_space<hbm>>
          tpu.wait_indirect_dma semaphore(%arg10 : memref<!tpu.dma_semaphore, #tpu.memory_space<semaphore_mem>>) src(%dma_wait3A_229 : memref<50176x64xbf16, #tpu.memory_space<hbm>>) dst(%dma_wait3A_223 : memref<128x64xbf16, #tpu.memory_space<vmem>>)
          %run_scoped3A_230 = arith.constant 0 : i32
          "tpu.region"() ({
            %run_scoped3A_237 = tpu.sem_alloc : memref<!tpu.dma_semaphore, #tpu.memory_space<semaphore_mem>>
            %dma_start3A_238 = arith.constant 0 : i32
            %dma_start3A_239 = arith.constant 0 : i32
            %dma_start3A_240 = tpu.memref_slice %arg8[%run_scoped3A_230, %dma_start3A_238, %dma_start3A_239] : memref<4x128x64xbf16, #tpu.memory_space<vmem>> -> memref<1x128x64xbf16, #tpu.memory_space<vmem>>
            %dma_start3A_241 = tpu.memref_squeeze %dma_start3A_240 : memref<1x128x64xbf16, #tpu.memory_space<vmem>> -> memref<128x64xbf16, #tpu.memory_space<vmem>>
            %dma_start3A_242 = arith.constant 0 : i32
            %dma_start3A_243 = tpu.memref_slice %arg7[%scan3A_131, %dma_start3A_242] : memref<49x128xi32, #tpu.memory_space<vmem>> -> memref<1x128xi32, #tpu.memory_space<vmem>>
            %dma_start3A_244 = tpu.memref_squeeze %dma_start3A_243 : memref<1x128xi32, #tpu.memory_space<vmem>> -> memref<128xi32, #tpu.memory_space<vmem>>
            %dma_start3A_245 = arith.constant 0 : i32
            %dma_start3A_246 = arith.constant 0 : i32
            %dma_start3A_247 = tpu.memref_slice %arg9[%dma_start3A_245, %dma_start3A_246] : memref<50176x64xbf16, #tpu.memory_space<vmem_shared>> -> memref<50176x64xbf16, #tpu.memory_space<vmem_shared>>
            tpu.enqueue_indirect_dma source(%dma_start3A_241 : memref<128x64xbf16, #tpu.memory_space<vmem>>) target(%dma_start3A_247 : memref<50176x64xbf16, #tpu.memory_space<vmem_shared>>) offsets(%dma_start3A_244 : memref<128xi32, #tpu.memory_space<vmem>>) semaphore(%run_scoped3A_237 : memref<!tpu.dma_semaphore, #tpu.memory_space<semaphore_mem>>) {add = true}
            %dma_wait3A_248 = arith.constant 0 : i32
            %dma_wait3A_249 = arith.constant 0 : i32
            %dma_wait3A_250 = tpu.memref_slice %arg8[%run_scoped3A_230, %dma_wait3A_248, %dma_wait3A_249] : memref<4x128x64xbf16, #tpu.memory_space<vmem>> -> memref<1x128x64xbf16, #tpu.memory_space<vmem>>
            %dma_wait3A_251 = tpu.memref_squeeze %dma_wait3A_250 : memref<1x128x64xbf16, #tpu.memory_space<vmem>> -> memref<128x64xbf16, #tpu.memory_space<vmem>>
            %dma_wait3A_252 = arith.constant 0 : i32
            %dma_wait3A_253 = tpu.memref_slice %arg7[%scan3A_131, %dma_wait3A_252] : memref<49x128xi32, #tpu.memory_space<vmem>> -> memref<1x128xi32, #tpu.memory_space<vmem>>
            %dma_wait3A_254 = tpu.memref_squeeze %dma_wait3A_253 : memref<1x128xi32, #tpu.memory_space<vmem>> -> memref<128xi32, #tpu.memory_space<vmem>>
            %dma_wait3A_255 = arith.constant 0 : i32
            %dma_wait3A_256 = arith.constant 0 : i32
            %dma_wait3A_257 = tpu.memref_slice %arg9[%dma_wait3A_255, %dma_wait3A_256] : memref<50176x64xbf16, #tpu.memory_space<vmem_shared>> -> memref<50176x64xbf16, #tpu.memory_space<vmem_shared>>
            tpu.wait_indirect_dma semaphore(%run_scoped3A_237 : memref<!tpu.dma_semaphore, #tpu.memory_space<semaphore_mem>>) src(%dma_wait3A_251 : memref<128x64xbf16, #tpu.memory_space<vmem>>) dst(%dma_wait3A_257 : memref<50176x64xbf16, #tpu.memory_space<vmem_shared>>)
            tpu.yield
          }) : () -> ()
          %add3A_231 = arith.constant 4 : i32
          %add3A_232 = arith.addi %scan3A_131, %add3A_231 : i32
          %lt3A_233 = arith.cmpi slt, %add3A_232, %min3A_76 : i32
          %convert_element_type3A_234 = arith.extui %lt3A_233 : i1 to i32
          %cond3A_235 = arith.constant 0 : i32
          %cond3A_236 = arith.cmpi ne, %convert_element_type3A_234, %cond3A_235 : i32
          scf.if %cond3A_236 {
            %add3A_237 = arith.constant 4 : i32
            %add3A_238 = arith.addi %scan3A_131, %add3A_237 : i32
            %dma_start3A_239 = arith.constant 0 : i32
            %dma_start3A_240 = arith.constant 0 : i32
            %dma_start3A_241 = arith.constant 0 : i32
            %dma_start3A_242 = tpu.memref_slice %arg8[%dma_start3A_239, %dma_start3A_240, %dma_start3A_241] : memref<4x128x64xbf16, #tpu.memory_space<vmem>> -> memref<1x128x64xbf16, #tpu.memory_space<vmem>>
            %dma_start3A_243 = tpu.memref_squeeze %dma_start3A_242 : memref<1x128x64xbf16, #tpu.memory_space<vmem>> -> memref<128x64xbf16, #tpu.memory_space<vmem>>
            %dma_start3A_244 = arith.constant 0 : i32
            %dma_start3A_245 = tpu.memref_slice %arg6[%add3A_238, %dma_start3A_244] : memref<49x128xi32, #tpu.memory_space<vmem>> -> memref<1x128xi32, #tpu.memory_space<vmem>>
            %dma_start3A_246 = tpu.memref_squeeze %dma_start3A_245 : memref<1x128xi32, #tpu.memory_space<vmem>> -> memref<128xi32, #tpu.memory_space<vmem>>
            %dma_start3A_247 = arith.constant 0 : i32
            %dma_start3A_248 = arith.constant 0 : i32
            %dma_start3A_249 = tpu.memref_slice %arg2[%dma_start3A_247, %dma_start3A_248] : memref<50176x64xbf16, #tpu.memory_space<hbm>> -> memref<50176x64xbf16, #tpu.memory_space<hbm>>
            tpu.enqueue_indirect_dma source(%dma_start3A_249 : memref<50176x64xbf16, #tpu.memory_space<hbm>>) target(%dma_start3A_243 : memref<128x64xbf16, #tpu.memory_space<vmem>>) offsets(%dma_start3A_246 : memref<128xi32, #tpu.memory_space<vmem>>) semaphore(%arg10 : memref<!tpu.dma_semaphore, #tpu.memory_space<semaphore_mem>>)
          } else {
          }
        } else {
        }
        %jit3A_151 = arith.constant 4 : i32
        %eq3A_152 = arith.constant 0 : i32
        %eq3A_153 = arith.cmpi eq, %jit3A_151, %eq3A_152 : i32
        %jit3A_154 = arith.constant 1 : i32
        %select_n3A_155 = arith.select %eq3A_153, %jit3A_154, %jit3A_151 : i32
        %rem3A_156 = arith.remsi %scan3A_131, %select_n3A_155 : i32
        %ne3A_157 = arith.constant 0 : i32
        %ne3A_158 = arith.cmpi ne, %rem3A_156, %ne3A_157 : i32
        %lt3A_159 = arith.constant 0 : i32
        %lt3A_160 = arith.cmpi slt, %rem3A_156, %lt3A_159 : i32
        %lt3A_161 = arith.constant 0 : i32
        %lt3A_162 = arith.cmpi slt, %select_n3A_155, %lt3A_161 : i32
        %ne3A_163 = arith.xori %lt3A_160, %lt3A_162 : i1
        %and3A_164 = arith.andi %ne3A_163, %ne3A_158 : i1
        %add3A_165 = arith.addi %rem3A_156, %select_n3A_155 : i32
        %select_n3A_166 = arith.select %and3A_164, %add3A_165, %rem3A_156 : i32
        %eq3A_167 = arith.constant 1 : i32
        %eq3A_168 = arith.cmpi eq, %select_n3A_166, %eq3A_167 : i32
        %lt3A_169 = arith.cmpi slt, %scan3A_131, %min3A_76 : i32
        %and3A_170 = arith.andi %eq3A_168, %lt3A_169 : i1
        %convert_element_type3A_171 = arith.extui %and3A_170 : i1 to i32
        %cond3A_172 = arith.constant 0 : i32
        %cond3A_173 = arith.cmpi ne, %convert_element_type3A_171, %cond3A_172 : i32
        scf.if %cond3A_173 {
          %dma_wait3A = arith.constant 1 : i32
          %dma_wait3A_220 = arith.constant 0 : i32
          %dma_wait3A_221 = arith.constant 0 : i32
          %dma_wait3A_222 = tpu.memref_slice %arg8[%dma_wait3A, %dma_wait3A_220, %dma_wait3A_221] : memref<4x128x64xbf16, #tpu.memory_space<vmem>> -> memref<1x128x64xbf16, #tpu.memory_space<vmem>>
          %dma_wait3A_223 = tpu.memref_squeeze %dma_wait3A_222 : memref<1x128x64xbf16, #tpu.memory_space<vmem>> -> memref<128x64xbf16, #tpu.memory_space<vmem>>
          %dma_wait3A_224 = arith.constant 0 : i32
          %dma_wait3A_225 = tpu.memref_slice %arg6[%scan3A_131, %dma_wait3A_224] : memref<49x128xi32, #tpu.memory_space<vmem>> -> memref<1x128xi32, #tpu.memory_space<vmem>>
          %dma_wait3A_226 = tpu.memref_squeeze %dma_wait3A_225 : memref<1x128xi32, #tpu.memory_space<vmem>> -> memref<128xi32, #tpu.memory_space<vmem>>
          %dma_wait3A_227 = arith.constant 0 : i32
          %dma_wait3A_228 = arith.constant 0 : i32
          %dma_wait3A_229 = tpu.memref_slice %arg2[%dma_wait3A_227, %dma_wait3A_228] : memref<50176x64xbf16, #tpu.memory_space<hbm>> -> memref<50176x64xbf16, #tpu.memory_space<hbm>>
          tpu.wait_indirect_dma semaphore(%arg10 : memref<!tpu.dma_semaphore, #tpu.memory_space<semaphore_mem>>) src(%dma_wait3A_229 : memref<50176x64xbf16, #tpu.memory_space<hbm>>) dst(%dma_wait3A_223 : memref<128x64xbf16, #tpu.memory_space<vmem>>)
          %run_scoped3A_230 = arith.constant 1 : i32
          "tpu.region"() ({
            %run_scoped3A_237 = tpu.sem_alloc : memref<!tpu.dma_semaphore, #tpu.memory_space<semaphore_mem>>
            %dma_start3A_238 = arith.constant 0 : i32
            %dma_start3A_239 = arith.constant 0 : i32
            %dma_start3A_240 = tpu.memref_slice %arg8[%run_scoped3A_230, %dma_start3A_238, %dma_start3A_239] : memref<4x128x64xbf16, #tpu.memory_space<vmem>> -> memref<1x128x64xbf16, #tpu.memory_space<vmem>>
            %dma_start3A_241 = tpu.memref_squeeze %dma_start3A_240 : memref<1x128x64xbf16, #tpu.memory_space<vmem>> -> memref<128x64xbf16, #tpu.memory_space<vmem>>
            %dma_start3A_242 = arith.constant 0 : i32
            %dma_start3A_243 = tpu.memref_slice %arg7[%scan3A_131, %dma_start3A_242] : memref<49x128xi32, #tpu.memory_space<vmem>> -> memref<1x128xi32, #tpu.memory_space<vmem>>
            %dma_start3A_244 = tpu.memref_squeeze %dma_start3A_243 : memref<1x128xi32, #tpu.memory_space<vmem>> -> memref<128xi32, #tpu.memory_space<vmem>>
            %dma_start3A_245 = arith.constant 0 : i32
            %dma_start3A_246 = arith.constant 0 : i32
            %dma_start3A_247 = tpu.memref_slice %arg9[%dma_start3A_245, %dma_start3A_246] : memref<50176x64xbf16, #tpu.memory_space<vmem_shared>> -> memref<50176x64xbf16, #tpu.memory_space<vmem_shared>>
            tpu.enqueue_indirect_dma source(%dma_start3A_241 : memref<128x64xbf16, #tpu.memory_space<vmem>>) target(%dma_start3A_247 : memref<50176x64xbf16, #tpu.memory_space<vmem_shared>>) offsets(%dma_start3A_244 : memref<128xi32, #tpu.memory_space<vmem>>) semaphore(%run_scoped3A_237 : memref<!tpu.dma_semaphore, #tpu.memory_space<semaphore_mem>>) {add = true}
            %dma_wait3A_248 = arith.constant 0 : i32
            %dma_wait3A_249 = arith.constant 0 : i32
            %dma_wait3A_250 = tpu.memref_slice %arg8[%run_scoped3A_230, %dma_wait3A_248, %dma_wait3A_249] : memref<4x128x64xbf16, #tpu.memory_space<vmem>> -> memref<1x128x64xbf16, #tpu.memory_space<vmem>>
            %dma_wait3A_251 = tpu.memref_squeeze %dma_wait3A_250 : memref<1x128x64xbf16, #tpu.memory_space<vmem>> -> memref<128x64xbf16, #tpu.memory_space<vmem>>
            %dma_wait3A_252 = arith.constant 0 : i32
            %dma_wait3A_253 = tpu.memref_slice %arg7[%scan3A_131, %dma_wait3A_252] : memref<49x128xi32, #tpu.memory_space<vmem>> -> memref<1x128xi32, #tpu.memory_space<vmem>>
            %dma_wait3A_254 = tpu.memref_squeeze %dma_wait3A_253 : memref<1x128xi32, #tpu.memory_space<vmem>> -> memref<128xi32, #tpu.memory_space<vmem>>
            %dma_wait3A_255 = arith.constant 0 : i32
            %dma_wait3A_256 = arith.constant 0 : i32
            %dma_wait3A_257 = tpu.memref_slice %arg9[%dma_wait3A_255, %dma_wait3A_256] : memref<50176x64xbf16, #tpu.memory_space<vmem_shared>> -> memref<50176x64xbf16, #tpu.memory_space<vmem_shared>>
            tpu.wait_indirect_dma semaphore(%run_scoped3A_237 : memref<!tpu.dma_semaphore, #tpu.memory_space<semaphore_mem>>) src(%dma_wait3A_251 : memref<128x64xbf16, #tpu.memory_space<vmem>>) dst(%dma_wait3A_257 : memref<50176x64xbf16, #tpu.memory_space<vmem_shared>>)
            tpu.yield
          }) : () -> ()
          %add3A_231 = arith.constant 4 : i32
          %add3A_232 = arith.addi %scan3A_131, %add3A_231 : i32
          %lt3A_233 = arith.cmpi slt, %add3A_232, %min3A_76 : i32
          %convert_element_type3A_234 = arith.extui %lt3A_233 : i1 to i32
          %cond3A_235 = arith.constant 0 : i32
          %cond3A_236 = arith.cmpi ne, %convert_element_type3A_234, %cond3A_235 : i32
          scf.if %cond3A_236 {
            %add3A_237 = arith.constant 4 : i32
            %add3A_238 = arith.addi %scan3A_131, %add3A_237 : i32
            %dma_start3A_239 = arith.constant 1 : i32
            %dma_start3A_240 = arith.constant 0 : i32
            %dma_start3A_241 = arith.constant 0 : i32
            %dma_start3A_242 = tpu.memref_slice %arg8[%dma_start3A_239, %dma_start3A_240, %dma_start3A_241] : memref<4x128x64xbf16, #tpu.memory_space<vmem>> -> memref<1x128x64xbf16, #tpu.memory_space<vmem>>
            %dma_start3A_243 = tpu.memref_squeeze %dma_start3A_242 : memref<1x128x64xbf16, #tpu.memory_space<vmem>> -> memref<128x64xbf16, #tpu.memory_space<vmem>>
            %dma_start3A_244 = arith.constant 0 : i32
            %dma_start3A_245 = tpu.memref_slice %arg6[%add3A_238, %dma_start3A_244] : memref<49x128xi32, #tpu.memory_space<vmem>> -> memref<1x128xi32, #tpu.memory_space<vmem>>
            %dma_start3A_246 = tpu.memref_squeeze %dma_start3A_245 : memref<1x128xi32, #tpu.memory_space<vmem>> -> memref<128xi32, #tpu.memory_space<vmem>>
            %dma_start3A_247 = arith.constant 0 : i32
            %dma_start3A_248 = arith.constant 0 : i32
            %dma_start3A_249 = tpu.memref_slice %arg2[%dma_start3A_247, %dma_start3A_248] : memref<50176x64xbf16, #tpu.memory_space<hbm>> -> memref<50176x64xbf16, #tpu.memory_space<hbm>>
            tpu.enqueue_indirect_dma source(%dma_start3A_249 : memref<50176x64xbf16, #tpu.memory_space<hbm>>) target(%dma_start3A_243 : memref<128x64xbf16, #tpu.memory_space<vmem>>) offsets(%dma_start3A_246 : memref<128xi32, #tpu.memory_space<vmem>>) semaphore(%arg10 : memref<!tpu.dma_semaphore, #tpu.memory_space<semaphore_mem>>)
          } else {
          }
        } else {
        }
        %jit3A_174 = arith.constant 4 : i32
        %eq3A_175 = arith.constant 0 : i32
        %eq3A_176 = arith.cmpi eq, %jit3A_174, %eq3A_175 : i32
        %jit3A_177 = arith.constant 1 : i32
        %select_n3A_178 = arith.select %eq3A_176, %jit3A_177, %jit3A_174 : i32
        %rem3A_179 = arith.remsi %scan3A_131, %select_n3A_178 : i32
        %ne3A_180 = arith.constant 0 : i32
        %ne3A_181 = arith.cmpi ne, %rem3A_179, %ne3A_180 : i32
        %lt3A_182 = arith.constant 0 : i32
        %lt3A_183 = arith.cmpi slt, %rem3A_179, %lt3A_182 : i32
        %lt3A_184 = arith.constant 0 : i32
        %lt3A_185 = arith.cmpi slt, %select_n3A_178, %lt3A_184 : i32
        %ne3A_186 = arith.xori %lt3A_183, %lt3A_185 : i1
        %and3A_187 = arith.andi %ne3A_186, %ne3A_181 : i1
        %add3A_188 = arith.addi %rem3A_179, %select_n3A_178 : i32
        %select_n3A_189 = arith.select %and3A_187, %add3A_188, %rem3A_179 : i32
        %eq3A_190 = arith.constant 2 : i32
        %eq3A_191 = arith.cmpi eq, %select_n3A_189, %eq3A_190 : i32
        %lt3A_192 = arith.cmpi slt, %scan3A_131, %min3A_76 : i32
        %and3A_193 = arith.andi %eq3A_191, %lt3A_192 : i1
        %convert_element_type3A_194 = arith.extui %and3A_193 : i1 to i32
        %cond3A_195 = arith.constant 0 : i32
        %cond3A_196 = arith.cmpi ne, %convert_element_type3A_194, %cond3A_195 : i32
        scf.if %cond3A_196 {
          %dma_wait3A = arith.constant 2 : i32
          %dma_wait3A_220 = arith.constant 0 : i32
          %dma_wait3A_221 = arith.constant 0 : i32
          %dma_wait3A_222 = tpu.memref_slice %arg8[%dma_wait3A, %dma_wait3A_220, %dma_wait3A_221] : memref<4x128x64xbf16, #tpu.memory_space<vmem>> -> memref<1x128x64xbf16, #tpu.memory_space<vmem>>
          %dma_wait3A_223 = tpu.memref_squeeze %dma_wait3A_222 : memref<1x128x64xbf16, #tpu.memory_space<vmem>> -> memref<128x64xbf16, #tpu.memory_space<vmem>>
          %dma_wait3A_224 = arith.constant 0 : i32
          %dma_wait3A_225 = tpu.memref_slice %arg6[%scan3A_131, %dma_wait3A_224] : memref<49x128xi32, #tpu.memory_space<vmem>> -> memref<1x128xi32, #tpu.memory_space<vmem>>
          %dma_wait3A_226 = tpu.memref_squeeze %dma_wait3A_225 : memref<1x128xi32, #tpu.memory_space<vmem>> -> memref<128xi32, #tpu.memory_space<vmem>>
          %dma_wait3A_227 = arith.constant 0 : i32
          %dma_wait3A_228 = arith.constant 0 : i32
          %dma_wait3A_229 = tpu.memref_slice %arg2[%dma_wait3A_227, %dma_wait3A_228] : memref<50176x64xbf16, #tpu.memory_space<hbm>> -> memref<50176x64xbf16, #tpu.memory_space<hbm>>
          tpu.wait_indirect_dma semaphore(%arg10 : memref<!tpu.dma_semaphore, #tpu.memory_space<semaphore_mem>>) src(%dma_wait3A_229 : memref<50176x64xbf16, #tpu.memory_space<hbm>>) dst(%dma_wait3A_223 : memref<128x64xbf16, #tpu.memory_space<vmem>>)
          %run_scoped3A_230 = arith.constant 2 : i32
          "tpu.region"() ({
            %run_scoped3A_237 = tpu.sem_alloc : memref<!tpu.dma_semaphore, #tpu.memory_space<semaphore_mem>>
            %dma_start3A_238 = arith.constant 0 : i32
            %dma_start3A_239 = arith.constant 0 : i32
            %dma_start3A_240 = tpu.memref_slice %arg8[%run_scoped3A_230, %dma_start3A_238, %dma_start3A_239] : memref<4x128x64xbf16, #tpu.memory_space<vmem>> -> memref<1x128x64xbf16, #tpu.memory_space<vmem>>
            %dma_start3A_241 = tpu.memref_squeeze %dma_start3A_240 : memref<1x128x64xbf16, #tpu.memory_space<vmem>> -> memref<128x64xbf16, #tpu.memory_space<vmem>>
            %dma_start3A_242 = arith.constant 0 : i32
            %dma_start3A_243 = tpu.memref_slice %arg7[%scan3A_131, %dma_start3A_242] : memref<49x128xi32, #tpu.memory_space<vmem>> -> memref<1x128xi32, #tpu.memory_space<vmem>>
            %dma_start3A_244 = tpu.memref_squeeze %dma_start3A_243 : memref<1x128xi32, #tpu.memory_space<vmem>> -> memref<128xi32, #tpu.memory_space<vmem>>
            %dma_start3A_245 = arith.constant 0 : i32
            %dma_start3A_246 = arith.constant 0 : i32
            %dma_start3A_247 = tpu.memref_slice %arg9[%dma_start3A_245, %dma_start3A_246] : memref<50176x64xbf16, #tpu.memory_space<vmem_shared>> -> memref<50176x64xbf16, #tpu.memory_space<vmem_shared>>
            tpu.enqueue_indirect_dma source(%dma_start3A_241 : memref<128x64xbf16, #tpu.memory_space<vmem>>) target(%dma_start3A_247 : memref<50176x64xbf16, #tpu.memory_space<vmem_shared>>) offsets(%dma_start3A_244 : memref<128xi32, #tpu.memory_space<vmem>>) semaphore(%run_scoped3A_237 : memref<!tpu.dma_semaphore, #tpu.memory_space<semaphore_mem>>) {add = true}
            %dma_wait3A_248 = arith.constant 0 : i32
            %dma_wait3A_249 = arith.constant 0 : i32
            %dma_wait3A_250 = tpu.memref_slice %arg8[%run_scoped3A_230, %dma_wait3A_248, %dma_wait3A_249] : memref<4x128x64xbf16, #tpu.memory_space<vmem>> -> memref<1x128x64xbf16, #tpu.memory_space<vmem>>
            %dma_wait3A_251 = tpu.memref_squeeze %dma_wait3A_250 : memref<1x128x64xbf16, #tpu.memory_space<vmem>> -> memref<128x64xbf16, #tpu.memory_space<vmem>>
            %dma_wait3A_252 = arith.constant 0 : i32
            %dma_wait3A_253 = tpu.memref_slice %arg7[%scan3A_131, %dma_wait3A_252] : memref<49x128xi32, #tpu.memory_space<vmem>> -> memref<1x128xi32, #tpu.memory_space<vmem>>
            %dma_wait3A_254 = tpu.memref_squeeze %dma_wait3A_253 : memref<1x128xi32, #tpu.memory_space<vmem>> -> memref<128xi32, #tpu.memory_space<vmem>>
            %dma_wait3A_255 = arith.constant 0 : i32
            %dma_wait3A_256 = arith.constant 0 : i32
            %dma_wait3A_257 = tpu.memref_slice %arg9[%dma_wait3A_255, %dma_wait3A_256] : memref<50176x64xbf16, #tpu.memory_space<vmem_shared>> -> memref<50176x64xbf16, #tpu.memory_space<vmem_shared>>
            tpu.wait_indirect_dma semaphore(%run_scoped3A_237 : memref<!tpu.dma_semaphore, #tpu.memory_space<semaphore_mem>>) src(%dma_wait3A_251 : memref<128x64xbf16, #tpu.memory_space<vmem>>) dst(%dma_wait3A_257 : memref<50176x64xbf16, #tpu.memory_space<vmem_shared>>)
            tpu.yield
          }) : () -> ()
          %add3A_231 = arith.constant 4 : i32
          %add3A_232 = arith.addi %scan3A_131, %add3A_231 : i32
          %lt3A_233 = arith.cmpi slt, %add3A_232, %min3A_76 : i32
          %convert_element_type3A_234 = arith.extui %lt3A_233 : i1 to i32
          %cond3A_235 = arith.constant 0 : i32
          %cond3A_236 = arith.cmpi ne, %convert_element_type3A_234, %cond3A_235 : i32
          scf.if %cond3A_236 {
            %add3A_237 = arith.constant 4 : i32
            %add3A_238 = arith.addi %scan3A_131, %add3A_237 : i32
            %dma_start3A_239 = arith.constant 2 : i32
            %dma_start3A_240 = arith.constant 0 : i32
            %dma_start3A_241 = arith.constant 0 : i32
            %dma_start3A_242 = tpu.memref_slice %arg8[%dma_start3A_239, %dma_start3A_240, %dma_start3A_241] : memref<4x128x64xbf16, #tpu.memory_space<vmem>> -> memref<1x128x64xbf16, #tpu.memory_space<vmem>>
            %dma_start3A_243 = tpu.memref_squeeze %dma_start3A_242 : memref<1x128x64xbf16, #tpu.memory_space<vmem>> -> memref<128x64xbf16, #tpu.memory_space<vmem>>
            %dma_start3A_244 = arith.constant 0 : i32
            %dma_start3A_245 = tpu.memref_slice %arg6[%add3A_238, %dma_start3A_244] : memref<49x128xi32, #tpu.memory_space<vmem>> -> memref<1x128xi32, #tpu.memory_space<vmem>>
            %dma_start3A_246 = tpu.memref_squeeze %dma_start3A_245 : memref<1x128xi32, #tpu.memory_space<vmem>> -> memref<128xi32, #tpu.memory_space<vmem>>
            %dma_start3A_247 = arith.constant 0 : i32
            %dma_start3A_248 = arith.constant 0 : i32
            %dma_start3A_249 = tpu.memref_slice %arg2[%dma_start3A_247, %dma_start3A_248] : memref<50176x64xbf16, #tpu.memory_space<hbm>> -> memref<50176x64xbf16, #tpu.memory_space<hbm>>
            tpu.enqueue_indirect_dma source(%dma_start3A_249 : memref<50176x64xbf16, #tpu.memory_space<hbm>>) target(%dma_start3A_243 : memref<128x64xbf16, #tpu.memory_space<vmem>>) offsets(%dma_start3A_246 : memref<128xi32, #tpu.memory_space<vmem>>) semaphore(%arg10 : memref<!tpu.dma_semaphore, #tpu.memory_space<semaphore_mem>>)
          } else {
          }
        } else {
        }
        %jit3A_197 = arith.constant 4 : i32
        %eq3A_198 = arith.constant 0 : i32
        %eq3A_199 = arith.cmpi eq, %jit3A_197, %eq3A_198 : i32
        %jit3A_200 = arith.constant 1 : i32
        %select_n3A_201 = arith.select %eq3A_199, %jit3A_200, %jit3A_197 : i32
        %rem3A_202 = arith.remsi %scan3A_131, %select_n3A_201 : i32
        %ne3A_203 = arith.constant 0 : i32
        %ne3A_204 = arith.cmpi ne, %rem3A_202, %ne3A_203 : i32
        %lt3A_205 = arith.constant 0 : i32
        %lt3A_206 = arith.cmpi slt, %rem3A_202, %lt3A_205 : i32
        %lt3A_207 = arith.constant 0 : i32
        %lt3A_208 = arith.cmpi slt, %select_n3A_201, %lt3A_207 : i32
        %ne3A_209 = arith.xori %lt3A_206, %lt3A_208 : i1
        %and3A_210 = arith.andi %ne3A_209, %ne3A_204 : i1
        %add3A_211 = arith.addi %rem3A_202, %select_n3A_201 : i32
        %select_n3A_212 = arith.select %and3A_210, %add3A_211, %rem3A_202 : i32
        %eq3A_213 = arith.constant 3 : i32
        %eq3A_214 = arith.cmpi eq, %select_n3A_212, %eq3A_213 : i32
        %lt3A_215 = arith.cmpi slt, %scan3A_131, %min3A_76 : i32
        %and3A_216 = arith.andi %eq3A_214, %lt3A_215 : i1
        %convert_element_type3A_217 = arith.extui %and3A_216 : i1 to i32
        %cond3A_218 = arith.constant 0 : i32
        %cond3A_219 = arith.cmpi ne, %convert_element_type3A_217, %cond3A_218 : i32
        scf.if %cond3A_219 {
          %dma_wait3A = arith.constant 3 : i32
          %dma_wait3A_220 = arith.constant 0 : i32
          %dma_wait3A_221 = arith.constant 0 : i32
          %dma_wait3A_222 = tpu.memref_slice %arg8[%dma_wait3A, %dma_wait3A_220, %dma_wait3A_221] : memref<4x128x64xbf16, #tpu.memory_space<vmem>> -> memref<1x128x64xbf16, #tpu.memory_space<vmem>>
          %dma_wait3A_223 = tpu.memref_squeeze %dma_wait3A_222 : memref<1x128x64xbf16, #tpu.memory_space<vmem>> -> memref<128x64xbf16, #tpu.memory_space<vmem>>
          %dma_wait3A_224 = arith.constant 0 : i32
          %dma_wait3A_225 = tpu.memref_slice %arg6[%scan3A_131, %dma_wait3A_224] : memref<49x128xi32, #tpu.memory_space<vmem>> -> memref<1x128xi32, #tpu.memory_space<vmem>>
          %dma_wait3A_226 = tpu.memref_squeeze %dma_wait3A_225 : memref<1x128xi32, #tpu.memory_space<vmem>> -> memref<128xi32, #tpu.memory_space<vmem>>
          %dma_wait3A_227 = arith.constant 0 : i32
          %dma_wait3A_228 = arith.constant 0 : i32
          %dma_wait3A_229 = tpu.memref_slice %arg2[%dma_wait3A_227, %dma_wait3A_228] : memref<50176x64xbf16, #tpu.memory_space<hbm>> -> memref<50176x64xbf16, #tpu.memory_space<hbm>>
          tpu.wait_indirect_dma semaphore(%arg10 : memref<!tpu.dma_semaphore, #tpu.memory_space<semaphore_mem>>) src(%dma_wait3A_229 : memref<50176x64xbf16, #tpu.memory_space<hbm>>) dst(%dma_wait3A_223 : memref<128x64xbf16, #tpu.memory_space<vmem>>)
          %run_scoped3A_230 = arith.constant 3 : i32
          "tpu.region"() ({
            %run_scoped3A_237 = tpu.sem_alloc : memref<!tpu.dma_semaphore, #tpu.memory_space<semaphore_mem>>
            %dma_start3A_238 = arith.constant 0 : i32
            %dma_start3A_239 = arith.constant 0 : i32
            %dma_start3A_240 = tpu.memref_slice %arg8[%run_scoped3A_230, %dma_start3A_238, %dma_start3A_239] : memref<4x128x64xbf16, #tpu.memory_space<vmem>> -> memref<1x128x64xbf16, #tpu.memory_space<vmem>>
            %dma_start3A_241 = tpu.memref_squeeze %dma_start3A_240 : memref<1x128x64xbf16, #tpu.memory_space<vmem>> -> memref<128x64xbf16, #tpu.memory_space<vmem>>
            %dma_start3A_242 = arith.constant 0 : i32
            %dma_start3A_243 = tpu.memref_slice %arg7[%scan3A_131, %dma_start3A_242] : memref<49x128xi32, #tpu.memory_space<vmem>> -> memref<1x128xi32, #tpu.memory_space<vmem>>
            %dma_start3A_244 = tpu.memref_squeeze %dma_start3A_243 : memref<1x128xi32, #tpu.memory_space<vmem>> -> memref<128xi32, #tpu.memory_space<vmem>>
            %dma_start3A_245 = arith.constant 0 : i32
            %dma_start3A_246 = arith.constant 0 : i32
            %dma_start3A_247 = tpu.memref_slice %arg9[%dma_start3A_245, %dma_start3A_246] : memref<50176x64xbf16, #tpu.memory_space<vmem_shared>> -> memref<50176x64xbf16, #tpu.memory_space<vmem_shared>>
            tpu.enqueue_indirect_dma source(%dma_start3A_241 : memref<128x64xbf16, #tpu.memory_space<vmem>>) target(%dma_start3A_247 : memref<50176x64xbf16, #tpu.memory_space<vmem_shared>>) offsets(%dma_start3A_244 : memref<128xi32, #tpu.memory_space<vmem>>) semaphore(%run_scoped3A_237 : memref<!tpu.dma_semaphore, #tpu.memory_space<semaphore_mem>>) {add = true}
            %dma_wait3A_248 = arith.constant 0 : i32
            %dma_wait3A_249 = arith.constant 0 : i32
            %dma_wait3A_250 = tpu.memref_slice %arg8[%run_scoped3A_230, %dma_wait3A_248, %dma_wait3A_249] : memref<4x128x64xbf16, #tpu.memory_space<vmem>> -> memref<1x128x64xbf16, #tpu.memory_space<vmem>>
            %dma_wait3A_251 = tpu.memref_squeeze %dma_wait3A_250 : memref<1x128x64xbf16, #tpu.memory_space<vmem>> -> memref<128x64xbf16, #tpu.memory_space<vmem>>
            %dma_wait3A_252 = arith.constant 0 : i32
            %dma_wait3A_253 = tpu.memref_slice %arg7[%scan3A_131, %dma_wait3A_252] : memref<49x128xi32, #tpu.memory_space<vmem>> -> memref<1x128xi32, #tpu.memory_space<vmem>>
            %dma_wait3A_254 = tpu.memref_squeeze %dma_wait3A_253 : memref<1x128xi32, #tpu.memory_space<vmem>> -> memref<128xi32, #tpu.memory_space<vmem>>
            %dma_wait3A_255 = arith.constant 0 : i32
            %dma_wait3A_256 = arith.constant 0 : i32
            %dma_wait3A_257 = tpu.memref_slice %arg9[%dma_wait3A_255, %dma_wait3A_256] : memref<50176x64xbf16, #tpu.memory_space<vmem_shared>> -> memref<50176x64xbf16, #tpu.memory_space<vmem_shared>>
            tpu.wait_indirect_dma semaphore(%run_scoped3A_237 : memref<!tpu.dma_semaphore, #tpu.memory_space<semaphore_mem>>) src(%dma_wait3A_251 : memref<128x64xbf16, #tpu.memory_space<vmem>>) dst(%dma_wait3A_257 : memref<50176x64xbf16, #tpu.memory_space<vmem_shared>>)
            tpu.yield
          }) : () -> ()
          %add3A_231 = arith.constant 4 : i32
          %add3A_232 = arith.addi %scan3A_131, %add3A_231 : i32
          %lt3A_233 = arith.cmpi slt, %add3A_232, %min3A_76 : i32
          %convert_element_type3A_234 = arith.extui %lt3A_233 : i1 to i32
          %cond3A_235 = arith.constant 0 : i32
          %cond3A_236 = arith.cmpi ne, %convert_element_type3A_234, %cond3A_235 : i32
          scf.if %cond3A_236 {
            %add3A_237 = arith.constant 4 : i32
            %add3A_238 = arith.addi %scan3A_131, %add3A_237 : i32
            %dma_start3A_239 = arith.constant 3 : i32
            %dma_start3A_240 = arith.constant 0 : i32
            %dma_start3A_241 = arith.constant 0 : i32
            %dma_start3A_242 = tpu.memref_slice %arg8[%dma_start3A_239, %dma_start3A_240, %dma_start3A_241] : memref<4x128x64xbf16, #tpu.memory_space<vmem>> -> memref<1x128x64xbf16, #tpu.memory_space<vmem>>
            %dma_start3A_243 = tpu.memref_squeeze %dma_start3A_242 : memref<1x128x64xbf16, #tpu.memory_space<vmem>> -> memref<128x64xbf16, #tpu.memory_space<vmem>>
            %dma_start3A_244 = arith.constant 0 : i32
            %dma_start3A_245 = tpu.memref_slice %arg6[%add3A_238, %dma_start3A_244] : memref<49x128xi32, #tpu.memory_space<vmem>> -> memref<1x128xi32, #tpu.memory_space<vmem>>
            %dma_start3A_246 = tpu.memref_squeeze %dma_start3A_245 : memref<1x128xi32, #tpu.memory_space<vmem>> -> memref<128xi32, #tpu.memory_space<vmem>>
            %dma_start3A_247 = arith.constant 0 : i32
            %dma_start3A_248 = arith.constant 0 : i32
            %dma_start3A_249 = tpu.memref_slice %arg2[%dma_start3A_247, %dma_start3A_248] : memref<50176x64xbf16, #tpu.memory_space<hbm>> -> memref<50176x64xbf16, #tpu.memory_space<hbm>>
            tpu.enqueue_indirect_dma source(%dma_start3A_249 : memref<50176x64xbf16, #tpu.memory_space<hbm>>) target(%dma_start3A_243 : memref<128x64xbf16, #tpu.memory_space<vmem>>) offsets(%dma_start3A_246 : memref<128xi32, #tpu.memory_space<vmem>>) semaphore(%arg10 : memref<!tpu.dma_semaphore, #tpu.memory_space<semaphore_mem>>)
          } else {
          }
        } else {
        }
      }
      %scan3A_130 = arith.constant 49 : i32
    }
    %scan3A_58 = arith.constant 2 : i32
    %barrier3A_59 = arith.constant 0 : index
    tpu.barrier barrier_id(%barrier3A_59)
    %mul3A_60 = arith.constant 1568 : i32
    %mul3A_61 = arith.muli %arg1, %mul3A_60 : i32
    %add3A_62 = arith.constant 25000 : i32
    %add3A_63 = arith.addi %add3A_62, %mul3A_61 : i32
    %mul3A_64 = arith.constant 25088 : i32
    %mul3A_65 = arith.muli %arg0, %mul3A_64 : i32
    %mul3A_66 = arith.constant 1568 : i32
    %mul3A_67 = arith.muli %arg1, %mul3A_66 : i32
    %add3A_68 = arith.addi %mul3A_65, %mul3A_67 : i32
    "tpu.region"() ({
      %run_scoped3A = tpu.sem_alloc : memref<!tpu.dma_semaphore, #tpu.memory_space<semaphore_mem>>
      %dma_start3A = arith.constant 0 : i32
      %dma_start3A_69 = tpu.memref_slice %arg5[%add3A_68, %dma_start3A] : memref<50176x64xbf16, #tpu.memory_space<hbm>> -> memref<1568x64xbf16, #tpu.memory_space<hbm>>
      %dma_start3A_70 = arith.constant 0 : i32
      %dma_start3A_71 = tpu.memref_slice %arg9[%add3A_63, %dma_start3A_70] : memref<50176x64xbf16, #tpu.memory_space<vmem_shared>> -> memref<1568x64xbf16, #tpu.memory_space<vmem_shared>>
      tpu.enqueue_dma source(%dma_start3A_71 : memref<1568x64xbf16, #tpu.memory_space<vmem_shared>>) target(%dma_start3A_69 : memref<1568x64xbf16, #tpu.memory_space<hbm>>) target_semaphore(%run_scoped3A : memref<!tpu.dma_semaphore, #tpu.memory_space<semaphore_mem>>)
      %dma_wait3A = arith.constant 0 : i32
      %dma_wait3A_72 = tpu.memref_slice %arg5[%add3A_68, %dma_wait3A] : memref<50176x64xbf16, #tpu.memory_space<hbm>> -> memref<1568x64xbf16, #tpu.memory_space<hbm>>
      %dma_wait3A_73 = arith.constant 0 : i32
      %dma_wait3A_74 = tpu.memref_slice %arg9[%add3A_63, %dma_wait3A_73] : memref<50176x64xbf16, #tpu.memory_space<vmem_shared>> -> memref<1568x64xbf16, #tpu.memory_space<vmem_shared>>
      tpu.wait_dma2 semaphore(%run_scoped3A : memref<!tpu.dma_semaphore, #tpu.memory_space<semaphore_mem>>) src(%dma_wait3A_74 : memref<1568x64xbf16, #tpu.memory_space<vmem_shared>>) dst(%dma_wait3A_72 : memref<1568x64xbf16, #tpu.memory_space<hbm>>)
      tpu.yield
    }) : () -> ()
    return
  }
}

#map = affine_map<(d0, d1) -> (0, 0)>
#map1 = affine_map<(d0, d1) -> (0, 0, 0)>
module attributes {stable_mosaic.version = 14 : i64} {
  func.func @seg_sum(%arg0: i32, %arg1: i32, %arg2: memref<50176x64xbf16, #tpu.memory_space<hbm>>, %arg3: memref<4x3125x128xi32, #tpu.memory_space<hbm>>, %arg4: memref<25088x64xbf16, #tpu.memory_space<hbm>>, %arg5: memref<50176x64xbf16, #tpu.memory_space<hbm>>, %arg6: memref<49x128xi32, #tpu.memory_space<vmem>>, %arg7: memref<49x128xi32, #tpu.memory_space<vmem>>, %arg8: memref<4x128x64xbf16, #tpu.memory_space<vmem>>, %arg9: memref<25088x64xbf16, #tpu.memory_space<vmem_shared>>, %arg10: memref<!tpu.dma_semaphore, #tpu.memory_space<semaphore_mem>>) attributes {dimension_semantics = [#tpu.dimension_semantics<core_parallel>, #tpu.dimension_semantics<subcore_parallel>], iteration_bounds = array<i64: 2, 16>, scalar_prefetch = 0 : i64, scratch_operands = 5 : i64, tpu.core_type = #tpu.core_type<sc_vector_subcore>, window_params = [{transform_indices = #map}, {transform_indices = #map1}, {transform_indices = #map}, {transform_indices = #map}]} {
    %mul3A = arith.constant 16 : i32
    %mul3A_0 = arith.muli %arg0, %mul3A : i32
    %add3A = arith.addi %mul3A_0, %arg1 : i32
    %mul3A_1 = arith.constant 3125 : i32
    %mul3A_2 = arith.muli %add3A, %mul3A_1 : i32
    %jit3A = arith.constant 32 : i32
    %div3A = arith.divsi %mul3A_2, %jit3A : i32
    %sign3A = arith.constant 0 : i32
    %sign3A_3 = arith.cmpi sgt, %mul3A_2, %sign3A : i32
    %sign3A_4 = arith.extui %sign3A_3 : i1 to i32
    %sign3A_5 = arith.constant 0 : i32
    %sign3A_6 = arith.cmpi slt, %mul3A_2, %sign3A_5 : i32
    %sign3A_7 = arith.extui %sign3A_6 : i1 to i32
    %sign3A_8 = arith.subi %sign3A_4, %sign3A_7 : i32
    %sign3A_9 = arith.constant 0 : i32
    %sign3A_10 = arith.cmpi sgt, %jit3A, %sign3A_9 : i32
    %sign3A_11 = arith.extui %sign3A_10 : i1 to i32
    %sign3A_12 = arith.constant 0 : i32
    %sign3A_13 = arith.cmpi slt, %jit3A, %sign3A_12 : i32
    %sign3A_14 = arith.extui %sign3A_13 : i1 to i32
    %sign3A_15 = arith.subi %sign3A_11, %sign3A_14 : i32
    %ne3A = arith.cmpi ne, %sign3A_8, %sign3A_15 : i32
    %rem3A = arith.remsi %mul3A_2, %jit3A : i32
    %ne3A_16 = arith.constant 0 : i32
    %ne3A_17 = arith.cmpi ne, %rem3A, %ne3A_16 : i32
    %and3A = arith.andi %ne3A, %ne3A_17 : i1
    %sub3A = arith.constant 1 : i32
    %sub3A_18 = arith.subi %div3A, %sub3A : i32
    %select_n3A = arith.select %and3A, %sub3A_18, %div3A : i32
    %add3A_19 = arith.constant 1 : i32
    %add3A_20 = arith.addi %add3A, %add3A_19 : i32
    %mul3A_21 = arith.constant 3125 : i32
    %mul3A_22 = arith.muli %add3A_20, %mul3A_21 : i32
    %jit3A_23 = arith.constant 32 : i32
    %div3A_24 = arith.divsi %mul3A_22, %jit3A_23 : i32
    %sign3A_25 = arith.constant 0 : i32
    %sign3A_26 = arith.cmpi sgt, %mul3A_22, %sign3A_25 : i32
    %sign3A_27 = arith.extui %sign3A_26 : i1 to i32
    %sign3A_28 = arith.constant 0 : i32
    %sign3A_29 = arith.cmpi slt, %mul3A_22, %sign3A_28 : i32
    %sign3A_30 = arith.extui %sign3A_29 : i1 to i32
    %sign3A_31 = arith.subi %sign3A_27, %sign3A_30 : i32
    %sign3A_32 = arith.constant 0 : i32
    %sign3A_33 = arith.cmpi sgt, %jit3A_23, %sign3A_32 : i32
    %sign3A_34 = arith.extui %sign3A_33 : i1 to i32
    %sign3A_35 = arith.constant 0 : i32
    %sign3A_36 = arith.cmpi slt, %jit3A_23, %sign3A_35 : i32
    %sign3A_37 = arith.extui %sign3A_36 : i1 to i32
    %sign3A_38 = arith.subi %sign3A_34, %sign3A_37 : i32
    %ne3A_39 = arith.cmpi ne, %sign3A_31, %sign3A_38 : i32
    %rem3A_40 = arith.remsi %mul3A_22, %jit3A_23 : i32
    %ne3A_41 = arith.constant 0 : i32
    %ne3A_42 = arith.cmpi ne, %rem3A_40, %ne3A_41 : i32
    %and3A_43 = arith.andi %ne3A_39, %ne3A_42 : i1
    %sub3A_44 = arith.constant 1 : i32
    %sub3A_45 = arith.subi %div3A_24, %sub3A_44 : i32
    %select_n3A_46 = arith.select %and3A_43, %sub3A_45, %div3A_24 : i32
    %sub3A_47 = arith.subi %select_n3A_46, %select_n3A : i32
    %mul3A_48 = arith.constant 1568 : i32
    %mul3A_49 = arith.muli %arg1, %mul3A_48 : i32
    %mul3A_50 = arith.constant 1568 : i32
    %mul3A_51 = arith.muli %arg1, %mul3A_50 : i32
    %add3A_52 = arith.constant 0 : i32
    %add3A_53 = arith.addi %add3A_52, %mul3A_51 : i32
    "tpu.region"() ({
      %run_scoped3A = tpu.sem_alloc : memref<!tpu.dma_semaphore, #tpu.memory_space<semaphore_mem>>
      %dma_start3A = arith.constant 0 : i32
      %dma_start3A_69 = tpu.memref_slice %arg9[%add3A_53, %dma_start3A] : memref<25088x64xbf16, #tpu.memory_space<vmem_shared>> -> memref<1568x64xbf16, #tpu.memory_space<vmem_shared>>
      %dma_start3A_70 = arith.constant 0 : i32
      %dma_start3A_71 = tpu.memref_slice %arg4[%mul3A_49, %dma_start3A_70] : memref<25088x64xbf16, #tpu.memory_space<hbm>> -> memref<1568x64xbf16, #tpu.memory_space<hbm>>
      tpu.enqueue_dma source(%dma_start3A_71 : memref<1568x64xbf16, #tpu.memory_space<hbm>>) target(%dma_start3A_69 : memref<1568x64xbf16, #tpu.memory_space<vmem_shared>>) target_semaphore(%run_scoped3A : memref<!tpu.dma_semaphore, #tpu.memory_space<semaphore_mem>>)
      %dma_wait3A = arith.constant 0 : i32
      %dma_wait3A_72 = tpu.memref_slice %arg9[%add3A_53, %dma_wait3A] : memref<25088x64xbf16, #tpu.memory_space<vmem_shared>> -> memref<1568x64xbf16, #tpu.memory_space<vmem_shared>>
      %dma_wait3A_73 = arith.constant 0 : i32
      %dma_wait3A_74 = tpu.memref_slice %arg4[%mul3A_49, %dma_wait3A_73] : memref<25088x64xbf16, #tpu.memory_space<hbm>> -> memref<1568x64xbf16, #tpu.memory_space<hbm>>
      tpu.wait_dma2 semaphore(%run_scoped3A : memref<!tpu.dma_semaphore, #tpu.memory_space<semaphore_mem>>) src(%dma_wait3A_74 : memref<1568x64xbf16, #tpu.memory_space<hbm>>) dst(%dma_wait3A_72 : memref<1568x64xbf16, #tpu.memory_space<vmem_shared>>)
      tpu.yield
    }) : () -> ()
    %barrier3A = arith.constant 0 : index
    tpu.barrier barrier_id(%barrier3A)
    %scan3A = arith.constant 0 : i32
    %scan3A_54 = arith.constant 0 : i32
    %scan3A_55 = arith.constant 2 : i32
    %scan3A_56 = arith.addi %scan3A_54, %scan3A_55 : i32
    %scan3A_57 = arith.constant 1 : i32
    scf.for %scan3A_69 = %scan3A_54 to %scan3A_56 step %scan3A_57  : i32 {
      %mul3A_70 = arith.constant 49 : i32
      %mul3A_71 = arith.muli %scan3A_69, %mul3A_70 : i32
      %add3A_72 = arith.addi %select_n3A, %mul3A_71 : i32
      %mul3A_73 = arith.constant 49 : i32
      %mul3A_74 = arith.muli %scan3A_69, %mul3A_73 : i32
      %sub3A_75 = arith.subi %sub3A_47, %mul3A_74 : i32
      %min3A = arith.constant 49 : i32
      %min3A_76 = arith.minsi %sub3A_75, %min3A : i32
      %run_scoped3A = arith.constant 0 : i32
      "tpu.region"() ({
        %run_scoped3A_131 = tpu.sem_alloc : memref<!tpu.dma_semaphore, #tpu.memory_space<semaphore_mem>>
        %dma_start3A_132 = arith.constant 0 : i32
        %dma_start3A_133 = tpu.memref_slice %arg3[%run_scoped3A, %add3A_72, %dma_start3A_132] : memref<4x3125x128xi32, #tpu.memory_space<hbm>> -> memref<1x49x128xi32, #tpu.memory_space<hbm>>
        %dma_start3A_134 = tpu.memref_squeeze %dma_start3A_133 : memref<1x49x128xi32, #tpu.memory_space<hbm>> -> memref<49x128xi32, #tpu.memory_space<hbm>>
        %dma_start3A_135 = arith.constant 0 : i32
        %dma_start3A_136 = tpu.memref_slice %arg3[%run_scoped3A, %add3A_72, %dma_start3A_135] : memref<4x3125x128xi32, #tpu.memory_space<hbm>> -> memref<1x49x128xi32, #tpu.memory_space<hbm>>
        %dma_start3A_137 = tpu.memref_squeeze %dma_start3A_136 : memref<1x49x128xi32, #tpu.memory_space<hbm>> -> memref<49x128xi32, #tpu.memory_space<hbm>>
        tpu.enqueue_dma source(%dma_start3A_137 : memref<49x128xi32, #tpu.memory_space<hbm>>) target(%arg6 : memref<49x128xi32, #tpu.memory_space<vmem>>) target_semaphore(%run_scoped3A_131 : memref<!tpu.dma_semaphore, #tpu.memory_space<semaphore_mem>>)
        %dma_wait3A = arith.constant 0 : i32
        %dma_wait3A_138 = tpu.memref_slice %arg3[%run_scoped3A, %add3A_72, %dma_wait3A] : memref<4x3125x128xi32, #tpu.memory_space<hbm>> -> memref<1x49x128xi32, #tpu.memory_space<hbm>>
        %dma_wait3A_139 = tpu.memref_squeeze %dma_wait3A_138 : memref<1x49x128xi32, #tpu.memory_space<hbm>> -> memref<49x128xi32, #tpu.memory_space<hbm>>
        %dma_wait3A_140 = arith.constant 0 : i32
        %dma_wait3A_141 = tpu.memref_slice %arg3[%run_scoped3A, %add3A_72, %dma_wait3A_140] : memref<4x3125x128xi32, #tpu.memory_space<hbm>> -> memref<1x49x128xi32, #tpu.memory_space<hbm>>
        %dma_wait3A_142 = tpu.memref_squeeze %dma_wait3A_141 : memref<1x49x128xi32, #tpu.memory_space<hbm>> -> memref<49x128xi32, #tpu.memory_space<hbm>>
        tpu.wait_dma2 semaphore(%run_scoped3A_131 : memref<!tpu.dma_semaphore, #tpu.memory_space<semaphore_mem>>) src(%dma_wait3A_142 : memref<49x128xi32, #tpu.memory_space<hbm>>) dst(%arg6 : memref<49x128xi32, #tpu.memory_space<vmem>>)
        tpu.yield
      }) : () -> ()
      %run_scoped3A_77 = arith.constant 1 : i32
      "tpu.region"() ({
        %run_scoped3A_131 = tpu.sem_alloc : memref<!tpu.dma_semaphore, #tpu.memory_space<semaphore_mem>>
        %dma_start3A_132 = arith.constant 0 : i32
        %dma_start3A_133 = tpu.memref_slice %arg3[%run_scoped3A_77, %add3A_72, %dma_start3A_132] : memref<4x3125x128xi32, #tpu.memory_space<hbm>> -> memref<1x49x128xi32, #tpu.memory_space<hbm>>
        %dma_start3A_134 = tpu.memref_squeeze %dma_start3A_133 : memref<1x49x128xi32, #tpu.memory_space<hbm>> -> memref<49x128xi32, #tpu.memory_space<hbm>>
        %dma_start3A_135 = arith.constant 0 : i32
        %dma_start3A_136 = tpu.memref_slice %arg3[%run_scoped3A_77, %add3A_72, %dma_start3A_135] : memref<4x3125x128xi32, #tpu.memory_space<hbm>> -> memref<1x49x128xi32, #tpu.memory_space<hbm>>
        %dma_start3A_137 = tpu.memref_squeeze %dma_start3A_136 : memref<1x49x128xi32, #tpu.memory_space<hbm>> -> memref<49x128xi32, #tpu.memory_space<hbm>>
        tpu.enqueue_dma source(%dma_start3A_137 : memref<49x128xi32, #tpu.memory_space<hbm>>) target(%arg7 : memref<49x128xi32, #tpu.memory_space<vmem>>) target_semaphore(%run_scoped3A_131 : memref<!tpu.dma_semaphore, #tpu.memory_space<semaphore_mem>>)
        %dma_wait3A = arith.constant 0 : i32
        %dma_wait3A_138 = tpu.memref_slice %arg3[%run_scoped3A_77, %add3A_72, %dma_wait3A] : memref<4x3125x128xi32, #tpu.memory_space<hbm>> -> memref<1x49x128xi32, #tpu.memory_space<hbm>>
        %dma_wait3A_139 = tpu.memref_squeeze %dma_wait3A_138 : memref<1x49x128xi32, #tpu.memory_space<hbm>> -> memref<49x128xi32, #tpu.memory_space<hbm>>
        %dma_wait3A_140 = arith.constant 0 : i32
        %dma_wait3A_141 = tpu.memref_slice %arg3[%run_scoped3A_77, %add3A_72, %dma_wait3A_140] : memref<4x3125x128xi32, #tpu.memory_space<hbm>> -> memref<1x49x128xi32, #tpu.memory_space<hbm>>
        %dma_wait3A_142 = tpu.memref_squeeze %dma_wait3A_141 : memref<1x49x128xi32, #tpu.memory_space<hbm>> -> memref<49x128xi32, #tpu.memory_space<hbm>>
        tpu.wait_dma2 semaphore(%run_scoped3A_131 : memref<!tpu.dma_semaphore, #tpu.memory_space<semaphore_mem>>) src(%dma_wait3A_142 : memref<49x128xi32, #tpu.memory_space<hbm>>) dst(%arg7 : memref<49x128xi32, #tpu.memory_space<vmem>>)
        tpu.yield
      }) : () -> ()
      %dma_start3A = arith.constant 0 : i32
      %dma_start3A_78 = arith.constant 0 : i32
      %dma_start3A_79 = arith.constant 0 : i32
      %dma_start3A_80 = arith.constant 0 : i32
      %dma_start3A_81 = tpu.memref_slice %arg8[%dma_start3A_78, %dma_start3A_79, %dma_start3A_80] : memref<4x128x64xbf16, #tpu.memory_space<vmem>> -> memref<1x128x64xbf16, #tpu.memory_space<vmem>>
      %dma_start3A_82 = tpu.memref_squeeze %dma_start3A_81 : memref<1x128x64xbf16, #tpu.memory_space<vmem>> -> memref<128x64xbf16, #tpu.memory_space<vmem>>
      %dma_start3A_83 = arith.constant 0 : i32
      %dma_start3A_84 = tpu.memref_slice %arg6[%dma_start3A, %dma_start3A_83] : memref<49x128xi32, #tpu.memory_space<vmem>> -> memref<1x128xi32, #tpu.memory_space<vmem>>
      %dma_start3A_85 = tpu.memref_squeeze %dma_start3A_84 : memref<1x128xi32, #tpu.memory_space<vmem>> -> memref<128xi32, #tpu.memory_space<vmem>>
      %dma_start3A_86 = arith.constant 0 : i32
      %dma_start3A_87 = arith.constant 0 : i32
      %dma_start3A_88 = tpu.memref_slice %arg2[%dma_start3A_86, %dma_start3A_87] : memref<50176x64xbf16, #tpu.memory_space<hbm>> -> memref<50176x64xbf16, #tpu.memory_space<hbm>>
      tpu.enqueue_indirect_dma source(%dma_start3A_88 : memref<50176x64xbf16, #tpu.memory_space<hbm>>) target(%dma_start3A_82 : memref<128x64xbf16, #tpu.memory_space<vmem>>) offsets(%dma_start3A_85 : memref<128xi32, #tpu.memory_space<vmem>>) semaphore(%arg10 : memref<!tpu.dma_semaphore, #tpu.memory_space<semaphore_mem>>)
      %dma_start3A_89 = arith.constant 1 : i32
      %dma_start3A_90 = arith.constant 1 : i32
      %dma_start3A_91 = arith.constant 0 : i32
      %dma_start3A_92 = arith.constant 0 : i32
      %dma_start3A_93 = tpu.memref_slice %arg8[%dma_start3A_90, %dma_start3A_91, %dma_start3A_92] : memref<4x128x64xbf16, #tpu.memory_space<vmem>> -> memref<1x128x64xbf16, #tpu.memory_space<vmem>>
      %dma_start3A_94 = tpu.memref_squeeze %dma_start3A_93 : memref<1x128x64xbf16, #tpu.memory_space<vmem>> -> memref<128x64xbf16, #tpu.memory_space<vmem>>
      %dma_start3A_95 = arith.constant 0 : i32
      %dma_start3A_96 = tpu.memref_slice %arg6[%dma_start3A_89, %dma_start3A_95] : memref<49x128xi32, #tpu.memory_space<vmem>> -> memref<1x128xi32, #tpu.memory_space<vmem>>
      %dma_start3A_97 = tpu.memref_squeeze %dma_start3A_96 : memref<1x128xi32, #tpu.memory_space<vmem>> -> memref<128xi32, #tpu.memory_space<vmem>>
      %dma_start3A_98 = arith.constant 0 : i32
      %dma_start3A_99 = arith.constant 0 : i32
      %dma_start3A_100 = tpu.memref_slice %arg2[%dma_start3A_98, %dma_start3A_99] : memref<50176x64xbf16, #tpu.memory_space<hbm>> -> memref<50176x64xbf16, #tpu.memory_space<hbm>>
      tpu.enqueue_indirect_dma source(%dma_start3A_100 : memref<50176x64xbf16, #tpu.memory_space<hbm>>) target(%dma_start3A_94 : memref<128x64xbf16, #tpu.memory_space<vmem>>) offsets(%dma_start3A_97 : memref<128xi32, #tpu.memory_space<vmem>>) semaphore(%arg10 : memref<!tpu.dma_semaphore, #tpu.memory_space<semaphore_mem>>)
      %dma_start3A_101 = arith.constant 2 : i32
      %dma_start3A_102 = arith.constant 2 : i32
      %dma_start3A_103 = arith.constant 0 : i32
      %dma_start3A_104 = arith.constant 0 : i32
      %dma_start3A_105 = tpu.memref_slice %arg8[%dma_start3A_102, %dma_start3A_103, %dma_start3A_104] : memref<4x128x64xbf16, #tpu.memory_space<vmem>> -> memref<1x128x64xbf16, #tpu.memory_space<vmem>>
      %dma_start3A_106 = tpu.memref_squeeze %dma_start3A_105 : memref<1x128x64xbf16, #tpu.memory_space<vmem>> -> memref<128x64xbf16, #tpu.memory_space<vmem>>
      %dma_start3A_107 = arith.constant 0 : i32
      %dma_start3A_108 = tpu.memref_slice %arg6[%dma_start3A_101, %dma_start3A_107] : memref<49x128xi32, #tpu.memory_space<vmem>> -> memref<1x128xi32, #tpu.memory_space<vmem>>
      %dma_start3A_109 = tpu.memref_squeeze %dma_start3A_108 : memref<1x128xi32, #tpu.memory_space<vmem>> -> memref<128xi32, #tpu.memory_space<vmem>>
      %dma_start3A_110 = arith.constant 0 : i32
      %dma_start3A_111 = arith.constant 0 : i32
      %dma_start3A_112 = tpu.memref_slice %arg2[%dma_start3A_110, %dma_start3A_111] : memref<50176x64xbf16, #tpu.memory_space<hbm>> -> memref<50176x64xbf16, #tpu.memory_space<hbm>>
      tpu.enqueue_indirect_dma source(%dma_start3A_112 : memref<50176x64xbf16, #tpu.memory_space<hbm>>) target(%dma_start3A_106 : memref<128x64xbf16, #tpu.memory_space<vmem>>) offsets(%dma_start3A_109 : memref<128xi32, #tpu.memory_space<vmem>>) semaphore(%arg10 : memref<!tpu.dma_semaphore, #tpu.memory_space<semaphore_mem>>)
      %dma_start3A_113 = arith.constant 3 : i32
      %dma_start3A_114 = arith.constant 3 : i32
      %dma_start3A_115 = arith.constant 0 : i32
      %dma_start3A_116 = arith.constant 0 : i32
      %dma_start3A_117 = tpu.memref_slice %arg8[%dma_start3A_114, %dma_start3A_115, %dma_start3A_116] : memref<4x128x64xbf16, #tpu.memory_space<vmem>> -> memref<1x128x64xbf16, #tpu.memory_space<vmem>>
      %dma_start3A_118 = tpu.memref_squeeze %dma_start3A_117 : memref<1x128x64xbf16, #tpu.memory_space<vmem>> -> memref<128x64xbf16, #tpu.memory_space<vmem>>
      %dma_start3A_119 = arith.constant 0 : i32
      %dma_start3A_120 = tpu.memref_slice %arg6[%dma_start3A_113, %dma_start3A_119] : memref<49x128xi32, #tpu.memory_space<vmem>> -> memref<1x128xi32, #tpu.memory_space<vmem>>
      %dma_start3A_121 = tpu.memref_squeeze %dma_start3A_120 : memref<1x128xi32, #tpu.memory_space<vmem>> -> memref<128xi32, #tpu.memory_space<vmem>>
      %dma_start3A_122 = arith.constant 0 : i32
      %dma_start3A_123 = arith.constant 0 : i32
      %dma_start3A_124 = tpu.memref_slice %arg2[%dma_start3A_122, %dma_start3A_123] : memref<50176x64xbf16, #tpu.memory_space<hbm>> -> memref<50176x64xbf16, #tpu.memory_space<hbm>>
      tpu.enqueue_indirect_dma source(%dma_start3A_124 : memref<50176x64xbf16, #tpu.memory_space<hbm>>) target(%dma_start3A_118 : memref<128x64xbf16, #tpu.memory_space<vmem>>) offsets(%dma_start3A_121 : memref<128xi32, #tpu.memory_space<vmem>>) semaphore(%arg10 : memref<!tpu.dma_semaphore, #tpu.memory_space<semaphore_mem>>)
      %scan3A_125 = arith.constant 0 : i32
      %scan3A_126 = arith.constant 0 : i32
      %scan3A_127 = arith.constant 49 : i32
      %scan3A_128 = arith.addi %scan3A_126, %scan3A_127 : i32
      %scan3A_129 = arith.constant 1 : i32
      scf.for %scan3A_131 = %scan3A_126 to %scan3A_128 step %scan3A_129  : i32 {
        %jit3A_132 = arith.constant 4 : i32
        %eq3A = arith.constant 0 : i32
        %eq3A_133 = arith.cmpi eq, %jit3A_132, %eq3A : i32
        %jit3A_134 = arith.constant 1 : i32
        %select_n3A_135 = arith.select %eq3A_133, %jit3A_134, %jit3A_132 : i32
        %rem3A_136 = arith.remsi %scan3A_131, %select_n3A_135 : i32
        %ne3A_137 = arith.constant 0 : i32
        %ne3A_138 = arith.cmpi ne, %rem3A_136, %ne3A_137 : i32
        %lt3A = arith.constant 0 : i32
        %lt3A_139 = arith.cmpi slt, %rem3A_136, %lt3A : i32
        %lt3A_140 = arith.constant 0 : i32
        %lt3A_141 = arith.cmpi slt, %select_n3A_135, %lt3A_140 : i32
        %ne3A_142 = arith.xori %lt3A_139, %lt3A_141 : i1
        %and3A_143 = arith.andi %ne3A_142, %ne3A_138 : i1
        %add3A_144 = arith.addi %rem3A_136, %select_n3A_135 : i32
        %select_n3A_145 = arith.select %and3A_143, %add3A_144, %rem3A_136 : i32
        %eq3A_146 = arith.constant 0 : i32
        %eq3A_147 = arith.cmpi eq, %select_n3A_145, %eq3A_146 : i32
        %lt3A_148 = arith.cmpi slt, %scan3A_131, %min3A_76 : i32
        %and3A_149 = arith.andi %eq3A_147, %lt3A_148 : i1
        %convert_element_type3A = arith.extui %and3A_149 : i1 to i32
        %cond3A = arith.constant 0 : i32
        %cond3A_150 = arith.cmpi ne, %convert_element_type3A, %cond3A : i32
        scf.if %cond3A_150 {
          %dma_wait3A = arith.constant 0 : i32
          %dma_wait3A_220 = arith.constant 0 : i32
          %dma_wait3A_221 = arith.constant 0 : i32
          %dma_wait3A_222 = tpu.memref_slice %arg8[%dma_wait3A, %dma_wait3A_220, %dma_wait3A_221] : memref<4x128x64xbf16, #tpu.memory_space<vmem>> -> memref<1x128x64xbf16, #tpu.memory_space<vmem>>
          %dma_wait3A_223 = tpu.memref_squeeze %dma_wait3A_222 : memref<1x128x64xbf16, #tpu.memory_space<vmem>> -> memref<128x64xbf16, #tpu.memory_space<vmem>>
          %dma_wait3A_224 = arith.constant 0 : i32
          %dma_wait3A_225 = tpu.memref_slice %arg6[%scan3A_131, %dma_wait3A_224] : memref<49x128xi32, #tpu.memory_space<vmem>> -> memref<1x128xi32, #tpu.memory_space<vmem>>
          %dma_wait3A_226 = tpu.memref_squeeze %dma_wait3A_225 : memref<1x128xi32, #tpu.memory_space<vmem>> -> memref<128xi32, #tpu.memory_space<vmem>>
          %dma_wait3A_227 = arith.constant 0 : i32
          %dma_wait3A_228 = arith.constant 0 : i32
          %dma_wait3A_229 = tpu.memref_slice %arg2[%dma_wait3A_227, %dma_wait3A_228] : memref<50176x64xbf16, #tpu.memory_space<hbm>> -> memref<50176x64xbf16, #tpu.memory_space<hbm>>
          tpu.wait_indirect_dma semaphore(%arg10 : memref<!tpu.dma_semaphore, #tpu.memory_space<semaphore_mem>>) src(%dma_wait3A_229 : memref<50176x64xbf16, #tpu.memory_space<hbm>>) dst(%dma_wait3A_223 : memref<128x64xbf16, #tpu.memory_space<vmem>>)
          %run_scoped3A_230 = arith.constant 0 : i32
          "tpu.region"() ({
            %run_scoped3A_237 = tpu.sem_alloc : memref<!tpu.dma_semaphore, #tpu.memory_space<semaphore_mem>>
            %dma_start3A_238 = arith.constant 0 : i32
            %dma_start3A_239 = arith.constant 0 : i32
            %dma_start3A_240 = tpu.memref_slice %arg8[%run_scoped3A_230, %dma_start3A_238, %dma_start3A_239] : memref<4x128x64xbf16, #tpu.memory_space<vmem>> -> memref<1x128x64xbf16, #tpu.memory_space<vmem>>
            %dma_start3A_241 = tpu.memref_squeeze %dma_start3A_240 : memref<1x128x64xbf16, #tpu.memory_space<vmem>> -> memref<128x64xbf16, #tpu.memory_space<vmem>>
            %dma_start3A_242 = arith.constant 0 : i32
            %dma_start3A_243 = tpu.memref_slice %arg7[%scan3A_131, %dma_start3A_242] : memref<49x128xi32, #tpu.memory_space<vmem>> -> memref<1x128xi32, #tpu.memory_space<vmem>>
            %dma_start3A_244 = tpu.memref_squeeze %dma_start3A_243 : memref<1x128xi32, #tpu.memory_space<vmem>> -> memref<128xi32, #tpu.memory_space<vmem>>
            %dma_start3A_245 = arith.constant 0 : i32
            %dma_start3A_246 = arith.constant 0 : i32
            %dma_start3A_247 = tpu.memref_slice %arg9[%dma_start3A_245, %dma_start3A_246] : memref<25088x64xbf16, #tpu.memory_space<vmem_shared>> -> memref<25088x64xbf16, #tpu.memory_space<vmem_shared>>
            tpu.enqueue_indirect_dma source(%dma_start3A_241 : memref<128x64xbf16, #tpu.memory_space<vmem>>) target(%dma_start3A_247 : memref<25088x64xbf16, #tpu.memory_space<vmem_shared>>) offsets(%dma_start3A_244 : memref<128xi32, #tpu.memory_space<vmem>>) semaphore(%run_scoped3A_237 : memref<!tpu.dma_semaphore, #tpu.memory_space<semaphore_mem>>) {add = true}
            %dma_wait3A_248 = arith.constant 0 : i32
            %dma_wait3A_249 = arith.constant 0 : i32
            %dma_wait3A_250 = tpu.memref_slice %arg8[%run_scoped3A_230, %dma_wait3A_248, %dma_wait3A_249] : memref<4x128x64xbf16, #tpu.memory_space<vmem>> -> memref<1x128x64xbf16, #tpu.memory_space<vmem>>
            %dma_wait3A_251 = tpu.memref_squeeze %dma_wait3A_250 : memref<1x128x64xbf16, #tpu.memory_space<vmem>> -> memref<128x64xbf16, #tpu.memory_space<vmem>>
            %dma_wait3A_252 = arith.constant 0 : i32
            %dma_wait3A_253 = tpu.memref_slice %arg7[%scan3A_131, %dma_wait3A_252] : memref<49x128xi32, #tpu.memory_space<vmem>> -> memref<1x128xi32, #tpu.memory_space<vmem>>
            %dma_wait3A_254 = tpu.memref_squeeze %dma_wait3A_253 : memref<1x128xi32, #tpu.memory_space<vmem>> -> memref<128xi32, #tpu.memory_space<vmem>>
            %dma_wait3A_255 = arith.constant 0 : i32
            %dma_wait3A_256 = arith.constant 0 : i32
            %dma_wait3A_257 = tpu.memref_slice %arg9[%dma_wait3A_255, %dma_wait3A_256] : memref<25088x64xbf16, #tpu.memory_space<vmem_shared>> -> memref<25088x64xbf16, #tpu.memory_space<vmem_shared>>
            tpu.wait_indirect_dma semaphore(%run_scoped3A_237 : memref<!tpu.dma_semaphore, #tpu.memory_space<semaphore_mem>>) src(%dma_wait3A_251 : memref<128x64xbf16, #tpu.memory_space<vmem>>) dst(%dma_wait3A_257 : memref<25088x64xbf16, #tpu.memory_space<vmem_shared>>)
            tpu.yield
          }) : () -> ()
          %add3A_231 = arith.constant 4 : i32
          %add3A_232 = arith.addi %scan3A_131, %add3A_231 : i32
          %lt3A_233 = arith.cmpi slt, %add3A_232, %min3A_76 : i32
          %convert_element_type3A_234 = arith.extui %lt3A_233 : i1 to i32
          %cond3A_235 = arith.constant 0 : i32
          %cond3A_236 = arith.cmpi ne, %convert_element_type3A_234, %cond3A_235 : i32
          scf.if %cond3A_236 {
            %add3A_237 = arith.constant 4 : i32
            %add3A_238 = arith.addi %scan3A_131, %add3A_237 : i32
            %dma_start3A_239 = arith.constant 0 : i32
            %dma_start3A_240 = arith.constant 0 : i32
            %dma_start3A_241 = arith.constant 0 : i32
            %dma_start3A_242 = tpu.memref_slice %arg8[%dma_start3A_239, %dma_start3A_240, %dma_start3A_241] : memref<4x128x64xbf16, #tpu.memory_space<vmem>> -> memref<1x128x64xbf16, #tpu.memory_space<vmem>>
            %dma_start3A_243 = tpu.memref_squeeze %dma_start3A_242 : memref<1x128x64xbf16, #tpu.memory_space<vmem>> -> memref<128x64xbf16, #tpu.memory_space<vmem>>
            %dma_start3A_244 = arith.constant 0 : i32
            %dma_start3A_245 = tpu.memref_slice %arg6[%add3A_238, %dma_start3A_244] : memref<49x128xi32, #tpu.memory_space<vmem>> -> memref<1x128xi32, #tpu.memory_space<vmem>>
            %dma_start3A_246 = tpu.memref_squeeze %dma_start3A_245 : memref<1x128xi32, #tpu.memory_space<vmem>> -> memref<128xi32, #tpu.memory_space<vmem>>
            %dma_start3A_247 = arith.constant 0 : i32
            %dma_start3A_248 = arith.constant 0 : i32
            %dma_start3A_249 = tpu.memref_slice %arg2[%dma_start3A_247, %dma_start3A_248] : memref<50176x64xbf16, #tpu.memory_space<hbm>> -> memref<50176x64xbf16, #tpu.memory_space<hbm>>
            tpu.enqueue_indirect_dma source(%dma_start3A_249 : memref<50176x64xbf16, #tpu.memory_space<hbm>>) target(%dma_start3A_243 : memref<128x64xbf16, #tpu.memory_space<vmem>>) offsets(%dma_start3A_246 : memref<128xi32, #tpu.memory_space<vmem>>) semaphore(%arg10 : memref<!tpu.dma_semaphore, #tpu.memory_space<semaphore_mem>>)
          } else {
          }
        } else {
        }
        %jit3A_151 = arith.constant 4 : i32
        %eq3A_152 = arith.constant 0 : i32
        %eq3A_153 = arith.cmpi eq, %jit3A_151, %eq3A_152 : i32
        %jit3A_154 = arith.constant 1 : i32
        %select_n3A_155 = arith.select %eq3A_153, %jit3A_154, %jit3A_151 : i32
        %rem3A_156 = arith.remsi %scan3A_131, %select_n3A_155 : i32
        %ne3A_157 = arith.constant 0 : i32
        %ne3A_158 = arith.cmpi ne, %rem3A_156, %ne3A_157 : i32
        %lt3A_159 = arith.constant 0 : i32
        %lt3A_160 = arith.cmpi slt, %rem3A_156, %lt3A_159 : i32
        %lt3A_161 = arith.constant 0 : i32
        %lt3A_162 = arith.cmpi slt, %select_n3A_155, %lt3A_161 : i32
        %ne3A_163 = arith.xori %lt3A_160, %lt3A_162 : i1
        %and3A_164 = arith.andi %ne3A_163, %ne3A_158 : i1
        %add3A_165 = arith.addi %rem3A_156, %select_n3A_155 : i32
        %select_n3A_166 = arith.select %and3A_164, %add3A_165, %rem3A_156 : i32
        %eq3A_167 = arith.constant 1 : i32
        %eq3A_168 = arith.cmpi eq, %select_n3A_166, %eq3A_167 : i32
        %lt3A_169 = arith.cmpi slt, %scan3A_131, %min3A_76 : i32
        %and3A_170 = arith.andi %eq3A_168, %lt3A_169 : i1
        %convert_element_type3A_171 = arith.extui %and3A_170 : i1 to i32
        %cond3A_172 = arith.constant 0 : i32
        %cond3A_173 = arith.cmpi ne, %convert_element_type3A_171, %cond3A_172 : i32
        scf.if %cond3A_173 {
          %dma_wait3A = arith.constant 1 : i32
          %dma_wait3A_220 = arith.constant 0 : i32
          %dma_wait3A_221 = arith.constant 0 : i32
          %dma_wait3A_222 = tpu.memref_slice %arg8[%dma_wait3A, %dma_wait3A_220, %dma_wait3A_221] : memref<4x128x64xbf16, #tpu.memory_space<vmem>> -> memref<1x128x64xbf16, #tpu.memory_space<vmem>>
          %dma_wait3A_223 = tpu.memref_squeeze %dma_wait3A_222 : memref<1x128x64xbf16, #tpu.memory_space<vmem>> -> memref<128x64xbf16, #tpu.memory_space<vmem>>
          %dma_wait3A_224 = arith.constant 0 : i32
          %dma_wait3A_225 = tpu.memref_slice %arg6[%scan3A_131, %dma_wait3A_224] : memref<49x128xi32, #tpu.memory_space<vmem>> -> memref<1x128xi32, #tpu.memory_space<vmem>>
          %dma_wait3A_226 = tpu.memref_squeeze %dma_wait3A_225 : memref<1x128xi32, #tpu.memory_space<vmem>> -> memref<128xi32, #tpu.memory_space<vmem>>
          %dma_wait3A_227 = arith.constant 0 : i32
          %dma_wait3A_228 = arith.constant 0 : i32
          %dma_wait3A_229 = tpu.memref_slice %arg2[%dma_wait3A_227, %dma_wait3A_228] : memref<50176x64xbf16, #tpu.memory_space<hbm>> -> memref<50176x64xbf16, #tpu.memory_space<hbm>>
          tpu.wait_indirect_dma semaphore(%arg10 : memref<!tpu.dma_semaphore, #tpu.memory_space<semaphore_mem>>) src(%dma_wait3A_229 : memref<50176x64xbf16, #tpu.memory_space<hbm>>) dst(%dma_wait3A_223 : memref<128x64xbf16, #tpu.memory_space<vmem>>)
          %run_scoped3A_230 = arith.constant 1 : i32
          "tpu.region"() ({
            %run_scoped3A_237 = tpu.sem_alloc : memref<!tpu.dma_semaphore, #tpu.memory_space<semaphore_mem>>
            %dma_start3A_238 = arith.constant 0 : i32
            %dma_start3A_239 = arith.constant 0 : i32
            %dma_start3A_240 = tpu.memref_slice %arg8[%run_scoped3A_230, %dma_start3A_238, %dma_start3A_239] : memref<4x128x64xbf16, #tpu.memory_space<vmem>> -> memref<1x128x64xbf16, #tpu.memory_space<vmem>>
            %dma_start3A_241 = tpu.memref_squeeze %dma_start3A_240 : memref<1x128x64xbf16, #tpu.memory_space<vmem>> -> memref<128x64xbf16, #tpu.memory_space<vmem>>
            %dma_start3A_242 = arith.constant 0 : i32
            %dma_start3A_243 = tpu.memref_slice %arg7[%scan3A_131, %dma_start3A_242] : memref<49x128xi32, #tpu.memory_space<vmem>> -> memref<1x128xi32, #tpu.memory_space<vmem>>
            %dma_start3A_244 = tpu.memref_squeeze %dma_start3A_243 : memref<1x128xi32, #tpu.memory_space<vmem>> -> memref<128xi32, #tpu.memory_space<vmem>>
            %dma_start3A_245 = arith.constant 0 : i32
            %dma_start3A_246 = arith.constant 0 : i32
            %dma_start3A_247 = tpu.memref_slice %arg9[%dma_start3A_245, %dma_start3A_246] : memref<25088x64xbf16, #tpu.memory_space<vmem_shared>> -> memref<25088x64xbf16, #tpu.memory_space<vmem_shared>>
            tpu.enqueue_indirect_dma source(%dma_start3A_241 : memref<128x64xbf16, #tpu.memory_space<vmem>>) target(%dma_start3A_247 : memref<25088x64xbf16, #tpu.memory_space<vmem_shared>>) offsets(%dma_start3A_244 : memref<128xi32, #tpu.memory_space<vmem>>) semaphore(%run_scoped3A_237 : memref<!tpu.dma_semaphore, #tpu.memory_space<semaphore_mem>>) {add = true}
            %dma_wait3A_248 = arith.constant 0 : i32
            %dma_wait3A_249 = arith.constant 0 : i32
            %dma_wait3A_250 = tpu.memref_slice %arg8[%run_scoped3A_230, %dma_wait3A_248, %dma_wait3A_249] : memref<4x128x64xbf16, #tpu.memory_space<vmem>> -> memref<1x128x64xbf16, #tpu.memory_space<vmem>>
            %dma_wait3A_251 = tpu.memref_squeeze %dma_wait3A_250 : memref<1x128x64xbf16, #tpu.memory_space<vmem>> -> memref<128x64xbf16, #tpu.memory_space<vmem>>
            %dma_wait3A_252 = arith.constant 0 : i32
            %dma_wait3A_253 = tpu.memref_slice %arg7[%scan3A_131, %dma_wait3A_252] : memref<49x128xi32, #tpu.memory_space<vmem>> -> memref<1x128xi32, #tpu.memory_space<vmem>>
            %dma_wait3A_254 = tpu.memref_squeeze %dma_wait3A_253 : memref<1x128xi32, #tpu.memory_space<vmem>> -> memref<128xi32, #tpu.memory_space<vmem>>
            %dma_wait3A_255 = arith.constant 0 : i32
            %dma_wait3A_256 = arith.constant 0 : i32
            %dma_wait3A_257 = tpu.memref_slice %arg9[%dma_wait3A_255, %dma_wait3A_256] : memref<25088x64xbf16, #tpu.memory_space<vmem_shared>> -> memref<25088x64xbf16, #tpu.memory_space<vmem_shared>>
            tpu.wait_indirect_dma semaphore(%run_scoped3A_237 : memref<!tpu.dma_semaphore, #tpu.memory_space<semaphore_mem>>) src(%dma_wait3A_251 : memref<128x64xbf16, #tpu.memory_space<vmem>>) dst(%dma_wait3A_257 : memref<25088x64xbf16, #tpu.memory_space<vmem_shared>>)
            tpu.yield
          }) : () -> ()
          %add3A_231 = arith.constant 4 : i32
          %add3A_232 = arith.addi %scan3A_131, %add3A_231 : i32
          %lt3A_233 = arith.cmpi slt, %add3A_232, %min3A_76 : i32
          %convert_element_type3A_234 = arith.extui %lt3A_233 : i1 to i32
          %cond3A_235 = arith.constant 0 : i32
          %cond3A_236 = arith.cmpi ne, %convert_element_type3A_234, %cond3A_235 : i32
          scf.if %cond3A_236 {
            %add3A_237 = arith.constant 4 : i32
            %add3A_238 = arith.addi %scan3A_131, %add3A_237 : i32
            %dma_start3A_239 = arith.constant 1 : i32
            %dma_start3A_240 = arith.constant 0 : i32
            %dma_start3A_241 = arith.constant 0 : i32
            %dma_start3A_242 = tpu.memref_slice %arg8[%dma_start3A_239, %dma_start3A_240, %dma_start3A_241] : memref<4x128x64xbf16, #tpu.memory_space<vmem>> -> memref<1x128x64xbf16, #tpu.memory_space<vmem>>
            %dma_start3A_243 = tpu.memref_squeeze %dma_start3A_242 : memref<1x128x64xbf16, #tpu.memory_space<vmem>> -> memref<128x64xbf16, #tpu.memory_space<vmem>>
            %dma_start3A_244 = arith.constant 0 : i32
            %dma_start3A_245 = tpu.memref_slice %arg6[%add3A_238, %dma_start3A_244] : memref<49x128xi32, #tpu.memory_space<vmem>> -> memref<1x128xi32, #tpu.memory_space<vmem>>
            %dma_start3A_246 = tpu.memref_squeeze %dma_start3A_245 : memref<1x128xi32, #tpu.memory_space<vmem>> -> memref<128xi32, #tpu.memory_space<vmem>>
            %dma_start3A_247 = arith.constant 0 : i32
            %dma_start3A_248 = arith.constant 0 : i32
            %dma_start3A_249 = tpu.memref_slice %arg2[%dma_start3A_247, %dma_start3A_248] : memref<50176x64xbf16, #tpu.memory_space<hbm>> -> memref<50176x64xbf16, #tpu.memory_space<hbm>>
            tpu.enqueue_indirect_dma source(%dma_start3A_249 : memref<50176x64xbf16, #tpu.memory_space<hbm>>) target(%dma_start3A_243 : memref<128x64xbf16, #tpu.memory_space<vmem>>) offsets(%dma_start3A_246 : memref<128xi32, #tpu.memory_space<vmem>>) semaphore(%arg10 : memref<!tpu.dma_semaphore, #tpu.memory_space<semaphore_mem>>)
          } else {
          }
        } else {
        }
        %jit3A_174 = arith.constant 4 : i32
        %eq3A_175 = arith.constant 0 : i32
        %eq3A_176 = arith.cmpi eq, %jit3A_174, %eq3A_175 : i32
        %jit3A_177 = arith.constant 1 : i32
        %select_n3A_178 = arith.select %eq3A_176, %jit3A_177, %jit3A_174 : i32
        %rem3A_179 = arith.remsi %scan3A_131, %select_n3A_178 : i32
        %ne3A_180 = arith.constant 0 : i32
        %ne3A_181 = arith.cmpi ne, %rem3A_179, %ne3A_180 : i32
        %lt3A_182 = arith.constant 0 : i32
        %lt3A_183 = arith.cmpi slt, %rem3A_179, %lt3A_182 : i32
        %lt3A_184 = arith.constant 0 : i32
        %lt3A_185 = arith.cmpi slt, %select_n3A_178, %lt3A_184 : i32
        %ne3A_186 = arith.xori %lt3A_183, %lt3A_185 : i1
        %and3A_187 = arith.andi %ne3A_186, %ne3A_181 : i1
        %add3A_188 = arith.addi %rem3A_179, %select_n3A_178 : i32
        %select_n3A_189 = arith.select %and3A_187, %add3A_188, %rem3A_179 : i32
        %eq3A_190 = arith.constant 2 : i32
        %eq3A_191 = arith.cmpi eq, %select_n3A_189, %eq3A_190 : i32
        %lt3A_192 = arith.cmpi slt, %scan3A_131, %min3A_76 : i32
        %and3A_193 = arith.andi %eq3A_191, %lt3A_192 : i1
        %convert_element_type3A_194 = arith.extui %and3A_193 : i1 to i32
        %cond3A_195 = arith.constant 0 : i32
        %cond3A_196 = arith.cmpi ne, %convert_element_type3A_194, %cond3A_195 : i32
        scf.if %cond3A_196 {
          %dma_wait3A = arith.constant 2 : i32
          %dma_wait3A_220 = arith.constant 0 : i32
          %dma_wait3A_221 = arith.constant 0 : i32
          %dma_wait3A_222 = tpu.memref_slice %arg8[%dma_wait3A, %dma_wait3A_220, %dma_wait3A_221] : memref<4x128x64xbf16, #tpu.memory_space<vmem>> -> memref<1x128x64xbf16, #tpu.memory_space<vmem>>
          %dma_wait3A_223 = tpu.memref_squeeze %dma_wait3A_222 : memref<1x128x64xbf16, #tpu.memory_space<vmem>> -> memref<128x64xbf16, #tpu.memory_space<vmem>>
          %dma_wait3A_224 = arith.constant 0 : i32
          %dma_wait3A_225 = tpu.memref_slice %arg6[%scan3A_131, %dma_wait3A_224] : memref<49x128xi32, #tpu.memory_space<vmem>> -> memref<1x128xi32, #tpu.memory_space<vmem>>
          %dma_wait3A_226 = tpu.memref_squeeze %dma_wait3A_225 : memref<1x128xi32, #tpu.memory_space<vmem>> -> memref<128xi32, #tpu.memory_space<vmem>>
          %dma_wait3A_227 = arith.constant 0 : i32
          %dma_wait3A_228 = arith.constant 0 : i32
          %dma_wait3A_229 = tpu.memref_slice %arg2[%dma_wait3A_227, %dma_wait3A_228] : memref<50176x64xbf16, #tpu.memory_space<hbm>> -> memref<50176x64xbf16, #tpu.memory_space<hbm>>
          tpu.wait_indirect_dma semaphore(%arg10 : memref<!tpu.dma_semaphore, #tpu.memory_space<semaphore_mem>>) src(%dma_wait3A_229 : memref<50176x64xbf16, #tpu.memory_space<hbm>>) dst(%dma_wait3A_223 : memref<128x64xbf16, #tpu.memory_space<vmem>>)
          %run_scoped3A_230 = arith.constant 2 : i32
          "tpu.region"() ({
            %run_scoped3A_237 = tpu.sem_alloc : memref<!tpu.dma_semaphore, #tpu.memory_space<semaphore_mem>>
            %dma_start3A_238 = arith.constant 0 : i32
            %dma_start3A_239 = arith.constant 0 : i32
            %dma_start3A_240 = tpu.memref_slice %arg8[%run_scoped3A_230, %dma_start3A_238, %dma_start3A_239] : memref<4x128x64xbf16, #tpu.memory_space<vmem>> -> memref<1x128x64xbf16, #tpu.memory_space<vmem>>
            %dma_start3A_241 = tpu.memref_squeeze %dma_start3A_240 : memref<1x128x64xbf16, #tpu.memory_space<vmem>> -> memref<128x64xbf16, #tpu.memory_space<vmem>>
            %dma_start3A_242 = arith.constant 0 : i32
            %dma_start3A_243 = tpu.memref_slice %arg7[%scan3A_131, %dma_start3A_242] : memref<49x128xi32, #tpu.memory_space<vmem>> -> memref<1x128xi32, #tpu.memory_space<vmem>>
            %dma_start3A_244 = tpu.memref_squeeze %dma_start3A_243 : memref<1x128xi32, #tpu.memory_space<vmem>> -> memref<128xi32, #tpu.memory_space<vmem>>
            %dma_start3A_245 = arith.constant 0 : i32
            %dma_start3A_246 = arith.constant 0 : i32
            %dma_start3A_247 = tpu.memref_slice %arg9[%dma_start3A_245, %dma_start3A_246] : memref<25088x64xbf16, #tpu.memory_space<vmem_shared>> -> memref<25088x64xbf16, #tpu.memory_space<vmem_shared>>
            tpu.enqueue_indirect_dma source(%dma_start3A_241 : memref<128x64xbf16, #tpu.memory_space<vmem>>) target(%dma_start3A_247 : memref<25088x64xbf16, #tpu.memory_space<vmem_shared>>) offsets(%dma_start3A_244 : memref<128xi32, #tpu.memory_space<vmem>>) semaphore(%run_scoped3A_237 : memref<!tpu.dma_semaphore, #tpu.memory_space<semaphore_mem>>) {add = true}
            %dma_wait3A_248 = arith.constant 0 : i32
            %dma_wait3A_249 = arith.constant 0 : i32
            %dma_wait3A_250 = tpu.memref_slice %arg8[%run_scoped3A_230, %dma_wait3A_248, %dma_wait3A_249] : memref<4x128x64xbf16, #tpu.memory_space<vmem>> -> memref<1x128x64xbf16, #tpu.memory_space<vmem>>
            %dma_wait3A_251 = tpu.memref_squeeze %dma_wait3A_250 : memref<1x128x64xbf16, #tpu.memory_space<vmem>> -> memref<128x64xbf16, #tpu.memory_space<vmem>>
            %dma_wait3A_252 = arith.constant 0 : i32
            %dma_wait3A_253 = tpu.memref_slice %arg7[%scan3A_131, %dma_wait3A_252] : memref<49x128xi32, #tpu.memory_space<vmem>> -> memref<1x128xi32, #tpu.memory_space<vmem>>
            %dma_wait3A_254 = tpu.memref_squeeze %dma_wait3A_253 : memref<1x128xi32, #tpu.memory_space<vmem>> -> memref<128xi32, #tpu.memory_space<vmem>>
            %dma_wait3A_255 = arith.constant 0 : i32
            %dma_wait3A_256 = arith.constant 0 : i32
            %dma_wait3A_257 = tpu.memref_slice %arg9[%dma_wait3A_255, %dma_wait3A_256] : memref<25088x64xbf16, #tpu.memory_space<vmem_shared>> -> memref<25088x64xbf16, #tpu.memory_space<vmem_shared>>
            tpu.wait_indirect_dma semaphore(%run_scoped3A_237 : memref<!tpu.dma_semaphore, #tpu.memory_space<semaphore_mem>>) src(%dma_wait3A_251 : memref<128x64xbf16, #tpu.memory_space<vmem>>) dst(%dma_wait3A_257 : memref<25088x64xbf16, #tpu.memory_space<vmem_shared>>)
            tpu.yield
          }) : () -> ()
          %add3A_231 = arith.constant 4 : i32
          %add3A_232 = arith.addi %scan3A_131, %add3A_231 : i32
          %lt3A_233 = arith.cmpi slt, %add3A_232, %min3A_76 : i32
          %convert_element_type3A_234 = arith.extui %lt3A_233 : i1 to i32
          %cond3A_235 = arith.constant 0 : i32
          %cond3A_236 = arith.cmpi ne, %convert_element_type3A_234, %cond3A_235 : i32
          scf.if %cond3A_236 {
            %add3A_237 = arith.constant 4 : i32
            %add3A_238 = arith.addi %scan3A_131, %add3A_237 : i32
            %dma_start3A_239 = arith.constant 2 : i32
            %dma_start3A_240 = arith.constant 0 : i32
            %dma_start3A_241 = arith.constant 0 : i32
            %dma_start3A_242 = tpu.memref_slice %arg8[%dma_start3A_239, %dma_start3A_240, %dma_start3A_241] : memref<4x128x64xbf16, #tpu.memory_space<vmem>> -> memref<1x128x64xbf16, #tpu.memory_space<vmem>>
            %dma_start3A_243 = tpu.memref_squeeze %dma_start3A_242 : memref<1x128x64xbf16, #tpu.memory_space<vmem>> -> memref<128x64xbf16, #tpu.memory_space<vmem>>
            %dma_start3A_244 = arith.constant 0 : i32
            %dma_start3A_245 = tpu.memref_slice %arg6[%add3A_238, %dma_start3A_244] : memref<49x128xi32, #tpu.memory_space<vmem>> -> memref<1x128xi32, #tpu.memory_space<vmem>>
            %dma_start3A_246 = tpu.memref_squeeze %dma_start3A_245 : memref<1x128xi32, #tpu.memory_space<vmem>> -> memref<128xi32, #tpu.memory_space<vmem>>
            %dma_start3A_247 = arith.constant 0 : i32
            %dma_start3A_248 = arith.constant 0 : i32
            %dma_start3A_249 = tpu.memref_slice %arg2[%dma_start3A_247, %dma_start3A_248] : memref<50176x64xbf16, #tpu.memory_space<hbm>> -> memref<50176x64xbf16, #tpu.memory_space<hbm>>
            tpu.enqueue_indirect_dma source(%dma_start3A_249 : memref<50176x64xbf16, #tpu.memory_space<hbm>>) target(%dma_start3A_243 : memref<128x64xbf16, #tpu.memory_space<vmem>>) offsets(%dma_start3A_246 : memref<128xi32, #tpu.memory_space<vmem>>) semaphore(%arg10 : memref<!tpu.dma_semaphore, #tpu.memory_space<semaphore_mem>>)
          } else {
          }
        } else {
        }
        %jit3A_197 = arith.constant 4 : i32
        %eq3A_198 = arith.constant 0 : i32
        %eq3A_199 = arith.cmpi eq, %jit3A_197, %eq3A_198 : i32
        %jit3A_200 = arith.constant 1 : i32
        %select_n3A_201 = arith.select %eq3A_199, %jit3A_200, %jit3A_197 : i32
        %rem3A_202 = arith.remsi %scan3A_131, %select_n3A_201 : i32
        %ne3A_203 = arith.constant 0 : i32
        %ne3A_204 = arith.cmpi ne, %rem3A_202, %ne3A_203 : i32
        %lt3A_205 = arith.constant 0 : i32
        %lt3A_206 = arith.cmpi slt, %rem3A_202, %lt3A_205 : i32
        %lt3A_207 = arith.constant 0 : i32
        %lt3A_208 = arith.cmpi slt, %select_n3A_201, %lt3A_207 : i32
        %ne3A_209 = arith.xori %lt3A_206, %lt3A_208 : i1
        %and3A_210 = arith.andi %ne3A_209, %ne3A_204 : i1
        %add3A_211 = arith.addi %rem3A_202, %select_n3A_201 : i32
        %select_n3A_212 = arith.select %and3A_210, %add3A_211, %rem3A_202 : i32
        %eq3A_213 = arith.constant 3 : i32
        %eq3A_214 = arith.cmpi eq, %select_n3A_212, %eq3A_213 : i32
        %lt3A_215 = arith.cmpi slt, %scan3A_131, %min3A_76 : i32
        %and3A_216 = arith.andi %eq3A_214, %lt3A_215 : i1
        %convert_element_type3A_217 = arith.extui %and3A_216 : i1 to i32
        %cond3A_218 = arith.constant 0 : i32
        %cond3A_219 = arith.cmpi ne, %convert_element_type3A_217, %cond3A_218 : i32
        scf.if %cond3A_219 {
          %dma_wait3A = arith.constant 3 : i32
          %dma_wait3A_220 = arith.constant 0 : i32
          %dma_wait3A_221 = arith.constant 0 : i32
          %dma_wait3A_222 = tpu.memref_slice %arg8[%dma_wait3A, %dma_wait3A_220, %dma_wait3A_221] : memref<4x128x64xbf16, #tpu.memory_space<vmem>> -> memref<1x128x64xbf16, #tpu.memory_space<vmem>>
          %dma_wait3A_223 = tpu.memref_squeeze %dma_wait3A_222 : memref<1x128x64xbf16, #tpu.memory_space<vmem>> -> memref<128x64xbf16, #tpu.memory_space<vmem>>
          %dma_wait3A_224 = arith.constant 0 : i32
          %dma_wait3A_225 = tpu.memref_slice %arg6[%scan3A_131, %dma_wait3A_224] : memref<49x128xi32, #tpu.memory_space<vmem>> -> memref<1x128xi32, #tpu.memory_space<vmem>>
          %dma_wait3A_226 = tpu.memref_squeeze %dma_wait3A_225 : memref<1x128xi32, #tpu.memory_space<vmem>> -> memref<128xi32, #tpu.memory_space<vmem>>
          %dma_wait3A_227 = arith.constant 0 : i32
          %dma_wait3A_228 = arith.constant 0 : i32
          %dma_wait3A_229 = tpu.memref_slice %arg2[%dma_wait3A_227, %dma_wait3A_228] : memref<50176x64xbf16, #tpu.memory_space<hbm>> -> memref<50176x64xbf16, #tpu.memory_space<hbm>>
          tpu.wait_indirect_dma semaphore(%arg10 : memref<!tpu.dma_semaphore, #tpu.memory_space<semaphore_mem>>) src(%dma_wait3A_229 : memref<50176x64xbf16, #tpu.memory_space<hbm>>) dst(%dma_wait3A_223 : memref<128x64xbf16, #tpu.memory_space<vmem>>)
          %run_scoped3A_230 = arith.constant 3 : i32
          "tpu.region"() ({
            %run_scoped3A_237 = tpu.sem_alloc : memref<!tpu.dma_semaphore, #tpu.memory_space<semaphore_mem>>
            %dma_start3A_238 = arith.constant 0 : i32
            %dma_start3A_239 = arith.constant 0 : i32
            %dma_start3A_240 = tpu.memref_slice %arg8[%run_scoped3A_230, %dma_start3A_238, %dma_start3A_239] : memref<4x128x64xbf16, #tpu.memory_space<vmem>> -> memref<1x128x64xbf16, #tpu.memory_space<vmem>>
            %dma_start3A_241 = tpu.memref_squeeze %dma_start3A_240 : memref<1x128x64xbf16, #tpu.memory_space<vmem>> -> memref<128x64xbf16, #tpu.memory_space<vmem>>
            %dma_start3A_242 = arith.constant 0 : i32
            %dma_start3A_243 = tpu.memref_slice %arg7[%scan3A_131, %dma_start3A_242] : memref<49x128xi32, #tpu.memory_space<vmem>> -> memref<1x128xi32, #tpu.memory_space<vmem>>
            %dma_start3A_244 = tpu.memref_squeeze %dma_start3A_243 : memref<1x128xi32, #tpu.memory_space<vmem>> -> memref<128xi32, #tpu.memory_space<vmem>>
            %dma_start3A_245 = arith.constant 0 : i32
            %dma_start3A_246 = arith.constant 0 : i32
            %dma_start3A_247 = tpu.memref_slice %arg9[%dma_start3A_245, %dma_start3A_246] : memref<25088x64xbf16, #tpu.memory_space<vmem_shared>> -> memref<25088x64xbf16, #tpu.memory_space<vmem_shared>>
            tpu.enqueue_indirect_dma source(%dma_start3A_241 : memref<128x64xbf16, #tpu.memory_space<vmem>>) target(%dma_start3A_247 : memref<25088x64xbf16, #tpu.memory_space<vmem_shared>>) offsets(%dma_start3A_244 : memref<128xi32, #tpu.memory_space<vmem>>) semaphore(%run_scoped3A_237 : memref<!tpu.dma_semaphore, #tpu.memory_space<semaphore_mem>>) {add = true}
            %dma_wait3A_248 = arith.constant 0 : i32
            %dma_wait3A_249 = arith.constant 0 : i32
            %dma_wait3A_250 = tpu.memref_slice %arg8[%run_scoped3A_230, %dma_wait3A_248, %dma_wait3A_249] : memref<4x128x64xbf16, #tpu.memory_space<vmem>> -> memref<1x128x64xbf16, #tpu.memory_space<vmem>>
            %dma_wait3A_251 = tpu.memref_squeeze %dma_wait3A_250 : memref<1x128x64xbf16, #tpu.memory_space<vmem>> -> memref<128x64xbf16, #tpu.memory_space<vmem>>
            %dma_wait3A_252 = arith.constant 0 : i32
            %dma_wait3A_253 = tpu.memref_slice %arg7[%scan3A_131, %dma_wait3A_252] : memref<49x128xi32, #tpu.memory_space<vmem>> -> memref<1x128xi32, #tpu.memory_space<vmem>>
            %dma_wait3A_254 = tpu.memref_squeeze %dma_wait3A_253 : memref<1x128xi32, #tpu.memory_space<vmem>> -> memref<128xi32, #tpu.memory_space<vmem>>
            %dma_wait3A_255 = arith.constant 0 : i32
            %dma_wait3A_256 = arith.constant 0 : i32
            %dma_wait3A_257 = tpu.memref_slice %arg9[%dma_wait3A_255, %dma_wait3A_256] : memref<25088x64xbf16, #tpu.memory_space<vmem_shared>> -> memref<25088x64xbf16, #tpu.memory_space<vmem_shared>>
            tpu.wait_indirect_dma semaphore(%run_scoped3A_237 : memref<!tpu.dma_semaphore, #tpu.memory_space<semaphore_mem>>) src(%dma_wait3A_251 : memref<128x64xbf16, #tpu.memory_space<vmem>>) dst(%dma_wait3A_257 : memref<25088x64xbf16, #tpu.memory_space<vmem_shared>>)
            tpu.yield
          }) : () -> ()
          %add3A_231 = arith.constant 4 : i32
          %add3A_232 = arith.addi %scan3A_131, %add3A_231 : i32
          %lt3A_233 = arith.cmpi slt, %add3A_232, %min3A_76 : i32
          %convert_element_type3A_234 = arith.extui %lt3A_233 : i1 to i32
          %cond3A_235 = arith.constant 0 : i32
          %cond3A_236 = arith.cmpi ne, %convert_element_type3A_234, %cond3A_235 : i32
          scf.if %cond3A_236 {
            %add3A_237 = arith.constant 4 : i32
            %add3A_238 = arith.addi %scan3A_131, %add3A_237 : i32
            %dma_start3A_239 = arith.constant 3 : i32
            %dma_start3A_240 = arith.constant 0 : i32
            %dma_start3A_241 = arith.constant 0 : i32
            %dma_start3A_242 = tpu.memref_slice %arg8[%dma_start3A_239, %dma_start3A_240, %dma_start3A_241] : memref<4x128x64xbf16, #tpu.memory_space<vmem>> -> memref<1x128x64xbf16, #tpu.memory_space<vmem>>
            %dma_start3A_243 = tpu.memref_squeeze %dma_start3A_242 : memref<1x128x64xbf16, #tpu.memory_space<vmem>> -> memref<128x64xbf16, #tpu.memory_space<vmem>>
            %dma_start3A_244 = arith.constant 0 : i32
            %dma_start3A_245 = tpu.memref_slice %arg6[%add3A_238, %dma_start3A_244] : memref<49x128xi32, #tpu.memory_space<vmem>> -> memref<1x128xi32, #tpu.memory_space<vmem>>
            %dma_start3A_246 = tpu.memref_squeeze %dma_start3A_245 : memref<1x128xi32, #tpu.memory_space<vmem>> -> memref<128xi32, #tpu.memory_space<vmem>>
            %dma_start3A_247 = arith.constant 0 : i32
            %dma_start3A_248 = arith.constant 0 : i32
            %dma_start3A_249 = tpu.memref_slice %arg2[%dma_start3A_247, %dma_start3A_248] : memref<50176x64xbf16, #tpu.memory_space<hbm>> -> memref<50176x64xbf16, #tpu.memory_space<hbm>>
            tpu.enqueue_indirect_dma source(%dma_start3A_249 : memref<50176x64xbf16, #tpu.memory_space<hbm>>) target(%dma_start3A_243 : memref<128x64xbf16, #tpu.memory_space<vmem>>) offsets(%dma_start3A_246 : memref<128xi32, #tpu.memory_space<vmem>>) semaphore(%arg10 : memref<!tpu.dma_semaphore, #tpu.memory_space<semaphore_mem>>)
          } else {
          }
        } else {
        }
      }
      %scan3A_130 = arith.constant 49 : i32
    }
    %scan3A_58 = arith.constant 2 : i32
    %barrier3A_59 = arith.constant 0 : index
    tpu.barrier barrier_id(%barrier3A_59)
    %mul3A_60 = arith.constant 1568 : i32
    %mul3A_61 = arith.muli %arg1, %mul3A_60 : i32
    %add3A_62 = arith.constant 0 : i32
    %add3A_63 = arith.addi %add3A_62, %mul3A_61 : i32
    %mul3A_64 = arith.constant 25088 : i32
    %mul3A_65 = arith.muli %arg0, %mul3A_64 : i32
    %mul3A_66 = arith.constant 1568 : i32
    %mul3A_67 = arith.muli %arg1, %mul3A_66 : i32
    %add3A_68 = arith.addi %mul3A_65, %mul3A_67 : i32
    "tpu.region"() ({
      %run_scoped3A = tpu.sem_alloc : memref<!tpu.dma_semaphore, #tpu.memory_space<semaphore_mem>>
      %dma_start3A = arith.constant 0 : i32
      %dma_start3A_69 = tpu.memref_slice %arg5[%add3A_68, %dma_start3A] : memref<50176x64xbf16, #tpu.memory_space<hbm>> -> memref<1568x64xbf16, #tpu.memory_space<hbm>>
      %dma_start3A_70 = arith.constant 0 : i32
      %dma_start3A_71 = tpu.memref_slice %arg9[%add3A_63, %dma_start3A_70] : memref<25088x64xbf16, #tpu.memory_space<vmem_shared>> -> memref<1568x64xbf16, #tpu.memory_space<vmem_shared>>
      tpu.enqueue_dma source(%dma_start3A_71 : memref<1568x64xbf16, #tpu.memory_space<vmem_shared>>) target(%dma_start3A_69 : memref<1568x64xbf16, #tpu.memory_space<hbm>>) target_semaphore(%run_scoped3A : memref<!tpu.dma_semaphore, #tpu.memory_space<semaphore_mem>>)
      %dma_wait3A = arith.constant 0 : i32
      %dma_wait3A_72 = tpu.memref_slice %arg5[%add3A_68, %dma_wait3A] : memref<50176x64xbf16, #tpu.memory_space<hbm>> -> memref<1568x64xbf16, #tpu.memory_space<hbm>>
      %dma_wait3A_73 = arith.constant 0 : i32
      %dma_wait3A_74 = tpu.memref_slice %arg9[%add3A_63, %dma_wait3A_73] : memref<25088x64xbf16, #tpu.memory_space<vmem_shared>> -> memref<1568x64xbf16, #tpu.memory_space<vmem_shared>>
      tpu.wait_dma2 semaphore(%run_scoped3A : memref<!tpu.dma_semaphore, #tpu.memory_space<semaphore_mem>>) src(%dma_wait3A_74 : memref<1568x64xbf16, #tpu.memory_space<vmem_shared>>) dst(%dma_wait3A_72 : memref<1568x64xbf16, #tpu.memory_space<hbm>>)
      tpu.yield
    }) : () -> ()
    return
  }
}

#map = affine_map<(d0, d1) -> (0, 0)>
#map1 = affine_map<(d0, d1) -> (0, 0, 0)>
module attributes {stable_mosaic.version = 14 : i64} {
  func.func @seg_sum(%arg0: i32, %arg1: i32, %arg2: memref<50176x64xbf16, #tpu.memory_space<hbm>>, %arg3: memref<2x3125x128xi32, #tpu.memory_space<hbm>>, %arg4: memref<50176x64xbf16, #tpu.memory_space<hbm>>, %arg5: memref<100352x64xbf16, #tpu.memory_space<hbm>>, %arg6: memref<49x128xi32, #tpu.memory_space<vmem>>, %arg7: memref<49x128xi32, #tpu.memory_space<vmem>>, %arg8: memref<4x128x64xbf16, #tpu.memory_space<vmem>>, %arg9: memref<50176x64xbf16, #tpu.memory_space<vmem_shared>>, %arg10: memref<!tpu.dma_semaphore, #tpu.memory_space<semaphore_mem>>) attributes {dimension_semantics = [#tpu.dimension_semantics<core_parallel>, #tpu.dimension_semantics<subcore_parallel>], iteration_bounds = array<i64: 2, 16>, scalar_prefetch = 0 : i64, scratch_operands = 5 : i64, tpu.core_type = #tpu.core_type<sc_vector_subcore>, window_params = [{transform_indices = #map}, {transform_indices = #map1}, {transform_indices = #map}, {transform_indices = #map}]} {
    %mul3A = arith.constant 16 : i32
    %mul3A_0 = arith.muli %arg0, %mul3A : i32
    %add3A = arith.addi %mul3A_0, %arg1 : i32
    %mul3A_1 = arith.constant 3125 : i32
    %mul3A_2 = arith.muli %add3A, %mul3A_1 : i32
    %jit3A = arith.constant 32 : i32
    %div3A = arith.divsi %mul3A_2, %jit3A : i32
    %sign3A = arith.constant 0 : i32
    %sign3A_3 = arith.cmpi sgt, %mul3A_2, %sign3A : i32
    %sign3A_4 = arith.extui %sign3A_3 : i1 to i32
    %sign3A_5 = arith.constant 0 : i32
    %sign3A_6 = arith.cmpi slt, %mul3A_2, %sign3A_5 : i32
    %sign3A_7 = arith.extui %sign3A_6 : i1 to i32
    %sign3A_8 = arith.subi %sign3A_4, %sign3A_7 : i32
    %sign3A_9 = arith.constant 0 : i32
    %sign3A_10 = arith.cmpi sgt, %jit3A, %sign3A_9 : i32
    %sign3A_11 = arith.extui %sign3A_10 : i1 to i32
    %sign3A_12 = arith.constant 0 : i32
    %sign3A_13 = arith.cmpi slt, %jit3A, %sign3A_12 : i32
    %sign3A_14 = arith.extui %sign3A_13 : i1 to i32
    %sign3A_15 = arith.subi %sign3A_11, %sign3A_14 : i32
    %ne3A = arith.cmpi ne, %sign3A_8, %sign3A_15 : i32
    %rem3A = arith.remsi %mul3A_2, %jit3A : i32
    %ne3A_16 = arith.constant 0 : i32
    %ne3A_17 = arith.cmpi ne, %rem3A, %ne3A_16 : i32
    %and3A = arith.andi %ne3A, %ne3A_17 : i1
    %sub3A = arith.constant 1 : i32
    %sub3A_18 = arith.subi %div3A, %sub3A : i32
    %select_n3A = arith.select %and3A, %sub3A_18, %div3A : i32
    %add3A_19 = arith.constant 1 : i32
    %add3A_20 = arith.addi %add3A, %add3A_19 : i32
    %mul3A_21 = arith.constant 3125 : i32
    %mul3A_22 = arith.muli %add3A_20, %mul3A_21 : i32
    %jit3A_23 = arith.constant 32 : i32
    %div3A_24 = arith.divsi %mul3A_22, %jit3A_23 : i32
    %sign3A_25 = arith.constant 0 : i32
    %sign3A_26 = arith.cmpi sgt, %mul3A_22, %sign3A_25 : i32
    %sign3A_27 = arith.extui %sign3A_26 : i1 to i32
    %sign3A_28 = arith.constant 0 : i32
    %sign3A_29 = arith.cmpi slt, %mul3A_22, %sign3A_28 : i32
    %sign3A_30 = arith.extui %sign3A_29 : i1 to i32
    %sign3A_31 = arith.subi %sign3A_27, %sign3A_30 : i32
    %sign3A_32 = arith.constant 0 : i32
    %sign3A_33 = arith.cmpi sgt, %jit3A_23, %sign3A_32 : i32
    %sign3A_34 = arith.extui %sign3A_33 : i1 to i32
    %sign3A_35 = arith.constant 0 : i32
    %sign3A_36 = arith.cmpi slt, %jit3A_23, %sign3A_35 : i32
    %sign3A_37 = arith.extui %sign3A_36 : i1 to i32
    %sign3A_38 = arith.subi %sign3A_34, %sign3A_37 : i32
    %ne3A_39 = arith.cmpi ne, %sign3A_31, %sign3A_38 : i32
    %rem3A_40 = arith.remsi %mul3A_22, %jit3A_23 : i32
    %ne3A_41 = arith.constant 0 : i32
    %ne3A_42 = arith.cmpi ne, %rem3A_40, %ne3A_41 : i32
    %and3A_43 = arith.andi %ne3A_39, %ne3A_42 : i1
    %sub3A_44 = arith.constant 1 : i32
    %sub3A_45 = arith.subi %div3A_24, %sub3A_44 : i32
    %select_n3A_46 = arith.select %and3A_43, %sub3A_45, %div3A_24 : i32
    %sub3A_47 = arith.subi %select_n3A_46, %select_n3A : i32
    %mul3A_48 = arith.constant 3136 : i32
    %mul3A_49 = arith.muli %arg1, %mul3A_48 : i32
    %mul3A_50 = arith.constant 3136 : i32
    %mul3A_51 = arith.muli %arg1, %mul3A_50 : i32
    %add3A_52 = arith.constant 0 : i32
    %add3A_53 = arith.addi %add3A_52, %mul3A_51 : i32
    "tpu.region"() ({
      %run_scoped3A = tpu.sem_alloc : memref<!tpu.dma_semaphore, #tpu.memory_space<semaphore_mem>>
      %dma_start3A = arith.constant 0 : i32
      %dma_start3A_69 = tpu.memref_slice %arg9[%add3A_53, %dma_start3A] : memref<50176x64xbf16, #tpu.memory_space<vmem_shared>> -> memref<3136x64xbf16, #tpu.memory_space<vmem_shared>>
      %dma_start3A_70 = arith.constant 0 : i32
      %dma_start3A_71 = tpu.memref_slice %arg4[%mul3A_49, %dma_start3A_70] : memref<50176x64xbf16, #tpu.memory_space<hbm>> -> memref<3136x64xbf16, #tpu.memory_space<hbm>>
      tpu.enqueue_dma source(%dma_start3A_71 : memref<3136x64xbf16, #tpu.memory_space<hbm>>) target(%dma_start3A_69 : memref<3136x64xbf16, #tpu.memory_space<vmem_shared>>) target_semaphore(%run_scoped3A : memref<!tpu.dma_semaphore, #tpu.memory_space<semaphore_mem>>)
      %dma_wait3A = arith.constant 0 : i32
      %dma_wait3A_72 = tpu.memref_slice %arg9[%add3A_53, %dma_wait3A] : memref<50176x64xbf16, #tpu.memory_space<vmem_shared>> -> memref<3136x64xbf16, #tpu.memory_space<vmem_shared>>
      %dma_wait3A_73 = arith.constant 0 : i32
      %dma_wait3A_74 = tpu.memref_slice %arg4[%mul3A_49, %dma_wait3A_73] : memref<50176x64xbf16, #tpu.memory_space<hbm>> -> memref<3136x64xbf16, #tpu.memory_space<hbm>>
      tpu.wait_dma2 semaphore(%run_scoped3A : memref<!tpu.dma_semaphore, #tpu.memory_space<semaphore_mem>>) src(%dma_wait3A_74 : memref<3136x64xbf16, #tpu.memory_space<hbm>>) dst(%dma_wait3A_72 : memref<3136x64xbf16, #tpu.memory_space<vmem_shared>>)
      tpu.yield
    }) : () -> ()
    %barrier3A = arith.constant 0 : index
    tpu.barrier barrier_id(%barrier3A)
    %scan3A = arith.constant 0 : i32
    %scan3A_54 = arith.constant 0 : i32
    %scan3A_55 = arith.constant 2 : i32
    %scan3A_56 = arith.addi %scan3A_54, %scan3A_55 : i32
    %scan3A_57 = arith.constant 1 : i32
    scf.for %scan3A_69 = %scan3A_54 to %scan3A_56 step %scan3A_57  : i32 {
      %mul3A_70 = arith.constant 49 : i32
      %mul3A_71 = arith.muli %scan3A_69, %mul3A_70 : i32
      %add3A_72 = arith.addi %select_n3A, %mul3A_71 : i32
      %mul3A_73 = arith.constant 49 : i32
      %mul3A_74 = arith.muli %scan3A_69, %mul3A_73 : i32
      %sub3A_75 = arith.subi %sub3A_47, %mul3A_74 : i32
      %min3A = arith.constant 49 : i32
      %min3A_76 = arith.minsi %sub3A_75, %min3A : i32
      %run_scoped3A = arith.constant 0 : i32
      "tpu.region"() ({
        %run_scoped3A_131 = tpu.sem_alloc : memref<!tpu.dma_semaphore, #tpu.memory_space<semaphore_mem>>
        %dma_start3A_132 = arith.constant 0 : i32
        %dma_start3A_133 = tpu.memref_slice %arg3[%run_scoped3A, %add3A_72, %dma_start3A_132] : memref<2x3125x128xi32, #tpu.memory_space<hbm>> -> memref<1x49x128xi32, #tpu.memory_space<hbm>>
        %dma_start3A_134 = tpu.memref_squeeze %dma_start3A_133 : memref<1x49x128xi32, #tpu.memory_space<hbm>> -> memref<49x128xi32, #tpu.memory_space<hbm>>
        %dma_start3A_135 = arith.constant 0 : i32
        %dma_start3A_136 = tpu.memref_slice %arg3[%run_scoped3A, %add3A_72, %dma_start3A_135] : memref<2x3125x128xi32, #tpu.memory_space<hbm>> -> memref<1x49x128xi32, #tpu.memory_space<hbm>>
        %dma_start3A_137 = tpu.memref_squeeze %dma_start3A_136 : memref<1x49x128xi32, #tpu.memory_space<hbm>> -> memref<49x128xi32, #tpu.memory_space<hbm>>
        tpu.enqueue_dma source(%dma_start3A_137 : memref<49x128xi32, #tpu.memory_space<hbm>>) target(%arg6 : memref<49x128xi32, #tpu.memory_space<vmem>>) target_semaphore(%run_scoped3A_131 : memref<!tpu.dma_semaphore, #tpu.memory_space<semaphore_mem>>)
        %dma_wait3A = arith.constant 0 : i32
        %dma_wait3A_138 = tpu.memref_slice %arg3[%run_scoped3A, %add3A_72, %dma_wait3A] : memref<2x3125x128xi32, #tpu.memory_space<hbm>> -> memref<1x49x128xi32, #tpu.memory_space<hbm>>
        %dma_wait3A_139 = tpu.memref_squeeze %dma_wait3A_138 : memref<1x49x128xi32, #tpu.memory_space<hbm>> -> memref<49x128xi32, #tpu.memory_space<hbm>>
        %dma_wait3A_140 = arith.constant 0 : i32
        %dma_wait3A_141 = tpu.memref_slice %arg3[%run_scoped3A, %add3A_72, %dma_wait3A_140] : memref<2x3125x128xi32, #tpu.memory_space<hbm>> -> memref<1x49x128xi32, #tpu.memory_space<hbm>>
        %dma_wait3A_142 = tpu.memref_squeeze %dma_wait3A_141 : memref<1x49x128xi32, #tpu.memory_space<hbm>> -> memref<49x128xi32, #tpu.memory_space<hbm>>
        tpu.wait_dma2 semaphore(%run_scoped3A_131 : memref<!tpu.dma_semaphore, #tpu.memory_space<semaphore_mem>>) src(%dma_wait3A_142 : memref<49x128xi32, #tpu.memory_space<hbm>>) dst(%arg6 : memref<49x128xi32, #tpu.memory_space<vmem>>)
        tpu.yield
      }) : () -> ()
      %run_scoped3A_77 = arith.constant 1 : i32
      "tpu.region"() ({
        %run_scoped3A_131 = tpu.sem_alloc : memref<!tpu.dma_semaphore, #tpu.memory_space<semaphore_mem>>
        %dma_start3A_132 = arith.constant 0 : i32
        %dma_start3A_133 = tpu.memref_slice %arg3[%run_scoped3A_77, %add3A_72, %dma_start3A_132] : memref<2x3125x128xi32, #tpu.memory_space<hbm>> -> memref<1x49x128xi32, #tpu.memory_space<hbm>>
        %dma_start3A_134 = tpu.memref_squeeze %dma_start3A_133 : memref<1x49x128xi32, #tpu.memory_space<hbm>> -> memref<49x128xi32, #tpu.memory_space<hbm>>
        %dma_start3A_135 = arith.constant 0 : i32
        %dma_start3A_136 = tpu.memref_slice %arg3[%run_scoped3A_77, %add3A_72, %dma_start3A_135] : memref<2x3125x128xi32, #tpu.memory_space<hbm>> -> memref<1x49x128xi32, #tpu.memory_space<hbm>>
        %dma_start3A_137 = tpu.memref_squeeze %dma_start3A_136 : memref<1x49x128xi32, #tpu.memory_space<hbm>> -> memref<49x128xi32, #tpu.memory_space<hbm>>
        tpu.enqueue_dma source(%dma_start3A_137 : memref<49x128xi32, #tpu.memory_space<hbm>>) target(%arg7 : memref<49x128xi32, #tpu.memory_space<vmem>>) target_semaphore(%run_scoped3A_131 : memref<!tpu.dma_semaphore, #tpu.memory_space<semaphore_mem>>)
        %dma_wait3A = arith.constant 0 : i32
        %dma_wait3A_138 = tpu.memref_slice %arg3[%run_scoped3A_77, %add3A_72, %dma_wait3A] : memref<2x3125x128xi32, #tpu.memory_space<hbm>> -> memref<1x49x128xi32, #tpu.memory_space<hbm>>
        %dma_wait3A_139 = tpu.memref_squeeze %dma_wait3A_138 : memref<1x49x128xi32, #tpu.memory_space<hbm>> -> memref<49x128xi32, #tpu.memory_space<hbm>>
        %dma_wait3A_140 = arith.constant 0 : i32
        %dma_wait3A_141 = tpu.memref_slice %arg3[%run_scoped3A_77, %add3A_72, %dma_wait3A_140] : memref<2x3125x128xi32, #tpu.memory_space<hbm>> -> memref<1x49x128xi32, #tpu.memory_space<hbm>>
        %dma_wait3A_142 = tpu.memref_squeeze %dma_wait3A_141 : memref<1x49x128xi32, #tpu.memory_space<hbm>> -> memref<49x128xi32, #tpu.memory_space<hbm>>
        tpu.wait_dma2 semaphore(%run_scoped3A_131 : memref<!tpu.dma_semaphore, #tpu.memory_space<semaphore_mem>>) src(%dma_wait3A_142 : memref<49x128xi32, #tpu.memory_space<hbm>>) dst(%arg7 : memref<49x128xi32, #tpu.memory_space<vmem>>)
        tpu.yield
      }) : () -> ()
      %dma_start3A = arith.constant 0 : i32
      %dma_start3A_78 = arith.constant 0 : i32
      %dma_start3A_79 = arith.constant 0 : i32
      %dma_start3A_80 = arith.constant 0 : i32
      %dma_start3A_81 = tpu.memref_slice %arg8[%dma_start3A_78, %dma_start3A_79, %dma_start3A_80] : memref<4x128x64xbf16, #tpu.memory_space<vmem>> -> memref<1x128x64xbf16, #tpu.memory_space<vmem>>
      %dma_start3A_82 = tpu.memref_squeeze %dma_start3A_81 : memref<1x128x64xbf16, #tpu.memory_space<vmem>> -> memref<128x64xbf16, #tpu.memory_space<vmem>>
      %dma_start3A_83 = arith.constant 0 : i32
      %dma_start3A_84 = tpu.memref_slice %arg6[%dma_start3A, %dma_start3A_83] : memref<49x128xi32, #tpu.memory_space<vmem>> -> memref<1x128xi32, #tpu.memory_space<vmem>>
      %dma_start3A_85 = tpu.memref_squeeze %dma_start3A_84 : memref<1x128xi32, #tpu.memory_space<vmem>> -> memref<128xi32, #tpu.memory_space<vmem>>
      %dma_start3A_86 = arith.constant 0 : i32
      %dma_start3A_87 = arith.constant 0 : i32
      %dma_start3A_88 = tpu.memref_slice %arg2[%dma_start3A_86, %dma_start3A_87] : memref<50176x64xbf16, #tpu.memory_space<hbm>> -> memref<50176x64xbf16, #tpu.memory_space<hbm>>
      tpu.enqueue_indirect_dma source(%dma_start3A_88 : memref<50176x64xbf16, #tpu.memory_space<hbm>>) target(%dma_start3A_82 : memref<128x64xbf16, #tpu.memory_space<vmem>>) offsets(%dma_start3A_85 : memref<128xi32, #tpu.memory_space<vmem>>) semaphore(%arg10 : memref<!tpu.dma_semaphore, #tpu.memory_space<semaphore_mem>>)
      %dma_start3A_89 = arith.constant 1 : i32
      %dma_start3A_90 = arith.constant 1 : i32
      %dma_start3A_91 = arith.constant 0 : i32
      %dma_start3A_92 = arith.constant 0 : i32
      %dma_start3A_93 = tpu.memref_slice %arg8[%dma_start3A_90, %dma_start3A_91, %dma_start3A_92] : memref<4x128x64xbf16, #tpu.memory_space<vmem>> -> memref<1x128x64xbf16, #tpu.memory_space<vmem>>
      %dma_start3A_94 = tpu.memref_squeeze %dma_start3A_93 : memref<1x128x64xbf16, #tpu.memory_space<vmem>> -> memref<128x64xbf16, #tpu.memory_space<vmem>>
      %dma_start3A_95 = arith.constant 0 : i32
      %dma_start3A_96 = tpu.memref_slice %arg6[%dma_start3A_89, %dma_start3A_95] : memref<49x128xi32, #tpu.memory_space<vmem>> -> memref<1x128xi32, #tpu.memory_space<vmem>>
      %dma_start3A_97 = tpu.memref_squeeze %dma_start3A_96 : memref<1x128xi32, #tpu.memory_space<vmem>> -> memref<128xi32, #tpu.memory_space<vmem>>
      %dma_start3A_98 = arith.constant 0 : i32
      %dma_start3A_99 = arith.constant 0 : i32
      %dma_start3A_100 = tpu.memref_slice %arg2[%dma_start3A_98, %dma_start3A_99] : memref<50176x64xbf16, #tpu.memory_space<hbm>> -> memref<50176x64xbf16, #tpu.memory_space<hbm>>
      tpu.enqueue_indirect_dma source(%dma_start3A_100 : memref<50176x64xbf16, #tpu.memory_space<hbm>>) target(%dma_start3A_94 : memref<128x64xbf16, #tpu.memory_space<vmem>>) offsets(%dma_start3A_97 : memref<128xi32, #tpu.memory_space<vmem>>) semaphore(%arg10 : memref<!tpu.dma_semaphore, #tpu.memory_space<semaphore_mem>>)
      %dma_start3A_101 = arith.constant 2 : i32
      %dma_start3A_102 = arith.constant 2 : i32
      %dma_start3A_103 = arith.constant 0 : i32
      %dma_start3A_104 = arith.constant 0 : i32
      %dma_start3A_105 = tpu.memref_slice %arg8[%dma_start3A_102, %dma_start3A_103, %dma_start3A_104] : memref<4x128x64xbf16, #tpu.memory_space<vmem>> -> memref<1x128x64xbf16, #tpu.memory_space<vmem>>
      %dma_start3A_106 = tpu.memref_squeeze %dma_start3A_105 : memref<1x128x64xbf16, #tpu.memory_space<vmem>> -> memref<128x64xbf16, #tpu.memory_space<vmem>>
      %dma_start3A_107 = arith.constant 0 : i32
      %dma_start3A_108 = tpu.memref_slice %arg6[%dma_start3A_101, %dma_start3A_107] : memref<49x128xi32, #tpu.memory_space<vmem>> -> memref<1x128xi32, #tpu.memory_space<vmem>>
      %dma_start3A_109 = tpu.memref_squeeze %dma_start3A_108 : memref<1x128xi32, #tpu.memory_space<vmem>> -> memref<128xi32, #tpu.memory_space<vmem>>
      %dma_start3A_110 = arith.constant 0 : i32
      %dma_start3A_111 = arith.constant 0 : i32
      %dma_start3A_112 = tpu.memref_slice %arg2[%dma_start3A_110, %dma_start3A_111] : memref<50176x64xbf16, #tpu.memory_space<hbm>> -> memref<50176x64xbf16, #tpu.memory_space<hbm>>
      tpu.enqueue_indirect_dma source(%dma_start3A_112 : memref<50176x64xbf16, #tpu.memory_space<hbm>>) target(%dma_start3A_106 : memref<128x64xbf16, #tpu.memory_space<vmem>>) offsets(%dma_start3A_109 : memref<128xi32, #tpu.memory_space<vmem>>) semaphore(%arg10 : memref<!tpu.dma_semaphore, #tpu.memory_space<semaphore_mem>>)
      %dma_start3A_113 = arith.constant 3 : i32
      %dma_start3A_114 = arith.constant 3 : i32
      %dma_start3A_115 = arith.constant 0 : i32
      %dma_start3A_116 = arith.constant 0 : i32
      %dma_start3A_117 = tpu.memref_slice %arg8[%dma_start3A_114, %dma_start3A_115, %dma_start3A_116] : memref<4x128x64xbf16, #tpu.memory_space<vmem>> -> memref<1x128x64xbf16, #tpu.memory_space<vmem>>
      %dma_start3A_118 = tpu.memref_squeeze %dma_start3A_117 : memref<1x128x64xbf16, #tpu.memory_space<vmem>> -> memref<128x64xbf16, #tpu.memory_space<vmem>>
      %dma_start3A_119 = arith.constant 0 : i32
      %dma_start3A_120 = tpu.memref_slice %arg6[%dma_start3A_113, %dma_start3A_119] : memref<49x128xi32, #tpu.memory_space<vmem>> -> memref<1x128xi32, #tpu.memory_space<vmem>>
      %dma_start3A_121 = tpu.memref_squeeze %dma_start3A_120 : memref<1x128xi32, #tpu.memory_space<vmem>> -> memref<128xi32, #tpu.memory_space<vmem>>
      %dma_start3A_122 = arith.constant 0 : i32
      %dma_start3A_123 = arith.constant 0 : i32
      %dma_start3A_124 = tpu.memref_slice %arg2[%dma_start3A_122, %dma_start3A_123] : memref<50176x64xbf16, #tpu.memory_space<hbm>> -> memref<50176x64xbf16, #tpu.memory_space<hbm>>
      tpu.enqueue_indirect_dma source(%dma_start3A_124 : memref<50176x64xbf16, #tpu.memory_space<hbm>>) target(%dma_start3A_118 : memref<128x64xbf16, #tpu.memory_space<vmem>>) offsets(%dma_start3A_121 : memref<128xi32, #tpu.memory_space<vmem>>) semaphore(%arg10 : memref<!tpu.dma_semaphore, #tpu.memory_space<semaphore_mem>>)
      %scan3A_125 = arith.constant 0 : i32
      %scan3A_126 = arith.constant 0 : i32
      %scan3A_127 = arith.constant 49 : i32
      %scan3A_128 = arith.addi %scan3A_126, %scan3A_127 : i32
      %scan3A_129 = arith.constant 1 : i32
      scf.for %scan3A_131 = %scan3A_126 to %scan3A_128 step %scan3A_129  : i32 {
        %jit3A_132 = arith.constant 4 : i32
        %eq3A = arith.constant 0 : i32
        %eq3A_133 = arith.cmpi eq, %jit3A_132, %eq3A : i32
        %jit3A_134 = arith.constant 1 : i32
        %select_n3A_135 = arith.select %eq3A_133, %jit3A_134, %jit3A_132 : i32
        %rem3A_136 = arith.remsi %scan3A_131, %select_n3A_135 : i32
        %ne3A_137 = arith.constant 0 : i32
        %ne3A_138 = arith.cmpi ne, %rem3A_136, %ne3A_137 : i32
        %lt3A = arith.constant 0 : i32
        %lt3A_139 = arith.cmpi slt, %rem3A_136, %lt3A : i32
        %lt3A_140 = arith.constant 0 : i32
        %lt3A_141 = arith.cmpi slt, %select_n3A_135, %lt3A_140 : i32
        %ne3A_142 = arith.xori %lt3A_139, %lt3A_141 : i1
        %and3A_143 = arith.andi %ne3A_142, %ne3A_138 : i1
        %add3A_144 = arith.addi %rem3A_136, %select_n3A_135 : i32
        %select_n3A_145 = arith.select %and3A_143, %add3A_144, %rem3A_136 : i32
        %eq3A_146 = arith.constant 0 : i32
        %eq3A_147 = arith.cmpi eq, %select_n3A_145, %eq3A_146 : i32
        %lt3A_148 = arith.cmpi slt, %scan3A_131, %min3A_76 : i32
        %and3A_149 = arith.andi %eq3A_147, %lt3A_148 : i1
        %convert_element_type3A = arith.extui %and3A_149 : i1 to i32
        %cond3A = arith.constant 0 : i32
        %cond3A_150 = arith.cmpi ne, %convert_element_type3A, %cond3A : i32
        scf.if %cond3A_150 {
          %dma_wait3A = arith.constant 0 : i32
          %dma_wait3A_220 = arith.constant 0 : i32
          %dma_wait3A_221 = arith.constant 0 : i32
          %dma_wait3A_222 = tpu.memref_slice %arg8[%dma_wait3A, %dma_wait3A_220, %dma_wait3A_221] : memref<4x128x64xbf16, #tpu.memory_space<vmem>> -> memref<1x128x64xbf16, #tpu.memory_space<vmem>>
          %dma_wait3A_223 = tpu.memref_squeeze %dma_wait3A_222 : memref<1x128x64xbf16, #tpu.memory_space<vmem>> -> memref<128x64xbf16, #tpu.memory_space<vmem>>
          %dma_wait3A_224 = arith.constant 0 : i32
          %dma_wait3A_225 = tpu.memref_slice %arg6[%scan3A_131, %dma_wait3A_224] : memref<49x128xi32, #tpu.memory_space<vmem>> -> memref<1x128xi32, #tpu.memory_space<vmem>>
          %dma_wait3A_226 = tpu.memref_squeeze %dma_wait3A_225 : memref<1x128xi32, #tpu.memory_space<vmem>> -> memref<128xi32, #tpu.memory_space<vmem>>
          %dma_wait3A_227 = arith.constant 0 : i32
          %dma_wait3A_228 = arith.constant 0 : i32
          %dma_wait3A_229 = tpu.memref_slice %arg2[%dma_wait3A_227, %dma_wait3A_228] : memref<50176x64xbf16, #tpu.memory_space<hbm>> -> memref<50176x64xbf16, #tpu.memory_space<hbm>>
          tpu.wait_indirect_dma semaphore(%arg10 : memref<!tpu.dma_semaphore, #tpu.memory_space<semaphore_mem>>) src(%dma_wait3A_229 : memref<50176x64xbf16, #tpu.memory_space<hbm>>) dst(%dma_wait3A_223 : memref<128x64xbf16, #tpu.memory_space<vmem>>)
          %run_scoped3A_230 = arith.constant 0 : i32
          "tpu.region"() ({
            %run_scoped3A_237 = tpu.sem_alloc : memref<!tpu.dma_semaphore, #tpu.memory_space<semaphore_mem>>
            %dma_start3A_238 = arith.constant 0 : i32
            %dma_start3A_239 = arith.constant 0 : i32
            %dma_start3A_240 = tpu.memref_slice %arg8[%run_scoped3A_230, %dma_start3A_238, %dma_start3A_239] : memref<4x128x64xbf16, #tpu.memory_space<vmem>> -> memref<1x128x64xbf16, #tpu.memory_space<vmem>>
            %dma_start3A_241 = tpu.memref_squeeze %dma_start3A_240 : memref<1x128x64xbf16, #tpu.memory_space<vmem>> -> memref<128x64xbf16, #tpu.memory_space<vmem>>
            %dma_start3A_242 = arith.constant 0 : i32
            %dma_start3A_243 = tpu.memref_slice %arg7[%scan3A_131, %dma_start3A_242] : memref<49x128xi32, #tpu.memory_space<vmem>> -> memref<1x128xi32, #tpu.memory_space<vmem>>
            %dma_start3A_244 = tpu.memref_squeeze %dma_start3A_243 : memref<1x128xi32, #tpu.memory_space<vmem>> -> memref<128xi32, #tpu.memory_space<vmem>>
            %dma_start3A_245 = arith.constant 0 : i32
            %dma_start3A_246 = arith.constant 0 : i32
            %dma_start3A_247 = tpu.memref_slice %arg9[%dma_start3A_245, %dma_start3A_246] : memref<50176x64xbf16, #tpu.memory_space<vmem_shared>> -> memref<50176x64xbf16, #tpu.memory_space<vmem_shared>>
            tpu.enqueue_indirect_dma source(%dma_start3A_241 : memref<128x64xbf16, #tpu.memory_space<vmem>>) target(%dma_start3A_247 : memref<50176x64xbf16, #tpu.memory_space<vmem_shared>>) offsets(%dma_start3A_244 : memref<128xi32, #tpu.memory_space<vmem>>) semaphore(%run_scoped3A_237 : memref<!tpu.dma_semaphore, #tpu.memory_space<semaphore_mem>>) {add = true}
            %dma_wait3A_248 = arith.constant 0 : i32
            %dma_wait3A_249 = arith.constant 0 : i32
            %dma_wait3A_250 = tpu.memref_slice %arg8[%run_scoped3A_230, %dma_wait3A_248, %dma_wait3A_249] : memref<4x128x64xbf16, #tpu.memory_space<vmem>> -> memref<1x128x64xbf16, #tpu.memory_space<vmem>>
            %dma_wait3A_251 = tpu.memref_squeeze %dma_wait3A_250 : memref<1x128x64xbf16, #tpu.memory_space<vmem>> -> memref<128x64xbf16, #tpu.memory_space<vmem>>
            %dma_wait3A_252 = arith.constant 0 : i32
            %dma_wait3A_253 = tpu.memref_slice %arg7[%scan3A_131, %dma_wait3A_252] : memref<49x128xi32, #tpu.memory_space<vmem>> -> memref<1x128xi32, #tpu.memory_space<vmem>>
            %dma_wait3A_254 = tpu.memref_squeeze %dma_wait3A_253 : memref<1x128xi32, #tpu.memory_space<vmem>> -> memref<128xi32, #tpu.memory_space<vmem>>
            %dma_wait3A_255 = arith.constant 0 : i32
            %dma_wait3A_256 = arith.constant 0 : i32
            %dma_wait3A_257 = tpu.memref_slice %arg9[%dma_wait3A_255, %dma_wait3A_256] : memref<50176x64xbf16, #tpu.memory_space<vmem_shared>> -> memref<50176x64xbf16, #tpu.memory_space<vmem_shared>>
            tpu.wait_indirect_dma semaphore(%run_scoped3A_237 : memref<!tpu.dma_semaphore, #tpu.memory_space<semaphore_mem>>) src(%dma_wait3A_251 : memref<128x64xbf16, #tpu.memory_space<vmem>>) dst(%dma_wait3A_257 : memref<50176x64xbf16, #tpu.memory_space<vmem_shared>>)
            tpu.yield
          }) : () -> ()
          %add3A_231 = arith.constant 4 : i32
          %add3A_232 = arith.addi %scan3A_131, %add3A_231 : i32
          %lt3A_233 = arith.cmpi slt, %add3A_232, %min3A_76 : i32
          %convert_element_type3A_234 = arith.extui %lt3A_233 : i1 to i32
          %cond3A_235 = arith.constant 0 : i32
          %cond3A_236 = arith.cmpi ne, %convert_element_type3A_234, %cond3A_235 : i32
          scf.if %cond3A_236 {
            %add3A_237 = arith.constant 4 : i32
            %add3A_238 = arith.addi %scan3A_131, %add3A_237 : i32
            %dma_start3A_239 = arith.constant 0 : i32
            %dma_start3A_240 = arith.constant 0 : i32
            %dma_start3A_241 = arith.constant 0 : i32
            %dma_start3A_242 = tpu.memref_slice %arg8[%dma_start3A_239, %dma_start3A_240, %dma_start3A_241] : memref<4x128x64xbf16, #tpu.memory_space<vmem>> -> memref<1x128x64xbf16, #tpu.memory_space<vmem>>
            %dma_start3A_243 = tpu.memref_squeeze %dma_start3A_242 : memref<1x128x64xbf16, #tpu.memory_space<vmem>> -> memref<128x64xbf16, #tpu.memory_space<vmem>>
            %dma_start3A_244 = arith.constant 0 : i32
            %dma_start3A_245 = tpu.memref_slice %arg6[%add3A_238, %dma_start3A_244] : memref<49x128xi32, #tpu.memory_space<vmem>> -> memref<1x128xi32, #tpu.memory_space<vmem>>
            %dma_start3A_246 = tpu.memref_squeeze %dma_start3A_245 : memref<1x128xi32, #tpu.memory_space<vmem>> -> memref<128xi32, #tpu.memory_space<vmem>>
            %dma_start3A_247 = arith.constant 0 : i32
            %dma_start3A_248 = arith.constant 0 : i32
            %dma_start3A_249 = tpu.memref_slice %arg2[%dma_start3A_247, %dma_start3A_248] : memref<50176x64xbf16, #tpu.memory_space<hbm>> -> memref<50176x64xbf16, #tpu.memory_space<hbm>>
            tpu.enqueue_indirect_dma source(%dma_start3A_249 : memref<50176x64xbf16, #tpu.memory_space<hbm>>) target(%dma_start3A_243 : memref<128x64xbf16, #tpu.memory_space<vmem>>) offsets(%dma_start3A_246 : memref<128xi32, #tpu.memory_space<vmem>>) semaphore(%arg10 : memref<!tpu.dma_semaphore, #tpu.memory_space<semaphore_mem>>)
          } else {
          }
        } else {
        }
        %jit3A_151 = arith.constant 4 : i32
        %eq3A_152 = arith.constant 0 : i32
        %eq3A_153 = arith.cmpi eq, %jit3A_151, %eq3A_152 : i32
        %jit3A_154 = arith.constant 1 : i32
        %select_n3A_155 = arith.select %eq3A_153, %jit3A_154, %jit3A_151 : i32
        %rem3A_156 = arith.remsi %scan3A_131, %select_n3A_155 : i32
        %ne3A_157 = arith.constant 0 : i32
        %ne3A_158 = arith.cmpi ne, %rem3A_156, %ne3A_157 : i32
        %lt3A_159 = arith.constant 0 : i32
        %lt3A_160 = arith.cmpi slt, %rem3A_156, %lt3A_159 : i32
        %lt3A_161 = arith.constant 0 : i32
        %lt3A_162 = arith.cmpi slt, %select_n3A_155, %lt3A_161 : i32
        %ne3A_163 = arith.xori %lt3A_160, %lt3A_162 : i1
        %and3A_164 = arith.andi %ne3A_163, %ne3A_158 : i1
        %add3A_165 = arith.addi %rem3A_156, %select_n3A_155 : i32
        %select_n3A_166 = arith.select %and3A_164, %add3A_165, %rem3A_156 : i32
        %eq3A_167 = arith.constant 1 : i32
        %eq3A_168 = arith.cmpi eq, %select_n3A_166, %eq3A_167 : i32
        %lt3A_169 = arith.cmpi slt, %scan3A_131, %min3A_76 : i32
        %and3A_170 = arith.andi %eq3A_168, %lt3A_169 : i1
        %convert_element_type3A_171 = arith.extui %and3A_170 : i1 to i32
        %cond3A_172 = arith.constant 0 : i32
        %cond3A_173 = arith.cmpi ne, %convert_element_type3A_171, %cond3A_172 : i32
        scf.if %cond3A_173 {
          %dma_wait3A = arith.constant 1 : i32
          %dma_wait3A_220 = arith.constant 0 : i32
          %dma_wait3A_221 = arith.constant 0 : i32
          %dma_wait3A_222 = tpu.memref_slice %arg8[%dma_wait3A, %dma_wait3A_220, %dma_wait3A_221] : memref<4x128x64xbf16, #tpu.memory_space<vmem>> -> memref<1x128x64xbf16, #tpu.memory_space<vmem>>
          %dma_wait3A_223 = tpu.memref_squeeze %dma_wait3A_222 : memref<1x128x64xbf16, #tpu.memory_space<vmem>> -> memref<128x64xbf16, #tpu.memory_space<vmem>>
          %dma_wait3A_224 = arith.constant 0 : i32
          %dma_wait3A_225 = tpu.memref_slice %arg6[%scan3A_131, %dma_wait3A_224] : memref<49x128xi32, #tpu.memory_space<vmem>> -> memref<1x128xi32, #tpu.memory_space<vmem>>
          %dma_wait3A_226 = tpu.memref_squeeze %dma_wait3A_225 : memref<1x128xi32, #tpu.memory_space<vmem>> -> memref<128xi32, #tpu.memory_space<vmem>>
          %dma_wait3A_227 = arith.constant 0 : i32
          %dma_wait3A_228 = arith.constant 0 : i32
          %dma_wait3A_229 = tpu.memref_slice %arg2[%dma_wait3A_227, %dma_wait3A_228] : memref<50176x64xbf16, #tpu.memory_space<hbm>> -> memref<50176x64xbf16, #tpu.memory_space<hbm>>
          tpu.wait_indirect_dma semaphore(%arg10 : memref<!tpu.dma_semaphore, #tpu.memory_space<semaphore_mem>>) src(%dma_wait3A_229 : memref<50176x64xbf16, #tpu.memory_space<hbm>>) dst(%dma_wait3A_223 : memref<128x64xbf16, #tpu.memory_space<vmem>>)
          %run_scoped3A_230 = arith.constant 1 : i32
          "tpu.region"() ({
            %run_scoped3A_237 = tpu.sem_alloc : memref<!tpu.dma_semaphore, #tpu.memory_space<semaphore_mem>>
            %dma_start3A_238 = arith.constant 0 : i32
            %dma_start3A_239 = arith.constant 0 : i32
            %dma_start3A_240 = tpu.memref_slice %arg8[%run_scoped3A_230, %dma_start3A_238, %dma_start3A_239] : memref<4x128x64xbf16, #tpu.memory_space<vmem>> -> memref<1x128x64xbf16, #tpu.memory_space<vmem>>
            %dma_start3A_241 = tpu.memref_squeeze %dma_start3A_240 : memref<1x128x64xbf16, #tpu.memory_space<vmem>> -> memref<128x64xbf16, #tpu.memory_space<vmem>>
            %dma_start3A_242 = arith.constant 0 : i32
            %dma_start3A_243 = tpu.memref_slice %arg7[%scan3A_131, %dma_start3A_242] : memref<49x128xi32, #tpu.memory_space<vmem>> -> memref<1x128xi32, #tpu.memory_space<vmem>>
            %dma_start3A_244 = tpu.memref_squeeze %dma_start3A_243 : memref<1x128xi32, #tpu.memory_space<vmem>> -> memref<128xi32, #tpu.memory_space<vmem>>
            %dma_start3A_245 = arith.constant 0 : i32
            %dma_start3A_246 = arith.constant 0 : i32
            %dma_start3A_247 = tpu.memref_slice %arg9[%dma_start3A_245, %dma_start3A_246] : memref<50176x64xbf16, #tpu.memory_space<vmem_shared>> -> memref<50176x64xbf16, #tpu.memory_space<vmem_shared>>
            tpu.enqueue_indirect_dma source(%dma_start3A_241 : memref<128x64xbf16, #tpu.memory_space<vmem>>) target(%dma_start3A_247 : memref<50176x64xbf16, #tpu.memory_space<vmem_shared>>) offsets(%dma_start3A_244 : memref<128xi32, #tpu.memory_space<vmem>>) semaphore(%run_scoped3A_237 : memref<!tpu.dma_semaphore, #tpu.memory_space<semaphore_mem>>) {add = true}
            %dma_wait3A_248 = arith.constant 0 : i32
            %dma_wait3A_249 = arith.constant 0 : i32
            %dma_wait3A_250 = tpu.memref_slice %arg8[%run_scoped3A_230, %dma_wait3A_248, %dma_wait3A_249] : memref<4x128x64xbf16, #tpu.memory_space<vmem>> -> memref<1x128x64xbf16, #tpu.memory_space<vmem>>
            %dma_wait3A_251 = tpu.memref_squeeze %dma_wait3A_250 : memref<1x128x64xbf16, #tpu.memory_space<vmem>> -> memref<128x64xbf16, #tpu.memory_space<vmem>>
            %dma_wait3A_252 = arith.constant 0 : i32
            %dma_wait3A_253 = tpu.memref_slice %arg7[%scan3A_131, %dma_wait3A_252] : memref<49x128xi32, #tpu.memory_space<vmem>> -> memref<1x128xi32, #tpu.memory_space<vmem>>
            %dma_wait3A_254 = tpu.memref_squeeze %dma_wait3A_253 : memref<1x128xi32, #tpu.memory_space<vmem>> -> memref<128xi32, #tpu.memory_space<vmem>>
            %dma_wait3A_255 = arith.constant 0 : i32
            %dma_wait3A_256 = arith.constant 0 : i32
            %dma_wait3A_257 = tpu.memref_slice %arg9[%dma_wait3A_255, %dma_wait3A_256] : memref<50176x64xbf16, #tpu.memory_space<vmem_shared>> -> memref<50176x64xbf16, #tpu.memory_space<vmem_shared>>
            tpu.wait_indirect_dma semaphore(%run_scoped3A_237 : memref<!tpu.dma_semaphore, #tpu.memory_space<semaphore_mem>>) src(%dma_wait3A_251 : memref<128x64xbf16, #tpu.memory_space<vmem>>) dst(%dma_wait3A_257 : memref<50176x64xbf16, #tpu.memory_space<vmem_shared>>)
            tpu.yield
          }) : () -> ()
          %add3A_231 = arith.constant 4 : i32
          %add3A_232 = arith.addi %scan3A_131, %add3A_231 : i32
          %lt3A_233 = arith.cmpi slt, %add3A_232, %min3A_76 : i32
          %convert_element_type3A_234 = arith.extui %lt3A_233 : i1 to i32
          %cond3A_235 = arith.constant 0 : i32
          %cond3A_236 = arith.cmpi ne, %convert_element_type3A_234, %cond3A_235 : i32
          scf.if %cond3A_236 {
            %add3A_237 = arith.constant 4 : i32
            %add3A_238 = arith.addi %scan3A_131, %add3A_237 : i32
            %dma_start3A_239 = arith.constant 1 : i32
            %dma_start3A_240 = arith.constant 0 : i32
            %dma_start3A_241 = arith.constant 0 : i32
            %dma_start3A_242 = tpu.memref_slice %arg8[%dma_start3A_239, %dma_start3A_240, %dma_start3A_241] : memref<4x128x64xbf16, #tpu.memory_space<vmem>> -> memref<1x128x64xbf16, #tpu.memory_space<vmem>>
            %dma_start3A_243 = tpu.memref_squeeze %dma_start3A_242 : memref<1x128x64xbf16, #tpu.memory_space<vmem>> -> memref<128x64xbf16, #tpu.memory_space<vmem>>
            %dma_start3A_244 = arith.constant 0 : i32
            %dma_start3A_245 = tpu.memref_slice %arg6[%add3A_238, %dma_start3A_244] : memref<49x128xi32, #tpu.memory_space<vmem>> -> memref<1x128xi32, #tpu.memory_space<vmem>>
            %dma_start3A_246 = tpu.memref_squeeze %dma_start3A_245 : memref<1x128xi32, #tpu.memory_space<vmem>> -> memref<128xi32, #tpu.memory_space<vmem>>
            %dma_start3A_247 = arith.constant 0 : i32
            %dma_start3A_248 = arith.constant 0 : i32
            %dma_start3A_249 = tpu.memref_slice %arg2[%dma_start3A_247, %dma_start3A_248] : memref<50176x64xbf16, #tpu.memory_space<hbm>> -> memref<50176x64xbf16, #tpu.memory_space<hbm>>
            tpu.enqueue_indirect_dma source(%dma_start3A_249 : memref<50176x64xbf16, #tpu.memory_space<hbm>>) target(%dma_start3A_243 : memref<128x64xbf16, #tpu.memory_space<vmem>>) offsets(%dma_start3A_246 : memref<128xi32, #tpu.memory_space<vmem>>) semaphore(%arg10 : memref<!tpu.dma_semaphore, #tpu.memory_space<semaphore_mem>>)
          } else {
          }
        } else {
        }
        %jit3A_174 = arith.constant 4 : i32
        %eq3A_175 = arith.constant 0 : i32
        %eq3A_176 = arith.cmpi eq, %jit3A_174, %eq3A_175 : i32
        %jit3A_177 = arith.constant 1 : i32
        %select_n3A_178 = arith.select %eq3A_176, %jit3A_177, %jit3A_174 : i32
        %rem3A_179 = arith.remsi %scan3A_131, %select_n3A_178 : i32
        %ne3A_180 = arith.constant 0 : i32
        %ne3A_181 = arith.cmpi ne, %rem3A_179, %ne3A_180 : i32
        %lt3A_182 = arith.constant 0 : i32
        %lt3A_183 = arith.cmpi slt, %rem3A_179, %lt3A_182 : i32
        %lt3A_184 = arith.constant 0 : i32
        %lt3A_185 = arith.cmpi slt, %select_n3A_178, %lt3A_184 : i32
        %ne3A_186 = arith.xori %lt3A_183, %lt3A_185 : i1
        %and3A_187 = arith.andi %ne3A_186, %ne3A_181 : i1
        %add3A_188 = arith.addi %rem3A_179, %select_n3A_178 : i32
        %select_n3A_189 = arith.select %and3A_187, %add3A_188, %rem3A_179 : i32
        %eq3A_190 = arith.constant 2 : i32
        %eq3A_191 = arith.cmpi eq, %select_n3A_189, %eq3A_190 : i32
        %lt3A_192 = arith.cmpi slt, %scan3A_131, %min3A_76 : i32
        %and3A_193 = arith.andi %eq3A_191, %lt3A_192 : i1
        %convert_element_type3A_194 = arith.extui %and3A_193 : i1 to i32
        %cond3A_195 = arith.constant 0 : i32
        %cond3A_196 = arith.cmpi ne, %convert_element_type3A_194, %cond3A_195 : i32
        scf.if %cond3A_196 {
          %dma_wait3A = arith.constant 2 : i32
          %dma_wait3A_220 = arith.constant 0 : i32
          %dma_wait3A_221 = arith.constant 0 : i32
          %dma_wait3A_222 = tpu.memref_slice %arg8[%dma_wait3A, %dma_wait3A_220, %dma_wait3A_221] : memref<4x128x64xbf16, #tpu.memory_space<vmem>> -> memref<1x128x64xbf16, #tpu.memory_space<vmem>>
          %dma_wait3A_223 = tpu.memref_squeeze %dma_wait3A_222 : memref<1x128x64xbf16, #tpu.memory_space<vmem>> -> memref<128x64xbf16, #tpu.memory_space<vmem>>
          %dma_wait3A_224 = arith.constant 0 : i32
          %dma_wait3A_225 = tpu.memref_slice %arg6[%scan3A_131, %dma_wait3A_224] : memref<49x128xi32, #tpu.memory_space<vmem>> -> memref<1x128xi32, #tpu.memory_space<vmem>>
          %dma_wait3A_226 = tpu.memref_squeeze %dma_wait3A_225 : memref<1x128xi32, #tpu.memory_space<vmem>> -> memref<128xi32, #tpu.memory_space<vmem>>
          %dma_wait3A_227 = arith.constant 0 : i32
          %dma_wait3A_228 = arith.constant 0 : i32
          %dma_wait3A_229 = tpu.memref_slice %arg2[%dma_wait3A_227, %dma_wait3A_228] : memref<50176x64xbf16, #tpu.memory_space<hbm>> -> memref<50176x64xbf16, #tpu.memory_space<hbm>>
          tpu.wait_indirect_dma semaphore(%arg10 : memref<!tpu.dma_semaphore, #tpu.memory_space<semaphore_mem>>) src(%dma_wait3A_229 : memref<50176x64xbf16, #tpu.memory_space<hbm>>) dst(%dma_wait3A_223 : memref<128x64xbf16, #tpu.memory_space<vmem>>)
          %run_scoped3A_230 = arith.constant 2 : i32
          "tpu.region"() ({
            %run_scoped3A_237 = tpu.sem_alloc : memref<!tpu.dma_semaphore, #tpu.memory_space<semaphore_mem>>
            %dma_start3A_238 = arith.constant 0 : i32
            %dma_start3A_239 = arith.constant 0 : i32
            %dma_start3A_240 = tpu.memref_slice %arg8[%run_scoped3A_230, %dma_start3A_238, %dma_start3A_239] : memref<4x128x64xbf16, #tpu.memory_space<vmem>> -> memref<1x128x64xbf16, #tpu.memory_space<vmem>>
            %dma_start3A_241 = tpu.memref_squeeze %dma_start3A_240 : memref<1x128x64xbf16, #tpu.memory_space<vmem>> -> memref<128x64xbf16, #tpu.memory_space<vmem>>
            %dma_start3A_242 = arith.constant 0 : i32
            %dma_start3A_243 = tpu.memref_slice %arg7[%scan3A_131, %dma_start3A_242] : memref<49x128xi32, #tpu.memory_space<vmem>> -> memref<1x128xi32, #tpu.memory_space<vmem>>
            %dma_start3A_244 = tpu.memref_squeeze %dma_start3A_243 : memref<1x128xi32, #tpu.memory_space<vmem>> -> memref<128xi32, #tpu.memory_space<vmem>>
            %dma_start3A_245 = arith.constant 0 : i32
            %dma_start3A_246 = arith.constant 0 : i32
            %dma_start3A_247 = tpu.memref_slice %arg9[%dma_start3A_245, %dma_start3A_246] : memref<50176x64xbf16, #tpu.memory_space<vmem_shared>> -> memref<50176x64xbf16, #tpu.memory_space<vmem_shared>>
            tpu.enqueue_indirect_dma source(%dma_start3A_241 : memref<128x64xbf16, #tpu.memory_space<vmem>>) target(%dma_start3A_247 : memref<50176x64xbf16, #tpu.memory_space<vmem_shared>>) offsets(%dma_start3A_244 : memref<128xi32, #tpu.memory_space<vmem>>) semaphore(%run_scoped3A_237 : memref<!tpu.dma_semaphore, #tpu.memory_space<semaphore_mem>>) {add = true}
            %dma_wait3A_248 = arith.constant 0 : i32
            %dma_wait3A_249 = arith.constant 0 : i32
            %dma_wait3A_250 = tpu.memref_slice %arg8[%run_scoped3A_230, %dma_wait3A_248, %dma_wait3A_249] : memref<4x128x64xbf16, #tpu.memory_space<vmem>> -> memref<1x128x64xbf16, #tpu.memory_space<vmem>>
            %dma_wait3A_251 = tpu.memref_squeeze %dma_wait3A_250 : memref<1x128x64xbf16, #tpu.memory_space<vmem>> -> memref<128x64xbf16, #tpu.memory_space<vmem>>
            %dma_wait3A_252 = arith.constant 0 : i32
            %dma_wait3A_253 = tpu.memref_slice %arg7[%scan3A_131, %dma_wait3A_252] : memref<49x128xi32, #tpu.memory_space<vmem>> -> memref<1x128xi32, #tpu.memory_space<vmem>>
            %dma_wait3A_254 = tpu.memref_squeeze %dma_wait3A_253 : memref<1x128xi32, #tpu.memory_space<vmem>> -> memref<128xi32, #tpu.memory_space<vmem>>
            %dma_wait3A_255 = arith.constant 0 : i32
            %dma_wait3A_256 = arith.constant 0 : i32
            %dma_wait3A_257 = tpu.memref_slice %arg9[%dma_wait3A_255, %dma_wait3A_256] : memref<50176x64xbf16, #tpu.memory_space<vmem_shared>> -> memref<50176x64xbf16, #tpu.memory_space<vmem_shared>>
            tpu.wait_indirect_dma semaphore(%run_scoped3A_237 : memref<!tpu.dma_semaphore, #tpu.memory_space<semaphore_mem>>) src(%dma_wait3A_251 : memref<128x64xbf16, #tpu.memory_space<vmem>>) dst(%dma_wait3A_257 : memref<50176x64xbf16, #tpu.memory_space<vmem_shared>>)
            tpu.yield
          }) : () -> ()
          %add3A_231 = arith.constant 4 : i32
          %add3A_232 = arith.addi %scan3A_131, %add3A_231 : i32
          %lt3A_233 = arith.cmpi slt, %add3A_232, %min3A_76 : i32
          %convert_element_type3A_234 = arith.extui %lt3A_233 : i1 to i32
          %cond3A_235 = arith.constant 0 : i32
          %cond3A_236 = arith.cmpi ne, %convert_element_type3A_234, %cond3A_235 : i32
          scf.if %cond3A_236 {
            %add3A_237 = arith.constant 4 : i32
            %add3A_238 = arith.addi %scan3A_131, %add3A_237 : i32
            %dma_start3A_239 = arith.constant 2 : i32
            %dma_start3A_240 = arith.constant 0 : i32
            %dma_start3A_241 = arith.constant 0 : i32
            %dma_start3A_242 = tpu.memref_slice %arg8[%dma_start3A_239, %dma_start3A_240, %dma_start3A_241] : memref<4x128x64xbf16, #tpu.memory_space<vmem>> -> memref<1x128x64xbf16, #tpu.memory_space<vmem>>
            %dma_start3A_243 = tpu.memref_squeeze %dma_start3A_242 : memref<1x128x64xbf16, #tpu.memory_space<vmem>> -> memref<128x64xbf16, #tpu.memory_space<vmem>>
            %dma_start3A_244 = arith.constant 0 : i32
            %dma_start3A_245 = tpu.memref_slice %arg6[%add3A_238, %dma_start3A_244] : memref<49x128xi32, #tpu.memory_space<vmem>> -> memref<1x128xi32, #tpu.memory_space<vmem>>
            %dma_start3A_246 = tpu.memref_squeeze %dma_start3A_245 : memref<1x128xi32, #tpu.memory_space<vmem>> -> memref<128xi32, #tpu.memory_space<vmem>>
            %dma_start3A_247 = arith.constant 0 : i32
            %dma_start3A_248 = arith.constant 0 : i32
            %dma_start3A_249 = tpu.memref_slice %arg2[%dma_start3A_247, %dma_start3A_248] : memref<50176x64xbf16, #tpu.memory_space<hbm>> -> memref<50176x64xbf16, #tpu.memory_space<hbm>>
            tpu.enqueue_indirect_dma source(%dma_start3A_249 : memref<50176x64xbf16, #tpu.memory_space<hbm>>) target(%dma_start3A_243 : memref<128x64xbf16, #tpu.memory_space<vmem>>) offsets(%dma_start3A_246 : memref<128xi32, #tpu.memory_space<vmem>>) semaphore(%arg10 : memref<!tpu.dma_semaphore, #tpu.memory_space<semaphore_mem>>)
          } else {
          }
        } else {
        }
        %jit3A_197 = arith.constant 4 : i32
        %eq3A_198 = arith.constant 0 : i32
        %eq3A_199 = arith.cmpi eq, %jit3A_197, %eq3A_198 : i32
        %jit3A_200 = arith.constant 1 : i32
        %select_n3A_201 = arith.select %eq3A_199, %jit3A_200, %jit3A_197 : i32
        %rem3A_202 = arith.remsi %scan3A_131, %select_n3A_201 : i32
        %ne3A_203 = arith.constant 0 : i32
        %ne3A_204 = arith.cmpi ne, %rem3A_202, %ne3A_203 : i32
        %lt3A_205 = arith.constant 0 : i32
        %lt3A_206 = arith.cmpi slt, %rem3A_202, %lt3A_205 : i32
        %lt3A_207 = arith.constant 0 : i32
        %lt3A_208 = arith.cmpi slt, %select_n3A_201, %lt3A_207 : i32
        %ne3A_209 = arith.xori %lt3A_206, %lt3A_208 : i1
        %and3A_210 = arith.andi %ne3A_209, %ne3A_204 : i1
        %add3A_211 = arith.addi %rem3A_202, %select_n3A_201 : i32
        %select_n3A_212 = arith.select %and3A_210, %add3A_211, %rem3A_202 : i32
        %eq3A_213 = arith.constant 3 : i32
        %eq3A_214 = arith.cmpi eq, %select_n3A_212, %eq3A_213 : i32
        %lt3A_215 = arith.cmpi slt, %scan3A_131, %min3A_76 : i32
        %and3A_216 = arith.andi %eq3A_214, %lt3A_215 : i1
        %convert_element_type3A_217 = arith.extui %and3A_216 : i1 to i32
        %cond3A_218 = arith.constant 0 : i32
        %cond3A_219 = arith.cmpi ne, %convert_element_type3A_217, %cond3A_218 : i32
        scf.if %cond3A_219 {
          %dma_wait3A = arith.constant 3 : i32
          %dma_wait3A_220 = arith.constant 0 : i32
          %dma_wait3A_221 = arith.constant 0 : i32
          %dma_wait3A_222 = tpu.memref_slice %arg8[%dma_wait3A, %dma_wait3A_220, %dma_wait3A_221] : memref<4x128x64xbf16, #tpu.memory_space<vmem>> -> memref<1x128x64xbf16, #tpu.memory_space<vmem>>
          %dma_wait3A_223 = tpu.memref_squeeze %dma_wait3A_222 : memref<1x128x64xbf16, #tpu.memory_space<vmem>> -> memref<128x64xbf16, #tpu.memory_space<vmem>>
          %dma_wait3A_224 = arith.constant 0 : i32
          %dma_wait3A_225 = tpu.memref_slice %arg6[%scan3A_131, %dma_wait3A_224] : memref<49x128xi32, #tpu.memory_space<vmem>> -> memref<1x128xi32, #tpu.memory_space<vmem>>
          %dma_wait3A_226 = tpu.memref_squeeze %dma_wait3A_225 : memref<1x128xi32, #tpu.memory_space<vmem>> -> memref<128xi32, #tpu.memory_space<vmem>>
          %dma_wait3A_227 = arith.constant 0 : i32
          %dma_wait3A_228 = arith.constant 0 : i32
          %dma_wait3A_229 = tpu.memref_slice %arg2[%dma_wait3A_227, %dma_wait3A_228] : memref<50176x64xbf16, #tpu.memory_space<hbm>> -> memref<50176x64xbf16, #tpu.memory_space<hbm>>
          tpu.wait_indirect_dma semaphore(%arg10 : memref<!tpu.dma_semaphore, #tpu.memory_space<semaphore_mem>>) src(%dma_wait3A_229 : memref<50176x64xbf16, #tpu.memory_space<hbm>>) dst(%dma_wait3A_223 : memref<128x64xbf16, #tpu.memory_space<vmem>>)
          %run_scoped3A_230 = arith.constant 3 : i32
          "tpu.region"() ({
            %run_scoped3A_237 = tpu.sem_alloc : memref<!tpu.dma_semaphore, #tpu.memory_space<semaphore_mem>>
            %dma_start3A_238 = arith.constant 0 : i32
            %dma_start3A_239 = arith.constant 0 : i32
            %dma_start3A_240 = tpu.memref_slice %arg8[%run_scoped3A_230, %dma_start3A_238, %dma_start3A_239] : memref<4x128x64xbf16, #tpu.memory_space<vmem>> -> memref<1x128x64xbf16, #tpu.memory_space<vmem>>
            %dma_start3A_241 = tpu.memref_squeeze %dma_start3A_240 : memref<1x128x64xbf16, #tpu.memory_space<vmem>> -> memref<128x64xbf16, #tpu.memory_space<vmem>>
            %dma_start3A_242 = arith.constant 0 : i32
            %dma_start3A_243 = tpu.memref_slice %arg7[%scan3A_131, %dma_start3A_242] : memref<49x128xi32, #tpu.memory_space<vmem>> -> memref<1x128xi32, #tpu.memory_space<vmem>>
            %dma_start3A_244 = tpu.memref_squeeze %dma_start3A_243 : memref<1x128xi32, #tpu.memory_space<vmem>> -> memref<128xi32, #tpu.memory_space<vmem>>
            %dma_start3A_245 = arith.constant 0 : i32
            %dma_start3A_246 = arith.constant 0 : i32
            %dma_start3A_247 = tpu.memref_slice %arg9[%dma_start3A_245, %dma_start3A_246] : memref<50176x64xbf16, #tpu.memory_space<vmem_shared>> -> memref<50176x64xbf16, #tpu.memory_space<vmem_shared>>
            tpu.enqueue_indirect_dma source(%dma_start3A_241 : memref<128x64xbf16, #tpu.memory_space<vmem>>) target(%dma_start3A_247 : memref<50176x64xbf16, #tpu.memory_space<vmem_shared>>) offsets(%dma_start3A_244 : memref<128xi32, #tpu.memory_space<vmem>>) semaphore(%run_scoped3A_237 : memref<!tpu.dma_semaphore, #tpu.memory_space<semaphore_mem>>) {add = true}
            %dma_wait3A_248 = arith.constant 0 : i32
            %dma_wait3A_249 = arith.constant 0 : i32
            %dma_wait3A_250 = tpu.memref_slice %arg8[%run_scoped3A_230, %dma_wait3A_248, %dma_wait3A_249] : memref<4x128x64xbf16, #tpu.memory_space<vmem>> -> memref<1x128x64xbf16, #tpu.memory_space<vmem>>
            %dma_wait3A_251 = tpu.memref_squeeze %dma_wait3A_250 : memref<1x128x64xbf16, #tpu.memory_space<vmem>> -> memref<128x64xbf16, #tpu.memory_space<vmem>>
            %dma_wait3A_252 = arith.constant 0 : i32
            %dma_wait3A_253 = tpu.memref_slice %arg7[%scan3A_131, %dma_wait3A_252] : memref<49x128xi32, #tpu.memory_space<vmem>> -> memref<1x128xi32, #tpu.memory_space<vmem>>
            %dma_wait3A_254 = tpu.memref_squeeze %dma_wait3A_253 : memref<1x128xi32, #tpu.memory_space<vmem>> -> memref<128xi32, #tpu.memory_space<vmem>>
            %dma_wait3A_255 = arith.constant 0 : i32
            %dma_wait3A_256 = arith.constant 0 : i32
            %dma_wait3A_257 = tpu.memref_slice %arg9[%dma_wait3A_255, %dma_wait3A_256] : memref<50176x64xbf16, #tpu.memory_space<vmem_shared>> -> memref<50176x64xbf16, #tpu.memory_space<vmem_shared>>
            tpu.wait_indirect_dma semaphore(%run_scoped3A_237 : memref<!tpu.dma_semaphore, #tpu.memory_space<semaphore_mem>>) src(%dma_wait3A_251 : memref<128x64xbf16, #tpu.memory_space<vmem>>) dst(%dma_wait3A_257 : memref<50176x64xbf16, #tpu.memory_space<vmem_shared>>)
            tpu.yield
          }) : () -> ()
          %add3A_231 = arith.constant 4 : i32
          %add3A_232 = arith.addi %scan3A_131, %add3A_231 : i32
          %lt3A_233 = arith.cmpi slt, %add3A_232, %min3A_76 : i32
          %convert_element_type3A_234 = arith.extui %lt3A_233 : i1 to i32
          %cond3A_235 = arith.constant 0 : i32
          %cond3A_236 = arith.cmpi ne, %convert_element_type3A_234, %cond3A_235 : i32
          scf.if %cond3A_236 {
            %add3A_237 = arith.constant 4 : i32
            %add3A_238 = arith.addi %scan3A_131, %add3A_237 : i32
            %dma_start3A_239 = arith.constant 3 : i32
            %dma_start3A_240 = arith.constant 0 : i32
            %dma_start3A_241 = arith.constant 0 : i32
            %dma_start3A_242 = tpu.memref_slice %arg8[%dma_start3A_239, %dma_start3A_240, %dma_start3A_241] : memref<4x128x64xbf16, #tpu.memory_space<vmem>> -> memref<1x128x64xbf16, #tpu.memory_space<vmem>>
            %dma_start3A_243 = tpu.memref_squeeze %dma_start3A_242 : memref<1x128x64xbf16, #tpu.memory_space<vmem>> -> memref<128x64xbf16, #tpu.memory_space<vmem>>
            %dma_start3A_244 = arith.constant 0 : i32
            %dma_start3A_245 = tpu.memref_slice %arg6[%add3A_238, %dma_start3A_244] : memref<49x128xi32, #tpu.memory_space<vmem>> -> memref<1x128xi32, #tpu.memory_space<vmem>>
            %dma_start3A_246 = tpu.memref_squeeze %dma_start3A_245 : memref<1x128xi32, #tpu.memory_space<vmem>> -> memref<128xi32, #tpu.memory_space<vmem>>
            %dma_start3A_247 = arith.constant 0 : i32
            %dma_start3A_248 = arith.constant 0 : i32
            %dma_start3A_249 = tpu.memref_slice %arg2[%dma_start3A_247, %dma_start3A_248] : memref<50176x64xbf16, #tpu.memory_space<hbm>> -> memref<50176x64xbf16, #tpu.memory_space<hbm>>
            tpu.enqueue_indirect_dma source(%dma_start3A_249 : memref<50176x64xbf16, #tpu.memory_space<hbm>>) target(%dma_start3A_243 : memref<128x64xbf16, #tpu.memory_space<vmem>>) offsets(%dma_start3A_246 : memref<128xi32, #tpu.memory_space<vmem>>) semaphore(%arg10 : memref<!tpu.dma_semaphore, #tpu.memory_space<semaphore_mem>>)
          } else {
          }
        } else {
        }
      }
      %scan3A_130 = arith.constant 49 : i32
    }
    %scan3A_58 = arith.constant 2 : i32
    %barrier3A_59 = arith.constant 0 : index
    tpu.barrier barrier_id(%barrier3A_59)
    %mul3A_60 = arith.constant 3136 : i32
    %mul3A_61 = arith.muli %arg1, %mul3A_60 : i32
    %add3A_62 = arith.constant 0 : i32
    %add3A_63 = arith.addi %add3A_62, %mul3A_61 : i32
    %mul3A_64 = arith.constant 50176 : i32
    %mul3A_65 = arith.muli %arg0, %mul3A_64 : i32
    %mul3A_66 = arith.constant 3136 : i32
    %mul3A_67 = arith.muli %arg1, %mul3A_66 : i32
    %add3A_68 = arith.addi %mul3A_65, %mul3A_67 : i32
    "tpu.region"() ({
      %run_scoped3A = tpu.sem_alloc : memref<!tpu.dma_semaphore, #tpu.memory_space<semaphore_mem>>
      %dma_start3A = arith.constant 0 : i32
      %dma_start3A_69 = tpu.memref_slice %arg5[%add3A_68, %dma_start3A] : memref<100352x64xbf16, #tpu.memory_space<hbm>> -> memref<3136x64xbf16, #tpu.memory_space<hbm>>
      %dma_start3A_70 = arith.constant 0 : i32
      %dma_start3A_71 = tpu.memref_slice %arg9[%add3A_63, %dma_start3A_70] : memref<50176x64xbf16, #tpu.memory_space<vmem_shared>> -> memref<3136x64xbf16, #tpu.memory_space<vmem_shared>>
      tpu.enqueue_dma source(%dma_start3A_71 : memref<3136x64xbf16, #tpu.memory_space<vmem_shared>>) target(%dma_start3A_69 : memref<3136x64xbf16, #tpu.memory_space<hbm>>) target_semaphore(%run_scoped3A : memref<!tpu.dma_semaphore, #tpu.memory_space<semaphore_mem>>)
      %dma_wait3A = arith.constant 0 : i32
      %dma_wait3A_72 = tpu.memref_slice %arg5[%add3A_68, %dma_wait3A] : memref<100352x64xbf16, #tpu.memory_space<hbm>> -> memref<3136x64xbf16, #tpu.memory_space<hbm>>
      %dma_wait3A_73 = arith.constant 0 : i32
      %dma_wait3A_74 = tpu.memref_slice %arg9[%add3A_63, %dma_wait3A_73] : memref<50176x64xbf16, #tpu.memory_space<vmem_shared>> -> memref<3136x64xbf16, #tpu.memory_space<vmem_shared>>
      tpu.wait_dma2 semaphore(%run_scoped3A : memref<!tpu.dma_semaphore, #tpu.memory_space<semaphore_mem>>) src(%dma_wait3A_74 : memref<3136x64xbf16, #tpu.memory_space<vmem_shared>>) dst(%dma_wait3A_72 : memref<3136x64xbf16, #tpu.memory_space<hbm>>)
      tpu.yield
    }) : () -> ()
    return
  }
}

#map = affine_map<(d0, d1) -> (0, 0)>
#map1 = affine_map<(d0, d1) -> (0, 0, 0)>
module attributes {stable_mosaic.version = 14 : i64} {
  func.func @seg_sum(%arg0: i32, %arg1: i32, %arg2: memref<25088x64xbf16, #tpu.memory_space<hbm>>, %arg3: memref<4x3125x128xi32, #tpu.memory_space<hbm>>, %arg4: memref<25088x64xbf16, #tpu.memory_space<hbm>>, %arg5: memref<50176x64xbf16, #tpu.memory_space<hbm>>, %arg6: memref<49x128xi32, #tpu.memory_space<vmem>>, %arg7: memref<49x128xi32, #tpu.memory_space<vmem>>, %arg8: memref<4x128x64xbf16, #tpu.memory_space<vmem>>, %arg9: memref<50176x64xbf16, #tpu.memory_space<vmem_shared>>, %arg10: memref<!tpu.dma_semaphore, #tpu.memory_space<semaphore_mem>>) attributes {dimension_semantics = [#tpu.dimension_semantics<core_parallel>, #tpu.dimension_semantics<subcore_parallel>], iteration_bounds = array<i64: 2, 16>, scalar_prefetch = 0 : i64, scratch_operands = 5 : i64, tpu.core_type = #tpu.core_type<sc_vector_subcore>, window_params = [{transform_indices = #map}, {transform_indices = #map1}, {transform_indices = #map}, {transform_indices = #map}]} {
    %mul3A = arith.constant 16 : i32
    %mul3A_0 = arith.muli %arg0, %mul3A : i32
    %add3A = arith.addi %mul3A_0, %arg1 : i32
    %mul3A_1 = arith.constant 3125 : i32
    %mul3A_2 = arith.muli %add3A, %mul3A_1 : i32
    %jit3A = arith.constant 32 : i32
    %div3A = arith.divsi %mul3A_2, %jit3A : i32
    %sign3A = arith.constant 0 : i32
    %sign3A_3 = arith.cmpi sgt, %mul3A_2, %sign3A : i32
    %sign3A_4 = arith.extui %sign3A_3 : i1 to i32
    %sign3A_5 = arith.constant 0 : i32
    %sign3A_6 = arith.cmpi slt, %mul3A_2, %sign3A_5 : i32
    %sign3A_7 = arith.extui %sign3A_6 : i1 to i32
    %sign3A_8 = arith.subi %sign3A_4, %sign3A_7 : i32
    %sign3A_9 = arith.constant 0 : i32
    %sign3A_10 = arith.cmpi sgt, %jit3A, %sign3A_9 : i32
    %sign3A_11 = arith.extui %sign3A_10 : i1 to i32
    %sign3A_12 = arith.constant 0 : i32
    %sign3A_13 = arith.cmpi slt, %jit3A, %sign3A_12 : i32
    %sign3A_14 = arith.extui %sign3A_13 : i1 to i32
    %sign3A_15 = arith.subi %sign3A_11, %sign3A_14 : i32
    %ne3A = arith.cmpi ne, %sign3A_8, %sign3A_15 : i32
    %rem3A = arith.remsi %mul3A_2, %jit3A : i32
    %ne3A_16 = arith.constant 0 : i32
    %ne3A_17 = arith.cmpi ne, %rem3A, %ne3A_16 : i32
    %and3A = arith.andi %ne3A, %ne3A_17 : i1
    %sub3A = arith.constant 1 : i32
    %sub3A_18 = arith.subi %div3A, %sub3A : i32
    %select_n3A = arith.select %and3A, %sub3A_18, %div3A : i32
    %add3A_19 = arith.constant 1 : i32
    %add3A_20 = arith.addi %add3A, %add3A_19 : i32
    %mul3A_21 = arith.constant 3125 : i32
    %mul3A_22 = arith.muli %add3A_20, %mul3A_21 : i32
    %jit3A_23 = arith.constant 32 : i32
    %div3A_24 = arith.divsi %mul3A_22, %jit3A_23 : i32
    %sign3A_25 = arith.constant 0 : i32
    %sign3A_26 = arith.cmpi sgt, %mul3A_22, %sign3A_25 : i32
    %sign3A_27 = arith.extui %sign3A_26 : i1 to i32
    %sign3A_28 = arith.constant 0 : i32
    %sign3A_29 = arith.cmpi slt, %mul3A_22, %sign3A_28 : i32
    %sign3A_30 = arith.extui %sign3A_29 : i1 to i32
    %sign3A_31 = arith.subi %sign3A_27, %sign3A_30 : i32
    %sign3A_32 = arith.constant 0 : i32
    %sign3A_33 = arith.cmpi sgt, %jit3A_23, %sign3A_32 : i32
    %sign3A_34 = arith.extui %sign3A_33 : i1 to i32
    %sign3A_35 = arith.constant 0 : i32
    %sign3A_36 = arith.cmpi slt, %jit3A_23, %sign3A_35 : i32
    %sign3A_37 = arith.extui %sign3A_36 : i1 to i32
    %sign3A_38 = arith.subi %sign3A_34, %sign3A_37 : i32
    %ne3A_39 = arith.cmpi ne, %sign3A_31, %sign3A_38 : i32
    %rem3A_40 = arith.remsi %mul3A_22, %jit3A_23 : i32
    %ne3A_41 = arith.constant 0 : i32
    %ne3A_42 = arith.cmpi ne, %rem3A_40, %ne3A_41 : i32
    %and3A_43 = arith.andi %ne3A_39, %ne3A_42 : i1
    %sub3A_44 = arith.constant 1 : i32
    %sub3A_45 = arith.subi %div3A_24, %sub3A_44 : i32
    %select_n3A_46 = arith.select %and3A_43, %sub3A_45, %div3A_24 : i32
    %sub3A_47 = arith.subi %select_n3A_46, %select_n3A : i32
    %mul3A_48 = arith.constant 1568 : i32
    %mul3A_49 = arith.muli %arg1, %mul3A_48 : i32
    %mul3A_50 = arith.constant 1568 : i32
    %mul3A_51 = arith.muli %arg1, %mul3A_50 : i32
    %add3A_52 = arith.constant 25000 : i32
    %add3A_53 = arith.addi %add3A_52, %mul3A_51 : i32
    "tpu.region"() ({
      %run_scoped3A = tpu.sem_alloc : memref<!tpu.dma_semaphore, #tpu.memory_space<semaphore_mem>>
      %dma_start3A = arith.constant 0 : i32
      %dma_start3A_69 = tpu.memref_slice %arg9[%add3A_53, %dma_start3A] : memref<50176x64xbf16, #tpu.memory_space<vmem_shared>> -> memref<1568x64xbf16, #tpu.memory_space<vmem_shared>>
      %dma_start3A_70 = arith.constant 0 : i32
      %dma_start3A_71 = tpu.memref_slice %arg4[%mul3A_49, %dma_start3A_70] : memref<25088x64xbf16, #tpu.memory_space<hbm>> -> memref<1568x64xbf16, #tpu.memory_space<hbm>>
      tpu.enqueue_dma source(%dma_start3A_71 : memref<1568x64xbf16, #tpu.memory_space<hbm>>) target(%dma_start3A_69 : memref<1568x64xbf16, #tpu.memory_space<vmem_shared>>) target_semaphore(%run_scoped3A : memref<!tpu.dma_semaphore, #tpu.memory_space<semaphore_mem>>)
      %dma_wait3A = arith.constant 0 : i32
      %dma_wait3A_72 = tpu.memref_slice %arg9[%add3A_53, %dma_wait3A] : memref<50176x64xbf16, #tpu.memory_space<vmem_shared>> -> memref<1568x64xbf16, #tpu.memory_space<vmem_shared>>
      %dma_wait3A_73 = arith.constant 0 : i32
      %dma_wait3A_74 = tpu.memref_slice %arg4[%mul3A_49, %dma_wait3A_73] : memref<25088x64xbf16, #tpu.memory_space<hbm>> -> memref<1568x64xbf16, #tpu.memory_space<hbm>>
      tpu.wait_dma2 semaphore(%run_scoped3A : memref<!tpu.dma_semaphore, #tpu.memory_space<semaphore_mem>>) src(%dma_wait3A_74 : memref<1568x64xbf16, #tpu.memory_space<hbm>>) dst(%dma_wait3A_72 : memref<1568x64xbf16, #tpu.memory_space<vmem_shared>>)
      tpu.yield
    }) : () -> ()
    %barrier3A = arith.constant 0 : index
    tpu.barrier barrier_id(%barrier3A)
    %scan3A = arith.constant 0 : i32
    %scan3A_54 = arith.constant 0 : i32
    %scan3A_55 = arith.constant 2 : i32
    %scan3A_56 = arith.addi %scan3A_54, %scan3A_55 : i32
    %scan3A_57 = arith.constant 1 : i32
    scf.for %scan3A_69 = %scan3A_54 to %scan3A_56 step %scan3A_57  : i32 {
      %mul3A_70 = arith.constant 49 : i32
      %mul3A_71 = arith.muli %scan3A_69, %mul3A_70 : i32
      %add3A_72 = arith.addi %select_n3A, %mul3A_71 : i32
      %mul3A_73 = arith.constant 49 : i32
      %mul3A_74 = arith.muli %scan3A_69, %mul3A_73 : i32
      %sub3A_75 = arith.subi %sub3A_47, %mul3A_74 : i32
      %min3A = arith.constant 49 : i32
      %min3A_76 = arith.minsi %sub3A_75, %min3A : i32
      %run_scoped3A = arith.constant 2 : i32
      "tpu.region"() ({
        %run_scoped3A_137 = tpu.sem_alloc : memref<!tpu.dma_semaphore, #tpu.memory_space<semaphore_mem>>
        %dma_start3A_138 = arith.constant 0 : i32
        %dma_start3A_139 = tpu.memref_slice %arg3[%run_scoped3A, %add3A_72, %dma_start3A_138] : memref<4x3125x128xi32, #tpu.memory_space<hbm>> -> memref<1x49x128xi32, #tpu.memory_space<hbm>>
        %dma_start3A_140 = tpu.memref_squeeze %dma_start3A_139 : memref<1x49x128xi32, #tpu.memory_space<hbm>> -> memref<49x128xi32, #tpu.memory_space<hbm>>
        %dma_start3A_141 = arith.constant 0 : i32
        %dma_start3A_142 = tpu.memref_slice %arg3[%run_scoped3A, %add3A_72, %dma_start3A_141] : memref<4x3125x128xi32, #tpu.memory_space<hbm>> -> memref<1x49x128xi32, #tpu.memory_space<hbm>>
        %dma_start3A_143 = tpu.memref_squeeze %dma_start3A_142 : memref<1x49x128xi32, #tpu.memory_space<hbm>> -> memref<49x128xi32, #tpu.memory_space<hbm>>
        tpu.enqueue_dma source(%dma_start3A_143 : memref<49x128xi32, #tpu.memory_space<hbm>>) target(%arg6 : memref<49x128xi32, #tpu.memory_space<vmem>>) target_semaphore(%run_scoped3A_137 : memref<!tpu.dma_semaphore, #tpu.memory_space<semaphore_mem>>)
        %dma_wait3A = arith.constant 0 : i32
        %dma_wait3A_144 = tpu.memref_slice %arg3[%run_scoped3A, %add3A_72, %dma_wait3A] : memref<4x3125x128xi32, #tpu.memory_space<hbm>> -> memref<1x49x128xi32, #tpu.memory_space<hbm>>
        %dma_wait3A_145 = tpu.memref_squeeze %dma_wait3A_144 : memref<1x49x128xi32, #tpu.memory_space<hbm>> -> memref<49x128xi32, #tpu.memory_space<hbm>>
        %dma_wait3A_146 = arith.constant 0 : i32
        %dma_wait3A_147 = tpu.memref_slice %arg3[%run_scoped3A, %add3A_72, %dma_wait3A_146] : memref<4x3125x128xi32, #tpu.memory_space<hbm>> -> memref<1x49x128xi32, #tpu.memory_space<hbm>>
        %dma_wait3A_148 = tpu.memref_squeeze %dma_wait3A_147 : memref<1x49x128xi32, #tpu.memory_space<hbm>> -> memref<49x128xi32, #tpu.memory_space<hbm>>
        tpu.wait_dma2 semaphore(%run_scoped3A_137 : memref<!tpu.dma_semaphore, #tpu.memory_space<semaphore_mem>>) src(%dma_wait3A_148 : memref<49x128xi32, #tpu.memory_space<hbm>>) dst(%arg6 : memref<49x128xi32, #tpu.memory_space<vmem>>)
        tpu.yield
      }) : () -> ()
      %run_scoped3A_77 = arith.constant 3 : i32
      "tpu.region"() ({
        %run_scoped3A_137 = tpu.sem_alloc : memref<!tpu.dma_semaphore, #tpu.memory_space<semaphore_mem>>
        %dma_start3A_138 = arith.constant 0 : i32
        %dma_start3A_139 = tpu.memref_slice %arg3[%run_scoped3A_77, %add3A_72, %dma_start3A_138] : memref<4x3125x128xi32, #tpu.memory_space<hbm>> -> memref<1x49x128xi32, #tpu.memory_space<hbm>>
        %dma_start3A_140 = tpu.memref_squeeze %dma_start3A_139 : memref<1x49x128xi32, #tpu.memory_space<hbm>> -> memref<49x128xi32, #tpu.memory_space<hbm>>
        %dma_start3A_141 = arith.constant 0 : i32
        %dma_start3A_142 = tpu.memref_slice %arg3[%run_scoped3A_77, %add3A_72, %dma_start3A_141] : memref<4x3125x128xi32, #tpu.memory_space<hbm>> -> memref<1x49x128xi32, #tpu.memory_space<hbm>>
        %dma_start3A_143 = tpu.memref_squeeze %dma_start3A_142 : memref<1x49x128xi32, #tpu.memory_space<hbm>> -> memref<49x128xi32, #tpu.memory_space<hbm>>
        tpu.enqueue_dma source(%dma_start3A_143 : memref<49x128xi32, #tpu.memory_space<hbm>>) target(%arg7 : memref<49x128xi32, #tpu.memory_space<vmem>>) target_semaphore(%run_scoped3A_137 : memref<!tpu.dma_semaphore, #tpu.memory_space<semaphore_mem>>)
        %dma_wait3A = arith.constant 0 : i32
        %dma_wait3A_144 = tpu.memref_slice %arg3[%run_scoped3A_77, %add3A_72, %dma_wait3A] : memref<4x3125x128xi32, #tpu.memory_space<hbm>> -> memref<1x49x128xi32, #tpu.memory_space<hbm>>
        %dma_wait3A_145 = tpu.memref_squeeze %dma_wait3A_144 : memref<1x49x128xi32, #tpu.memory_space<hbm>> -> memref<49x128xi32, #tpu.memory_space<hbm>>
        %dma_wait3A_146 = arith.constant 0 : i32
        %dma_wait3A_147 = tpu.memref_slice %arg3[%run_scoped3A_77, %add3A_72, %dma_wait3A_146] : memref<4x3125x128xi32, #tpu.memory_space<hbm>> -> memref<1x49x128xi32, #tpu.memory_space<hbm>>
        %dma_wait3A_148 = tpu.memref_squeeze %dma_wait3A_147 : memref<1x49x128xi32, #tpu.memory_space<hbm>> -> memref<49x128xi32, #tpu.memory_space<hbm>>
        tpu.wait_dma2 semaphore(%run_scoped3A_137 : memref<!tpu.dma_semaphore, #tpu.memory_space<semaphore_mem>>) src(%dma_wait3A_148 : memref<49x128xi32, #tpu.memory_space<hbm>>) dst(%arg7 : memref<49x128xi32, #tpu.memory_space<vmem>>)
        tpu.yield
      }) : () -> ()
      %scan3A_78 = arith.constant 0 : i32
      %scan3A_79 = arith.constant 0 : i32
      %scan3A_80 = arith.constant 392 : i32
      %scan3A_81 = arith.addi %scan3A_79, %scan3A_80 : i32
      %scan3A_82 = arith.constant 1 : i32
      scf.for %scan3A_137 = %scan3A_79 to %scan3A_81 step %scan3A_82  : i32 {
        %jit3A_138 = arith.constant 8 : i32
        %div3A_139 = arith.divsi %scan3A_137, %jit3A_138 : i32
        %sign3A_140 = arith.constant 0 : i32
        %sign3A_141 = arith.cmpi sgt, %scan3A_137, %sign3A_140 : i32
        %sign3A_142 = arith.extui %sign3A_141 : i1 to i32
        %sign3A_143 = arith.constant 0 : i32
        %sign3A_144 = arith.cmpi slt, %scan3A_137, %sign3A_143 : i32
        %sign3A_145 = arith.extui %sign3A_144 : i1 to i32
        %sign3A_146 = arith.subi %sign3A_142, %sign3A_145 : i32
        %sign3A_147 = arith.constant 0 : i32
        %sign3A_148 = arith.cmpi sgt, %jit3A_138, %sign3A_147 : i32
        %sign3A_149 = arith.extui %sign3A_148 : i1 to i32
        %sign3A_150 = arith.constant 0 : i32
        %sign3A_151 = arith.cmpi slt, %jit3A_138, %sign3A_150 : i32
        %sign3A_152 = arith.extui %sign3A_151 : i1 to i32
        %sign3A_153 = arith.subi %sign3A_149, %sign3A_152 : i32
        %ne3A_154 = arith.cmpi ne, %sign3A_146, %sign3A_153 : i32
        %rem3A_155 = arith.remsi %scan3A_137, %jit3A_138 : i32
        %ne3A_156 = arith.constant 0 : i32
        %ne3A_157 = arith.cmpi ne, %rem3A_155, %ne3A_156 : i32
        %and3A_158 = arith.andi %ne3A_154, %ne3A_157 : i1
        %sub3A_159 = arith.constant 1 : i32
        %sub3A_160 = arith.subi %div3A_139, %sub3A_159 : i32
        %select_n3A_161 = arith.select %and3A_158, %sub3A_160, %div3A_139 : i32
        %jit3A_162 = arith.constant 8 : i32
        %eq3A = arith.constant 0 : i32
        %eq3A_163 = arith.cmpi eq, %jit3A_162, %eq3A : i32
        %jit3A_164 = arith.constant 1 : i32
        %select_n3A_165 = arith.select %eq3A_163, %jit3A_164, %jit3A_162 : i32
        %rem3A_166 = arith.remsi %scan3A_137, %select_n3A_165 : i32
        %ne3A_167 = arith.constant 0 : i32
        %ne3A_168 = arith.cmpi ne, %rem3A_166, %ne3A_167 : i32
        %lt3A = arith.constant 0 : i32
        %lt3A_169 = arith.cmpi slt, %rem3A_166, %lt3A : i32
        %lt3A_170 = arith.constant 0 : i32
        %lt3A_171 = arith.cmpi slt, %select_n3A_165, %lt3A_170 : i32
        %ne3A_172 = arith.xori %lt3A_169, %lt3A_171 : i1
        %and3A_173 = arith.andi %ne3A_172, %ne3A_168 : i1
        %add3A_174 = arith.addi %rem3A_166, %select_n3A_165 : i32
        %select_n3A_175 = arith.select %and3A_173, %add3A_174, %rem3A_166 : i32
        %mul3A_176 = arith.constant 16 : i32
        %mul3A_177 = arith.muli %select_n3A_175, %mul3A_176 : i32
        %get3A = arith.index_cast %select_n3A_161 : i32 to index
        %get3A_178 = arith.index_cast %mul3A_177 : i32 to index
        %get3A_179 = tpu.vector_load %arg6[%get3A, %get3A_178] {strides = array<i32>} : memref<49x128xi32, #tpu.memory_space<vmem>>, vector<1x16xi32>,
        %get3A_180 = vector.shape_cast %get3A_179 : vector<1x16xi32> to vector<16xi32>
        %sub3A_181 = arith.constant 25000 : i32
        %sub3A_182 = vector.broadcast %sub3A_181 : i32 to vector<16xi32>
        %sub3A_183 = arith.subi %get3A_180, %sub3A_182 : vector<16xi32>
        %swap3A = arith.index_cast %select_n3A_161 : i32 to index
        %swap3A_184 = arith.index_cast %mul3A_177 : i32 to index
        %swap3A_185 = tpu.vector_load %arg6[%swap3A, %swap3A_184] {strides = array<i32>} : memref<49x128xi32, #tpu.memory_space<vmem>>, vector<1x16xi32>,
        %swap3A_186 = vector.shape_cast %swap3A_185 : vector<1x16xi32> to vector<16xi32>
        %swap3A_187 = vector.shape_cast %sub3A_183 : vector<16xi32> to vector<1x16xi32>
        tpu.vector_store %arg6[%swap3A, %swap3A_184], %swap3A_187 {strides = array<i32>} : memref<49x128xi32, #tpu.memory_space<vmem>>, vector<1x16xi32>,
      }
      %scan3A_83 = arith.constant 392 : i32
      %dma_start3A = arith.constant 0 : i32
      %dma_start3A_84 = arith.constant 0 : i32
      %dma_start3A_85 = arith.constant 0 : i32
      %dma_start3A_86 = arith.constant 0 : i32
      %dma_start3A_87 = tpu.memref_slice %arg8[%dma_start3A_84, %dma_start3A_85, %dma_start3A_86] : memref<4x128x64xbf16, #tpu.memory_space<vmem>> -> memref<1x128x64xbf16, #tpu.memory_space<vmem>>
      %dma_start3A_88 = tpu.memref_squeeze %dma_start3A_87 : memref<1x128x64xbf16, #tpu.memory_space<vmem>> -> memref<128x64xbf16, #tpu.memory_space<vmem>>
      %dma_start3A_89 = arith.constant 0 : i32
      %dma_start3A_90 = tpu.memref_slice %arg6[%dma_start3A, %dma_start3A_89] : memref<49x128xi32, #tpu.memory_space<vmem>> -> memref<1x128xi32, #tpu.memory_space<vmem>>
      %dma_start3A_91 = tpu.memref_squeeze %dma_start3A_90 : memref<1x128xi32, #tpu.memory_space<vmem>> -> memref<128xi32, #tpu.memory_space<vmem>>
      %dma_start3A_92 = arith.constant 0 : i32
      %dma_start3A_93 = arith.constant 0 : i32
      %dma_start3A_94 = tpu.memref_slice %arg2[%dma_start3A_92, %dma_start3A_93] : memref<25088x64xbf16, #tpu.memory_space<hbm>> -> memref<25088x64xbf16, #tpu.memory_space<hbm>>
      tpu.enqueue_indirect_dma source(%dma_start3A_94 : memref<25088x64xbf16, #tpu.memory_space<hbm>>) target(%dma_start3A_88 : memref<128x64xbf16, #tpu.memory_space<vmem>>) offsets(%dma_start3A_91 : memref<128xi32, #tpu.memory_space<vmem>>) semaphore(%arg10 : memref<!tpu.dma_semaphore, #tpu.memory_space<semaphore_mem>>)
      %dma_start3A_95 = arith.constant 1 : i32
      %dma_start3A_96 = arith.constant 1 : i32
      %dma_start3A_97 = arith.constant 0 : i32
      %dma_start3A_98 = arith.constant 0 : i32
      %dma_start3A_99 = tpu.memref_slice %arg8[%dma_start3A_96, %dma_start3A_97, %dma_start3A_98] : memref<4x128x64xbf16, #tpu.memory_space<vmem>> -> memref<1x128x64xbf16, #tpu.memory_space<vmem>>
      %dma_start3A_100 = tpu.memref_squeeze %dma_start3A_99 : memref<1x128x64xbf16, #tpu.memory_space<vmem>> -> memref<128x64xbf16, #tpu.memory_space<vmem>>
      %dma_start3A_101 = arith.constant 0 : i32
      %dma_start3A_102 = tpu.memref_slice %arg6[%dma_start3A_95, %dma_start3A_101] : memref<49x128xi32, #tpu.memory_space<vmem>> -> memref<1x128xi32, #tpu.memory_space<vmem>>
      %dma_start3A_103 = tpu.memref_squeeze %dma_start3A_102 : memref<1x128xi32, #tpu.memory_space<vmem>> -> memref<128xi32, #tpu.memory_space<vmem>>
      %dma_start3A_104 = arith.constant 0 : i32
      %dma_start3A_105 = arith.constant 0 : i32
      %dma_start3A_106 = tpu.memref_slice %arg2[%dma_start3A_104, %dma_start3A_105] : memref<25088x64xbf16, #tpu.memory_space<hbm>> -> memref<25088x64xbf16, #tpu.memory_space<hbm>>
      tpu.enqueue_indirect_dma source(%dma_start3A_106 : memref<25088x64xbf16, #tpu.memory_space<hbm>>) target(%dma_start3A_100 : memref<128x64xbf16, #tpu.memory_space<vmem>>) offsets(%dma_start3A_103 : memref<128xi32, #tpu.memory_space<vmem>>) semaphore(%arg10 : memref<!tpu.dma_semaphore, #tpu.memory_space<semaphore_mem>>)
      %dma_start3A_107 = arith.constant 2 : i32
      %dma_start3A_108 = arith.constant 2 : i32
      %dma_start3A_109 = arith.constant 0 : i32
      %dma_start3A_110 = arith.constant 0 : i32
      %dma_start3A_111 = tpu.memref_slice %arg8[%dma_start3A_108, %dma_start3A_109, %dma_start3A_110] : memref<4x128x64xbf16, #tpu.memory_space<vmem>> -> memref<1x128x64xbf16, #tpu.memory_space<vmem>>
      %dma_start3A_112 = tpu.memref_squeeze %dma_start3A_111 : memref<1x128x64xbf16, #tpu.memory_space<vmem>> -> memref<128x64xbf16, #tpu.memory_space<vmem>>
      %dma_start3A_113 = arith.constant 0 : i32
      %dma_start3A_114 = tpu.memref_slice %arg6[%dma_start3A_107, %dma_start3A_113] : memref<49x128xi32, #tpu.memory_space<vmem>> -> memref<1x128xi32, #tpu.memory_space<vmem>>
      %dma_start3A_115 = tpu.memref_squeeze %dma_start3A_114 : memref<1x128xi32, #tpu.memory_space<vmem>> -> memref<128xi32, #tpu.memory_space<vmem>>
      %dma_start3A_116 = arith.constant 0 : i32
      %dma_start3A_117 = arith.constant 0 : i32
      %dma_start3A_118 = tpu.memref_slice %arg2[%dma_start3A_116, %dma_start3A_117] : memref<25088x64xbf16, #tpu.memory_space<hbm>> -> memref<25088x64xbf16, #tpu.memory_space<hbm>>
      tpu.enqueue_indirect_dma source(%dma_start3A_118 : memref<25088x64xbf16, #tpu.memory_space<hbm>>) target(%dma_start3A_112 : memref<128x64xbf16, #tpu.memory_space<vmem>>) offsets(%dma_start3A_115 : memref<128xi32, #tpu.memory_space<vmem>>) semaphore(%arg10 : memref<!tpu.dma_semaphore, #tpu.memory_space<semaphore_mem>>)
      %dma_start3A_119 = arith.constant 3 : i32
      %dma_start3A_120 = arith.constant 3 : i32
      %dma_start3A_121 = arith.constant 0 : i32
      %dma_start3A_122 = arith.constant 0 : i32
      %dma_start3A_123 = tpu.memref_slice %arg8[%dma_start3A_120, %dma_start3A_121, %dma_start3A_122] : memref<4x128x64xbf16, #tpu.memory_space<vmem>> -> memref<1x128x64xbf16, #tpu.memory_space<vmem>>
      %dma_start3A_124 = tpu.memref_squeeze %dma_start3A_123 : memref<1x128x64xbf16, #tpu.memory_space<vmem>> -> memref<128x64xbf16, #tpu.memory_space<vmem>>
      %dma_start3A_125 = arith.constant 0 : i32
      %dma_start3A_126 = tpu.memref_slice %arg6[%dma_start3A_119, %dma_start3A_125] : memref<49x128xi32, #tpu.memory_space<vmem>> -> memref<1x128xi32, #tpu.memory_space<vmem>>
      %dma_start3A_127 = tpu.memref_squeeze %dma_start3A_126 : memref<1x128xi32, #tpu.memory_space<vmem>> -> memref<128xi32, #tpu.memory_space<vmem>>
      %dma_start3A_128 = arith.constant 0 : i32
      %dma_start3A_129 = arith.constant 0 : i32
      %dma_start3A_130 = tpu.memref_slice %arg2[%dma_start3A_128, %dma_start3A_129] : memref<25088x64xbf16, #tpu.memory_space<hbm>> -> memref<25088x64xbf16, #tpu.memory_space<hbm>>
      tpu.enqueue_indirect_dma source(%dma_start3A_130 : memref<25088x64xbf16, #tpu.memory_space<hbm>>) target(%dma_start3A_124 : memref<128x64xbf16, #tpu.memory_space<vmem>>) offsets(%dma_start3A_127 : memref<128xi32, #tpu.memory_space<vmem>>) semaphore(%arg10 : memref<!tpu.dma_semaphore, #tpu.memory_space<semaphore_mem>>)
      %scan3A_131 = arith.constant 0 : i32
      %scan3A_132 = arith.constant 0 : i32
      %scan3A_133 = arith.constant 49 : i32
      %scan3A_134 = arith.addi %scan3A_132, %scan3A_133 : i32
      %scan3A_135 = arith.constant 1 : i32
      scf.for %scan3A_137 = %scan3A_132 to %scan3A_134 step %scan3A_135  : i32 {
        %jit3A_138 = arith.constant 4 : i32
        %eq3A = arith.constant 0 : i32
        %eq3A_139 = arith.cmpi eq, %jit3A_138, %eq3A : i32
        %jit3A_140 = arith.constant 1 : i32
        %select_n3A_141 = arith.select %eq3A_139, %jit3A_140, %jit3A_138 : i32
        %rem3A_142 = arith.remsi %scan3A_137, %select_n3A_141 : i32
        %ne3A_143 = arith.constant 0 : i32
        %ne3A_144 = arith.cmpi ne, %rem3A_142, %ne3A_143 : i32
        %lt3A = arith.constant 0 : i32
        %lt3A_145 = arith.cmpi slt, %rem3A_142, %lt3A : i32
        %lt3A_146 = arith.constant 0 : i32
        %lt3A_147 = arith.cmpi slt, %select_n3A_141, %lt3A_146 : i32
        %ne3A_148 = arith.xori %lt3A_145, %lt3A_147 : i1
        %and3A_149 = arith.andi %ne3A_148, %ne3A_144 : i1
        %add3A_150 = arith.addi %rem3A_142, %select_n3A_141 : i32
        %select_n3A_151 = arith.select %and3A_149, %add3A_150, %rem3A_142 : i32
        %eq3A_152 = arith.constant 0 : i32
        %eq3A_153 = arith.cmpi eq, %select_n3A_151, %eq3A_152 : i32
        %lt3A_154 = arith.cmpi slt, %scan3A_137, %min3A_76 : i32
        %and3A_155 = arith.andi %eq3A_153, %lt3A_154 : i1
        %convert_element_type3A = arith.extui %and3A_155 : i1 to i32
        %cond3A = arith.constant 0 : i32
        %cond3A_156 = arith.cmpi ne, %convert_element_type3A, %cond3A : i32
        scf.if %cond3A_156 {
          %dma_wait3A = arith.constant 0 : i32
          %dma_wait3A_226 = arith.constant 0 : i32
          %dma_wait3A_227 = arith.constant 0 : i32
          %dma_wait3A_228 = tpu.memref_slice %arg8[%dma_wait3A, %dma_wait3A_226, %dma_wait3A_227] : memref<4x128x64xbf16, #tpu.memory_space<vmem>> -> memref<1x128x64xbf16, #tpu.memory_space<vmem>>
          %dma_wait3A_229 = tpu.memref_squeeze %dma_wait3A_228 : memref<1x128x64xbf16, #tpu.memory_space<vmem>> -> memref<128x64xbf16, #tpu.memory_space<vmem>>
          %dma_wait3A_230 = arith.constant 0 : i32
          %dma_wait3A_231 = tpu.memref_slice %arg6[%scan3A_137, %dma_wait3A_230] : memref<49x128xi32, #tpu.memory_space<vmem>> -> memref<1x128xi32, #tpu.memory_space<vmem>>
          %dma_wait3A_232 = tpu.memref_squeeze %dma_wait3A_231 : memref<1x128xi32, #tpu.memory_space<vmem>> -> memref<128xi32, #tpu.memory_space<vmem>>
          %dma_wait3A_233 = arith.constant 0 : i32
          %dma_wait3A_234 = arith.constant 0 : i32
          %dma_wait3A_235 = tpu.memref_slice %arg2[%dma_wait3A_233, %dma_wait3A_234] : memref<25088x64xbf16, #tpu.memory_space<hbm>> -> memref<25088x64xbf16, #tpu.memory_space<hbm>>
          tpu.wait_indirect_dma semaphore(%arg10 : memref<!tpu.dma_semaphore, #tpu.memory_space<semaphore_mem>>) src(%dma_wait3A_235 : memref<25088x64xbf16, #tpu.memory_space<hbm>>) dst(%dma_wait3A_229 : memref<128x64xbf16, #tpu.memory_space<vmem>>)
          %run_scoped3A_236 = arith.constant 0 : i32
          "tpu.region"() ({
            %run_scoped3A_243 = tpu.sem_alloc : memref<!tpu.dma_semaphore, #tpu.memory_space<semaphore_mem>>
            %dma_start3A_244 = arith.constant 0 : i32
            %dma_start3A_245 = arith.constant 0 : i32
            %dma_start3A_246 = tpu.memref_slice %arg8[%run_scoped3A_236, %dma_start3A_244, %dma_start3A_245] : memref<4x128x64xbf16, #tpu.memory_space<vmem>> -> memref<1x128x64xbf16, #tpu.memory_space<vmem>>
            %dma_start3A_247 = tpu.memref_squeeze %dma_start3A_246 : memref<1x128x64xbf16, #tpu.memory_space<vmem>> -> memref<128x64xbf16, #tpu.memory_space<vmem>>
            %dma_start3A_248 = arith.constant 0 : i32
            %dma_start3A_249 = tpu.memref_slice %arg7[%scan3A_137, %dma_start3A_248] : memref<49x128xi32, #tpu.memory_space<vmem>> -> memref<1x128xi32, #tpu.memory_space<vmem>>
            %dma_start3A_250 = tpu.memref_squeeze %dma_start3A_249 : memref<1x128xi32, #tpu.memory_space<vmem>> -> memref<128xi32, #tpu.memory_space<vmem>>
            %dma_start3A_251 = arith.constant 0 : i32
            %dma_start3A_252 = arith.constant 0 : i32
            %dma_start3A_253 = tpu.memref_slice %arg9[%dma_start3A_251, %dma_start3A_252] : memref<50176x64xbf16, #tpu.memory_space<vmem_shared>> -> memref<50176x64xbf16, #tpu.memory_space<vmem_shared>>
            tpu.enqueue_indirect_dma source(%dma_start3A_247 : memref<128x64xbf16, #tpu.memory_space<vmem>>) target(%dma_start3A_253 : memref<50176x64xbf16, #tpu.memory_space<vmem_shared>>) offsets(%dma_start3A_250 : memref<128xi32, #tpu.memory_space<vmem>>) semaphore(%run_scoped3A_243 : memref<!tpu.dma_semaphore, #tpu.memory_space<semaphore_mem>>) {add = true}
            %dma_wait3A_254 = arith.constant 0 : i32
            %dma_wait3A_255 = arith.constant 0 : i32
            %dma_wait3A_256 = tpu.memref_slice %arg8[%run_scoped3A_236, %dma_wait3A_254, %dma_wait3A_255] : memref<4x128x64xbf16, #tpu.memory_space<vmem>> -> memref<1x128x64xbf16, #tpu.memory_space<vmem>>
            %dma_wait3A_257 = tpu.memref_squeeze %dma_wait3A_256 : memref<1x128x64xbf16, #tpu.memory_space<vmem>> -> memref<128x64xbf16, #tpu.memory_space<vmem>>
            %dma_wait3A_258 = arith.constant 0 : i32
            %dma_wait3A_259 = tpu.memref_slice %arg7[%scan3A_137, %dma_wait3A_258] : memref<49x128xi32, #tpu.memory_space<vmem>> -> memref<1x128xi32, #tpu.memory_space<vmem>>
            %dma_wait3A_260 = tpu.memref_squeeze %dma_wait3A_259 : memref<1x128xi32, #tpu.memory_space<vmem>> -> memref<128xi32, #tpu.memory_space<vmem>>
            %dma_wait3A_261 = arith.constant 0 : i32
            %dma_wait3A_262 = arith.constant 0 : i32
            %dma_wait3A_263 = tpu.memref_slice %arg9[%dma_wait3A_261, %dma_wait3A_262] : memref<50176x64xbf16, #tpu.memory_space<vmem_shared>> -> memref<50176x64xbf16, #tpu.memory_space<vmem_shared>>
            tpu.wait_indirect_dma semaphore(%run_scoped3A_243 : memref<!tpu.dma_semaphore, #tpu.memory_space<semaphore_mem>>) src(%dma_wait3A_257 : memref<128x64xbf16, #tpu.memory_space<vmem>>) dst(%dma_wait3A_263 : memref<50176x64xbf16, #tpu.memory_space<vmem_shared>>)
            tpu.yield
          }) : () -> ()
          %add3A_237 = arith.constant 4 : i32
          %add3A_238 = arith.addi %scan3A_137, %add3A_237 : i32
          %lt3A_239 = arith.cmpi slt, %add3A_238, %min3A_76 : i32
          %convert_element_type3A_240 = arith.extui %lt3A_239 : i1 to i32
          %cond3A_241 = arith.constant 0 : i32
          %cond3A_242 = arith.cmpi ne, %convert_element_type3A_240, %cond3A_241 : i32
          scf.if %cond3A_242 {
            %add3A_243 = arith.constant 4 : i32
            %add3A_244 = arith.addi %scan3A_137, %add3A_243 : i32
            %dma_start3A_245 = arith.constant 0 : i32
            %dma_start3A_246 = arith.constant 0 : i32
            %dma_start3A_247 = arith.constant 0 : i32
            %dma_start3A_248 = tpu.memref_slice %arg8[%dma_start3A_245, %dma_start3A_246, %dma_start3A_247] : memref<4x128x64xbf16, #tpu.memory_space<vmem>> -> memref<1x128x64xbf16, #tpu.memory_space<vmem>>
            %dma_start3A_249 = tpu.memref_squeeze %dma_start3A_248 : memref<1x128x64xbf16, #tpu.memory_space<vmem>> -> memref<128x64xbf16, #tpu.memory_space<vmem>>
            %dma_start3A_250 = arith.constant 0 : i32
            %dma_start3A_251 = tpu.memref_slice %arg6[%add3A_244, %dma_start3A_250] : memref<49x128xi32, #tpu.memory_space<vmem>> -> memref<1x128xi32, #tpu.memory_space<vmem>>
            %dma_start3A_252 = tpu.memref_squeeze %dma_start3A_251 : memref<1x128xi32, #tpu.memory_space<vmem>> -> memref<128xi32, #tpu.memory_space<vmem>>
            %dma_start3A_253 = arith.constant 0 : i32
            %dma_start3A_254 = arith.constant 0 : i32
            %dma_start3A_255 = tpu.memref_slice %arg2[%dma_start3A_253, %dma_start3A_254] : memref<25088x64xbf16, #tpu.memory_space<hbm>> -> memref<25088x64xbf16, #tpu.memory_space<hbm>>
            tpu.enqueue_indirect_dma source(%dma_start3A_255 : memref<25088x64xbf16, #tpu.memory_space<hbm>>) target(%dma_start3A_249 : memref<128x64xbf16, #tpu.memory_space<vmem>>) offsets(%dma_start3A_252 : memref<128xi32, #tpu.memory_space<vmem>>) semaphore(%arg10 : memref<!tpu.dma_semaphore, #tpu.memory_space<semaphore_mem>>)
          } else {
          }
        } else {
        }
        %jit3A_157 = arith.constant 4 : i32
        %eq3A_158 = arith.constant 0 : i32
        %eq3A_159 = arith.cmpi eq, %jit3A_157, %eq3A_158 : i32
        %jit3A_160 = arith.constant 1 : i32
        %select_n3A_161 = arith.select %eq3A_159, %jit3A_160, %jit3A_157 : i32
        %rem3A_162 = arith.remsi %scan3A_137, %select_n3A_161 : i32
        %ne3A_163 = arith.constant 0 : i32
        %ne3A_164 = arith.cmpi ne, %rem3A_162, %ne3A_163 : i32
        %lt3A_165 = arith.constant 0 : i32
        %lt3A_166 = arith.cmpi slt, %rem3A_162, %lt3A_165 : i32
        %lt3A_167 = arith.constant 0 : i32
        %lt3A_168 = arith.cmpi slt, %select_n3A_161, %lt3A_167 : i32
        %ne3A_169 = arith.xori %lt3A_166, %lt3A_168 : i1
        %and3A_170 = arith.andi %ne3A_169, %ne3A_164 : i1
        %add3A_171 = arith.addi %rem3A_162, %select_n3A_161 : i32
        %select_n3A_172 = arith.select %and3A_170, %add3A_171, %rem3A_162 : i32
        %eq3A_173 = arith.constant 1 : i32
        %eq3A_174 = arith.cmpi eq, %select_n3A_172, %eq3A_173 : i32
        %lt3A_175 = arith.cmpi slt, %scan3A_137, %min3A_76 : i32
        %and3A_176 = arith.andi %eq3A_174, %lt3A_175 : i1
        %convert_element_type3A_177 = arith.extui %and3A_176 : i1 to i32
        %cond3A_178 = arith.constant 0 : i32
        %cond3A_179 = arith.cmpi ne, %convert_element_type3A_177, %cond3A_178 : i32
        scf.if %cond3A_179 {
          %dma_wait3A = arith.constant 1 : i32
          %dma_wait3A_226 = arith.constant 0 : i32
          %dma_wait3A_227 = arith.constant 0 : i32
          %dma_wait3A_228 = tpu.memref_slice %arg8[%dma_wait3A, %dma_wait3A_226, %dma_wait3A_227] : memref<4x128x64xbf16, #tpu.memory_space<vmem>> -> memref<1x128x64xbf16, #tpu.memory_space<vmem>>
          %dma_wait3A_229 = tpu.memref_squeeze %dma_wait3A_228 : memref<1x128x64xbf16, #tpu.memory_space<vmem>> -> memref<128x64xbf16, #tpu.memory_space<vmem>>
          %dma_wait3A_230 = arith.constant 0 : i32
          %dma_wait3A_231 = tpu.memref_slice %arg6[%scan3A_137, %dma_wait3A_230] : memref<49x128xi32, #tpu.memory_space<vmem>> -> memref<1x128xi32, #tpu.memory_space<vmem>>
          %dma_wait3A_232 = tpu.memref_squeeze %dma_wait3A_231 : memref<1x128xi32, #tpu.memory_space<vmem>> -> memref<128xi32, #tpu.memory_space<vmem>>
          %dma_wait3A_233 = arith.constant 0 : i32
          %dma_wait3A_234 = arith.constant 0 : i32
          %dma_wait3A_235 = tpu.memref_slice %arg2[%dma_wait3A_233, %dma_wait3A_234] : memref<25088x64xbf16, #tpu.memory_space<hbm>> -> memref<25088x64xbf16, #tpu.memory_space<hbm>>
          tpu.wait_indirect_dma semaphore(%arg10 : memref<!tpu.dma_semaphore, #tpu.memory_space<semaphore_mem>>) src(%dma_wait3A_235 : memref<25088x64xbf16, #tpu.memory_space<hbm>>) dst(%dma_wait3A_229 : memref<128x64xbf16, #tpu.memory_space<vmem>>)
          %run_scoped3A_236 = arith.constant 1 : i32
          "tpu.region"() ({
            %run_scoped3A_243 = tpu.sem_alloc : memref<!tpu.dma_semaphore, #tpu.memory_space<semaphore_mem>>
            %dma_start3A_244 = arith.constant 0 : i32
            %dma_start3A_245 = arith.constant 0 : i32
            %dma_start3A_246 = tpu.memref_slice %arg8[%run_scoped3A_236, %dma_start3A_244, %dma_start3A_245] : memref<4x128x64xbf16, #tpu.memory_space<vmem>> -> memref<1x128x64xbf16, #tpu.memory_space<vmem>>
            %dma_start3A_247 = tpu.memref_squeeze %dma_start3A_246 : memref<1x128x64xbf16, #tpu.memory_space<vmem>> -> memref<128x64xbf16, #tpu.memory_space<vmem>>
            %dma_start3A_248 = arith.constant 0 : i32
            %dma_start3A_249 = tpu.memref_slice %arg7[%scan3A_137, %dma_start3A_248] : memref<49x128xi32, #tpu.memory_space<vmem>> -> memref<1x128xi32, #tpu.memory_space<vmem>>
            %dma_start3A_250 = tpu.memref_squeeze %dma_start3A_249 : memref<1x128xi32, #tpu.memory_space<vmem>> -> memref<128xi32, #tpu.memory_space<vmem>>
            %dma_start3A_251 = arith.constant 0 : i32
            %dma_start3A_252 = arith.constant 0 : i32
            %dma_start3A_253 = tpu.memref_slice %arg9[%dma_start3A_251, %dma_start3A_252] : memref<50176x64xbf16, #tpu.memory_space<vmem_shared>> -> memref<50176x64xbf16, #tpu.memory_space<vmem_shared>>
            tpu.enqueue_indirect_dma source(%dma_start3A_247 : memref<128x64xbf16, #tpu.memory_space<vmem>>) target(%dma_start3A_253 : memref<50176x64xbf16, #tpu.memory_space<vmem_shared>>) offsets(%dma_start3A_250 : memref<128xi32, #tpu.memory_space<vmem>>) semaphore(%run_scoped3A_243 : memref<!tpu.dma_semaphore, #tpu.memory_space<semaphore_mem>>) {add = true}
            %dma_wait3A_254 = arith.constant 0 : i32
            %dma_wait3A_255 = arith.constant 0 : i32
            %dma_wait3A_256 = tpu.memref_slice %arg8[%run_scoped3A_236, %dma_wait3A_254, %dma_wait3A_255] : memref<4x128x64xbf16, #tpu.memory_space<vmem>> -> memref<1x128x64xbf16, #tpu.memory_space<vmem>>
            %dma_wait3A_257 = tpu.memref_squeeze %dma_wait3A_256 : memref<1x128x64xbf16, #tpu.memory_space<vmem>> -> memref<128x64xbf16, #tpu.memory_space<vmem>>
            %dma_wait3A_258 = arith.constant 0 : i32
            %dma_wait3A_259 = tpu.memref_slice %arg7[%scan3A_137, %dma_wait3A_258] : memref<49x128xi32, #tpu.memory_space<vmem>> -> memref<1x128xi32, #tpu.memory_space<vmem>>
            %dma_wait3A_260 = tpu.memref_squeeze %dma_wait3A_259 : memref<1x128xi32, #tpu.memory_space<vmem>> -> memref<128xi32, #tpu.memory_space<vmem>>
            %dma_wait3A_261 = arith.constant 0 : i32
            %dma_wait3A_262 = arith.constant 0 : i32
            %dma_wait3A_263 = tpu.memref_slice %arg9[%dma_wait3A_261, %dma_wait3A_262] : memref<50176x64xbf16, #tpu.memory_space<vmem_shared>> -> memref<50176x64xbf16, #tpu.memory_space<vmem_shared>>
            tpu.wait_indirect_dma semaphore(%run_scoped3A_243 : memref<!tpu.dma_semaphore, #tpu.memory_space<semaphore_mem>>) src(%dma_wait3A_257 : memref<128x64xbf16, #tpu.memory_space<vmem>>) dst(%dma_wait3A_263 : memref<50176x64xbf16, #tpu.memory_space<vmem_shared>>)
            tpu.yield
          }) : () -> ()
          %add3A_237 = arith.constant 4 : i32
          %add3A_238 = arith.addi %scan3A_137, %add3A_237 : i32
          %lt3A_239 = arith.cmpi slt, %add3A_238, %min3A_76 : i32
          %convert_element_type3A_240 = arith.extui %lt3A_239 : i1 to i32
          %cond3A_241 = arith.constant 0 : i32
          %cond3A_242 = arith.cmpi ne, %convert_element_type3A_240, %cond3A_241 : i32
          scf.if %cond3A_242 {
            %add3A_243 = arith.constant 4 : i32
            %add3A_244 = arith.addi %scan3A_137, %add3A_243 : i32
            %dma_start3A_245 = arith.constant 1 : i32
            %dma_start3A_246 = arith.constant 0 : i32
            %dma_start3A_247 = arith.constant 0 : i32
            %dma_start3A_248 = tpu.memref_slice %arg8[%dma_start3A_245, %dma_start3A_246, %dma_start3A_247] : memref<4x128x64xbf16, #tpu.memory_space<vmem>> -> memref<1x128x64xbf16, #tpu.memory_space<vmem>>
            %dma_start3A_249 = tpu.memref_squeeze %dma_start3A_248 : memref<1x128x64xbf16, #tpu.memory_space<vmem>> -> memref<128x64xbf16, #tpu.memory_space<vmem>>
            %dma_start3A_250 = arith.constant 0 : i32
            %dma_start3A_251 = tpu.memref_slice %arg6[%add3A_244, %dma_start3A_250] : memref<49x128xi32, #tpu.memory_space<vmem>> -> memref<1x128xi32, #tpu.memory_space<vmem>>
            %dma_start3A_252 = tpu.memref_squeeze %dma_start3A_251 : memref<1x128xi32, #tpu.memory_space<vmem>> -> memref<128xi32, #tpu.memory_space<vmem>>
            %dma_start3A_253 = arith.constant 0 : i32
            %dma_start3A_254 = arith.constant 0 : i32
            %dma_start3A_255 = tpu.memref_slice %arg2[%dma_start3A_253, %dma_start3A_254] : memref<25088x64xbf16, #tpu.memory_space<hbm>> -> memref<25088x64xbf16, #tpu.memory_space<hbm>>
            tpu.enqueue_indirect_dma source(%dma_start3A_255 : memref<25088x64xbf16, #tpu.memory_space<hbm>>) target(%dma_start3A_249 : memref<128x64xbf16, #tpu.memory_space<vmem>>) offsets(%dma_start3A_252 : memref<128xi32, #tpu.memory_space<vmem>>) semaphore(%arg10 : memref<!tpu.dma_semaphore, #tpu.memory_space<semaphore_mem>>)
          } else {
          }
        } else {
        }
        %jit3A_180 = arith.constant 4 : i32
        %eq3A_181 = arith.constant 0 : i32
        %eq3A_182 = arith.cmpi eq, %jit3A_180, %eq3A_181 : i32
        %jit3A_183 = arith.constant 1 : i32
        %select_n3A_184 = arith.select %eq3A_182, %jit3A_183, %jit3A_180 : i32
        %rem3A_185 = arith.remsi %scan3A_137, %select_n3A_184 : i32
        %ne3A_186 = arith.constant 0 : i32
        %ne3A_187 = arith.cmpi ne, %rem3A_185, %ne3A_186 : i32
        %lt3A_188 = arith.constant 0 : i32
        %lt3A_189 = arith.cmpi slt, %rem3A_185, %lt3A_188 : i32
        %lt3A_190 = arith.constant 0 : i32
        %lt3A_191 = arith.cmpi slt, %select_n3A_184, %lt3A_190 : i32
        %ne3A_192 = arith.xori %lt3A_189, %lt3A_191 : i1
        %and3A_193 = arith.andi %ne3A_192, %ne3A_187 : i1
        %add3A_194 = arith.addi %rem3A_185, %select_n3A_184 : i32
        %select_n3A_195 = arith.select %and3A_193, %add3A_194, %rem3A_185 : i32
        %eq3A_196 = arith.constant 2 : i32
        %eq3A_197 = arith.cmpi eq, %select_n3A_195, %eq3A_196 : i32
        %lt3A_198 = arith.cmpi slt, %scan3A_137, %min3A_76 : i32
        %and3A_199 = arith.andi %eq3A_197, %lt3A_198 : i1
        %convert_element_type3A_200 = arith.extui %and3A_199 : i1 to i32
        %cond3A_201 = arith.constant 0 : i32
        %cond3A_202 = arith.cmpi ne, %convert_element_type3A_200, %cond3A_201 : i32
        scf.if %cond3A_202 {
          %dma_wait3A = arith.constant 2 : i32
          %dma_wait3A_226 = arith.constant 0 : i32
          %dma_wait3A_227 = arith.constant 0 : i32
          %dma_wait3A_228 = tpu.memref_slice %arg8[%dma_wait3A, %dma_wait3A_226, %dma_wait3A_227] : memref<4x128x64xbf16, #tpu.memory_space<vmem>> -> memref<1x128x64xbf16, #tpu.memory_space<vmem>>
          %dma_wait3A_229 = tpu.memref_squeeze %dma_wait3A_228 : memref<1x128x64xbf16, #tpu.memory_space<vmem>> -> memref<128x64xbf16, #tpu.memory_space<vmem>>
          %dma_wait3A_230 = arith.constant 0 : i32
          %dma_wait3A_231 = tpu.memref_slice %arg6[%scan3A_137, %dma_wait3A_230] : memref<49x128xi32, #tpu.memory_space<vmem>> -> memref<1x128xi32, #tpu.memory_space<vmem>>
          %dma_wait3A_232 = tpu.memref_squeeze %dma_wait3A_231 : memref<1x128xi32, #tpu.memory_space<vmem>> -> memref<128xi32, #tpu.memory_space<vmem>>
          %dma_wait3A_233 = arith.constant 0 : i32
          %dma_wait3A_234 = arith.constant 0 : i32
          %dma_wait3A_235 = tpu.memref_slice %arg2[%dma_wait3A_233, %dma_wait3A_234] : memref<25088x64xbf16, #tpu.memory_space<hbm>> -> memref<25088x64xbf16, #tpu.memory_space<hbm>>
          tpu.wait_indirect_dma semaphore(%arg10 : memref<!tpu.dma_semaphore, #tpu.memory_space<semaphore_mem>>) src(%dma_wait3A_235 : memref<25088x64xbf16, #tpu.memory_space<hbm>>) dst(%dma_wait3A_229 : memref<128x64xbf16, #tpu.memory_space<vmem>>)
          %run_scoped3A_236 = arith.constant 2 : i32
          "tpu.region"() ({
            %run_scoped3A_243 = tpu.sem_alloc : memref<!tpu.dma_semaphore, #tpu.memory_space<semaphore_mem>>
            %dma_start3A_244 = arith.constant 0 : i32
            %dma_start3A_245 = arith.constant 0 : i32
            %dma_start3A_246 = tpu.memref_slice %arg8[%run_scoped3A_236, %dma_start3A_244, %dma_start3A_245] : memref<4x128x64xbf16, #tpu.memory_space<vmem>> -> memref<1x128x64xbf16, #tpu.memory_space<vmem>>
            %dma_start3A_247 = tpu.memref_squeeze %dma_start3A_246 : memref<1x128x64xbf16, #tpu.memory_space<vmem>> -> memref<128x64xbf16, #tpu.memory_space<vmem>>
            %dma_start3A_248 = arith.constant 0 : i32
            %dma_start3A_249 = tpu.memref_slice %arg7[%scan3A_137, %dma_start3A_248] : memref<49x128xi32, #tpu.memory_space<vmem>> -> memref<1x128xi32, #tpu.memory_space<vmem>>
            %dma_start3A_250 = tpu.memref_squeeze %dma_start3A_249 : memref<1x128xi32, #tpu.memory_space<vmem>> -> memref<128xi32, #tpu.memory_space<vmem>>
            %dma_start3A_251 = arith.constant 0 : i32
            %dma_start3A_252 = arith.constant 0 : i32
            %dma_start3A_253 = tpu.memref_slice %arg9[%dma_start3A_251, %dma_start3A_252] : memref<50176x64xbf16, #tpu.memory_space<vmem_shared>> -> memref<50176x64xbf16, #tpu.memory_space<vmem_shared>>
            tpu.enqueue_indirect_dma source(%dma_start3A_247 : memref<128x64xbf16, #tpu.memory_space<vmem>>) target(%dma_start3A_253 : memref<50176x64xbf16, #tpu.memory_space<vmem_shared>>) offsets(%dma_start3A_250 : memref<128xi32, #tpu.memory_space<vmem>>) semaphore(%run_scoped3A_243 : memref<!tpu.dma_semaphore, #tpu.memory_space<semaphore_mem>>) {add = true}
            %dma_wait3A_254 = arith.constant 0 : i32
            %dma_wait3A_255 = arith.constant 0 : i32
            %dma_wait3A_256 = tpu.memref_slice %arg8[%run_scoped3A_236, %dma_wait3A_254, %dma_wait3A_255] : memref<4x128x64xbf16, #tpu.memory_space<vmem>> -> memref<1x128x64xbf16, #tpu.memory_space<vmem>>
            %dma_wait3A_257 = tpu.memref_squeeze %dma_wait3A_256 : memref<1x128x64xbf16, #tpu.memory_space<vmem>> -> memref<128x64xbf16, #tpu.memory_space<vmem>>
            %dma_wait3A_258 = arith.constant 0 : i32
            %dma_wait3A_259 = tpu.memref_slice %arg7[%scan3A_137, %dma_wait3A_258] : memref<49x128xi32, #tpu.memory_space<vmem>> -> memref<1x128xi32, #tpu.memory_space<vmem>>
            %dma_wait3A_260 = tpu.memref_squeeze %dma_wait3A_259 : memref<1x128xi32, #tpu.memory_space<vmem>> -> memref<128xi32, #tpu.memory_space<vmem>>
            %dma_wait3A_261 = arith.constant 0 : i32
            %dma_wait3A_262 = arith.constant 0 : i32
            %dma_wait3A_263 = tpu.memref_slice %arg9[%dma_wait3A_261, %dma_wait3A_262] : memref<50176x64xbf16, #tpu.memory_space<vmem_shared>> -> memref<50176x64xbf16, #tpu.memory_space<vmem_shared>>
            tpu.wait_indirect_dma semaphore(%run_scoped3A_243 : memref<!tpu.dma_semaphore, #tpu.memory_space<semaphore_mem>>) src(%dma_wait3A_257 : memref<128x64xbf16, #tpu.memory_space<vmem>>) dst(%dma_wait3A_263 : memref<50176x64xbf16, #tpu.memory_space<vmem_shared>>)
            tpu.yield
          }) : () -> ()
          %add3A_237 = arith.constant 4 : i32
          %add3A_238 = arith.addi %scan3A_137, %add3A_237 : i32
          %lt3A_239 = arith.cmpi slt, %add3A_238, %min3A_76 : i32
          %convert_element_type3A_240 = arith.extui %lt3A_239 : i1 to i32
          %cond3A_241 = arith.constant 0 : i32
          %cond3A_242 = arith.cmpi ne, %convert_element_type3A_240, %cond3A_241 : i32
          scf.if %cond3A_242 {
            %add3A_243 = arith.constant 4 : i32
            %add3A_244 = arith.addi %scan3A_137, %add3A_243 : i32
            %dma_start3A_245 = arith.constant 2 : i32
            %dma_start3A_246 = arith.constant 0 : i32
            %dma_start3A_247 = arith.constant 0 : i32
            %dma_start3A_248 = tpu.memref_slice %arg8[%dma_start3A_245, %dma_start3A_246, %dma_start3A_247] : memref<4x128x64xbf16, #tpu.memory_space<vmem>> -> memref<1x128x64xbf16, #tpu.memory_space<vmem>>
            %dma_start3A_249 = tpu.memref_squeeze %dma_start3A_248 : memref<1x128x64xbf16, #tpu.memory_space<vmem>> -> memref<128x64xbf16, #tpu.memory_space<vmem>>
            %dma_start3A_250 = arith.constant 0 : i32
            %dma_start3A_251 = tpu.memref_slice %arg6[%add3A_244, %dma_start3A_250] : memref<49x128xi32, #tpu.memory_space<vmem>> -> memref<1x128xi32, #tpu.memory_space<vmem>>
            %dma_start3A_252 = tpu.memref_squeeze %dma_start3A_251 : memref<1x128xi32, #tpu.memory_space<vmem>> -> memref<128xi32, #tpu.memory_space<vmem>>
            %dma_start3A_253 = arith.constant 0 : i32
            %dma_start3A_254 = arith.constant 0 : i32
            %dma_start3A_255 = tpu.memref_slice %arg2[%dma_start3A_253, %dma_start3A_254] : memref<25088x64xbf16, #tpu.memory_space<hbm>> -> memref<25088x64xbf16, #tpu.memory_space<hbm>>
            tpu.enqueue_indirect_dma source(%dma_start3A_255 : memref<25088x64xbf16, #tpu.memory_space<hbm>>) target(%dma_start3A_249 : memref<128x64xbf16, #tpu.memory_space<vmem>>) offsets(%dma_start3A_252 : memref<128xi32, #tpu.memory_space<vmem>>) semaphore(%arg10 : memref<!tpu.dma_semaphore, #tpu.memory_space<semaphore_mem>>)
          } else {
          }
        } else {
        }
        %jit3A_203 = arith.constant 4 : i32
        %eq3A_204 = arith.constant 0 : i32
        %eq3A_205 = arith.cmpi eq, %jit3A_203, %eq3A_204 : i32
        %jit3A_206 = arith.constant 1 : i32
        %select_n3A_207 = arith.select %eq3A_205, %jit3A_206, %jit3A_203 : i32
        %rem3A_208 = arith.remsi %scan3A_137, %select_n3A_207 : i32
        %ne3A_209 = arith.constant 0 : i32
        %ne3A_210 = arith.cmpi ne, %rem3A_208, %ne3A_209 : i32
        %lt3A_211 = arith.constant 0 : i32
        %lt3A_212 = arith.cmpi slt, %rem3A_208, %lt3A_211 : i32
        %lt3A_213 = arith.constant 0 : i32
        %lt3A_214 = arith.cmpi slt, %select_n3A_207, %lt3A_213 : i32
        %ne3A_215 = arith.xori %lt3A_212, %lt3A_214 : i1
        %and3A_216 = arith.andi %ne3A_215, %ne3A_210 : i1
        %add3A_217 = arith.addi %rem3A_208, %select_n3A_207 : i32
        %select_n3A_218 = arith.select %and3A_216, %add3A_217, %rem3A_208 : i32
        %eq3A_219 = arith.constant 3 : i32
        %eq3A_220 = arith.cmpi eq, %select_n3A_218, %eq3A_219 : i32
        %lt3A_221 = arith.cmpi slt, %scan3A_137, %min3A_76 : i32
        %and3A_222 = arith.andi %eq3A_220, %lt3A_221 : i1
        %convert_element_type3A_223 = arith.extui %and3A_222 : i1 to i32
        %cond3A_224 = arith.constant 0 : i32
        %cond3A_225 = arith.cmpi ne, %convert_element_type3A_223, %cond3A_224 : i32
        scf.if %cond3A_225 {
          %dma_wait3A = arith.constant 3 : i32
          %dma_wait3A_226 = arith.constant 0 : i32
          %dma_wait3A_227 = arith.constant 0 : i32
          %dma_wait3A_228 = tpu.memref_slice %arg8[%dma_wait3A, %dma_wait3A_226, %dma_wait3A_227] : memref<4x128x64xbf16, #tpu.memory_space<vmem>> -> memref<1x128x64xbf16, #tpu.memory_space<vmem>>
          %dma_wait3A_229 = tpu.memref_squeeze %dma_wait3A_228 : memref<1x128x64xbf16, #tpu.memory_space<vmem>> -> memref<128x64xbf16, #tpu.memory_space<vmem>>
          %dma_wait3A_230 = arith.constant 0 : i32
          %dma_wait3A_231 = tpu.memref_slice %arg6[%scan3A_137, %dma_wait3A_230] : memref<49x128xi32, #tpu.memory_space<vmem>> -> memref<1x128xi32, #tpu.memory_space<vmem>>
          %dma_wait3A_232 = tpu.memref_squeeze %dma_wait3A_231 : memref<1x128xi32, #tpu.memory_space<vmem>> -> memref<128xi32, #tpu.memory_space<vmem>>
          %dma_wait3A_233 = arith.constant 0 : i32
          %dma_wait3A_234 = arith.constant 0 : i32
          %dma_wait3A_235 = tpu.memref_slice %arg2[%dma_wait3A_233, %dma_wait3A_234] : memref<25088x64xbf16, #tpu.memory_space<hbm>> -> memref<25088x64xbf16, #tpu.memory_space<hbm>>
          tpu.wait_indirect_dma semaphore(%arg10 : memref<!tpu.dma_semaphore, #tpu.memory_space<semaphore_mem>>) src(%dma_wait3A_235 : memref<25088x64xbf16, #tpu.memory_space<hbm>>) dst(%dma_wait3A_229 : memref<128x64xbf16, #tpu.memory_space<vmem>>)
          %run_scoped3A_236 = arith.constant 3 : i32
          "tpu.region"() ({
            %run_scoped3A_243 = tpu.sem_alloc : memref<!tpu.dma_semaphore, #tpu.memory_space<semaphore_mem>>
            %dma_start3A_244 = arith.constant 0 : i32
            %dma_start3A_245 = arith.constant 0 : i32
            %dma_start3A_246 = tpu.memref_slice %arg8[%run_scoped3A_236, %dma_start3A_244, %dma_start3A_245] : memref<4x128x64xbf16, #tpu.memory_space<vmem>> -> memref<1x128x64xbf16, #tpu.memory_space<vmem>>
            %dma_start3A_247 = tpu.memref_squeeze %dma_start3A_246 : memref<1x128x64xbf16, #tpu.memory_space<vmem>> -> memref<128x64xbf16, #tpu.memory_space<vmem>>
            %dma_start3A_248 = arith.constant 0 : i32
            %dma_start3A_249 = tpu.memref_slice %arg7[%scan3A_137, %dma_start3A_248] : memref<49x128xi32, #tpu.memory_space<vmem>> -> memref<1x128xi32, #tpu.memory_space<vmem>>
            %dma_start3A_250 = tpu.memref_squeeze %dma_start3A_249 : memref<1x128xi32, #tpu.memory_space<vmem>> -> memref<128xi32, #tpu.memory_space<vmem>>
            %dma_start3A_251 = arith.constant 0 : i32
            %dma_start3A_252 = arith.constant 0 : i32
            %dma_start3A_253 = tpu.memref_slice %arg9[%dma_start3A_251, %dma_start3A_252] : memref<50176x64xbf16, #tpu.memory_space<vmem_shared>> -> memref<50176x64xbf16, #tpu.memory_space<vmem_shared>>
            tpu.enqueue_indirect_dma source(%dma_start3A_247 : memref<128x64xbf16, #tpu.memory_space<vmem>>) target(%dma_start3A_253 : memref<50176x64xbf16, #tpu.memory_space<vmem_shared>>) offsets(%dma_start3A_250 : memref<128xi32, #tpu.memory_space<vmem>>) semaphore(%run_scoped3A_243 : memref<!tpu.dma_semaphore, #tpu.memory_space<semaphore_mem>>) {add = true}
            %dma_wait3A_254 = arith.constant 0 : i32
            %dma_wait3A_255 = arith.constant 0 : i32
            %dma_wait3A_256 = tpu.memref_slice %arg8[%run_scoped3A_236, %dma_wait3A_254, %dma_wait3A_255] : memref<4x128x64xbf16, #tpu.memory_space<vmem>> -> memref<1x128x64xbf16, #tpu.memory_space<vmem>>
            %dma_wait3A_257 = tpu.memref_squeeze %dma_wait3A_256 : memref<1x128x64xbf16, #tpu.memory_space<vmem>> -> memref<128x64xbf16, #tpu.memory_space<vmem>>
            %dma_wait3A_258 = arith.constant 0 : i32
            %dma_wait3A_259 = tpu.memref_slice %arg7[%scan3A_137, %dma_wait3A_258] : memref<49x128xi32, #tpu.memory_space<vmem>> -> memref<1x128xi32, #tpu.memory_space<vmem>>
            %dma_wait3A_260 = tpu.memref_squeeze %dma_wait3A_259 : memref<1x128xi32, #tpu.memory_space<vmem>> -> memref<128xi32, #tpu.memory_space<vmem>>
            %dma_wait3A_261 = arith.constant 0 : i32
            %dma_wait3A_262 = arith.constant 0 : i32
            %dma_wait3A_263 = tpu.memref_slice %arg9[%dma_wait3A_261, %dma_wait3A_262] : memref<50176x64xbf16, #tpu.memory_space<vmem_shared>> -> memref<50176x64xbf16, #tpu.memory_space<vmem_shared>>
            tpu.wait_indirect_dma semaphore(%run_scoped3A_243 : memref<!tpu.dma_semaphore, #tpu.memory_space<semaphore_mem>>) src(%dma_wait3A_257 : memref<128x64xbf16, #tpu.memory_space<vmem>>) dst(%dma_wait3A_263 : memref<50176x64xbf16, #tpu.memory_space<vmem_shared>>)
            tpu.yield
          }) : () -> ()
          %add3A_237 = arith.constant 4 : i32
          %add3A_238 = arith.addi %scan3A_137, %add3A_237 : i32
          %lt3A_239 = arith.cmpi slt, %add3A_238, %min3A_76 : i32
          %convert_element_type3A_240 = arith.extui %lt3A_239 : i1 to i32
          %cond3A_241 = arith.constant 0 : i32
          %cond3A_242 = arith.cmpi ne, %convert_element_type3A_240, %cond3A_241 : i32
          scf.if %cond3A_242 {
            %add3A_243 = arith.constant 4 : i32
            %add3A_244 = arith.addi %scan3A_137, %add3A_243 : i32
            %dma_start3A_245 = arith.constant 3 : i32
            %dma_start3A_246 = arith.constant 0 : i32
            %dma_start3A_247 = arith.constant 0 : i32
            %dma_start3A_248 = tpu.memref_slice %arg8[%dma_start3A_245, %dma_start3A_246, %dma_start3A_247] : memref<4x128x64xbf16, #tpu.memory_space<vmem>> -> memref<1x128x64xbf16, #tpu.memory_space<vmem>>
            %dma_start3A_249 = tpu.memref_squeeze %dma_start3A_248 : memref<1x128x64xbf16, #tpu.memory_space<vmem>> -> memref<128x64xbf16, #tpu.memory_space<vmem>>
            %dma_start3A_250 = arith.constant 0 : i32
            %dma_start3A_251 = tpu.memref_slice %arg6[%add3A_244, %dma_start3A_250] : memref<49x128xi32, #tpu.memory_space<vmem>> -> memref<1x128xi32, #tpu.memory_space<vmem>>
            %dma_start3A_252 = tpu.memref_squeeze %dma_start3A_251 : memref<1x128xi32, #tpu.memory_space<vmem>> -> memref<128xi32, #tpu.memory_space<vmem>>
            %dma_start3A_253 = arith.constant 0 : i32
            %dma_start3A_254 = arith.constant 0 : i32
            %dma_start3A_255 = tpu.memref_slice %arg2[%dma_start3A_253, %dma_start3A_254] : memref<25088x64xbf16, #tpu.memory_space<hbm>> -> memref<25088x64xbf16, #tpu.memory_space<hbm>>
            tpu.enqueue_indirect_dma source(%dma_start3A_255 : memref<25088x64xbf16, #tpu.memory_space<hbm>>) target(%dma_start3A_249 : memref<128x64xbf16, #tpu.memory_space<vmem>>) offsets(%dma_start3A_252 : memref<128xi32, #tpu.memory_space<vmem>>) semaphore(%arg10 : memref<!tpu.dma_semaphore, #tpu.memory_space<semaphore_mem>>)
          } else {
          }
        } else {
        }
      }
      %scan3A_136 = arith.constant 49 : i32
    }
    %scan3A_58 = arith.constant 2 : i32
    %barrier3A_59 = arith.constant 0 : index
    tpu.barrier barrier_id(%barrier3A_59)
    %mul3A_60 = arith.constant 1568 : i32
    %mul3A_61 = arith.muli %arg1, %mul3A_60 : i32
    %add3A_62 = arith.constant 25000 : i32
    %add3A_63 = arith.addi %add3A_62, %mul3A_61 : i32
    %mul3A_64 = arith.constant 25088 : i32
    %mul3A_65 = arith.muli %arg0, %mul3A_64 : i32
    %mul3A_66 = arith.constant 1568 : i32
    %mul3A_67 = arith.muli %arg1, %mul3A_66 : i32
    %add3A_68 = arith.addi %mul3A_65, %mul3A_67 : i32
    "tpu.region"() ({
      %run_scoped3A = tpu.sem_alloc : memref<!tpu.dma_semaphore, #tpu.memory_space<semaphore_mem>>
      %dma_start3A = arith.constant 0 : i32
      %dma_start3A_69 = tpu.memref_slice %arg5[%add3A_68, %dma_start3A] : memref<50176x64xbf16, #tpu.memory_space<hbm>> -> memref<1568x64xbf16, #tpu.memory_space<hbm>>
      %dma_start3A_70 = arith.constant 0 : i32
      %dma_start3A_71 = tpu.memref_slice %arg9[%add3A_63, %dma_start3A_70] : memref<50176x64xbf16, #tpu.memory_space<vmem_shared>> -> memref<1568x64xbf16, #tpu.memory_space<vmem_shared>>
      tpu.enqueue_dma source(%dma_start3A_71 : memref<1568x64xbf16, #tpu.memory_space<vmem_shared>>) target(%dma_start3A_69 : memref<1568x64xbf16, #tpu.memory_space<hbm>>) target_semaphore(%run_scoped3A : memref<!tpu.dma_semaphore, #tpu.memory_space<semaphore_mem>>)
      %dma_wait3A = arith.constant 0 : i32
      %dma_wait3A_72 = tpu.memref_slice %arg5[%add3A_68, %dma_wait3A] : memref<50176x64xbf16, #tpu.memory_space<hbm>> -> memref<1568x64xbf16, #tpu.memory_space<hbm>>
      %dma_wait3A_73 = arith.constant 0 : i32
      %dma_wait3A_74 = tpu.memref_slice %arg9[%add3A_63, %dma_wait3A_73] : memref<50176x64xbf16, #tpu.memory_space<vmem_shared>> -> memref<1568x64xbf16, #tpu.memory_space<vmem_shared>>
      tpu.wait_dma2 semaphore(%run_scoped3A : memref<!tpu.dma_semaphore, #tpu.memory_space<semaphore_mem>>) src(%dma_wait3A_74 : memref<1568x64xbf16, #tpu.memory_space<vmem_shared>>) dst(%dma_wait3A_72 : memref<1568x64xbf16, #tpu.memory_space<hbm>>)
      tpu.yield
    }) : () -> ()
    return
  }
}

module attributes {stable_mosaic.version = 14 : i64} {
  func.func @body(%arg0: i32, %arg1: memref<3136x128xf32, #tpu.memory_space<vmem>>, %arg2: memref<128x64xf32, #tpu.memory_space<vmem>>, %arg3: memref<1x64xf32, #tpu.memory_space<vmem>>, %arg4: memref<3136x64xbf16, #tpu.memory_space<vmem>>) attributes {dimension_semantics = [#tpu.dimension_semantics<arbitrary>], iteration_bounds = array<i64: 16>, scalar_prefetch = 0 : i64, scratch_operands = 0 : i64, tpu.core_type = #tpu.core_type<tc>, window_params = [{transform_indices = @transform_0, window_bounds = array<i64: 3136, 128>}, {pipeline_mode = #tpu.pipeline_mode<synchronous>, transform_indices = @transform_1, window_bounds = array<i64: 128, 64>}, {pipeline_mode = #tpu.pipeline_mode<synchronous>, transform_indices = @transform_2, window_bounds = array<i64: 1, 64>}, {transform_indices = @transform_3, window_bounds = array<i64: 3136, 64>}]} {
    %get3A = arith.constant 0 : index
    %get3A_0 = arith.constant 0 : index
    %get3A_1 = vector.load %arg1[%get3A, %get3A_0] : memref<3136x128xf32, #tpu.memory_space<vmem>>, vector<3136x128xf32>
    %get3A_2 = arith.constant 0 : index
    %get3A_3 = arith.constant 0 : index
    %get3A_4 = vector.load %arg2[%get3A_2, %get3A_3] : memref<128x64xf32, #tpu.memory_space<vmem>>, vector<128x64xf32>
    %dot_general3A = arith.constant dense<0.000000e+00> : vector<3136x64xf32>
    %dot_general3A_5 = tpu.matmul %get3A_1, %get3A_4, %dot_general3A {dimension_numbers = #tpu.dot_dimension_numbers<[1], [0], [0], [1], [0, 0, 1, 1], [], []>, transpose_lhs_hint = false} : vector<3136x128xf32>, vector<128x64xf32>, vector<3136x64xf32> -> vector<3136x64xf32>
    %get3A_6 = arith.constant 0 : index
    %get3A_7 = arith.constant 0 : index
    %get3A_8 = vector.load %arg3[%get3A_6, %get3A_7] : memref<1x64xf32, #tpu.memory_space<vmem>>, vector<1x64xf32>
    %add3A = vector.broadcast %get3A_8 : vector<1x64xf32> to vector<3136x64xf32>
    %add3A_9 = arith.addf %dot_general3A_5, %add3A : vector<3136x64xf32>
    %ge3A = arith.constant 0.000000e+00 : f32
    %ge3A_10 = vector.broadcast %ge3A : f32 to vector<3136x64xf32>
    %ge3A_11 = arith.cmpf oge, %add3A_9, %ge3A_10 : vector<3136x64xf32>
    %mul3A = arith.constant 0.00999999977 : f32
    %mul3A_12 = vector.broadcast %mul3A : f32 to vector<3136x64xf32>
    %mul3A_13 = arith.mulf %mul3A_12, %add3A_9 : vector<3136x64xf32>
    %select_n3A = arith.select %ge3A_11, %add3A_9, %mul3A_13 : vector<3136x64xi1>, vector<3136x64xf32>
    %convert_element_type3A = arith.truncf %select_n3A : vector<3136x64xf32> to vector<3136x64xbf16>
    %swap3A = arith.constant 0 : index
    %swap3A_14 = arith.constant 0 : index
    %swap3A_15 = vector.load %arg4[%swap3A, %swap3A_14] : memref<3136x64xbf16, #tpu.memory_space<vmem>>, vector<3136x64xbf16>
    tpu.vector_store %arg4[%swap3A, %swap3A_14], %convert_element_type3A {strides = array<i32>} : memref<3136x64xbf16, #tpu.memory_space<vmem>>, vector<3136x64xbf16>,
    return
  }
  func.func @transform_0(%arg0: i32) -> (i32, i32) {
    %c0_i32 = arith.constant 0 : i32
    %c0_i32_0 = arith.constant 0 : i32
    return %arg0, %c0_i32 : i32, i32
  }
  func.func @transform_1(%arg0: i32) -> (i32, i32) {
    %c0_i32 = arith.constant 0 : i32
    %c0_i32_0 = arith.constant 0 : i32
    %c0_i32_1 = arith.constant 0 : i32
    return %c0_i32, %c0_i32_0 : i32, i32
  }
  func.func @transform_2(%arg0: i32) -> (i32, i32) {
    %c0_i32 = arith.constant 0 : i32
    %c0_i32_0 = arith.constant 0 : i32
    %c0_i32_1 = arith.constant 0 : i32
    return %c0_i32, %c0_i32_0 : i32, i32
  }
  func.func @transform_3(%arg0: i32) -> (i32, i32) {
    %c0_i32 = arith.constant 0 : i32
    %c0_i32_0 = arith.constant 0 : i32
    return %arg0, %c0_i32 : i32, i32
  }
}

module attributes {stable_mosaic.version = 14 : i64} {
  func.func @body(%arg0: i32, %arg1: memref<3136x64xbf16, #tpu.memory_space<vmem>>, %arg2: memref<3136x64xbf16, #tpu.memory_space<vmem>>, %arg3: memref<3136x64xbf16, #tpu.memory_space<vmem>>, %arg4: memref<64x64xf32, #tpu.memory_space<vmem>>, %arg5: memref<64x64xf32, #tpu.memory_space<vmem>>, %arg6: memref<1x64xf32, #tpu.memory_space<vmem>>, %arg7: memref<1x64xf32, #tpu.memory_space<vmem>>, %arg8: memref<1x64xf32, #tpu.memory_space<vmem>>, %arg9: memref<3136x64xbf16, #tpu.memory_space<vmem>>) attributes {dimension_semantics = [#tpu.dimension_semantics<arbitrary>], iteration_bounds = array<i64: 8>, scalar_prefetch = 0 : i64, scratch_operands = 0 : i64, tpu.core_type = #tpu.core_type<tc>, window_params = [{transform_indices = @transform_0, window_bounds = array<i64: 3136, 64>}, {transform_indices = @transform_1, window_bounds = array<i64: 3136, 64>}, {transform_indices = @transform_2, window_bounds = array<i64: 3136, 64>}, {pipeline_mode = #tpu.pipeline_mode<synchronous>, transform_indices = @transform_3, window_bounds = array<i64: 64, 64>}, {pipeline_mode = #tpu.pipeline_mode<synchronous>, transform_indices = @transform_4, window_bounds = array<i64: 64, 64>}, {pipeline_mode = #tpu.pipeline_mode<synchronous>, transform_indices = @transform_5, window_bounds = array<i64: 1, 64>}, {pipeline_mode = #tpu.pipeline_mode<synchronous>, transform_indices = @transform_6, window_bounds = array<i64: 1, 64>}, {pipeline_mode = #tpu.pipeline_mode<synchronous>, transform_indices = @transform_7, window_bounds = array<i64: 1, 64>}, {transform_indices = @transform_8, window_bounds = array<i64: 3136, 64>}]} {
    %get3A = arith.constant 0 : index
    %get3A_0 = arith.constant 0 : index
    %get3A_1 = vector.load %arg2[%get3A, %get3A_0] : memref<3136x64xbf16, #tpu.memory_space<vmem>>, vector<3136x64xbf16>
    %convert_element_type3A = arith.extf %get3A_1 : vector<3136x64xbf16> to vector<3136x64xf32>
    %get3A_2 = arith.constant 0 : index
    %get3A_3 = arith.constant 0 : index
    %get3A_4 = vector.load %arg3[%get3A_2, %get3A_3] : memref<3136x64xbf16, #tpu.memory_space<vmem>>, vector<3136x64xbf16>
    %convert_element_type3A_5 = arith.extf %get3A_4 : vector<3136x64xbf16> to vector<3136x64xf32>
    %add3A = arith.addf %convert_element_type3A, %convert_element_type3A_5 : vector<3136x64xf32>
    %get3A_6 = arith.constant 0 : index
    %get3A_7 = arith.constant 0 : index
    %get3A_8 = vector.load %arg1[%get3A_6, %get3A_7] : memref<3136x64xbf16, #tpu.memory_space<vmem>>, vector<3136x64xbf16>
    %get3A_9 = arith.constant 0 : index
    %get3A_10 = arith.constant 0 : index
    %get3A_11 = vector.load %arg4[%get3A_9, %get3A_10] : memref<64x64xf32, #tpu.memory_space<vmem>>, vector<64x64xf32>
    %dot_general3A = arith.constant dense<0.000000e+00> : vector<3136x64xf32>
    %dot_general3A_12 = tpu.matmul %get3A_8, %get3A_11, %dot_general3A {dimension_numbers = #tpu.dot_dimension_numbers<[1], [0], [0], [1], [0, 0, 1, 1], [], []>, transpose_lhs_hint = false} : vector<3136x64xbf16>, vector<64x64xf32>, vector<3136x64xf32> -> vector<3136x64xf32>
    %get3A_13 = arith.constant 0 : index
    %get3A_14 = arith.constant 0 : index
    %get3A_15 = vector.load %arg5[%get3A_13, %get3A_14] : memref<64x64xf32, #tpu.memory_space<vmem>>, vector<64x64xf32>
    %dot_general3A_16 = arith.constant dense<0.000000e+00> : vector<3136x64xf32>
    %dot_general3A_17 = tpu.matmul %add3A, %get3A_15, %dot_general3A_16 {dimension_numbers = #tpu.dot_dimension_numbers<[1], [0], [0], [1], [0, 0, 1, 1], [], []>, transpose_lhs_hint = false} : vector<3136x64xf32>, vector<64x64xf32>, vector<3136x64xf32> -> vector<3136x64xf32>
    %add3A_18 = arith.addf %dot_general3A_12, %dot_general3A_17 : vector<3136x64xf32>
    %get3A_19 = arith.constant 0 : index
    %get3A_20 = arith.constant 0 : index
    %get3A_21 = vector.load %arg6[%get3A_19, %get3A_20] : memref<1x64xf32, #tpu.memory_space<vmem>>, vector<1x64xf32>
    %add3A_22 = vector.broadcast %get3A_21 : vector<1x64xf32> to vector<3136x64xf32>
    %add3A_23 = arith.addf %add3A_18, %add3A_22 : vector<3136x64xf32>
    %reduce_sum3A = arith.constant dense<0.000000e+00> : vector<3136xf32>
    %reduce_sum3A_24 = vector.multi_reduction <add>, %add3A_23, %reduce_sum3A [1] : vector<3136x64xf32> to vector<3136xf32>
    %broadcast_in_dim3A = vector.shape_cast %reduce_sum3A_24 : vector<3136xf32> to vector<3136x1xf32>
    %div3A = arith.constant 6.400000e+01 : f32
    %div3A_25 = vector.broadcast %div3A : f32 to vector<3136x1xf32>
    %div3A_26 = arith.divf %broadcast_in_dim3A, %div3A_25 : vector<3136x1xf32>
    %sub3A = vector.broadcast %div3A_26 : vector<3136x1xf32> to vector<3136x64xf32>
    %sub3A_27 = arith.subf %add3A_23, %sub3A : vector<3136x64xf32>
    %integer_pow3A = arith.mulf %sub3A_27, %sub3A_27 : vector<3136x64xf32>
    %reduce_sum3A_28 = arith.constant dense<0.000000e+00> : vector<3136xf32>
    %reduce_sum3A_29 = vector.multi_reduction <add>, %integer_pow3A, %reduce_sum3A_28 [1] : vector<3136x64xf32> to vector<3136xf32>
    %broadcast_in_dim3A_30 = vector.shape_cast %reduce_sum3A_29 : vector<3136xf32> to vector<3136x1xf32>
    %div3A_31 = arith.constant 6.400000e+01 : f32
    %div3A_32 = vector.broadcast %div3A_31 : f32 to vector<3136x1xf32>
    %div3A_33 = arith.divf %broadcast_in_dim3A_30, %div3A_32 : vector<3136x1xf32>
    %sub3A_34 = vector.broadcast %div3A_26 : vector<3136x1xf32> to vector<3136x64xf32>
    %sub3A_35 = arith.subf %add3A_23, %sub3A_34 : vector<3136x64xf32>
    %add3A_36 = arith.constant 9.99999974E-6 : f32
    %add3A_37 = vector.broadcast %add3A_36 : f32 to vector<3136x1xf32>
    %add3A_38 = arith.addf %div3A_33, %add3A_37 : vector<3136x1xf32>
    %sqrt3A = math.sqrt %add3A_38 : vector<3136x1xf32>
    %div3A_39 = vector.broadcast %sqrt3A : vector<3136x1xf32> to vector<3136x64xf32>
    %div3A_40 = arith.divf %sub3A_35, %div3A_39 : vector<3136x64xf32>
    %get3A_41 = arith.constant 0 : index
    %get3A_42 = arith.constant 0 : index
    %get3A_43 = vector.load %arg7[%get3A_41, %get3A_42] : memref<1x64xf32, #tpu.memory_space<vmem>>, vector<1x64xf32>
    %mul3A = vector.broadcast %get3A_43 : vector<1x64xf32> to vector<3136x64xf32>
    %mul3A_44 = arith.mulf %div3A_40, %mul3A : vector<3136x64xf32>
    %get3A_45 = arith.constant 0 : index
    %get3A_46 = arith.constant 0 : index
    %get3A_47 = vector.load %arg8[%get3A_45, %get3A_46] : memref<1x64xf32, #tpu.memory_space<vmem>>, vector<1x64xf32>
    %add3A_48 = vector.broadcast %get3A_47 : vector<1x64xf32> to vector<3136x64xf32>
    %add3A_49 = arith.addf %mul3A_44, %add3A_48 : vector<3136x64xf32>
    %ge3A = arith.constant 0.000000e+00 : f32
    %ge3A_50 = vector.broadcast %ge3A : f32 to vector<3136x64xf32>
    %ge3A_51 = arith.cmpf oge, %add3A_49, %ge3A_50 : vector<3136x64xf32>
    %mul3A_52 = arith.constant 0.00999999977 : f32
    %mul3A_53 = vector.broadcast %mul3A_52 : f32 to vector<3136x64xf32>
    %mul3A_54 = arith.mulf %mul3A_53, %add3A_49 : vector<3136x64xf32>
    %select_n3A = arith.select %ge3A_51, %add3A_49, %mul3A_54 : vector<3136x64xi1>, vector<3136x64xf32>
    %convert_element_type3A_55 = arith.truncf %select_n3A : vector<3136x64xf32> to vector<3136x64xbf16>
    %swap3A = arith.constant 0 : index
    %swap3A_56 = arith.constant 0 : index
    %swap3A_57 = vector.load %arg9[%swap3A, %swap3A_56] : memref<3136x64xbf16, #tpu.memory_space<vmem>>, vector<3136x64xbf16>
    tpu.vector_store %arg9[%swap3A, %swap3A_56], %convert_element_type3A_55 {strides = array<i32>} : memref<3136x64xbf16, #tpu.memory_space<vmem>>, vector<3136x64xbf16>,
    return
  }
  func.func @transform_0(%arg0: i32) -> (i32, i32) {
    %c0_i32 = arith.constant 0 : i32
    %c0_i32_0 = arith.constant 0 : i32
    return %arg0, %c0_i32 : i32, i32
  }
  func.func @transform_1(%arg0: i32) -> (i32, i32) {
    %c0_i32 = arith.constant 0 : i32
    %c0_i32_0 = arith.constant 0 : i32
    return %arg0, %c0_i32 : i32, i32
  }
  func.func @transform_2(%arg0: i32) -> (i32, i32) {
    %add3A = arith.constant 8 : i32
    %add3A_0 = arith.addi %arg0, %add3A : i32
    %c0_i32 = arith.constant 0 : i32
    %c0_i32_1 = arith.constant 0 : i32
    return %add3A_0, %c0_i32 : i32, i32
  }
  func.func @transform_3(%arg0: i32) -> (i32, i32) {
    %c0_i32 = arith.constant 0 : i32
    %c0_i32_0 = arith.constant 0 : i32
    %c0_i32_1 = arith.constant 0 : i32
    return %c0_i32, %c0_i32_0 : i32, i32
  }
  func.func @transform_4(%arg0: i32) -> (i32, i32) {
    %c0_i32 = arith.constant 0 : i32
    %c0_i32_0 = arith.constant 0 : i32
    %c0_i32_1 = arith.constant 0 : i32
    return %c0_i32, %c0_i32_0 : i32, i32
  }
  func.func @transform_5(%arg0: i32) -> (i32, i32) {
    %c0_i32 = arith.constant 0 : i32
    %c0_i32_0 = arith.constant 0 : i32
    %c0_i32_1 = arith.constant 0 : i32
    return %c0_i32, %c0_i32_0 : i32, i32
  }
  func.func @transform_6(%arg0: i32) -> (i32, i32) {
    %c0_i32 = arith.constant 0 : i32
    %c0_i32_0 = arith.constant 0 : i32
    %c0_i32_1 = arith.constant 0 : i32
    return %c0_i32, %c0_i32_0 : i32, i32
  }
  func.func @transform_7(%arg0: i32) -> (i32, i32) {
    %c0_i32 = arith.constant 0 : i32
    %c0_i32_0 = arith.constant 0 : i32
    %c0_i32_1 = arith.constant 0 : i32
    return %c0_i32, %c0_i32_0 : i32, i32
  }
  func.func @transform_8(%arg0: i32) -> (i32, i32) {
    %c0_i32 = arith.constant 0 : i32
    %c0_i32_0 = arith.constant 0 : i32
    return %arg0, %c0_i32 : i32, i32
  }
}

module attributes {stable_mosaic.version = 14 : i64} {
  func.func @body(%arg0: i32, %arg1: memref<3136x64xbf16, #tpu.memory_space<vmem>>, %arg2: memref<3136x64xbf16, #tpu.memory_space<vmem>>, %arg3: memref<3136x64xbf16, #tpu.memory_space<vmem>>, %arg4: memref<3136x64xbf16, #tpu.memory_space<vmem>>, %arg5: memref<64x64xf32, #tpu.memory_space<vmem>>, %arg6: memref<64x64xf32, #tpu.memory_space<vmem>>, %arg7: memref<1x64xf32, #tpu.memory_space<vmem>>, %arg8: memref<1x64xf32, #tpu.memory_space<vmem>>, %arg9: memref<1x64xf32, #tpu.memory_space<vmem>>, %arg10: memref<3136x64xbf16, #tpu.memory_space<vmem>>) attributes {dimension_semantics = [#tpu.dimension_semantics<arbitrary>], iteration_bounds = array<i64: 16>, scalar_prefetch = 0 : i64, scratch_operands = 0 : i64, tpu.core_type = #tpu.core_type<tc>, window_params = [{transform_indices = @transform_0, window_bounds = array<i64: 3136, 64>}, {transform_indices = @transform_1, window_bounds = array<i64: 3136, 64>}, {transform_indices = @transform_2, window_bounds = array<i64: 3136, 64>}, {transform_indices = @transform_3, window_bounds = array<i64: 3136, 64>}, {pipeline_mode = #tpu.pipeline_mode<synchronous>, transform_indices = @transform_4, window_bounds = array<i64: 64, 64>}, {pipeline_mode = #tpu.pipeline_mode<synchronous>, transform_indices = @transform_5, window_bounds = array<i64: 64, 64>}, {pipeline_mode = #tpu.pipeline_mode<synchronous>, transform_indices = @transform_6, window_bounds = array<i64: 1, 64>}, {pipeline_mode = #tpu.pipeline_mode<synchronous>, transform_indices = @transform_7, window_bounds = array<i64: 1, 64>}, {pipeline_mode = #tpu.pipeline_mode<synchronous>, transform_indices = @transform_8, window_bounds = array<i64: 1, 64>}, {transform_indices = @transform_9, window_bounds = array<i64: 3136, 64>}]} {
    %lt3A = arith.constant 8 : i32
    %lt3A_0 = arith.cmpi slt, %arg0, %lt3A : i32
    %convert_element_type3A = arith.extui %lt3A_0 : i1 to i32
    %cond3A = arith.constant 0 : i32
    %cond3A_1 = arith.cmpi ne, %convert_element_type3A, %cond3A : i32
    scf.if %cond3A_1 {
      %get3A = arith.constant 0 : index
      %get3A_6 = arith.constant 0 : index
      %get3A_7 = vector.load %arg2[%get3A, %get3A_6] : memref<3136x64xbf16, #tpu.memory_space<vmem>>, vector<3136x64xbf16>
      %convert_element_type3A_8 = arith.extf %get3A_7 : vector<3136x64xbf16> to vector<3136x64xf32>
      %get3A_9 = arith.constant 0 : index
      %get3A_10 = arith.constant 0 : index
      %get3A_11 = vector.load %arg3[%get3A_9, %get3A_10] : memref<3136x64xbf16, #tpu.memory_space<vmem>>, vector<3136x64xbf16>
      %convert_element_type3A_12 = arith.extf %get3A_11 : vector<3136x64xbf16> to vector<3136x64xf32>
      %add3A = arith.addf %convert_element_type3A_8, %convert_element_type3A_12 : vector<3136x64xf32>
      %get3A_13 = arith.constant 0 : index
      %get3A_14 = arith.constant 0 : index
      %get3A_15 = vector.load %arg1[%get3A_13, %get3A_14] : memref<3136x64xbf16, #tpu.memory_space<vmem>>, vector<3136x64xbf16>
      %get3A_16 = arith.constant 0 : index
      %get3A_17 = arith.constant 0 : index
      %get3A_18 = vector.load %arg5[%get3A_16, %get3A_17] : memref<64x64xf32, #tpu.memory_space<vmem>>, vector<64x64xf32>
      %dot_general3A = arith.constant dense<0.000000e+00> : vector<3136x64xf32>
      %dot_general3A_19 = tpu.matmul %get3A_15, %get3A_18, %dot_general3A {dimension_numbers = #tpu.dot_dimension_numbers<[1], [0], [0], [1], [0, 0, 1, 1], [], []>, transpose_lhs_hint = false} : vector<3136x64xbf16>, vector<64x64xf32>, vector<3136x64xf32> -> vector<3136x64xf32>
      %get3A_20 = arith.constant 0 : index
      %get3A_21 = arith.constant 0 : index
      %get3A_22 = vector.load %arg6[%get3A_20, %get3A_21] : memref<64x64xf32, #tpu.memory_space<vmem>>, vector<64x64xf32>
      %dot_general3A_23 = arith.constant dense<0.000000e+00> : vector<3136x64xf32>
      %dot_general3A_24 = tpu.matmul %add3A, %get3A_22, %dot_general3A_23 {dimension_numbers = #tpu.dot_dimension_numbers<[1], [0], [0], [1], [0, 0, 1, 1], [], []>, transpose_lhs_hint = false} : vector<3136x64xf32>, vector<64x64xf32>, vector<3136x64xf32> -> vector<3136x64xf32>
      %add3A_25 = arith.addf %dot_general3A_19, %dot_general3A_24 : vector<3136x64xf32>
      %get3A_26 = arith.constant 0 : index
      %get3A_27 = arith.constant 0 : index
      %get3A_28 = vector.load %arg7[%get3A_26, %get3A_27] : memref<1x64xf32, #tpu.memory_space<vmem>>, vector<1x64xf32>
      %add3A_29 = vector.broadcast %get3A_28 : vector<1x64xf32> to vector<3136x64xf32>
      %add3A_30 = arith.addf %add3A_25, %add3A_29 : vector<3136x64xf32>
      %reduce_sum3A = arith.constant dense<0.000000e+00> : vector<3136xf32>
      %reduce_sum3A_31 = vector.multi_reduction <add>, %add3A_30, %reduce_sum3A [1] : vector<3136x64xf32> to vector<3136xf32>
      %broadcast_in_dim3A = vector.shape_cast %reduce_sum3A_31 : vector<3136xf32> to vector<3136x1xf32>
      %div3A = arith.constant 6.400000e+01 : f32
      %div3A_32 = vector.broadcast %div3A : f32 to vector<3136x1xf32>
      %div3A_33 = arith.divf %broadcast_in_dim3A, %div3A_32 : vector<3136x1xf32>
      %sub3A = vector.broadcast %div3A_33 : vector<3136x1xf32> to vector<3136x64xf32>
      %sub3A_34 = arith.subf %add3A_30, %sub3A : vector<3136x64xf32>
      %integer_pow3A = arith.mulf %sub3A_34, %sub3A_34 : vector<3136x64xf32>
      %reduce_sum3A_35 = arith.constant dense<0.000000e+00> : vector<3136xf32>
      %reduce_sum3A_36 = vector.multi_reduction <add>, %integer_pow3A, %reduce_sum3A_35 [1] : vector<3136x64xf32> to vector<3136xf32>
      %broadcast_in_dim3A_37 = vector.shape_cast %reduce_sum3A_36 : vector<3136xf32> to vector<3136x1xf32>
      %div3A_38 = arith.constant 6.400000e+01 : f32
      %div3A_39 = vector.broadcast %div3A_38 : f32 to vector<3136x1xf32>
      %div3A_40 = arith.divf %broadcast_in_dim3A_37, %div3A_39 : vector<3136x1xf32>
      %sub3A_41 = vector.broadcast %div3A_33 : vector<3136x1xf32> to vector<3136x64xf32>
      %sub3A_42 = arith.subf %add3A_30, %sub3A_41 : vector<3136x64xf32>
      %add3A_43 = arith.constant 9.99999974E-6 : f32
      %add3A_44 = vector.broadcast %add3A_43 : f32 to vector<3136x1xf32>
      %add3A_45 = arith.addf %div3A_40, %add3A_44 : vector<3136x1xf32>
      %sqrt3A = math.sqrt %add3A_45 : vector<3136x1xf32>
      %div3A_46 = vector.broadcast %sqrt3A : vector<3136x1xf32> to vector<3136x64xf32>
      %div3A_47 = arith.divf %sub3A_42, %div3A_46 : vector<3136x64xf32>
      %get3A_48 = arith.constant 0 : index
      %get3A_49 = arith.constant 0 : index
      %get3A_50 = vector.load %arg8[%get3A_48, %get3A_49] : memref<1x64xf32, #tpu.memory_space<vmem>>, vector<1x64xf32>
      %mul3A = vector.broadcast %get3A_50 : vector<1x64xf32> to vector<3136x64xf32>
      %mul3A_51 = arith.mulf %div3A_47, %mul3A : vector<3136x64xf32>
      %get3A_52 = arith.constant 0 : index
      %get3A_53 = arith.constant 0 : index
      %get3A_54 = vector.load %arg9[%get3A_52, %get3A_53] : memref<1x64xf32, #tpu.memory_space<vmem>>, vector<1x64xf32>
      %add3A_55 = vector.broadcast %get3A_54 : vector<1x64xf32> to vector<3136x64xf32>
      %add3A_56 = arith.addf %mul3A_51, %add3A_55 : vector<3136x64xf32>
      %ge3A_57 = arith.constant 0.000000e+00 : f32
      %ge3A_58 = vector.broadcast %ge3A_57 : f32 to vector<3136x64xf32>
      %ge3A_59 = arith.cmpf oge, %add3A_56, %ge3A_58 : vector<3136x64xf32>
      %mul3A_60 = arith.constant 0.00999999977 : f32
      %mul3A_61 = vector.broadcast %mul3A_60 : f32 to vector<3136x64xf32>
      %mul3A_62 = arith.mulf %mul3A_61, %add3A_56 : vector<3136x64xf32>
      %select_n3A = arith.select %ge3A_59, %add3A_56, %mul3A_62 : vector<3136x64xi1>, vector<3136x64xf32>
      %convert_element_type3A_63 = arith.truncf %select_n3A : vector<3136x64xf32> to vector<3136x64xbf16>
      %swap3A = arith.constant 0 : index
      %swap3A_64 = arith.constant 0 : index
      %swap3A_65 = vector.load %arg10[%swap3A, %swap3A_64] : memref<3136x64xbf16, #tpu.memory_space<vmem>>, vector<3136x64xbf16>
      tpu.vector_store %arg10[%swap3A, %swap3A_64], %convert_element_type3A_63 {strides = array<i32>} : memref<3136x64xbf16, #tpu.memory_space<vmem>>, vector<3136x64xbf16>,
    } else {
    }
    %ge3A = arith.constant 8 : i32
    %ge3A_2 = arith.cmpi sge, %arg0, %ge3A : i32
    %convert_element_type3A_3 = arith.extui %ge3A_2 : i1 to i32
    %cond3A_4 = arith.constant 0 : i32
    %cond3A_5 = arith.cmpi ne, %convert_element_type3A_3, %cond3A_4 : i32
    scf.if %cond3A_5 {
      %get3A = arith.constant 0 : index
      %get3A_6 = arith.constant 0 : index
      %get3A_7 = vector.load %arg4[%get3A, %get3A_6] : memref<3136x64xbf16, #tpu.memory_space<vmem>>, vector<3136x64xbf16>
      %swap3A = arith.constant 0 : index
      %swap3A_8 = arith.constant 0 : index
      %swap3A_9 = vector.load %arg10[%swap3A, %swap3A_8] : memref<3136x64xbf16, #tpu.memory_space<vmem>>, vector<3136x64xbf16>
      tpu.vector_store %arg10[%swap3A, %swap3A_8], %get3A_7 {strides = array<i32>} : memref<3136x64xbf16, #tpu.memory_space<vmem>>, vector<3136x64xbf16>,
    } else {
    }
    return
  }
  func.func @transform_0(%arg0: i32) -> (i32, i32) {
    %min3A = arith.constant 7 : i32
    %min3A_0 = arith.minsi %arg0, %min3A : i32
    %c0_i32 = arith.constant 0 : i32
    %c0_i32_1 = arith.constant 0 : i32
    return %min3A_0, %c0_i32 : i32, i32
  }
  func.func @transform_1(%arg0: i32) -> (i32, i32) {
    %min3A = arith.constant 7 : i32
    %min3A_0 = arith.minsi %arg0, %min3A : i32
    %c0_i32 = arith.constant 0 : i32
    %c0_i32_1 = arith.constant 0 : i32
    return %min3A_0, %c0_i32 : i32, i32
  }
  func.func @transform_2(%arg0: i32) -> (i32, i32) {
    %min3A = arith.constant 7 : i32
    %min3A_0 = arith.minsi %arg0, %min3A : i32
    %add3A = arith.constant 8 : i32
    %add3A_1 = arith.addi %min3A_0, %add3A : i32
    %c0_i32 = arith.constant 0 : i32
    %c0_i32_2 = arith.constant 0 : i32
    return %add3A_1, %c0_i32 : i32, i32
  }
  func.func @transform_3(%arg0: i32) -> (i32, i32) {
    %c0_i32 = arith.constant 0 : i32
    %c0_i32_0 = arith.constant 0 : i32
    return %arg0, %c0_i32 : i32, i32
  }
  func.func @transform_4(%arg0: i32) -> (i32, i32) {
    %c0_i32 = arith.constant 0 : i32
    %c0_i32_0 = arith.constant 0 : i32
    %c0_i32_1 = arith.constant 0 : i32
    return %c0_i32, %c0_i32_0 : i32, i32
  }
  func.func @transform_5(%arg0: i32) -> (i32, i32) {
    %c0_i32 = arith.constant 0 : i32
    %c0_i32_0 = arith.constant 0 : i32
    %c0_i32_1 = arith.constant 0 : i32
    return %c0_i32, %c0_i32_0 : i32, i32
  }
  func.func @transform_6(%arg0: i32) -> (i32, i32) {
    %c0_i32 = arith.constant 0 : i32
    %c0_i32_0 = arith.constant 0 : i32
    %c0_i32_1 = arith.constant 0 : i32
    return %c0_i32, %c0_i32_0 : i32, i32
  }
  func.func @transform_7(%arg0: i32) -> (i32, i32) {
    %c0_i32 = arith.constant 0 : i32
    %c0_i32_0 = arith.constant 0 : i32
    %c0_i32_1 = arith.constant 0 : i32
    return %c0_i32, %c0_i32_0 : i32, i32
  }
  func.func @transform_8(%arg0: i32) -> (i32, i32) {
    %c0_i32 = arith.constant 0 : i32
    %c0_i32_0 = arith.constant 0 : i32
    %c0_i32_1 = arith.constant 0 : i32
    return %c0_i32, %c0_i32_0 : i32, i32
  }
  func.func @transform_9(%arg0: i32) -> (i32, i32) {
    %c0_i32 = arith.constant 0 : i32
    %c0_i32_0 = arith.constant 0 : i32
    return %arg0, %c0_i32 : i32, i32
  }
}

module attributes {stable_mosaic.version = 14 : i64} {
  func.func @body(%arg0: i32, %arg1: memref<3136x64xbf16, #tpu.memory_space<vmem>>, %arg2: memref<3136x64xbf16, #tpu.memory_space<vmem>>, %arg3: memref<3136x64xbf16, #tpu.memory_space<vmem>>, %arg4: memref<64x64xf32, #tpu.memory_space<vmem>>, %arg5: memref<64x64xf32, #tpu.memory_space<vmem>>, %arg6: memref<1x64xf32, #tpu.memory_space<vmem>>, %arg7: memref<1x64xf32, #tpu.memory_space<vmem>>, %arg8: memref<1x64xf32, #tpu.memory_space<vmem>>, %arg9: memref<3136x64xbf16, #tpu.memory_space<vmem>>) attributes {dimension_semantics = [#tpu.dimension_semantics<arbitrary>], iteration_bounds = array<i64: 16>, scalar_prefetch = 0 : i64, scratch_operands = 0 : i64, tpu.core_type = #tpu.core_type<tc>, window_params = [{transform_indices = @transform_0, window_bounds = array<i64: 3136, 64>}, {transform_indices = @transform_1, window_bounds = array<i64: 3136, 64>}, {transform_indices = @transform_2, window_bounds = array<i64: 3136, 64>}, {pipeline_mode = #tpu.pipeline_mode<synchronous>, transform_indices = @transform_3, window_bounds = array<i64: 64, 64>}, {pipeline_mode = #tpu.pipeline_mode<synchronous>, transform_indices = @transform_4, window_bounds = array<i64: 64, 64>}, {pipeline_mode = #tpu.pipeline_mode<synchronous>, transform_indices = @transform_5, window_bounds = array<i64: 1, 64>}, {pipeline_mode = #tpu.pipeline_mode<synchronous>, transform_indices = @transform_6, window_bounds = array<i64: 1, 64>}, {pipeline_mode = #tpu.pipeline_mode<synchronous>, transform_indices = @transform_7, window_bounds = array<i64: 1, 64>}, {transform_indices = @transform_8, window_bounds = array<i64: 3136, 64>}]} {
    %get3A = arith.constant 0 : index
    %get3A_0 = arith.constant 0 : index
    %get3A_1 = vector.load %arg2[%get3A, %get3A_0] : memref<3136x64xbf16, #tpu.memory_space<vmem>>, vector<3136x64xbf16>
    %convert_element_type3A = arith.extf %get3A_1 : vector<3136x64xbf16> to vector<3136x64xf32>
    %get3A_2 = arith.constant 0 : index
    %get3A_3 = arith.constant 0 : index
    %get3A_4 = vector.load %arg3[%get3A_2, %get3A_3] : memref<3136x64xbf16, #tpu.memory_space<vmem>>, vector<3136x64xbf16>
    %convert_element_type3A_5 = arith.extf %get3A_4 : vector<3136x64xbf16> to vector<3136x64xf32>
    %add3A = arith.addf %convert_element_type3A, %convert_element_type3A_5 : vector<3136x64xf32>
    %get3A_6 = arith.constant 0 : index
    %get3A_7 = arith.constant 0 : index
    %get3A_8 = vector.load %arg1[%get3A_6, %get3A_7] : memref<3136x64xbf16, #tpu.memory_space<vmem>>, vector<3136x64xbf16>
    %get3A_9 = arith.constant 0 : index
    %get3A_10 = arith.constant 0 : index
    %get3A_11 = vector.load %arg4[%get3A_9, %get3A_10] : memref<64x64xf32, #tpu.memory_space<vmem>>, vector<64x64xf32>
    %dot_general3A = arith.constant dense<0.000000e+00> : vector<3136x64xf32>
    %dot_general3A_12 = tpu.matmul %get3A_8, %get3A_11, %dot_general3A {dimension_numbers = #tpu.dot_dimension_numbers<[1], [0], [0], [1], [0, 0, 1, 1], [], []>, transpose_lhs_hint = false} : vector<3136x64xbf16>, vector<64x64xf32>, vector<3136x64xf32> -> vector<3136x64xf32>
    %get3A_13 = arith.constant 0 : index
    %get3A_14 = arith.constant 0 : index
    %get3A_15 = vector.load %arg5[%get3A_13, %get3A_14] : memref<64x64xf32, #tpu.memory_space<vmem>>, vector<64x64xf32>
    %dot_general3A_16 = arith.constant dense<0.000000e+00> : vector<3136x64xf32>
    %dot_general3A_17 = tpu.matmul %add3A, %get3A_15, %dot_general3A_16 {dimension_numbers = #tpu.dot_dimension_numbers<[1], [0], [0], [1], [0, 0, 1, 1], [], []>, transpose_lhs_hint = false} : vector<3136x64xf32>, vector<64x64xf32>, vector<3136x64xf32> -> vector<3136x64xf32>
    %add3A_18 = arith.addf %dot_general3A_12, %dot_general3A_17 : vector<3136x64xf32>
    %get3A_19 = arith.constant 0 : index
    %get3A_20 = arith.constant 0 : index
    %get3A_21 = vector.load %arg6[%get3A_19, %get3A_20] : memref<1x64xf32, #tpu.memory_space<vmem>>, vector<1x64xf32>
    %add3A_22 = vector.broadcast %get3A_21 : vector<1x64xf32> to vector<3136x64xf32>
    %add3A_23 = arith.addf %add3A_18, %add3A_22 : vector<3136x64xf32>
    %reduce_sum3A = arith.constant dense<0.000000e+00> : vector<3136xf32>
    %reduce_sum3A_24 = vector.multi_reduction <add>, %add3A_23, %reduce_sum3A [1] : vector<3136x64xf32> to vector<3136xf32>
    %broadcast_in_dim3A = vector.shape_cast %reduce_sum3A_24 : vector<3136xf32> to vector<3136x1xf32>
    %div3A = arith.constant 6.400000e+01 : f32
    %div3A_25 = vector.broadcast %div3A : f32 to vector<3136x1xf32>
    %div3A_26 = arith.divf %broadcast_in_dim3A, %div3A_25 : vector<3136x1xf32>
    %sub3A = vector.broadcast %div3A_26 : vector<3136x1xf32> to vector<3136x64xf32>
    %sub3A_27 = arith.subf %add3A_23, %sub3A : vector<3136x64xf32>
    %integer_pow3A = arith.mulf %sub3A_27, %sub3A_27 : vector<3136x64xf32>
    %reduce_sum3A_28 = arith.constant dense<0.000000e+00> : vector<3136xf32>
    %reduce_sum3A_29 = vector.multi_reduction <add>, %integer_pow3A, %reduce_sum3A_28 [1] : vector<3136x64xf32> to vector<3136xf32>
    %broadcast_in_dim3A_30 = vector.shape_cast %reduce_sum3A_29 : vector<3136xf32> to vector<3136x1xf32>
    %div3A_31 = arith.constant 6.400000e+01 : f32
    %div3A_32 = vector.broadcast %div3A_31 : f32 to vector<3136x1xf32>
    %div3A_33 = arith.divf %broadcast_in_dim3A_30, %div3A_32 : vector<3136x1xf32>
    %sub3A_34 = vector.broadcast %div3A_26 : vector<3136x1xf32> to vector<3136x64xf32>
    %sub3A_35 = arith.subf %add3A_23, %sub3A_34 : vector<3136x64xf32>
    %add3A_36 = arith.constant 9.99999974E-6 : f32
    %add3A_37 = vector.broadcast %add3A_36 : f32 to vector<3136x1xf32>
    %add3A_38 = arith.addf %div3A_33, %add3A_37 : vector<3136x1xf32>
    %sqrt3A = math.sqrt %add3A_38 : vector<3136x1xf32>
    %div3A_39 = vector.broadcast %sqrt3A : vector<3136x1xf32> to vector<3136x64xf32>
    %div3A_40 = arith.divf %sub3A_35, %div3A_39 : vector<3136x64xf32>
    %get3A_41 = arith.constant 0 : index
    %get3A_42 = arith.constant 0 : index
    %get3A_43 = vector.load %arg7[%get3A_41, %get3A_42] : memref<1x64xf32, #tpu.memory_space<vmem>>, vector<1x64xf32>
    %mul3A = vector.broadcast %get3A_43 : vector<1x64xf32> to vector<3136x64xf32>
    %mul3A_44 = arith.mulf %div3A_40, %mul3A : vector<3136x64xf32>
    %get3A_45 = arith.constant 0 : index
    %get3A_46 = arith.constant 0 : index
    %get3A_47 = vector.load %arg8[%get3A_45, %get3A_46] : memref<1x64xf32, #tpu.memory_space<vmem>>, vector<1x64xf32>
    %add3A_48 = vector.broadcast %get3A_47 : vector<1x64xf32> to vector<3136x64xf32>
    %add3A_49 = arith.addf %mul3A_44, %add3A_48 : vector<3136x64xf32>
    %ge3A = arith.constant 0.000000e+00 : f32
    %ge3A_50 = vector.broadcast %ge3A : f32 to vector<3136x64xf32>
    %ge3A_51 = arith.cmpf oge, %add3A_49, %ge3A_50 : vector<3136x64xf32>
    %mul3A_52 = arith.constant 0.00999999977 : f32
    %mul3A_53 = vector.broadcast %mul3A_52 : f32 to vector<3136x64xf32>
    %mul3A_54 = arith.mulf %mul3A_53, %add3A_49 : vector<3136x64xf32>
    %select_n3A = arith.select %ge3A_51, %add3A_49, %mul3A_54 : vector<3136x64xi1>, vector<3136x64xf32>
    %convert_element_type3A_55 = arith.truncf %select_n3A : vector<3136x64xf32> to vector<3136x64xbf16>
    %swap3A = arith.constant 0 : index
    %swap3A_56 = arith.constant 0 : index
    %swap3A_57 = vector.load %arg9[%swap3A, %swap3A_56] : memref<3136x64xbf16, #tpu.memory_space<vmem>>, vector<3136x64xbf16>
    tpu.vector_store %arg9[%swap3A, %swap3A_56], %convert_element_type3A_55 {strides = array<i32>} : memref<3136x64xbf16, #tpu.memory_space<vmem>>, vector<3136x64xbf16>,
    return
  }
  func.func @transform_0(%arg0: i32) -> (i32, i32) {
    %c0_i32 = arith.constant 0 : i32
    %c0_i32_0 = arith.constant 0 : i32
    return %arg0, %c0_i32 : i32, i32
  }
  func.func @transform_1(%arg0: i32) -> (i32, i32) {
    %c0_i32 = arith.constant 0 : i32
    %c0_i32_0 = arith.constant 0 : i32
    return %arg0, %c0_i32 : i32, i32
  }
  func.func @transform_2(%arg0: i32) -> (i32, i32) {
    %add3A = arith.constant 16 : i32
    %add3A_0 = arith.addi %arg0, %add3A : i32
    %c0_i32 = arith.constant 0 : i32
    %c0_i32_1 = arith.constant 0 : i32
    return %add3A_0, %c0_i32 : i32, i32
  }
  func.func @transform_3(%arg0: i32) -> (i32, i32) {
    %c0_i32 = arith.constant 0 : i32
    %c0_i32_0 = arith.constant 0 : i32
    %c0_i32_1 = arith.constant 0 : i32
    return %c0_i32, %c0_i32_0 : i32, i32
  }
  func.func @transform_4(%arg0: i32) -> (i32, i32) {
    %c0_i32 = arith.constant 0 : i32
    %c0_i32_0 = arith.constant 0 : i32
    %c0_i32_1 = arith.constant 0 : i32
    return %c0_i32, %c0_i32_0 : i32, i32
  }
  func.func @transform_5(%arg0: i32) -> (i32, i32) {
    %c0_i32 = arith.constant 0 : i32
    %c0_i32_0 = arith.constant 0 : i32
    %c0_i32_1 = arith.constant 0 : i32
    return %c0_i32, %c0_i32_0 : i32, i32
  }
  func.func @transform_6(%arg0: i32) -> (i32, i32) {
    %c0_i32 = arith.constant 0 : i32
    %c0_i32_0 = arith.constant 0 : i32
    %c0_i32_1 = arith.constant 0 : i32
    return %c0_i32, %c0_i32_0 : i32, i32
  }
  func.func @transform_7(%arg0: i32) -> (i32, i32) {
    %c0_i32 = arith.constant 0 : i32
    %c0_i32_0 = arith.constant 0 : i32
    %c0_i32_1 = arith.constant 0 : i32
    return %c0_i32, %c0_i32_0 : i32, i32
  }
  func.func @transform_8(%arg0: i32) -> (i32, i32) {
    %c0_i32 = arith.constant 0 : i32
    %c0_i32_0 = arith.constant 0 : i32
    return %arg0, %c0_i32 : i32, i32
  }
}

module attributes {stable_mosaic.version = 14 : i64} {
  func.func @body(%arg0: i32, %arg1: memref<3136x64xbf16, #tpu.memory_space<vmem>>, %arg2: memref<3136x64xbf16, #tpu.memory_space<vmem>>, %arg3: memref<3136x64xbf16, #tpu.memory_space<vmem>>, %arg4: memref<64x64xf32, #tpu.memory_space<vmem>>, %arg5: memref<64x64xf32, #tpu.memory_space<vmem>>, %arg6: memref<1x64xf32, #tpu.memory_space<vmem>>, %arg7: memref<1x64xf32, #tpu.memory_space<vmem>>, %arg8: memref<1x64xf32, #tpu.memory_space<vmem>>, %arg9: memref<3136x64xbf16, #tpu.memory_space<vmem>>) attributes {dimension_semantics = [#tpu.dimension_semantics<arbitrary>], iteration_bounds = array<i64: 8>, scalar_prefetch = 0 : i64, scratch_operands = 0 : i64, tpu.core_type = #tpu.core_type<tc>, window_params = [{transform_indices = @transform_0, window_bounds = array<i64: 3136, 64>}, {transform_indices = @transform_1, window_bounds = array<i64: 3136, 64>}, {transform_indices = @transform_2, window_bounds = array<i64: 3136, 64>}, {pipeline_mode = #tpu.pipeline_mode<synchronous>, transform_indices = @transform_3, window_bounds = array<i64: 64, 64>}, {pipeline_mode = #tpu.pipeline_mode<synchronous>, transform_indices = @transform_4, window_bounds = array<i64: 64, 64>}, {pipeline_mode = #tpu.pipeline_mode<synchronous>, transform_indices = @transform_5, window_bounds = array<i64: 1, 64>}, {pipeline_mode = #tpu.pipeline_mode<synchronous>, transform_indices = @transform_6, window_bounds = array<i64: 1, 64>}, {pipeline_mode = #tpu.pipeline_mode<synchronous>, transform_indices = @transform_7, window_bounds = array<i64: 1, 64>}, {transform_indices = @transform_8, window_bounds = array<i64: 3136, 64>}]} {
    %get3A = arith.constant 0 : index
    %get3A_0 = arith.constant 0 : index
    %get3A_1 = vector.load %arg2[%get3A, %get3A_0] : memref<3136x64xbf16, #tpu.memory_space<vmem>>, vector<3136x64xbf16>
    %convert_element_type3A = arith.extf %get3A_1 : vector<3136x64xbf16> to vector<3136x64xf32>
    %get3A_2 = arith.constant 0 : index
    %get3A_3 = arith.constant 0 : index
    %get3A_4 = vector.load %arg3[%get3A_2, %get3A_3] : memref<3136x64xbf16, #tpu.memory_space<vmem>>, vector<3136x64xbf16>
    %convert_element_type3A_5 = arith.extf %get3A_4 : vector<3136x64xbf16> to vector<3136x64xf32>
    %add3A = arith.addf %convert_element_type3A, %convert_element_type3A_5 : vector<3136x64xf32>
    %get3A_6 = arith.constant 0 : index
    %get3A_7 = arith.constant 0 : index
    %get3A_8 = vector.load %arg1[%get3A_6, %get3A_7] : memref<3136x64xbf16, #tpu.memory_space<vmem>>, vector<3136x64xbf16>
    %get3A_9 = arith.constant 0 : index
    %get3A_10 = arith.constant 0 : index
    %get3A_11 = vector.load %arg4[%get3A_9, %get3A_10] : memref<64x64xf32, #tpu.memory_space<vmem>>, vector<64x64xf32>
    %dot_general3A = arith.constant dense<0.000000e+00> : vector<3136x64xf32>
    %dot_general3A_12 = tpu.matmul %get3A_8, %get3A_11, %dot_general3A {dimension_numbers = #tpu.dot_dimension_numbers<[1], [0], [0], [1], [0, 0, 1, 1], [], []>, transpose_lhs_hint = false} : vector<3136x64xbf16>, vector<64x64xf32>, vector<3136x64xf32> -> vector<3136x64xf32>
    %get3A_13 = arith.constant 0 : index
    %get3A_14 = arith.constant 0 : index
    %get3A_15 = vector.load %arg5[%get3A_13, %get3A_14] : memref<64x64xf32, #tpu.memory_space<vmem>>, vector<64x64xf32>
    %dot_general3A_16 = arith.constant dense<0.000000e+00> : vector<3136x64xf32>
    %dot_general3A_17 = tpu.matmul %add3A, %get3A_15, %dot_general3A_16 {dimension_numbers = #tpu.dot_dimension_numbers<[1], [0], [0], [1], [0, 0, 1, 1], [], []>, transpose_lhs_hint = false} : vector<3136x64xf32>, vector<64x64xf32>, vector<3136x64xf32> -> vector<3136x64xf32>
    %add3A_18 = arith.addf %dot_general3A_12, %dot_general3A_17 : vector<3136x64xf32>
    %get3A_19 = arith.constant 0 : index
    %get3A_20 = arith.constant 0 : index
    %get3A_21 = vector.load %arg6[%get3A_19, %get3A_20] : memref<1x64xf32, #tpu.memory_space<vmem>>, vector<1x64xf32>
    %add3A_22 = vector.broadcast %get3A_21 : vector<1x64xf32> to vector<3136x64xf32>
    %add3A_23 = arith.addf %add3A_18, %add3A_22 : vector<3136x64xf32>
    %reduce_sum3A = arith.constant dense<0.000000e+00> : vector<3136xf32>
    %reduce_sum3A_24 = vector.multi_reduction <add>, %add3A_23, %reduce_sum3A [1] : vector<3136x64xf32> to vector<3136xf32>
    %broadcast_in_dim3A = vector.shape_cast %reduce_sum3A_24 : vector<3136xf32> to vector<3136x1xf32>
    %div3A = arith.constant 6.400000e+01 : f32
    %div3A_25 = vector.broadcast %div3A : f32 to vector<3136x1xf32>
    %div3A_26 = arith.divf %broadcast_in_dim3A, %div3A_25 : vector<3136x1xf32>
    %sub3A = vector.broadcast %div3A_26 : vector<3136x1xf32> to vector<3136x64xf32>
    %sub3A_27 = arith.subf %add3A_23, %sub3A : vector<3136x64xf32>
    %integer_pow3A = arith.mulf %sub3A_27, %sub3A_27 : vector<3136x64xf32>
    %reduce_sum3A_28 = arith.constant dense<0.000000e+00> : vector<3136xf32>
    %reduce_sum3A_29 = vector.multi_reduction <add>, %integer_pow3A, %reduce_sum3A_28 [1] : vector<3136x64xf32> to vector<3136xf32>
    %broadcast_in_dim3A_30 = vector.shape_cast %reduce_sum3A_29 : vector<3136xf32> to vector<3136x1xf32>
    %div3A_31 = arith.constant 6.400000e+01 : f32
    %div3A_32 = vector.broadcast %div3A_31 : f32 to vector<3136x1xf32>
    %div3A_33 = arith.divf %broadcast_in_dim3A_30, %div3A_32 : vector<3136x1xf32>
    %sub3A_34 = vector.broadcast %div3A_26 : vector<3136x1xf32> to vector<3136x64xf32>
    %sub3A_35 = arith.subf %add3A_23, %sub3A_34 : vector<3136x64xf32>
    %add3A_36 = arith.constant 9.99999974E-6 : f32
    %add3A_37 = vector.broadcast %add3A_36 : f32 to vector<3136x1xf32>
    %add3A_38 = arith.addf %div3A_33, %add3A_37 : vector<3136x1xf32>
    %sqrt3A = math.sqrt %add3A_38 : vector<3136x1xf32>
    %div3A_39 = vector.broadcast %sqrt3A : vector<3136x1xf32> to vector<3136x64xf32>
    %div3A_40 = arith.divf %sub3A_35, %div3A_39 : vector<3136x64xf32>
    %get3A_41 = arith.constant 0 : index
    %get3A_42 = arith.constant 0 : index
    %get3A_43 = vector.load %arg7[%get3A_41, %get3A_42] : memref<1x64xf32, #tpu.memory_space<vmem>>, vector<1x64xf32>
    %mul3A = vector.broadcast %get3A_43 : vector<1x64xf32> to vector<3136x64xf32>
    %mul3A_44 = arith.mulf %div3A_40, %mul3A : vector<3136x64xf32>
    %get3A_45 = arith.constant 0 : index
    %get3A_46 = arith.constant 0 : index
    %get3A_47 = vector.load %arg8[%get3A_45, %get3A_46] : memref<1x64xf32, #tpu.memory_space<vmem>>, vector<1x64xf32>
    %add3A_48 = vector.broadcast %get3A_47 : vector<1x64xf32> to vector<3136x64xf32>
    %add3A_49 = arith.addf %mul3A_44, %add3A_48 : vector<3136x64xf32>
    %ge3A = arith.constant 0.000000e+00 : f32
    %ge3A_50 = vector.broadcast %ge3A : f32 to vector<3136x64xf32>
    %ge3A_51 = arith.cmpf oge, %add3A_49, %ge3A_50 : vector<3136x64xf32>
    %mul3A_52 = arith.constant 0.00999999977 : f32
    %mul3A_53 = vector.broadcast %mul3A_52 : f32 to vector<3136x64xf32>
    %mul3A_54 = arith.mulf %mul3A_53, %add3A_49 : vector<3136x64xf32>
    %select_n3A = arith.select %ge3A_51, %add3A_49, %mul3A_54 : vector<3136x64xi1>, vector<3136x64xf32>
    %convert_element_type3A_55 = arith.truncf %select_n3A : vector<3136x64xf32> to vector<3136x64xbf16>
    %swap3A = arith.constant 0 : index
    %swap3A_56 = arith.constant 0 : index
    %swap3A_57 = vector.load %arg9[%swap3A, %swap3A_56] : memref<3136x64xbf16, #tpu.memory_space<vmem>>, vector<3136x64xbf16>
    tpu.vector_store %arg9[%swap3A, %swap3A_56], %convert_element_type3A_55 {strides = array<i32>} : memref<3136x64xbf16, #tpu.memory_space<vmem>>, vector<3136x64xbf16>,
    return
  }
  func.func @transform_0(%arg0: i32) -> (i32, i32) {
    %c0_i32 = arith.constant 0 : i32
    %c0_i32_0 = arith.constant 0 : i32
    return %arg0, %c0_i32 : i32, i32
  }
  func.func @transform_1(%arg0: i32) -> (i32, i32) {
    %c0_i32 = arith.constant 0 : i32
    %c0_i32_0 = arith.constant 0 : i32
    return %arg0, %c0_i32 : i32, i32
  }
  func.func @transform_2(%arg0: i32) -> (i32, i32) {
    %add3A = arith.constant 8 : i32
    %add3A_0 = arith.addi %arg0, %add3A : i32
    %c0_i32 = arith.constant 0 : i32
    %c0_i32_1 = arith.constant 0 : i32
    return %add3A_0, %c0_i32 : i32, i32
  }
  func.func @transform_3(%arg0: i32) -> (i32, i32) {
    %c0_i32 = arith.constant 0 : i32
    %c0_i32_0 = arith.constant 0 : i32
    %c0_i32_1 = arith.constant 0 : i32
    return %c0_i32, %c0_i32_0 : i32, i32
  }
  func.func @transform_4(%arg0: i32) -> (i32, i32) {
    %c0_i32 = arith.constant 0 : i32
    %c0_i32_0 = arith.constant 0 : i32
    %c0_i32_1 = arith.constant 0 : i32
    return %c0_i32, %c0_i32_0 : i32, i32
  }
  func.func @transform_5(%arg0: i32) -> (i32, i32) {
    %c0_i32 = arith.constant 0 : i32
    %c0_i32_0 = arith.constant 0 : i32
    %c0_i32_1 = arith.constant 0 : i32
    return %c0_i32, %c0_i32_0 : i32, i32
  }
  func.func @transform_6(%arg0: i32) -> (i32, i32) {
    %c0_i32 = arith.constant 0 : i32
    %c0_i32_0 = arith.constant 0 : i32
    %c0_i32_1 = arith.constant 0 : i32
    return %c0_i32, %c0_i32_0 : i32, i32
  }
  func.func @transform_7(%arg0: i32) -> (i32, i32) {
    %c0_i32 = arith.constant 0 : i32
    %c0_i32_0 = arith.constant 0 : i32
    %c0_i32_1 = arith.constant 0 : i32
    return %c0_i32, %c0_i32_0 : i32, i32
  }
  func.func @transform_8(%arg0: i32) -> (i32, i32) {
    %c0_i32 = arith.constant 0 : i32
    %c0_i32_0 = arith.constant 0 : i32
    return %arg0, %c0_i32 : i32, i32
  }
}

module attributes {stable_mosaic.version = 14 : i64} {
  func.func @body(%arg0: i32, %arg1: memref<3136x64xbf16, #tpu.memory_space<vmem>>, %arg2: memref<3136x64xbf16, #tpu.memory_space<vmem>>, %arg3: memref<3136x64xbf16, #tpu.memory_space<vmem>>, %arg4: memref<192x192xbf16, #tpu.memory_space<vmem>>, %arg5: memref<1x192xf32, #tpu.memory_space<vmem>>, %arg6: memref<3136x192xbf16, #tpu.memory_space<vmem>>) attributes {dimension_semantics = [#tpu.dimension_semantics<arbitrary>], iteration_bounds = array<i64: 8>, scalar_prefetch = 0 : i64, scratch_operands = 0 : i64, tpu.core_type = #tpu.core_type<tc>, window_params = [{transform_indices = @transform_0, window_bounds = array<i64: 3136, 64>}, {transform_indices = @transform_1, window_bounds = array<i64: 3136, 64>}, {transform_indices = @transform_2, window_bounds = array<i64: 3136, 64>}, {pipeline_mode = #tpu.pipeline_mode<synchronous>, transform_indices = @transform_3, window_bounds = array<i64: 192, 192>}, {pipeline_mode = #tpu.pipeline_mode<synchronous>, transform_indices = @transform_4, window_bounds = array<i64: 1, 192>}, {transform_indices = @transform_5, window_bounds = array<i64: 3136, 192>}]} {
    %get3A = arith.constant 0 : index
    %get3A_0 = arith.constant 0 : index
    %get3A_1 = vector.load %arg1[%get3A, %get3A_0] : memref<3136x64xbf16, #tpu.memory_space<vmem>>, vector<3136x64xbf16>
    %get3A_2 = arith.constant 0 : index
    %get3A_3 = arith.constant 0 : index
    %get3A_4 = vector.load %arg2[%get3A_2, %get3A_3] : memref<3136x64xbf16, #tpu.memory_space<vmem>>, vector<3136x64xbf16>
    %get3A_5 = arith.constant 0 : index
    %get3A_6 = arith.constant 0 : index
    %get3A_7 = vector.load %arg3[%get3A_5, %get3A_6] : memref<3136x64xbf16, #tpu.memory_space<vmem>>, vector<3136x64xbf16>
    %concatenate3A = tpu.concatenate %get3A_1, %get3A_4, %get3A_7 in 1 : vector<3136x64xbf16>, vector<3136x64xbf16>, vector<3136x64xbf16> -> vector<3136x192xbf16>
    %get3A_8 = arith.constant 0 : index
    %get3A_9 = arith.constant 0 : index
    %get3A_10 = vector.load %arg4[%get3A_8, %get3A_9] : memref<192x192xbf16, #tpu.memory_space<vmem>>, vector<192x192xbf16>
    %dot_general3A = arith.constant dense<0.000000e+00> : vector<3136x192xf32>
    %dot_general3A_11 = tpu.matmul %concatenate3A, %get3A_10, %dot_general3A {dimension_numbers = #tpu.dot_dimension_numbers<[1], [0], [0], [1], [0, 0, 1, 1], [], []>, transpose_lhs_hint = false} : vector<3136x192xbf16>, vector<192x192xbf16>, vector<3136x192xf32> -> vector<3136x192xf32>
    %get3A_12 = arith.constant 0 : index
    %get3A_13 = arith.constant 0 : index
    %get3A_14 = vector.load %arg5[%get3A_12, %get3A_13] : memref<1x192xf32, #tpu.memory_space<vmem>>, vector<1x192xf32>
    %add3A = vector.broadcast %get3A_14 : vector<1x192xf32> to vector<3136x192xf32>
    %add3A_15 = arith.addf %dot_general3A_11, %add3A : vector<3136x192xf32>
    %ge3A = arith.constant 0.000000e+00 : f32
    %ge3A_16 = vector.broadcast %ge3A : f32 to vector<3136x192xf32>
    %ge3A_17 = arith.cmpf oge, %add3A_15, %ge3A_16 : vector<3136x192xf32>
    %mul3A = arith.constant 0.00999999977 : f32
    %mul3A_18 = vector.broadcast %mul3A : f32 to vector<3136x192xf32>
    %mul3A_19 = arith.mulf %mul3A_18, %add3A_15 : vector<3136x192xf32>
    %select_n3A = arith.select %ge3A_17, %add3A_15, %mul3A_19 : vector<3136x192xi1>, vector<3136x192xf32>
    %convert_element_type3A = arith.truncf %select_n3A : vector<3136x192xf32> to vector<3136x192xbf16>
    %swap3A = arith.constant 0 : index
    %swap3A_20 = arith.constant 0 : index
    %swap3A_21 = vector.load %arg6[%swap3A, %swap3A_20] : memref<3136x192xbf16, #tpu.memory_space<vmem>>, vector<3136x192xbf16>
    tpu.vector_store %arg6[%swap3A, %swap3A_20], %convert_element_type3A {strides = array<i32>} : memref<3136x192xbf16, #tpu.memory_space<vmem>>, vector<3136x192xbf16>,
    return
  }
  func.func @transform_0(%arg0: i32) -> (i32, i32) {
    %c0_i32 = arith.constant 0 : i32
    %c0_i32_0 = arith.constant 0 : i32
    return %arg0, %c0_i32 : i32, i32
  }
  func.func @transform_1(%arg0: i32) -> (i32, i32) {
    %c0_i32 = arith.constant 0 : i32
    %c0_i32_0 = arith.constant 0 : i32
    return %arg0, %c0_i32 : i32, i32
  }
  func.func @transform_2(%arg0: i32) -> (i32, i32) {
    %c0_i32 = arith.constant 0 : i32
    %c0_i32_0 = arith.constant 0 : i32
    return %arg0, %c0_i32 : i32, i32
  }
  func.func @transform_3(%arg0: i32) -> (i32, i32) {
    %c0_i32 = arith.constant 0 : i32
    %c0_i32_0 = arith.constant 0 : i32
    %c0_i32_1 = arith.constant 0 : i32
    return %c0_i32, %c0_i32_0 : i32, i32
  }
  func.func @transform_4(%arg0: i32) -> (i32, i32) {
    %c0_i32 = arith.constant 0 : i32
    %c0_i32_0 = arith.constant 0 : i32
    %c0_i32_1 = arith.constant 0 : i32
    return %c0_i32, %c0_i32_0 : i32, i32
  }
  func.func @transform_5(%arg0: i32) -> (i32, i32) {
    %c0_i32 = arith.constant 0 : i32
    %c0_i32_0 = arith.constant 0 : i32
    return %arg0, %c0_i32 : i32, i32
  }
}

module attributes {stable_mosaic.version = 14 : i64} {
  func.func @body(%arg0: i32, %arg1: memref<3136x192xbf16, #tpu.memory_space<vmem>>, %arg2: memref<192x192xbf16, #tpu.memory_space<vmem>>, %arg3: memref<1x192xf32, #tpu.memory_space<vmem>>, %arg4: memref<192x192xbf16, #tpu.memory_space<vmem>>, %arg5: memref<1x192xf32, #tpu.memory_space<vmem>>, %arg6: memref<192x1xf32, #tpu.memory_space<vmem>>, %arg7: memref<3136x1xf32, #tpu.memory_space<vmem>>) attributes {dimension_semantics = [#tpu.dimension_semantics<arbitrary>], iteration_bounds = array<i64: 8>, scalar_prefetch = 0 : i64, scratch_operands = 0 : i64, tpu.core_type = #tpu.core_type<tc>, window_params = [{transform_indices = @transform_0, window_bounds = array<i64: 3136, 192>}, {pipeline_mode = #tpu.pipeline_mode<synchronous>, transform_indices = @transform_1, window_bounds = array<i64: 192, 192>}, {pipeline_mode = #tpu.pipeline_mode<synchronous>, transform_indices = @transform_2, window_bounds = array<i64: 1, 192>}, {pipeline_mode = #tpu.pipeline_mode<synchronous>, transform_indices = @transform_3, window_bounds = array<i64: 192, 192>}, {pipeline_mode = #tpu.pipeline_mode<synchronous>, transform_indices = @transform_4, window_bounds = array<i64: 1, 192>}, {pipeline_mode = #tpu.pipeline_mode<synchronous>, transform_indices = @transform_5, window_bounds = array<i64: 192, 1>}, {transform_indices = @transform_6, window_bounds = array<i64: 3136, 1>}]} {
    %get3A = arith.constant 0 : index
    %get3A_0 = arith.constant 0 : index
    %get3A_1 = vector.load %arg1[%get3A, %get3A_0] : memref<3136x192xbf16, #tpu.memory_space<vmem>>, vector<3136x192xbf16>
    %get3A_2 = arith.constant 0 : index
    %get3A_3 = arith.constant 0 : index
    %get3A_4 = vector.load %arg2[%get3A_2, %get3A_3] : memref<192x192xbf16, #tpu.memory_space<vmem>>, vector<192x192xbf16>
    %dot_general3A = arith.constant dense<0.000000e+00> : vector<3136x192xf32>
    %dot_general3A_5 = tpu.matmul %get3A_1, %get3A_4, %dot_general3A {dimension_numbers = #tpu.dot_dimension_numbers<[1], [0], [0], [1], [0, 0, 1, 1], [], []>, transpose_lhs_hint = false} : vector<3136x192xbf16>, vector<192x192xbf16>, vector<3136x192xf32> -> vector<3136x192xf32>
    %get3A_6 = arith.constant 0 : index
    %get3A_7 = arith.constant 0 : index
    %get3A_8 = vector.load %arg3[%get3A_6, %get3A_7] : memref<1x192xf32, #tpu.memory_space<vmem>>, vector<1x192xf32>
    %add3A = vector.broadcast %get3A_8 : vector<1x192xf32> to vector<3136x192xf32>
    %add3A_9 = arith.addf %dot_general3A_5, %add3A : vector<3136x192xf32>
    %tanh3A = math.tanh %add3A_9 : vector<3136x192xf32>
    %get3A_10 = arith.constant 0 : index
    %get3A_11 = arith.constant 0 : index
    %get3A_12 = vector.load %arg4[%get3A_10, %get3A_11] : memref<192x192xbf16, #tpu.memory_space<vmem>>, vector<192x192xbf16>
    %dot_general3A_13 = arith.constant dense<0.000000e+00> : vector<3136x192xf32>
    %dot_general3A_14 = tpu.matmul %get3A_1, %get3A_12, %dot_general3A_13 {dimension_numbers = #tpu.dot_dimension_numbers<[1], [0], [0], [1], [0, 0, 1, 1], [], []>, transpose_lhs_hint = false} : vector<3136x192xbf16>, vector<192x192xbf16>, vector<3136x192xf32> -> vector<3136x192xf32>
    %get3A_15 = arith.constant 0 : index
    %get3A_16 = arith.constant 0 : index
    %get3A_17 = vector.load %arg5[%get3A_15, %get3A_16] : memref<1x192xf32, #tpu.memory_space<vmem>>, vector<1x192xf32>
    %add3A_18 = vector.broadcast %get3A_17 : vector<1x192xf32> to vector<3136x192xf32>
    %add3A_19 = arith.addf %dot_general3A_14, %add3A_18 : vector<3136x192xf32>
    %logistic3A = arith.negf %add3A_19 : vector<3136x192xf32>
    %logistic3A_20 = math.exp %logistic3A : vector<3136x192xf32>
    %logistic3A_21 = arith.constant 1.000000e+00 : f32
    %logistic3A_22 = vector.broadcast %logistic3A_21 : f32 to vector<3136x192xf32>
    %logistic3A_23 = arith.addf %logistic3A_22, %logistic3A_20 : vector<3136x192xf32>
    %logistic3A_24 = arith.divf %logistic3A_22, %logistic3A_23 : vector<3136x192xf32>
    %mul3A = arith.mulf %tanh3A, %logistic3A_24 : vector<3136x192xf32>
    %get3A_25 = arith.constant 0 : index
    %get3A_26 = arith.constant 0 : index
    %get3A_27 = vector.load %arg6[%get3A_25, %get3A_26] : memref<192x1xf32, #tpu.memory_space<vmem>>, vector<192x1xf32>
    %dot_general3A_28 = arith.constant dense<0.000000e+00> : vector<3136x1xf32>
    %dot_general3A_29 = tpu.matmul %mul3A, %get3A_27, %dot_general3A_28 {dimension_numbers = #tpu.dot_dimension_numbers<[1], [0], [0], [1], [0, 0, 1, 1], [], []>, transpose_lhs_hint = false} : vector<3136x192xf32>, vector<192x1xf32>, vector<3136x1xf32> -> vector<3136x1xf32>
    %mul3A_30 = arith.constant 3136 : i32
    %mul3A_31 = arith.muli %arg0, %mul3A_30 : i32
    %iota3A = tpu.iota {dimensions = array<i32: 0>} : vector<3136x1xi32>
    %add3A_32 = vector.broadcast %mul3A_31 : i32 to vector<3136x1xi32>
    %add3A_33 = arith.addi %add3A_32, %iota3A : vector<3136x1xi32>
    %lt3A = arith.constant 25000 : i32
    %lt3A_34 = vector.broadcast %lt3A : i32 to vector<3136x1xi32>
    %lt3A_35 = arith.cmpi slt, %add3A_33, %lt3A_34 : vector<3136x1xi32>
    %jit3A = arith.constant -1.000000e+30 : f32
    %broadcast_in_dim3A = vector.broadcast %jit3A : f32 to vector<3136x1xf32>
    %select_n3A = arith.select %lt3A_35, %dot_general3A_29, %broadcast_in_dim3A : vector<3136x1xi1>, vector<3136x1xf32>
    %swap3A = arith.constant 0 : index
    %swap3A_36 = arith.constant 0 : index
    %swap3A_37 = vector.load %arg7[%swap3A, %swap3A_36] : memref<3136x1xf32, #tpu.memory_space<vmem>>, vector<3136x1xf32>
    tpu.vector_store %arg7[%swap3A, %swap3A_36], %select_n3A {strides = array<i32>} : memref<3136x1xf32, #tpu.memory_space<vmem>>, vector<3136x1xf32>,
    return
  }
  func.func @transform_0(%arg0: i32) -> (i32, i32) {
    %c0_i32 = arith.constant 0 : i32
    %c0_i32_0 = arith.constant 0 : i32
    return %arg0, %c0_i32 : i32, i32
  }
  func.func @transform_1(%arg0: i32) -> (i32, i32) {
    %c0_i32 = arith.constant 0 : i32
    %c0_i32_0 = arith.constant 0 : i32
    %c0_i32_1 = arith.constant 0 : i32
    return %c0_i32, %c0_i32_0 : i32, i32
  }
  func.func @transform_2(%arg0: i32) -> (i32, i32) {
    %c0_i32 = arith.constant 0 : i32
    %c0_i32_0 = arith.constant 0 : i32
    %c0_i32_1 = arith.constant 0 : i32
    return %c0_i32, %c0_i32_0 : i32, i32
  }
  func.func @transform_3(%arg0: i32) -> (i32, i32) {
    %c0_i32 = arith.constant 0 : i32
    %c0_i32_0 = arith.constant 0 : i32
    %c0_i32_1 = arith.constant 0 : i32
    return %c0_i32, %c0_i32_0 : i32, i32
  }
  func.func @transform_4(%arg0: i32) -> (i32, i32) {
    %c0_i32 = arith.constant 0 : i32
    %c0_i32_0 = arith.constant 0 : i32
    %c0_i32_1 = arith.constant 0 : i32
    return %c0_i32, %c0_i32_0 : i32, i32
  }
  func.func @transform_5(%arg0: i32) -> (i32, i32) {
    %c0_i32 = arith.constant 0 : i32
    %c0_i32_0 = arith.constant 0 : i32
    %c0_i32_1 = arith.constant 0 : i32
    return %c0_i32, %c0_i32_0 : i32, i32
  }
  func.func @transform_6(%arg0: i32) -> (i32, i32) {
    %c0_i32 = arith.constant 0 : i32
    %c0_i32_0 = arith.constant 0 : i32
    return %arg0, %c0_i32 : i32, i32
  }
}

module attributes {stable_mosaic.version = 14 : i64} {
  func.func @body(%arg0: memref<1x25088xf32, #tpu.memory_space<vmem>>, %arg1: memref<1x25088xf32, #tpu.memory_space<vmem>>) attributes {dimension_semantics = [], scalar_prefetch = 0 : i64, scratch_operands = 0 : i64, tpu.core_type = #tpu.core_type<tc>} {
    %get3A = arith.constant 0 : index
    %get3A_0 = arith.constant 0 : index
    %get3A_1 = vector.load %arg0[%get3A, %get3A_0] : memref<1x25088xf32, #tpu.memory_space<vmem>>, vector<1x25088xf32>
    %reduce_max3A = arith.constant dense<0xFF800000> : vector<1xf32>
    %reduce_max3A_2 = vector.multi_reduction <maximumf>, %get3A_1, %reduce_max3A [1] : vector<1x25088xf32> to vector<1xf32>
    %broadcast_in_dim3A = vector.shape_cast %reduce_max3A_2 : vector<1xf32> to vector<1x1xf32>
    %sub3A = vector.broadcast %broadcast_in_dim3A : vector<1x1xf32> to vector<1x25088xf32>
    %sub3A_3 = arith.subf %get3A_1, %sub3A : vector<1x25088xf32>
    %exp3A = math.exp %sub3A_3 : vector<1x25088xf32>
    %reduce_sum3A = arith.constant dense<0.000000e+00> : vector<1xf32>
    %reduce_sum3A_4 = vector.multi_reduction <add>, %exp3A, %reduce_sum3A [1] : vector<1x25088xf32> to vector<1xf32>
    %broadcast_in_dim3A_5 = vector.shape_cast %reduce_sum3A_4 : vector<1xf32> to vector<1x1xf32>
    %div3A = vector.broadcast %broadcast_in_dim3A_5 : vector<1x1xf32> to vector<1x25088xf32>
    %div3A_6 = arith.divf %exp3A, %div3A : vector<1x25088xf32>
    %swap3A = arith.constant 0 : index
    %swap3A_7 = arith.constant 0 : index
    %swap3A_8 = vector.load %arg1[%swap3A, %swap3A_7] : memref<1x25088xf32, #tpu.memory_space<vmem>>, vector<1x25088xf32>
    tpu.vector_store %arg1[%swap3A, %swap3A_7], %div3A_6 {strides = array<i32>} : memref<1x25088xf32, #tpu.memory_space<vmem>>, vector<1x25088xf32>,
    return
  }
}

module attributes {stable_mosaic.version = 14 : i64} {
  func.func @body(%arg0: i32, %arg1: memref<1x3584xf32, #tpu.memory_space<vmem>>, %arg2: memref<3584x192xbf16, #tpu.memory_space<vmem>>, %arg3: memref<1x192xf32, #tpu.memory_space<vmem>>) attributes {dimension_semantics = [#tpu.dimension_semantics<arbitrary>], iteration_bounds = array<i64: 7>, scalar_prefetch = 0 : i64, scratch_operands = 0 : i64, tpu.core_type = #tpu.core_type<tc>, window_params = [{transform_indices = @transform_0, window_bounds = array<i64: 1, 3584>}, {transform_indices = @transform_1, window_bounds = array<i64: 3584, 192>}, {pipeline_mode = #tpu.pipeline_mode<synchronous>, transform_indices = @transform_2, window_bounds = array<i64: 1, 192>}]} {
    %eq3A = arith.constant 0 : i32
    %eq3A_0 = arith.cmpi eq, %arg0, %eq3A : i32
    %convert_element_type3A = arith.extui %eq3A_0 : i1 to i32
    %cond3A = arith.constant 0 : i32
    %cond3A_1 = arith.cmpi ne, %convert_element_type3A, %cond3A : i32
    scf.if %cond3A_1 {
      %broadcast_in_dim3A = arith.constant 0.000000e+00 : f32
      %broadcast_in_dim3A_14 = vector.broadcast %broadcast_in_dim3A : f32 to vector<1x192xf32>
      %swap3A_15 = arith.constant 0 : index
      %swap3A_16 = arith.constant 0 : index
      %swap3A_17 = vector.load %arg3[%swap3A_15, %swap3A_16] : memref<1x192xf32, #tpu.memory_space<vmem>>, vector<1x192xf32>
      tpu.vector_store %arg3[%swap3A_15, %swap3A_16], %broadcast_in_dim3A_14 {strides = array<i32>} : memref<1x192xf32, #tpu.memory_space<vmem>>, vector<1x192xf32>,
    } else {
    }
    %get3A = arith.constant 0 : index
    %get3A_2 = arith.constant 0 : index
    %get3A_3 = vector.load %arg3[%get3A, %get3A_2] : memref<1x192xf32, #tpu.memory_space<vmem>>, vector<1x192xf32>
    %get3A_4 = arith.constant 0 : index
    %get3A_5 = arith.constant 0 : index
    %get3A_6 = vector.load %arg1[%get3A_4, %get3A_5] : memref<1x3584xf32, #tpu.memory_space<vmem>>, vector<1x3584xf32>
    %get3A_7 = arith.constant 0 : index
    %get3A_8 = arith.constant 0 : index
    %get3A_9 = vector.load %arg2[%get3A_7, %get3A_8] : memref<3584x192xbf16, #tpu.memory_space<vmem>>, vector<3584x192xbf16>
    %convert_element_type3A_10 = arith.extf %get3A_9 : vector<3584x192xbf16> to vector<3584x192xf32>
    %dot_general3A = arith.constant dense<0.000000e+00> : vector<1x192xf32>
    %dot_general3A_11 = tpu.matmul %get3A_6, %convert_element_type3A_10, %dot_general3A {dimension_numbers = #tpu.dot_dimension_numbers<[1], [0], [0], [1], [0, 0, 1, 1], [], []>, transpose_lhs_hint = false} : vector<1x3584xf32>, vector<3584x192xf32>, vector<1x192xf32> -> vector<1x192xf32>
    %add3A = arith.addf %get3A_3, %dot_general3A_11 : vector<1x192xf32>
    %swap3A = arith.constant 0 : index
    %swap3A_12 = arith.constant 0 : index
    %swap3A_13 = vector.load %arg3[%swap3A, %swap3A_12] : memref<1x192xf32, #tpu.memory_space<vmem>>, vector<1x192xf32>
    tpu.vector_store %arg3[%swap3A, %swap3A_12], %add3A {strides = array<i32>} : memref<1x192xf32, #tpu.memory_space<vmem>>, vector<1x192xf32>,
    return
  }
  func.func @transform_0(%arg0: i32) -> (i32, i32) {
    %c0_i32 = arith.constant 0 : i32
    %c0_i32_0 = arith.constant 0 : i32
    return %c0_i32, %arg0 : i32, i32
  }
  func.func @transform_1(%arg0: i32) -> (i32, i32) {
    %c0_i32 = arith.constant 0 : i32
    %c0_i32_0 = arith.constant 0 : i32
    return %arg0, %c0_i32 : i32, i32
  }
  func.func @transform_2(%arg0: i32) -> (i32, i32) {
    %c0_i32 = arith.constant 0 : i32
    %c0_i32_0 = arith.constant 0 : i32
    %c0_i32_1 = arith.constant 0 : i32
    return %c0_i32, %c0_i32_0 : i32, i32
  }
}

module attributes {stable_mosaic.version = 14 : i64} {
  func.func @body(%arg0: i32, %arg1: memref<3136x64xbf16, #tpu.memory_space<vmem>>, %arg2: memref<3136x64xbf16, #tpu.memory_space<vmem>>, %arg3: memref<3136x64xbf16, #tpu.memory_space<vmem>>, %arg4: memref<192x192xbf16, #tpu.memory_space<vmem>>, %arg5: memref<1x192xf32, #tpu.memory_space<vmem>>, %arg6: memref<3136x192xbf16, #tpu.memory_space<vmem>>) attributes {dimension_semantics = [#tpu.dimension_semantics<arbitrary>], iteration_bounds = array<i64: 8>, scalar_prefetch = 0 : i64, scratch_operands = 0 : i64, tpu.core_type = #tpu.core_type<tc>, window_params = [{transform_indices = @transform_0, window_bounds = array<i64: 3136, 64>}, {transform_indices = @transform_1, window_bounds = array<i64: 3136, 64>}, {transform_indices = @transform_2, window_bounds = array<i64: 3136, 64>}, {pipeline_mode = #tpu.pipeline_mode<synchronous>, transform_indices = @transform_3, window_bounds = array<i64: 192, 192>}, {pipeline_mode = #tpu.pipeline_mode<synchronous>, transform_indices = @transform_4, window_bounds = array<i64: 1, 192>}, {transform_indices = @transform_5, window_bounds = array<i64: 3136, 192>}]} {
    %get3A = arith.constant 0 : index
    %get3A_0 = arith.constant 0 : index
    %get3A_1 = vector.load %arg1[%get3A, %get3A_0] : memref<3136x64xbf16, #tpu.memory_space<vmem>>, vector<3136x64xbf16>
    %get3A_2 = arith.constant 0 : index
    %get3A_3 = arith.constant 0 : index
    %get3A_4 = vector.load %arg2[%get3A_2, %get3A_3] : memref<3136x64xbf16, #tpu.memory_space<vmem>>, vector<3136x64xbf16>
    %get3A_5 = arith.constant 0 : index
    %get3A_6 = arith.constant 0 : index
    %get3A_7 = vector.load %arg3[%get3A_5, %get3A_6] : memref<3136x64xbf16, #tpu.memory_space<vmem>>, vector<3136x64xbf16>
    %concatenate3A = tpu.concatenate %get3A_1, %get3A_4, %get3A_7 in 1 : vector<3136x64xbf16>, vector<3136x64xbf16>, vector<3136x64xbf16> -> vector<3136x192xbf16>
    %get3A_8 = arith.constant 0 : index
    %get3A_9 = arith.constant 0 : index
    %get3A_10 = vector.load %arg4[%get3A_8, %get3A_9] : memref<192x192xbf16, #tpu.memory_space<vmem>>, vector<192x192xbf16>
    %dot_general3A = arith.constant dense<0.000000e+00> : vector<3136x192xf32>
    %dot_general3A_11 = tpu.matmul %concatenate3A, %get3A_10, %dot_general3A {dimension_numbers = #tpu.dot_dimension_numbers<[1], [0], [0], [1], [0, 0, 1, 1], [], []>, transpose_lhs_hint = false} : vector<3136x192xbf16>, vector<192x192xbf16>, vector<3136x192xf32> -> vector<3136x192xf32>
    %get3A_12 = arith.constant 0 : index
    %get3A_13 = arith.constant 0 : index
    %get3A_14 = vector.load %arg5[%get3A_12, %get3A_13] : memref<1x192xf32, #tpu.memory_space<vmem>>, vector<1x192xf32>
    %add3A = vector.broadcast %get3A_14 : vector<1x192xf32> to vector<3136x192xf32>
    %add3A_15 = arith.addf %dot_general3A_11, %add3A : vector<3136x192xf32>
    %ge3A = arith.constant 0.000000e+00 : f32
    %ge3A_16 = vector.broadcast %ge3A : f32 to vector<3136x192xf32>
    %ge3A_17 = arith.cmpf oge, %add3A_15, %ge3A_16 : vector<3136x192xf32>
    %mul3A = arith.constant 0.00999999977 : f32
    %mul3A_18 = vector.broadcast %mul3A : f32 to vector<3136x192xf32>
    %mul3A_19 = arith.mulf %mul3A_18, %add3A_15 : vector<3136x192xf32>
    %select_n3A = arith.select %ge3A_17, %add3A_15, %mul3A_19 : vector<3136x192xi1>, vector<3136x192xf32>
    %convert_element_type3A = arith.truncf %select_n3A : vector<3136x192xf32> to vector<3136x192xbf16>
    %swap3A = arith.constant 0 : index
    %swap3A_20 = arith.constant 0 : index
    %swap3A_21 = vector.load %arg6[%swap3A, %swap3A_20] : memref<3136x192xbf16, #tpu.memory_space<vmem>>, vector<3136x192xbf16>
    tpu.vector_store %arg6[%swap3A, %swap3A_20], %convert_element_type3A {strides = array<i32>} : memref<3136x192xbf16, #tpu.memory_space<vmem>>, vector<3136x192xbf16>,
    return
  }
  func.func @transform_0(%arg0: i32) -> (i32, i32) {
    %c0_i32 = arith.constant 0 : i32
    %c0_i32_0 = arith.constant 0 : i32
    return %arg0, %c0_i32 : i32, i32
  }
  func.func @transform_1(%arg0: i32) -> (i32, i32) {
    %c0_i32 = arith.constant 0 : i32
    %c0_i32_0 = arith.constant 0 : i32
    return %arg0, %c0_i32 : i32, i32
  }
  func.func @transform_2(%arg0: i32) -> (i32, i32) {
    %c0_i32 = arith.constant 0 : i32
    %c0_i32_0 = arith.constant 0 : i32
    return %arg0, %c0_i32 : i32, i32
  }
  func.func @transform_3(%arg0: i32) -> (i32, i32) {
    %c0_i32 = arith.constant 0 : i32
    %c0_i32_0 = arith.constant 0 : i32
    %c0_i32_1 = arith.constant 0 : i32
    return %c0_i32, %c0_i32_0 : i32, i32
  }
  func.func @transform_4(%arg0: i32) -> (i32, i32) {
    %c0_i32 = arith.constant 0 : i32
    %c0_i32_0 = arith.constant 0 : i32
    %c0_i32_1 = arith.constant 0 : i32
    return %c0_i32, %c0_i32_0 : i32, i32
  }
  func.func @transform_5(%arg0: i32) -> (i32, i32) {
    %c0_i32 = arith.constant 0 : i32
    %c0_i32_0 = arith.constant 0 : i32
    return %arg0, %c0_i32 : i32, i32
  }
}

module attributes {stable_mosaic.version = 14 : i64} {
  func.func @body(%arg0: memref<1x384xf32, #tpu.memory_space<vmem>>, %arg1: memref<384x384xf32, #tpu.memory_space<vmem>>, %arg2: memref<1x384xf32, #tpu.memory_space<vmem>>, %arg3: memref<384x2xf32, #tpu.memory_space<vmem>>, %arg4: memref<1x2xf32, #tpu.memory_space<vmem>>, %arg5: memref<1x2xf32, #tpu.memory_space<vmem>>) attributes {dimension_semantics = [], scalar_prefetch = 0 : i64, scratch_operands = 0 : i64, tpu.core_type = #tpu.core_type<tc>} {
    %get3A = arith.constant 0 : index
    %get3A_0 = arith.constant 0 : index
    %get3A_1 = vector.load %arg0[%get3A, %get3A_0] : memref<1x384xf32, #tpu.memory_space<vmem>>, vector<1x384xf32>
    %get3A_2 = arith.constant 0 : index
    %get3A_3 = arith.constant 0 : index
    %get3A_4 = vector.load %arg1[%get3A_2, %get3A_3] : memref<384x384xf32, #tpu.memory_space<vmem>>, vector<384x384xf32>
    %dot_general3A = arith.constant dense<0.000000e+00> : vector<1x384xf32>
    %dot_general3A_5 = tpu.matmul %get3A_1, %get3A_4, %dot_general3A {dimension_numbers = #tpu.dot_dimension_numbers<[1], [0], [0], [1], [0, 0, 1, 1], [], []>, transpose_lhs_hint = false} : vector<1x384xf32>, vector<384x384xf32>, vector<1x384xf32> -> vector<1x384xf32>
    %get3A_6 = arith.constant 0 : index
    %get3A_7 = arith.constant 0 : index
    %get3A_8 = vector.load %arg2[%get3A_6, %get3A_7] : memref<1x384xf32, #tpu.memory_space<vmem>>, vector<1x384xf32>
    %add3A = arith.addf %dot_general3A_5, %get3A_8 : vector<1x384xf32>
    %ge3A = arith.constant 0.000000e+00 : f32
    %ge3A_9 = vector.broadcast %ge3A : f32 to vector<1x384xf32>
    %ge3A_10 = arith.cmpf oge, %add3A, %ge3A_9 : vector<1x384xf32>
    %mul3A = arith.constant 0.00999999977 : f32
    %mul3A_11 = vector.broadcast %mul3A : f32 to vector<1x384xf32>
    %mul3A_12 = arith.mulf %mul3A_11, %add3A : vector<1x384xf32>
    %select_n3A = arith.select %ge3A_10, %add3A, %mul3A_12 : vector<1x384xi1>, vector<1x384xf32>
    %get3A_13 = arith.constant 0 : index
    %get3A_14 = arith.constant 0 : index
    %get3A_15 = vector.load %arg3[%get3A_13, %get3A_14] : memref<384x2xf32, #tpu.memory_space<vmem>>, vector<384x2xf32>
    %dot_general3A_16 = arith.constant dense<0.000000e+00> : vector<1x2xf32>
    %dot_general3A_17 = tpu.matmul %select_n3A, %get3A_15, %dot_general3A_16 {dimension_numbers = #tpu.dot_dimension_numbers<[1], [0], [0], [1], [0, 0, 1, 1], [], []>, transpose_lhs_hint = false} : vector<1x384xf32>, vector<384x2xf32>, vector<1x2xf32> -> vector<1x2xf32>
    %get3A_18 = arith.constant 0 : index
    %get3A_19 = arith.constant 0 : index
    %get3A_20 = vector.load %arg4[%get3A_18, %get3A_19] : memref<1x2xf32, #tpu.memory_space<vmem>>, vector<1x2xf32>
    %add3A_21 = arith.addf %dot_general3A_17, %get3A_20 : vector<1x2xf32>
    %logistic3A = arith.negf %add3A_21 : vector<1x2xf32>
    %logistic3A_22 = math.exp %logistic3A : vector<1x2xf32>
    %logistic3A_23 = arith.constant 1.000000e+00 : f32
    %logistic3A_24 = vector.broadcast %logistic3A_23 : f32 to vector<1x2xf32>
    %logistic3A_25 = arith.addf %logistic3A_24, %logistic3A_22 : vector<1x2xf32>
    %logistic3A_26 = arith.divf %logistic3A_24, %logistic3A_25 : vector<1x2xf32>
    %swap3A = arith.constant 0 : index
    %swap3A_27 = arith.constant 0 : index
    %swap3A_28 = vector.load %arg5[%swap3A, %swap3A_27] : memref<1x2xf32, #tpu.memory_space<vmem>>, vector<1x2xf32>
    tpu.vector_store %arg5[%swap3A, %swap3A_27], %logistic3A_26 {strides = array<i32>} : memref<1x2xf32, #tpu.memory_space<vmem>>, vector<1x2xf32>,
    return
  }
}

</mosaic_0001>

<sc_bundles>
// kernel: kernel.22.cloned.1.call-start
scs
__scs_entry_jumppad:
0x0: {  	(pc) =	sbr.rel $0x88, $3  }
0x1: {  	(tag) =	ssettag $0x0;
	lr =	simm.s32 $0x1  }
0x2: {  	[smem:$0x3F71] =	sst lr;
	_ =	strace $0xD0000000  }
0x3: {  	_ = 	snop  }
0x4: {  	_ = 	snop  }
0x5: {  	_ = 	snop  }
0x6: {  	_ = 	snop  }
0x7: {  	_ = 	snop  }
__scs_overlays_trampoline_lowered:
0x8: {  	[smem:$0x3F80] =	sst s0  }
0x9: {  	[smem:$0x3F81] =	sst s1  }
0xa: {  	[smem:$0x3F82] =	sst s2  }
0xb: {  	[smem:$0x3F83] =	sst s3  }
0xc: {  	[smem:$0x3F84] =	sst s4  }
0xd: {  	[smem:$0x3F85] =	sst s5  }
0xe: {  	[smem:$0x3F86] =	sst s6  }
0xf: {  	[smem:$0x3F87] =	sst s7  }
0x10: {  	[smem:$0x3F88] =	sst s8  }
0x11: {  	[smem:$0x3F89] =	sst s9;
	s0 =	simm.s32 @!p0 $0x0  }
0x12: {  	s1 =	sld [smem:$0x3F6F];
	s0 =	simm.s32 @p0 $0x1  }
0x13: {  	[smem:$0x3F8A] =	sst s0;
	s0 =	simm.s32 @!p1 $0x0  }
0x14: {  	s2 =	sld [smem:$0x3F6E];
	s0 =	simm.s32 @p1 $0x1  }
0x15: {  	[smem:$0x3F8B] =	sst s0;
	s0 =	simm.s32 @!p2 $0x0  }
0x16: {  	s3 =	sld [smem:$0x3FDB];
	s0 =	simm.s32 @p2 $0x1  }
0x17: {  	s4 =	simm.s32 $0x1BF5;
	[smem:$0x3F8D] =	sst s0  }
0x18: {  	s0 =	sld [smem:$0x3F70];
	_ =	swait.ge [sflag:s4], $0x0  }
0x19: {  	s7 =	sld [smem:$0x3F71]  }
0x1a: {  	s8 =	sadd.s32 $0xFFFFE003, lr  }
0x1b: {  	s9 =	sadd.s32 $0xFFFFFEF7, lr;
	s5 =	simm.s32 $0xFFFFFFFF;
	p2 =	slt.u32 s8, $0xFFFFF086  }
0x1c: {  	p1 =	slt.u32 s9, $0xF7A;
	s5 =	simm.s32 @!p2 $0x0  }
0x1d: {  	s5 =	simm.s32 @p1 $0x1;
	p0 =	seq.s32 s7, s2  }
0x1e: {  	s7 =	smul.u32 @!p0 $0xF7A, s2;
	p2 =	seq.s32 @!p0 s5, $0x0  }
0x1f: {  	s9 =	smul.u32 $0xF7A, s1;
	s8 =	simm.s32 @!p0 $0x1BF5;
	p2 =	por !p2, p0  }
0x20: {  	[sflag:s8] =	ssyncset.s32 @!p0 $0xFFFFF086;
	s6 =	sadd.s32 @!p0 s3, s7;
	s7 =	simm.s32 @!p0 $0x108  }
0x21: {  	s3 =	sadd.s32 s3, s9;
	s6 =	sadd.s32 @!p0 $0x88, s6;
	s7 =	simm.s32 @p2 $0x1082  }
0x22: {  	[simem:s7], [sflag:s8] =	dma.local @!p0 [hbm:s6], $0xF7A  }
0x23: {  	s9 =	sor.u32 $0xD0000000, s2;
	s6 =	simm.s32 $0x108;
	_ =	swait.ge @!p0 [sflag:s8], $0x0  }
0x24: {  	s3 =	sadd.s32 $0x88, s3;
	s6 =	simm.s32 @!p1 $0x1082;
	[sflag:s4] =	ssyncset.s32 $0xFFFFF086  }
0x25: {  	[simem:s6], [sflag:s4] =	dma.local [hbm:s3], $0xF7A  }
0x26: {  	[smem:$0x3F71] =	sst s1;
	(tag) =	ssettag s2;
	_ =	strace s9  }
0x27: {  	s1 =	sld [smem:$0x3F81]  }
0x28: {  	s2 =	sld [smem:$0x3F82]  }
0x29: {  	s4 =	sld [smem:$0x3F84]  }
0x2a: {  	p0 =	seq.s32 s5, $0x0;
	s5 =	sld [smem:$0x3F85]  }
0x2b: {  	s6 =	sld [smem:$0x3F86]  }
0x2c: {  	s7 =	sld [smem:$0x3F87]  }
0x2d: {  	s3 =	simm.s32 $0x108;
	s8 =	sld [smem:$0x3F88]  }
0x2e: {  	s3 =	simm.s32 @!p0 $0x1082;
	s9 =	sld [smem:$0x3F89]  }
0x2f: {  	lr =	sadd.s32 s0, s3;
	s0 =	sld [smem:$0x3F80]  }
0x30: {  	s3 =	sld [smem:$0x3F83]  }
0x31: {  	[smem:$0x3F8C] =	sst s10  }
0x32: {  	s10 =	sld [smem:$0x3F8A];
	_ =	sdelay $0x3  }
0x33: {  	p0 =	seq.s32 s10, $0x1;
	s10 =	sld [smem:$0x3F8C];
	_ =	sdelay $0x3  }
0x34: {  	[smem:$0x3F8C] =	sst s10  }
0x35: {  	s10 =	sld [smem:$0x3F8B];
	_ =	sdelay $0x3  }
0x36: {  	p1 =	seq.s32 s10, $0x1;
	s10 =	sld [smem:$0x3F8C];
	_ =	sdelay $0x3  }
0x37: {  	[smem:$0x3F8C] =	sst s10  }
0x38: {  	s10 =	sld [smem:$0x3F8D]  }
0x39: {  	_ = 	snop;
	(pc) =	sbr.ind lr, $3  }
0x3a: {  	_ = 	snop  }
0x3b: {  	_ = 	snop  }
0x3c: {  	p2 =	seq.s32 s10, $0x1;
	s10 =	sld [smem:$0x3F8C]  }
0x3d: {  	_ =	shalt  }
0x3e: {  	_ =	shalt  }
0x3f: {  	_ =	shalt  }
0x40: {  	_ =	shalt  }
0x41: {  	_ =	shalt  }
0x42: {  	_ =	shalt  }
0x43: {  	_ =	shalt  }
0x44: {  	_ =	shalt  }
0x45: {  	_ =	shalt  }
0x46: {  	_ =	shalt  }
0x47: {  	_ =	shalt  }
0x48: {  	_ =	shalt  }
0x49: {  	_ =	shalt  }
0x4a: {  	_ =	shalt  }
0x4b: {  	_ =	shalt  }
0x4c: {  	_ =	shalt  }
0x4d: {  	_ =	shalt  }
0x4e: {  	_ =	shalt  }
0x4f: {  	_ =	shalt  }
0x50: {  	_ =	shalt  }
0x51: {  	_ =	shalt  }
0x52: {  	_ =	shalt  }
0x53: {  	_ =	shalt  }
0x54: {  	_ =	shalt  }
0x55: {  	_ =	shalt  }
0x56: {  	_ =	shalt  }
0x57: {  	_ =	shalt  }
0x58: {  	_ =	shalt  }
0x59: {  	_ =	shalt  }
0x5a: {  	_ =	shalt  }
0x5b: {  	_ =	shalt  }
0x5c: {  	_ =	shalt  }
0x5d: {  	_ =	shalt  }
0x5e: {  	_ =	shalt  }
0x5f: {  	_ =	shalt  }
0x60: {  	_ =	shalt  }
0x61: {  	_ =	shalt  }
0x62: {  	_ =	shalt  }
0x63: {  	_ =	shalt  }
0x64: {  	_ =	shalt  }
0x65: {  	_ =	shalt  }
0x66: {  	_ =	shalt  }
0x67: {  	_ =	shalt  }
0x68: {  	_ =	shalt  }
0x69: {  	_ =	shalt  }
0x6a: {  	_ =	shalt  }
0x6b: {  	_ =	shalt  }
0x6c: {  	_ =	shalt  }
0x6d: {  	_ =	shalt  }
0x6e: {  	_ =	shalt  }
0x6f: {  	_ =	shalt  }
0x70: {  	_ =	shalt  }
0x71: {  	_ =	shalt  }
0x72: {  	_ =	shalt  }
0x73: {  	_ =	shalt  }
0x74: {  	_ =	shalt  }
0x75: {  	_ =	shalt  }
0x76: {  	_ =	shalt  }
0x77: {  	_ =	shalt  }
0x78: {  	_ =	shalt  }
0x79: {  	_ =	shalt  }
0x7a: {  	_ =	shalt  }
0x7b: {  	_ =	shalt  }
0x7c: {  	_ =	shalt  }
0x7d: {  	_ =	shalt  }
0x7e: {  	_ =	shalt  }
0x7f: {  	_ =	shalt  }
0x80: {  	_ =	shalt  }
0x81: {  	_ =	shalt  }
0x82: {  	_ =	shalt  }
0x83: {  	_ =	shalt  }
0x84: {  	_ =	shalt  }
0x85: {  	_ =	shalt  }
0x86: {  	_ =	shalt  }
0x87: {  	_ =	shalt  }
.Lfunc_end0:
.L_simem_size_0:
called_computation_lowered:
.L_overlay_start_0:
0x88: {  	s2 =	sld [smem:$0x3FD9]  }
0x89: {  	s3 =	sld [smem:$0x3FFE];
	_ =	sdelay $0x1  }
0x8a: {  	s1 =	srdreg.scid  }
0x8b: {  	s0 =	sand.u32 $0x1, s1  }
0x8c: {  	s16 =	sshll.u32 s0, $0xA;
	s2 =	sadd.s32 s3, s2  }
0x8d: {  	s2 =	sadd.s32 s2, s16  }
0x8e: {  	[smem:$0x3F98] =	sst s2  }
0x8f: {  	_ = 	snop  }
0x90: {  	(tm) =	ssettm $0x1  }
0x91: {  	s17 =	sld [smem:$0x3FFB];
	_ =	sdelay $0x3  }
0x92: {  	_ =	strace s17  }
0x93: {  	s2 =	sld [smem:$0x3FFC];
	_ =	sdelay $0x3  }
0x94: {  	_ =	strace s2  }
0x95: {  	s2 =	sld [smem:$0x3FFD];
	_ =	sdelay $0x3  }
0x96: {  	_ =	strace s2  }
0x97: {  	_ =	strace $0x8FFFFFFF  }
0x98: {  	s18 =	sld [smem:$0x3FDB];
	_ =	sdelay $0x1  }
0x99: {  	s19 =	simm.s32 $_scs_section_size  }
0x9a: {  	s4 =	simm.s32 $_size__tile_overlayer_lowered;
	s5 =	simm.s32 $_tile_overlayer_lowered  }
0x9b: {  	s22 =	simm.s32 $0x1BFF;
	s21 =	sshll.u32 s5, $0x1;
	s2 =	sadd.s32 s19, s18  }
0x9c: {  	s6 =	simm.s32 $0x0;
	s20 =	sshll.u32 s4, $0x1;
	s4 =	sadd.s32 s21, s2  }
0x9d: {  	[timem:s6], [sflag:s22] =	dma.local [hbm:s4], s20  }
0x9e: {  	_ =	swait.ge [sflag:s22], s20  }
0x9f: {  	s3 =	ssub.s32 $0x0, s20;
	[sflag:s22] =	ssyncset.done $0x0  }
0xa0: {  	[sflag:s22] =	ssyncadd.s32 s3;
	_ =	sdelay $0x1  }
0xa1: {  	s23 =	simm.s32 $0x1B8B  }
0xa2: {  	_ =	swait.ge [sflag:s23], $0x1  }
0xa3: {  	[sflag:s23] =	ssyncset.done $0x0  }
0xa4: {  	s25 =	simm.s32 $0x1B8E;
	s24 =	sld [smem:$0x3FFE];
	[sflag:s23] =	ssyncadd.s32 $0xFFFFFFFF  }
0xa5: {  	s26 =	simm.s32 $execute0_lowered;
	[smem:$0x3FD2] =	sst s25  }
0xa6: {  	s4 =	sshll.u32 s26, $0x1;
	_ =	strace $0x80000046;
	[dreg:$0x1] =	wrdreg $0xFFFFFFFF  }
0xa7: {  	s28 =	simm.s32 $_size_execute0_lowered;
	s2 =	sadd.s32 s2, s4;
	[dreg:$0x0] =	wrdreg $0x0  }
0xa8: {  	s4 =	sshll.u32 s28, $0x1;
	[dreg:$0x2] =	wrdreg s2  }
0xa9: {  	[dreg:$0x3] =	wrdreg s4  }
0xaa: {  	[dreg:$0x4] =	wrdreg $0xC0  }
0xab: {  	_ =	task [dreg:s6], $0x5FFFF  }
0xac: {  	[dreg:$0x1] =	wrdreg $0xFFFFFFFF  }
0xad: {  	[dreg:$0x0] =	wrdreg $0x60  }
0xae: {  	[dreg:$0x2] =	wrdreg s24  }
0xaf: {  	[dreg:$0x3] =	wrdreg $0x71000  }
0xb0: {  	[dreg:$0x4] =	wrdreg $0x9  }
0xb1: {  	_ =	task.clear_ibuf [dreg:s6], $0x5FFFF;
	_ =	strace $0x90000046  }
0xb2: {  	s29 =	simm.s32 $0x9;
	_ =	strace $0x80000048  }
0xb3: {  	_ =	swait.ge [sflag:s29], $0x1  }
0xb4: {  	[sflag:s29] =	ssyncadd.s32 $0xFFFFFFFF  }
0xb5: {  	_ =	strace $0x90000048  }
0xb6: {  	_ =	sfence  }
0xb7: {  	s30 =	sld [smem:$0x0];
	_ =	sdelay $0x2  }
0xb8: {  	s31 =	sshll.u32 s1, $0xD;
	s1 =	sshrl.u32 s1, $0x2  }
0xb9: {  	s3 =	sand.u32 $0x4000, s31;
	s1 =	sadd.s32 s1, s30  }
0xba: {  	s0 =	sor.u32 s3, s0;
	s1 =	sshll.u32 s1, $0x11  }
0xbb: {  	s0 =	sor.u32 s1, s0  }
0xbc: {  	s0 =	sadd.s32 $0x8F2B, s0  }
0xbd: {  	[sflag:s0] =	ssyncadd.remote.s32 $0x1  }
0xbe: {  	_ =	sfence.sel $0xFFFF  }
0xbf: {  	[dreg:$0x0] =	wrdreg $0xFFFFFFFF;
	(pc) =	sbr.abs _section_cstart, $3  }
0xc0: {  	[dreg:$0x1] =	wrdreg $0xFFFFFFFF  }
0xc1: {  	_ =	task.clear_ibuf [dreg:s6], $0x2FFFF;
	_ =	strace $0x9FFFFFFF  }
0xc2: {  	(tm) =	ssettm $0x7FFFFFFF  }
0xc3: {  	_ =	shalt  }
tec
execute0_lowered:
.L_overlay_start_1:
0x0: {  	(tag) =	ssettag $0x1  }
0x1: {  	s10 =	rddreg [dreg:$0x0]  }
0x2: {  	s2 =	rddreg [dreg:$0x1]  }
0x3: {  	s0 =	rddreg [dreg:$0x2];
	s3 =	simm.s32 $0x0;
	s1 =	stileid.u32  }
0x4: {  	s4 =	srdreg.scid;
	s16 =	simm.s32 $0x3100;
	s17 =	simm.s32 $0x4100  }
0x5: {  	s18 =	simm.s32 $0x100;
	s19 =	simm.s32 $0x5100;
	s20 =	simm.s32 $0x180  }
0x6: {  	s21 =	simm.s32 $0x6100;
	s22 =	simm.s32 $0x1;
	s23 =	simm.s32 $0x0  }
0x7: {  	[smem:$0x7FF] =	sst s3;
	s8 =	smul.u32 $0x18800, s1;
	s6 =	sand.u32 $0x1, s4  }
0x8: {  	s4 =	sadd.s32 $0xB5A00, s10;
	s7 =	smul.u32 $0x1880, s1;
	s5 =	sadd.s32 $0x22C00, s10  }
0x9: {  	s31 =	sshll.u32 s1, $0x6;
	_ =	strace $0x80000047;
	s9 =	sshll.u32 s6, $0x4  }
0xa: {  	s11 =	smul.u32 $0x18800, s6;
	s6 =	ssub.s32 $0x2, s6;
	s9 =	sor.u32 s1, s9  }
0xb: {  	s12 =	sshrl.u32 s8, $0x4;
	s29 =	sshrl.u32 s6, $0x1;
	s8 =	sshrl.u32 s8, $0x1  }
0xc: {  	s9 =	smul.u32 $0xC35, s9;
	s12 =	sadd.s32 s12, s10;
	s7 =	sadd.s32 s7, s11  }
.Ltmp0:
0xd: {  	s14 =	ssub.s32 s6, s29;
	s15 =	sadd.s32 s8, s2;
	(pc) =	sbr.rel .LBB2_1-.Ltmp0, $4  }
0xe: {  	s13 =	sadd.s32 s7, s10;
	s8 =	sadd.s32 $0xA400, s12;
	s10 =	sadd.s32 $0x2EF50, s10  }
0xf: {  	s12 =	smax.u32 s14, $0x1;
	s14 =	simm.s32 $0x2;
	s30 =	sadd.s32 $0xC35, s9  }
0x10: {  	s6 =	sshrl.u32 s9, $0x5;
	s9 =	sor.u32 $0x1C02, s31;
	s11 =	sadd.s32 $0xE6A00, s13  }
0x11: {  	s13 =	sshrl.u32 s15, $0x3;
	s15 =	simm.s32 $0x80;
	s7 =	sshrl.u32 s30, $0x5  }
.LBB2_13:
0x12: {  	s23 =	sadd.s32 $0x1, s23  }
0x13: {  	p0 =	sne.s32 s23, s12  }
.Ltmp1:
0x14: {  	[bflag:$0x0] =	sbarrier.arrive $0xFFFF;
	(pc) =	sbr.rel @!p0 .LBB2_14-.Ltmp1, $4  }
0x15: {  	[hbm:s11], [sflag:s9] =	dma.local [spmem:s13], $0x1880  }
0x16: {  	_ =	swait.ge [sflag:s14], $0x1880  }
0x17: {  	[sflag:s14] =	ssyncset.done $0x0  }
0x18: {  	[sflag:s14] =	ssyncadd.s32 $0xFFFFE780  }
.LBB2_1:
0x19: {  	[spmem:s13], [sflag:s9] =	dma.local [hbm:s8], $0x1880  }
.Ltmp2:
0x1a: {  	_ =	swait.ge [sflag:s14], $0x1880;
	(pc) =	sbr.rel .LBB2_2-.Ltmp2, $4  }
0x1b: {  	[sflag:s14] =	ssyncset.done $0x0  }
0x1c: {  	[sflag:s14] =	ssyncadd.s32 $0xFFFFE780  }
0x1d: {  	[bflag:$0x0] =	sbarrier.arrive $0xFFFF  }
0x1e: {  	p1 =	por $0x1, $0x1;
	s24 =	simm.s32 $0x0  }
.LBB2_12:
.Ltmp3:
0x1f: {  	(pc) =	sbr.rel @!p0 .LBB2_13-.Ltmp3, $2  }
0x20: {  	_ =	sdelay $0x2  }
0x21: {  	s24 =	simm.s32 $0x31;
	p1 =	por $0x0, $0x0  }
.LBB2_2:
0x22: {  	s25 =	sadd.s32 s6, s24  }
0x23: {  	s24 =	sshll.u32 s25, $0x4  }
0x24: {  	s26 =	sadd.s32 s5, s24  }
0x25: {  	[tilespmem:s3], [sflag:$0x2] =	stream.linear.gather [hbm4b:s26+s3], $0x1880, $0x38;
	[tilespmem:$0x13500] =	vst v63  }
0x26: {  	_ =	swait.ge [sflag:s14], $0x1880  }
0x27: {  	[sflag:s14] =	ssyncset.done $0x0  }
0x28: {  	s31 =	sadd.s32 s24, s10;
	s24 =	simm.s32 $0x1880;
	[sflag:s14] =	ssyncadd.s32 $0xFFFFE780  }
0x29: {  	[tilespmem:s24], [sflag:$0x2] =	stream.linear.gather [hbm4b:s31+s3], $0x1880, $0x38;
	[tilespmem:$0x13500] =	vst v63  }
0x2a: {  	_ =	swait.ge [sflag:s14], $0x1880  }
0x2b: {  	[sflag:s14] =	ssyncset.done $0x0  }
0x2c: {  	[sflag:s14] =	ssyncadd.s32 $0xFFFFE780  }
0x2d: {  	[tilespmem:s16], [sflag:$0x1] =	stream.indirect.gather [hbm4b:s4+s15], $0x20, s3, s15, $0xb8;
	[tilespmem:$0x13500] =	vst v63  }
0x2e: {  	_ = 	snop  }
0x2f: {  	[tilespmem:s17], [sflag:$0x1] =	stream.indirect.gather [hbm4b:s4+s15], $0x20, s15, s15, $0xb8;
	[tilespmem:$0x13500] =	vst v63  }
.Ltmp4:
0x30: {  	s25 =	ssub.s32 s7, s25;
	(pc) =	sbr.rel .LBB2_3-.Ltmp4, $4  }
0x31: {  	p0 =	por p1, p1;
	p2 =	slt.s32 s25, $0x31;
	s26 =	smov.u32 s25  }
0x32: {  	[tilespmem:s19], [sflag:$0x1] =	stream.indirect.gather [hbm4b:s4+s15], $0x20, s18, s15, $0xb8;
	[tilespmem:$0x13500] =	vst v63  }
0x33: {  	s28 =	simm.s32 $0x200;
	s29 =	simm.s32 $0x4;
	s26 =	simm.s32 @!p2 $0x31  }
0x34: {  	[tilespmem:s21], [sflag:$0x1] =	stream.indirect.gather [hbm4b:s4+s15], $0x20, s20, s15, $0xb8;
	[tilespmem:$0x13500] =	vst v63  }
.LBB2_10:
0x35: {  	[tilespmem:s30], [sflag:$0x1] =	stream.indirect.gather [hbm4b:s4+s15], $0x20, s28, s15, $0xb8;
	[tilespmem:$0x13500] =	vst v63  }
.LBB2_11:
0x36: {  	s29 =	sadd.s32 $0x1, s29  }
0x37: {  	p1 =	sne.s32 s29, $0x35  }
.Ltmp5:
0x38: {  	_ = 	snop;
	(pc) =	sbr.rel @!p1 .LBB2_12-.Ltmp5, $2  }
0x39: {  	_ =	sdelay $0x2  }
0x3a: {  	s24 =	sadd.s32 $0x80, s24;
	s28 =	sadd.s32 $0x80, s28  }
.LBB2_3:
0x3b: {  	s31 =	sadd.s32 $0xFFFFFFFC, s29  }
0x3c: {  	s30 =	sand.u32 $0x3, s31;
	p1 =	sle.s32 s25, s31  }
0x3d: {  	p2 =	sne.s32 @!p1 s30, $0x0  }
0x3e: {  	p2 =	por p1, p2  }
.Ltmp6:
0x3f: {  	_ = 	snop;
	(pc) =	sbr.rel @p2 .LBB2_5-.Ltmp6, $1  }
0x40: {  	_ =	sdelay $0x3  }
0x41: {  	_ =	swait.ge [sflag:s22], $0x1000  }
0x42: {  	[sflag:s22] =	ssyncset.done $0x0  }
0x43: {  	s30 =	simm.s32 $0x3100;
	p1 =	slt.s32 s29, s26;
	[sflag:s22] =	ssyncadd.s32 $0xFFFFF000  }
0x44: {  	[spmem:s2] =	stream.indirect.scatter.add.bf16 [tilespmem:s30], [sflag:$0x2], $0x20, s24, s15, $0xb8;
	[tilespmem:$0x13500] =	vst v63  }
.Ltmp7:
0x45: {  	_ = 	snop;
	(pc) =	sbr.rel @p1 .LBB2_10-.Ltmp7, $4  }
.Ltmp8:
0x46: {  	_ = 	snop;
	(pc) =	sbr.rel @!p1 .LBB2_11-.Ltmp8, $4  }
0x47: {  	_ =	swait.ge [sflag:s14], $0x1000  }
0x48: {  	[sflag:s14] =	ssyncset.done $0x0  }
0x49: {  	[sflag:s14] =	ssyncadd.s32 $0xFFFFF000  }
0x4a: {  	_ = 	snop  }
.LBB2_5:
0x4b: {  	p2 =	sne.s32 @!p1 s30, $0x1  }
0x4c: {  	p2 =	por p1, p2  }
.Ltmp9:
0x4d: {  	_ = 	snop;
	(pc) =	sbr.rel @p2 .LBB2_7-.Ltmp9, $1  }
0x4e: {  	_ =	sdelay $0x3  }
0x4f: {  	_ =	swait.ge [sflag:s22], $0x1000  }
0x50: {  	[sflag:s22] =	ssyncset.done $0x0  }
0x51: {  	s30 =	simm.s32 $0x4100;
	p1 =	slt.s32 s29, s26;
	[sflag:s22] =	ssyncadd.s32 $0xFFFFF000  }
0x52: {  	[spmem:s2] =	stream.indirect.scatter.add.bf16 [tilespmem:s30], [sflag:$0x2], $0x20, s24, s15, $0xb8;
	[tilespmem:$0x13500] =	vst v63  }
.Ltmp10:
0x53: {  	_ = 	snop;
	(pc) =	sbr.rel @p1 .LBB2_10-.Ltmp10, $4  }
.Ltmp11:
0x54: {  	_ = 	snop;
	(pc) =	sbr.rel @!p1 .LBB2_11-.Ltmp11, $4  }
0x55: {  	_ =	swait.ge [sflag:s14], $0x1000  }
0x56: {  	[sflag:s14] =	ssyncset.done $0x0  }
0x57: {  	[sflag:s14] =	ssyncadd.s32 $0xFFFFF000  }
0x58: {  	_ = 	snop  }
.LBB2_7:
0x59: {  	p2 =	sne.s32 @!p1 s30, $0x2  }
0x5a: {  	p2 =	por p1, p2  }
.Ltmp12:
0x5b: {  	_ = 	snop;
	(pc) =	sbr.rel @p2 .LBB2_9-.Ltmp12, $1  }
0x5c: {  	_ =	sdelay $0x3  }
0x5d: {  	_ =	swait.ge [sflag:s22], $0x1000  }
0x5e: {  	[sflag:s22] =	ssyncset.done $0x0  }
0x5f: {  	s30 =	simm.s32 $0x5100;
	p1 =	slt.s32 s29, s26;
	[sflag:s22] =	ssyncadd.s32 $0xFFFFF000  }
0x60: {  	[spmem:s2] =	stream.indirect.scatter.add.bf16 [tilespmem:s30], [sflag:$0x2], $0x20, s24, s15, $0xb8;
	[tilespmem:$0x13500] =	vst v63  }
.Ltmp13:
0x61: {  	_ = 	snop;
	(pc) =	sbr.rel @p1 .LBB2_10-.Ltmp13, $4  }
.Ltmp14:
0x62: {  	_ = 	snop;
	(pc) =	sbr.rel @!p1 .LBB2_11-.Ltmp14, $4  }
0x63: {  	_ =	swait.ge [sflag:s14], $0x1000  }
0x64: {  	[sflag:s14] =	ssyncset.done $0x0  }
0x65: {  	[sflag:s14] =	ssyncadd.s32 $0xFFFFF000  }
0x66: {  	_ = 	snop  }
.LBB2_9:
0x67: {  	p2 =	sne.s32 @!p1 s30, $0x3  }
0x68: {  	p1 =	por p1, p2  }
0x69: {  	s30 =	simm.s32 @!p1 $0x1  }
0x6a: {  	_ =	swait.ge @!p1 [sflag:s30], $0x1000  }
0x6b: {  	s31 =	simm.s32 @!p1 $0x80;
	p2 =	sge.s32 @!p1 s29, s26;
	[sflag:s30] =	ssyncset.done @!p1 $0x0  }
0x6c: {  	p2 =	por p1, p2;
	[sflag:s30] =	ssyncadd.s32 @!p1 $0xFFFFF000;
	s30 =	simm.s32 @!p1 $0x6100  }
0x6d: {  	[spmem:s2] =	stream.indirect.scatter.add.bf16 @!p1 [tilespmem:s30], [sflag:$0x2], $0x20, s24, s31, $0xb8;
	[tilespmem:$0x13500] =	vst v63  }
.Ltmp15:
0x6e: {  	_ = 	snop;
	(pc) =	sbr.rel @p2 .LBB2_11-.Ltmp15, $4  }
.Ltmp16:
0x6f: {  	s31 =	simm.s32 @!p1 $0x2;
	(pc) =	sbr.rel @!p2 .LBB2_10-.Ltmp16, $4  }
0x70: {  	_ =	swait.ge @!p1 [sflag:s31], $0x1000  }
0x71: {  	[sflag:s31] =	ssyncset.done @!p1 $0x0  }
0x72: {  	[sflag:s31] =	ssyncadd.s32 @!p1 $0xFFFFF000  }
0x73: {  	_ = 	snop  }
.LBB2_14:
0x74: {  	_ =	sfence.sel $0x180000  }
0x75: {  	[bflag:$0x0] =	sbarrier.arrive $0xFFFF  }
0x76: {  	p0 =	sne.s32 s1, $0x0;
	_ =	strace $0x90000047  }
0x77: {  	s0 =	sadd.s32 @!p0 $0x100000, s0;
	[bflag:$0x2] =	sbarrier.arrive $0xFFFF  }
0x78: {  	[sflag:s0] =	ssyncadd.tile.s32 @!p0 $0x1;
	_ =	shalt  }
.Lfunc_end2:
_tile_overlayer_lowered:
.L_overlay_start_2:
0x79: {  	(tag) =	ssettag $0x2  }
0x7a: {  	s0 =	rddreg [dreg:$0x0];
	s2 =	stileid.u32  }
0x7b: {  	s1 =	rddreg [dreg:$0x1];
	p0 =	sne.s32 s2, $0x0  }
0x7c: {  	s3 =	rddreg [dreg:$0x2];
	[bflag:$0x3] =	sbarrier.arrive $0xFFFF;
	s2 =	simm.s32 @!p0 $0x1C02  }
0x7d: {  	[timem:s3], [sflag:s2] =	dma.local @!p0 [hbm:s0], s1  }
0x7e: {  	s0 =	simm.s32 @!p0 $0x2  }
0x7f: {  	_ =	swait.ge @!p0 [sflag:s0], s1  }
0x80: {  	s1 =	ssub.s32 @!p0 $0x0, s1;
	[sflag:s0] =	ssyncset.done @!p0 $0x0  }
0x81: {  	[sflag:s0] =	ssyncadd.s32 @!p0 s1  }
0x82: {  	[bflag:$0x3] =	sbarrier.arrive $0xFFFF  }
0x83: {  	_ =	shalt  }

// kernel: kernel.25.cloned.1.call-start
scs
__scs_entry_jumppad:
0x0: {  	(pc) =	sbr.rel $0x88, $3  }
0x1: {  	(tag) =	ssettag $0x0;
	lr =	simm.s32 $0x1  }
0x2: {  	[smem:$0x3F71] =	sst lr;
	_ =	strace $0xD0000000  }
0x3: {  	_ = 	snop  }
0x4: {  	_ = 	snop  }
0x5: {  	_ = 	snop  }
0x6: {  	_ = 	snop  }
0x7: {  	_ = 	snop  }
__scs_overlays_trampoline_lowered:
0x8: {  	[smem:$0x3F80] =	sst s0  }
0x9: {  	[smem:$0x3F81] =	sst s1  }
0xa: {  	[smem:$0x3F82] =	sst s2  }
0xb: {  	[smem:$0x3F83] =	sst s3  }
0xc: {  	[smem:$0x3F84] =	sst s4  }
0xd: {  	[smem:$0x3F85] =	sst s5  }
0xe: {  	[smem:$0x3F86] =	sst s6  }
0xf: {  	[smem:$0x3F87] =	sst s7  }
0x10: {  	[smem:$0x3F88] =	sst s8  }
0x11: {  	[smem:$0x3F89] =	sst s9;
	s0 =	simm.s32 @!p0 $0x0  }
0x12: {  	s1 =	sld [smem:$0x3F6F];
	s0 =	simm.s32 @p0 $0x1  }
0x13: {  	[smem:$0x3F8A] =	sst s0;
	s0 =	simm.s32 @!p1 $0x0  }
0x14: {  	s2 =	sld [smem:$0x3F6E];
	s0 =	simm.s32 @p1 $0x1  }
0x15: {  	[smem:$0x3F8B] =	sst s0;
	s0 =	simm.s32 @!p2 $0x0  }
0x16: {  	s3 =	sld [smem:$0x3FDB];
	s0 =	simm.s32 @p2 $0x1  }
0x17: {  	s4 =	simm.s32 $0x1BF5;
	[smem:$0x3F8D] =	sst s0  }
0x18: {  	s0 =	sld [smem:$0x3F70];
	_ =	swait.ge [sflag:s4], $0x0  }
0x19: {  	s7 =	sld [smem:$0x3F71]  }
0x1a: {  	s8 =	sadd.s32 $0xFFFFE003, lr  }
0x1b: {  	s9 =	sadd.s32 $0xFFFFFEF7, lr;
	s5 =	simm.s32 $0xFFFFFFFF;
	p2 =	slt.u32 s8, $0xFFFFF086  }
0x1c: {  	p1 =	slt.u32 s9, $0xF7A;
	s5 =	simm.s32 @!p2 $0x0  }
0x1d: {  	s5 =	simm.s32 @p1 $0x1;
	p0 =	seq.s32 s7, s2  }
0x1e: {  	s7 =	smul.u32 @!p0 $0xF7A, s2;
	p2 =	seq.s32 @!p0 s5, $0x0  }
0x1f: {  	s9 =	smul.u32 $0xF7A, s1;
	s8 =	simm.s32 @!p0 $0x1BF5;
	p2 =	por !p2, p0  }
0x20: {  	[sflag:s8] =	ssyncset.s32 @!p0 $0xFFFFF086;
	s6 =	sadd.s32 @!p0 s3, s7;
	s7 =	simm.s32 @!p0 $0x108  }
0x21: {  	s3 =	sadd.s32 s3, s9;
	s6 =	sadd.s32 @!p0 $0x88, s6;
	s7 =	simm.s32 @p2 $0x1082  }
0x22: {  	[simem:s7], [sflag:s8] =	dma.local @!p0 [hbm:s6], $0xF7A  }
0x23: {  	s9 =	sor.u32 $0xD0000000, s2;
	s6 =	simm.s32 $0x108;
	_ =	swait.ge @!p0 [sflag:s8], $0x0  }
0x24: {  	s3 =	sadd.s32 $0x88, s3;
	s6 =	simm.s32 @!p1 $0x1082;
	[sflag:s4] =	ssyncset.s32 $0xFFFFF086  }
0x25: {  	[simem:s6], [sflag:s4] =	dma.local [hbm:s3], $0xF7A  }
0x26: {  	[smem:$0x3F71] =	sst s1;
	(tag) =	ssettag s2;
	_ =	strace s9  }
0x27: {  	s1 =	sld [smem:$0x3F81]  }
0x28: {  	s2 =	sld [smem:$0x3F82]  }
0x29: {  	s4 =	sld [smem:$0x3F84]  }
0x2a: {  	p0 =	seq.s32 s5, $0x0;
	s5 =	sld [smem:$0x3F85]  }
0x2b: {  	s6 =	sld [smem:$0x3F86]  }
0x2c: {  	s7 =	sld [smem:$0x3F87]  }
0x2d: {  	s3 =	simm.s32 $0x108;
	s8 =	sld [smem:$0x3F88]  }
0x2e: {  	s3 =	simm.s32 @!p0 $0x1082;
	s9 =	sld [smem:$0x3F89]  }
0x2f: {  	lr =	sadd.s32 s0, s3;
	s0 =	sld [smem:$0x3F80]  }
0x30: {  	s3 =	sld [smem:$0x3F83]  }
0x31: {  	[smem:$0x3F8C] =	sst s10  }
0x32: {  	s10 =	sld [smem:$0x3F8A];
	_ =	sdelay $0x3  }
0x33: {  	p0 =	seq.s32 s10, $0x1;
	s10 =	sld [smem:$0x3F8C];
	_ =	sdelay $0x3  }
0x34: {  	[smem:$0x3F8C] =	sst s10  }
0x35: {  	s10 =	sld [smem:$0x3F8B];
	_ =	sdelay $0x3  }
0x36: {  	p1 =	seq.s32 s10, $0x1;
	s10 =	sld [smem:$0x3F8C];
	_ =	sdelay $0x3  }
0x37: {  	[smem:$0x3F8C] =	sst s10  }
0x38: {  	s10 =	sld [smem:$0x3F8D]  }
0x39: {  	_ = 	snop;
	(pc) =	sbr.ind lr, $3  }
0x3a: {  	_ = 	snop  }
0x3b: {  	_ = 	snop  }
0x3c: {  	p2 =	seq.s32 s10, $0x1;
	s10 =	sld [smem:$0x3F8C]  }
0x3d: {  	_ =	shalt  }
0x3e: {  	_ =	shalt  }
0x3f: {  	_ =	shalt  }
0x40: {  	_ =	shalt  }
0x41: {  	_ =	shalt  }
0x42: {  	_ =	shalt  }
0x43: {  	_ =	shalt  }
0x44: {  	_ =	shalt  }
0x45: {  	_ =	shalt  }
0x46: {  	_ =	shalt  }
0x47: {  	_ =	shalt  }
0x48: {  	_ =	shalt  }
0x49: {  	_ =	shalt  }
0x4a: {  	_ =	shalt  }
0x4b: {  	_ =	shalt  }
0x4c: {  	_ =	shalt  }
0x4d: {  	_ =	shalt  }
0x4e: {  	_ =	shalt  }
0x4f: {  	_ =	shalt  }
0x50: {  	_ =	shalt  }
0x51: {  	_ =	shalt  }
0x52: {  	_ =	shalt  }
0x53: {  	_ =	shalt  }
0x54: {  	_ =	shalt  }
0x55: {  	_ =	shalt  }
0x56: {  	_ =	shalt  }
0x57: {  	_ =	shalt  }
0x58: {  	_ =	shalt  }
0x59: {  	_ =	shalt  }
0x5a: {  	_ =	shalt  }
0x5b: {  	_ =	shalt  }
0x5c: {  	_ =	shalt  }
0x5d: {  	_ =	shalt  }
0x5e: {  	_ =	shalt  }
0x5f: {  	_ =	shalt  }
0x60: {  	_ =	shalt  }
0x61: {  	_ =	shalt  }
0x62: {  	_ =	shalt  }
0x63: {  	_ =	shalt  }
0x64: {  	_ =	shalt  }
0x65: {  	_ =	shalt  }
0x66: {  	_ =	shalt  }
0x67: {  	_ =	shalt  }
0x68: {  	_ =	shalt  }
0x69: {  	_ =	shalt  }
0x6a: {  	_ =	shalt  }
0x6b: {  	_ =	shalt  }
0x6c: {  	_ =	shalt  }
0x6d: {  	_ =	shalt  }
0x6e: {  	_ =	shalt  }
0x6f: {  	_ =	shalt  }
0x70: {  	_ =	shalt  }
0x71: {  	_ =	shalt  }
0x72: {  	_ =	shalt  }
0x73: {  	_ =	shalt  }
0x74: {  	_ =	shalt  }
0x75: {  	_ =	shalt  }
0x76: {  	_ =	shalt  }
0x77: {  	_ =	shalt  }
0x78: {  	_ =	shalt  }
0x79: {  	_ =	shalt  }
0x7a: {  	_ =	shalt  }
0x7b: {  	_ =	shalt  }
0x7c: {  	_ =	shalt  }
0x7d: {  	_ =	shalt  }
0x7e: {  	_ =	shalt  }
0x7f: {  	_ =	shalt  }
0x80: {  	_ =	shalt  }
0x81: {  	_ =	shalt  }
0x82: {  	_ =	shalt  }
0x83: {  	_ =	shalt  }
0x84: {  	_ =	shalt  }
0x85: {  	_ =	shalt  }
0x86: {  	_ =	shalt  }
0x87: {  	_ =	shalt  }
.Lfunc_end0:
.L_simem_size_0:
called_computation.1_lowered:
.L_overlay_start_0:
0x88: {  	s2 =	sld [smem:$0x3FD9]  }
0x89: {  	s3 =	sld [smem:$0x3FFE];
	_ =	sdelay $0x1  }
0x8a: {  	s1 =	srdreg.scid  }
0x8b: {  	s0 =	sand.u32 $0x1, s1  }
0x8c: {  	s16 =	sshll.u32 s0, $0xA;
	s2 =	sadd.s32 s3, s2  }
0x8d: {  	s2 =	sadd.s32 s2, s16  }
0x8e: {  	[smem:$0x3F98] =	sst s2  }
0x8f: {  	_ = 	snop  }
0x90: {  	(tm) =	ssettm $0x1  }
0x91: {  	s17 =	sld [smem:$0x3FFB];
	_ =	sdelay $0x3  }
0x92: {  	_ =	strace s17  }
0x93: {  	s2 =	sld [smem:$0x3FFC];
	_ =	sdelay $0x3  }
0x94: {  	_ =	strace s2  }
0x95: {  	s2 =	sld [smem:$0x3FFD];
	_ =	sdelay $0x3  }
0x96: {  	_ =	strace s2  }
0x97: {  	_ =	strace $0x8FFFFFFF  }
0x98: {  	s18 =	sld [smem:$0x3FDB];
	_ =	sdelay $0x1  }
0x99: {  	s19 =	simm.s32 $_scs_section_size  }
0x9a: {  	s4 =	simm.s32 $_size__tile_overlayer_lowered;
	s5 =	simm.s32 $_tile_overlayer_lowered  }
0x9b: {  	s22 =	simm.s32 $0x1BFF;
	s21 =	sshll.u32 s5, $0x1;
	s2 =	sadd.s32 s19, s18  }
0x9c: {  	s6 =	simm.s32 $0x0;
	s20 =	sshll.u32 s4, $0x1;
	s4 =	sadd.s32 s21, s2  }
0x9d: {  	[timem:s6], [sflag:s22] =	dma.local [hbm:s4], s20  }
0x9e: {  	_ =	swait.ge [sflag:s22], s20  }
0x9f: {  	s3 =	ssub.s32 $0x0, s20;
	[sflag:s22] =	ssyncset.done $0x0  }
0xa0: {  	[sflag:s22] =	ssyncadd.s32 s3;
	_ =	sdelay $0x1  }
0xa1: {  	s23 =	simm.s32 $0x1B8B  }
0xa2: {  	_ =	swait.ge [sflag:s23], $0x1  }
0xa3: {  	[sflag:s23] =	ssyncset.done $0x0  }
0xa4: {  	s25 =	simm.s32 $0x1B8E;
	s24 =	sld [smem:$0x3FFE];
	[sflag:s23] =	ssyncadd.s32 $0xFFFFFFFF  }
0xa5: {  	s26 =	simm.s32 $execute0_lowered;
	[smem:$0x3FD2] =	sst s25  }
0xa6: {  	s4 =	sshll.u32 s26, $0x1;
	_ =	strace $0x80000049;
	[dreg:$0x1] =	wrdreg $0xFFFFFFFF  }
0xa7: {  	s28 =	simm.s32 $_size_execute0_lowered;
	s2 =	sadd.s32 s2, s4;
	[dreg:$0x0] =	wrdreg $0x0  }
0xa8: {  	s4 =	sshll.u32 s28, $0x1;
	[dreg:$0x2] =	wrdreg s2  }
0xa9: {  	[dreg:$0x3] =	wrdreg s4  }
0xaa: {  	[dreg:$0x4] =	wrdreg $0xC0  }
0xab: {  	_ =	task [dreg:s6], $0x5FFFF  }
0xac: {  	[dreg:$0x1] =	wrdreg $0xFFFFFFFF  }
0xad: {  	[dreg:$0x0] =	wrdreg $0x60  }
0xae: {  	[dreg:$0x2] =	wrdreg s24  }
0xaf: {  	[dreg:$0x3] =	wrdreg $0x71000  }
0xb0: {  	[dreg:$0x4] =	wrdreg $0x9  }
0xb1: {  	_ =	task.clear_ibuf [dreg:s6], $0x5FFFF;
	_ =	strace $0x90000049  }
0xb2: {  	s29 =	simm.s32 $0x9;
	_ =	strace $0x8000004B  }
0xb3: {  	_ =	swait.ge [sflag:s29], $0x1  }
0xb4: {  	[sflag:s29] =	ssyncadd.s32 $0xFFFFFFFF  }
0xb5: {  	_ =	strace $0x9000004B  }
0xb6: {  	_ =	sfence  }
0xb7: {  	s30 =	sld [smem:$0x0];
	_ =	sdelay $0x2  }
0xb8: {  	s31 =	sshll.u32 s1, $0xD;
	s1 =	sshrl.u32 s1, $0x2  }
0xb9: {  	s3 =	sand.u32 $0x4000, s31;
	s1 =	sadd.s32 s1, s30  }
0xba: {  	s0 =	sor.u32 s3, s0;
	s1 =	sshll.u32 s1, $0x11  }
0xbb: {  	s0 =	sor.u32 s1, s0  }
0xbc: {  	s0 =	sadd.s32 $0x8F2B, s0  }
0xbd: {  	[sflag:s0] =	ssyncadd.remote.s32 $0x1  }
0xbe: {  	_ =	sfence.sel $0xFFFF  }
0xbf: {  	[dreg:$0x0] =	wrdreg $0xFFFFFFFF;
	(pc) =	sbr.abs _section_cstart, $3  }
0xc0: {  	[dreg:$0x1] =	wrdreg $0xFFFFFFFF  }
0xc1: {  	_ =	task.clear_ibuf [dreg:s6], $0x2FFFF;
	_ =	strace $0x9FFFFFFF  }
0xc2: {  	(tm) =	ssettm $0x7FFFFFFF  }
0xc3: {  	_ =	shalt  }
tec
execute0_lowered:
.L_overlay_start_1:
0x0: {  	(tag) =	ssettag $0x1  }
0x1: {  	s10 =	rddreg [dreg:$0x0]  }
0x2: {  	s2 =	rddreg [dreg:$0x1]  }
0x3: {  	s0 =	rddreg [dreg:$0x2];
	s3 =	simm.s32 $0x0;
	s1 =	stileid.u32  }
0x4: {  	s4 =	srdreg.scid;
	s16 =	simm.s32 $0x3100;
	s17 =	simm.s32 $0x4100  }
0x5: {  	s18 =	simm.s32 $0x100;
	s19 =	simm.s32 $0x5100;
	s20 =	simm.s32 $0x180  }
0x6: {  	s21 =	simm.s32 $0x6100;
	s22 =	simm.s32 $0x1;
	s23 =	simm.s32 $0x0  }
0x7: {  	[smem:$0x7FF] =	sst s3;
	s8 =	smul.u32 $0x18800, s1;
	s6 =	sand.u32 $0x1, s4  }
0x8: {  	s4 =	sadd.s32 $0xE6A00, s10;
	s7 =	smul.u32 $0x1880, s1;
	s5 =	sadd.s32 $0x22C00, s10  }
0x9: {  	s31 =	sshll.u32 s1, $0x6;
	_ =	strace $0x8000004A;
	s9 =	sshll.u32 s6, $0x4  }
0xa: {  	s11 =	smul.u32 $0x18800, s6;
	s6 =	ssub.s32 $0x2, s6;
	s9 =	sor.u32 s1, s9  }
0xb: {  	s12 =	sshrl.u32 s8, $0x4;
	s29 =	sshrl.u32 s6, $0x1;
	s8 =	sshrl.u32 s8, $0x1  }
0xc: {  	s9 =	smul.u32 $0xC35, s9;
	s12 =	sadd.s32 s12, s10;
	s7 =	sadd.s32 s7, s11  }
.Ltmp0:
0xd: {  	s14 =	ssub.s32 s6, s29;
	s15 =	sadd.s32 s8, s2;
	(pc) =	sbr.rel .LBB2_1-.Ltmp0, $4  }
0xe: {  	s13 =	sadd.s32 s7, s10;
	s8 =	sadd.s32 $0xA400, s12;
	s10 =	sadd.s32 $0x2EF50, s10  }
0xf: {  	s12 =	smax.u32 s14, $0x1;
	s14 =	simm.s32 $0x2;
	s30 =	sadd.s32 $0xC35, s9  }
0x10: {  	s6 =	sshrl.u32 s9, $0x5;
	s9 =	sor.u32 $0x1C02, s31;
	s11 =	sadd.s32 $0xFF200, s13  }
0x11: {  	s13 =	sshrl.u32 s15, $0x3;
	s15 =	simm.s32 $0x80;
	s7 =	sshrl.u32 s30, $0x5  }
.LBB2_13:
0x12: {  	s23 =	sadd.s32 $0x1, s23  }
0x13: {  	p0 =	sne.s32 s23, s12  }
.Ltmp1:
0x14: {  	[bflag:$0x0] =	sbarrier.arrive $0xFFFF;
	(pc) =	sbr.rel @!p0 .LBB2_14-.Ltmp1, $4  }
0x15: {  	[hbm:s11], [sflag:s9] =	dma.local [spmem:s13], $0x1880  }
0x16: {  	_ =	swait.ge [sflag:s14], $0x1880  }
0x17: {  	[sflag:s14] =	ssyncset.done $0x0  }
0x18: {  	[sflag:s14] =	ssyncadd.s32 $0xFFFFE780  }
.LBB2_1:
0x19: {  	[spmem:s13], [sflag:s9] =	dma.local [hbm:s8], $0x1880  }
.Ltmp2:
0x1a: {  	_ =	swait.ge [sflag:s14], $0x1880;
	(pc) =	sbr.rel .LBB2_2-.Ltmp2, $4  }
0x1b: {  	[sflag:s14] =	ssyncset.done $0x0  }
0x1c: {  	[sflag:s14] =	ssyncadd.s32 $0xFFFFE780  }
0x1d: {  	[bflag:$0x0] =	sbarrier.arrive $0xFFFF  }
0x1e: {  	p1 =	por $0x1, $0x1;
	s24 =	simm.s32 $0x0  }
.LBB2_12:
.Ltmp3:
0x1f: {  	(pc) =	sbr.rel @!p0 .LBB2_13-.Ltmp3, $2  }
0x20: {  	_ =	sdelay $0x2  }
0x21: {  	s24 =	simm.s32 $0x31;
	p1 =	por $0x0, $0x0  }
.LBB2_2:
0x22: {  	s25 =	sadd.s32 s6, s24  }
0x23: {  	s24 =	sshll.u32 s25, $0x4  }
0x24: {  	s26 =	sadd.s32 s5, s24  }
0x25: {  	[tilespmem:s3], [sflag:$0x2] =	stream.linear.gather [hbm4b:s26+s3], $0x1880, $0x38;
	[tilespmem:$0x13500] =	vst v63  }
0x26: {  	_ =	swait.ge [sflag:s14], $0x1880  }
0x27: {  	[sflag:s14] =	ssyncset.done $0x0  }
0x28: {  	s31 =	sadd.s32 s24, s10;
	s24 =	simm.s32 $0x1880;
	[sflag:s14] =	ssyncadd.s32 $0xFFFFE780  }
0x29: {  	[tilespmem:s24], [sflag:$0x2] =	stream.linear.gather [hbm4b:s31+s3], $0x1880, $0x38;
	[tilespmem:$0x13500] =	vst v63  }
0x2a: {  	_ =	swait.ge [sflag:s14], $0x1880  }
0x2b: {  	[sflag:s14] =	ssyncset.done $0x0  }
0x2c: {  	[sflag:s14] =	ssyncadd.s32 $0xFFFFE780  }
0x2d: {  	[tilespmem:s16], [sflag:$0x1] =	stream.indirect.gather [hbm4b:s4+s15], $0x20, s3, s15, $0xb8;
	[tilespmem:$0x13500] =	vst v63  }
0x2e: {  	_ = 	snop  }
0x2f: {  	[tilespmem:s17], [sflag:$0x1] =	stream.indirect.gather [hbm4b:s4+s15], $0x20, s15, s15, $0xb8;
	[tilespmem:$0x13500] =	vst v63  }
.Ltmp4:
0x30: {  	s25 =	ssub.s32 s7, s25;
	(pc) =	sbr.rel .LBB2_3-.Ltmp4, $4  }
0x31: {  	p0 =	por p1, p1;
	p2 =	slt.s32 s25, $0x31;
	s26 =	smov.u32 s25  }
0x32: {  	[tilespmem:s19], [sflag:$0x1] =	stream.indirect.gather [hbm4b:s4+s15], $0x20, s18, s15, $0xb8;
	[tilespmem:$0x13500] =	vst v63  }
0x33: {  	s28 =	simm.s32 $0x200;
	s29 =	simm.s32 $0x4;
	s26 =	simm.s32 @!p2 $0x31  }
0x34: {  	[tilespmem:s21], [sflag:$0x1] =	stream.indirect.gather [hbm4b:s4+s15], $0x20, s20, s15, $0xb8;
	[tilespmem:$0x13500] =	vst v63  }
.LBB2_10:
0x35: {  	[tilespmem:s30], [sflag:$0x1] =	stream.indirect.gather [hbm4b:s4+s15], $0x20, s28, s15, $0xb8;
	[tilespmem:$0x13500] =	vst v63  }
.LBB2_11:
0x36: {  	s29 =	sadd.s32 $0x1, s29  }
0x37: {  	p1 =	sne.s32 s29, $0x35  }
.Ltmp5:
0x38: {  	_ = 	snop;
	(pc) =	sbr.rel @!p1 .LBB2_12-.Ltmp5, $2  }
0x39: {  	_ =	sdelay $0x2  }
0x3a: {  	s24 =	sadd.s32 $0x80, s24;
	s28 =	sadd.s32 $0x80, s28  }
.LBB2_3:
0x3b: {  	s31 =	sadd.s32 $0xFFFFFFFC, s29  }
0x3c: {  	s30 =	sand.u32 $0x3, s31;
	p1 =	sle.s32 s25, s31  }
0x3d: {  	p2 =	sne.s32 @!p1 s30, $0x0  }
0x3e: {  	p2 =	por p1, p2  }
.Ltmp6:
0x3f: {  	_ = 	snop;
	(pc) =	sbr.rel @p2 .LBB2_5-.Ltmp6, $1  }
0x40: {  	_ =	sdelay $0x3  }
0x41: {  	_ =	swait.ge [sflag:s22], $0x1000  }
0x42: {  	[sflag:s22] =	ssyncset.done $0x0  }
0x43: {  	s30 =	simm.s32 $0x3100;
	p1 =	slt.s32 s29, s26;
	[sflag:s22] =	ssyncadd.s32 $0xFFFFF000  }
0x44: {  	[spmem:s2] =	stream.indirect.scatter.add.bf16 [tilespmem:s30], [sflag:$0x2], $0x20, s24, s15, $0xb8;
	[tilespmem:$0x13500] =	vst v63  }
.Ltmp7:
0x45: {  	_ = 	snop;
	(pc) =	sbr.rel @p1 .LBB2_10-.Ltmp7, $4  }
.Ltmp8:
0x46: {  	_ = 	snop;
	(pc) =	sbr.rel @!p1 .LBB2_11-.Ltmp8, $4  }
0x47: {  	_ =	swait.ge [sflag:s14], $0x1000  }
0x48: {  	[sflag:s14] =	ssyncset.done $0x0  }
0x49: {  	[sflag:s14] =	ssyncadd.s32 $0xFFFFF000  }
0x4a: {  	_ = 	snop  }
.LBB2_5:
0x4b: {  	p2 =	sne.s32 @!p1 s30, $0x1  }
0x4c: {  	p2 =	por p1, p2  }
.Ltmp9:
0x4d: {  	_ = 	snop;
	(pc) =	sbr.rel @p2 .LBB2_7-.Ltmp9, $1  }
0x4e: {  	_ =	sdelay $0x3  }
0x4f: {  	_ =	swait.ge [sflag:s22], $0x1000  }
0x50: {  	[sflag:s22] =	ssyncset.done $0x0  }
0x51: {  	s30 =	simm.s32 $0x4100;
	p1 =	slt.s32 s29, s26;
	[sflag:s22] =	ssyncadd.s32 $0xFFFFF000  }
0x52: {  	[spmem:s2] =	stream.indirect.scatter.add.bf16 [tilespmem:s30], [sflag:$0x2], $0x20, s24, s15, $0xb8;
	[tilespmem:$0x13500] =	vst v63  }
.Ltmp10:
0x53: {  	_ = 	snop;
	(pc) =	sbr.rel @p1 .LBB2_10-.Ltmp10, $4  }
.Ltmp11:
0x54: {  	_ = 	snop;
	(pc) =	sbr.rel @!p1 .LBB2_11-.Ltmp11, $4  }
0x55: {  	_ =	swait.ge [sflag:s14], $0x1000  }
0x56: {  	[sflag:s14] =	ssyncset.done $0x0  }
0x57: {  	[sflag:s14] =	ssyncadd.s32 $0xFFFFF000  }
0x58: {  	_ = 	snop  }
.LBB2_7:
0x59: {  	p2 =	sne.s32 @!p1 s30, $0x2  }
0x5a: {  	p2 =	por p1, p2  }
.Ltmp12:
0x5b: {  	_ = 	snop;
	(pc) =	sbr.rel @p2 .LBB2_9-.Ltmp12, $1  }
0x5c: {  	_ =	sdelay $0x3  }
0x5d: {  	_ =	swait.ge [sflag:s22], $0x1000  }
0x5e: {  	[sflag:s22] =	ssyncset.done $0x0  }
0x5f: {  	s30 =	simm.s32 $0x5100;
	p1 =	slt.s32 s29, s26;
	[sflag:s22] =	ssyncadd.s32 $0xFFFFF000  }
0x60: {  	[spmem:s2] =	stream.indirect.scatter.add.bf16 [tilespmem:s30], [sflag:$0x2], $0x20, s24, s15, $0xb8;
	[tilespmem:$0x13500] =	vst v63  }
.Ltmp13:
0x61: {  	_ = 	snop;
	(pc) =	sbr.rel @p1 .LBB2_10-.Ltmp13, $4  }
.Ltmp14:
0x62: {  	_ = 	snop;
	(pc) =	sbr.rel @!p1 .LBB2_11-.Ltmp14, $4  }
0x63: {  	_ =	swait.ge [sflag:s14], $0x1000  }
0x64: {  	[sflag:s14] =	ssyncset.done $0x0  }
0x65: {  	[sflag:s14] =	ssyncadd.s32 $0xFFFFF000  }
0x66: {  	_ = 	snop  }
.LBB2_9:
0x67: {  	p2 =	sne.s32 @!p1 s30, $0x3  }
0x68: {  	p1 =	por p1, p2  }
0x69: {  	s30 =	simm.s32 @!p1 $0x1  }
0x6a: {  	_ =	swait.ge @!p1 [sflag:s30], $0x1000  }
0x6b: {  	s31 =	simm.s32 @!p1 $0x80;
	p2 =	sge.s32 @!p1 s29, s26;
	[sflag:s30] =	ssyncset.done @!p1 $0x0  }
0x6c: {  	p2 =	por p1, p2;
	[sflag:s30] =	ssyncadd.s32 @!p1 $0xFFFFF000;
	s30 =	simm.s32 @!p1 $0x6100  }
0x6d: {  	[spmem:s2] =	stream.indirect.scatter.add.bf16 @!p1 [tilespmem:s30], [sflag:$0x2], $0x20, s24, s31, $0xb8;
	[tilespmem:$0x13500] =	vst v63  }
.Ltmp15:
0x6e: {  	_ = 	snop;
	(pc) =	sbr.rel @p2 .LBB2_11-.Ltmp15, $4  }
.Ltmp16:
0x6f: {  	s31 =	simm.s32 @!p1 $0x2;
	(pc) =	sbr.rel @!p2 .LBB2_10-.Ltmp16, $4  }
0x70: {  	_ =	swait.ge @!p1 [sflag:s31], $0x1000  }
0x71: {  	[sflag:s31] =	ssyncset.done @!p1 $0x0  }
0x72: {  	[sflag:s31] =	ssyncadd.s32 @!p1 $0xFFFFF000  }
0x73: {  	_ = 	snop  }
.LBB2_14:
0x74: {  	_ =	sfence.sel $0x180000  }
0x75: {  	[bflag:$0x0] =	sbarrier.arrive $0xFFFF  }
0x76: {  	p0 =	sne.s32 s1, $0x0;
	_ =	strace $0x9000004A  }
0x77: {  	s0 =	sadd.s32 @!p0 $0x100000, s0;
	[bflag:$0x2] =	sbarrier.arrive $0xFFFF  }
0x78: {  	[sflag:s0] =	ssyncadd.tile.s32 @!p0 $0x1;
	_ =	shalt  }
.Lfunc_end2:
_tile_overlayer_lowered:
.L_overlay_start_2:
0x79: {  	(tag) =	ssettag $0x2  }
0x7a: {  	s0 =	rddreg [dreg:$0x0];
	s2 =	stileid.u32  }
0x7b: {  	s1 =	rddreg [dreg:$0x1];
	p0 =	sne.s32 s2, $0x0  }
0x7c: {  	s3 =	rddreg [dreg:$0x2];
	[bflag:$0x3] =	sbarrier.arrive $0xFFFF;
	s2 =	simm.s32 @!p0 $0x1C02  }
0x7d: {  	[timem:s3], [sflag:s2] =	dma.local @!p0 [hbm:s0], s1  }
0x7e: {  	s0 =	simm.s32 @!p0 $0x2  }
0x7f: {  	_ =	swait.ge @!p0 [sflag:s0], s1  }
0x80: {  	s1 =	ssub.s32 @!p0 $0x0, s1;
	[sflag:s0] =	ssyncset.done @!p0 $0x0  }
0x81: {  	[sflag:s0] =	ssyncadd.s32 @!p0 s1  }
0x82: {  	[bflag:$0x3] =	sbarrier.arrive $0xFFFF  }
0x83: {  	_ =	shalt  }

// kernel: kernel.28.cloned.1.call-start
scs
__scs_entry_jumppad:
0x0: {  	(pc) =	sbr.rel $0x88, $3  }
0x1: {  	(tag) =	ssettag $0x0;
	lr =	simm.s32 $0x1  }
0x2: {  	[smem:$0x3F71] =	sst lr;
	_ =	strace $0xD0000000  }
0x3: {  	_ = 	snop  }
0x4: {  	_ = 	snop  }
0x5: {  	_ = 	snop  }
0x6: {  	_ = 	snop  }
0x7: {  	_ = 	snop  }
__scs_overlays_trampoline_lowered:
0x8: {  	[smem:$0x3F80] =	sst s0  }
0x9: {  	[smem:$0x3F81] =	sst s1  }
0xa: {  	[smem:$0x3F82] =	sst s2  }
0xb: {  	[smem:$0x3F83] =	sst s3  }
0xc: {  	[smem:$0x3F84] =	sst s4  }
0xd: {  	[smem:$0x3F85] =	sst s5  }
0xe: {  	[smem:$0x3F86] =	sst s6  }
0xf: {  	[smem:$0x3F87] =	sst s7  }
0x10: {  	[smem:$0x3F88] =	sst s8  }
0x11: {  	[smem:$0x3F89] =	sst s9;
	s0 =	simm.s32 @!p0 $0x0  }
0x12: {  	s1 =	sld [smem:$0x3F6F];
	s0 =	simm.s32 @p0 $0x1  }
0x13: {  	[smem:$0x3F8A] =	sst s0;
	s0 =	simm.s32 @!p1 $0x0  }
0x14: {  	s2 =	sld [smem:$0x3F6E];
	s0 =	simm.s32 @p1 $0x1  }
0x15: {  	[smem:$0x3F8B] =	sst s0;
	s0 =	simm.s32 @!p2 $0x0  }
0x16: {  	s3 =	sld [smem:$0x3FDB];
	s0 =	simm.s32 @p2 $0x1  }
0x17: {  	s4 =	simm.s32 $0x1BF5;
	[smem:$0x3F8D] =	sst s0  }
0x18: {  	s0 =	sld [smem:$0x3F70];
	_ =	swait.ge [sflag:s4], $0x0  }
0x19: {  	s7 =	sld [smem:$0x3F71]  }
0x1a: {  	s8 =	sadd.s32 $0xFFFFE003, lr  }
0x1b: {  	s9 =	sadd.s32 $0xFFFFFEF7, lr;
	s5 =	simm.s32 $0xFFFFFFFF;
	p2 =	slt.u32 s8, $0xFFFFF086  }
0x1c: {  	p1 =	slt.u32 s9, $0xF7A;
	s5 =	simm.s32 @!p2 $0x0  }
0x1d: {  	s5 =	simm.s32 @p1 $0x1;
	p0 =	seq.s32 s7, s2  }
0x1e: {  	s7 =	smul.u32 @!p0 $0xF7A, s2;
	p2 =	seq.s32 @!p0 s5, $0x0  }
0x1f: {  	s9 =	smul.u32 $0xF7A, s1;
	s8 =	simm.s32 @!p0 $0x1BF5;
	p2 =	por !p2, p0  }
0x20: {  	[sflag:s8] =	ssyncset.s32 @!p0 $0xFFFFF086;
	s6 =	sadd.s32 @!p0 s3, s7;
	s7 =	simm.s32 @!p0 $0x108  }
0x21: {  	s3 =	sadd.s32 s3, s9;
	s6 =	sadd.s32 @!p0 $0x88, s6;
	s7 =	simm.s32 @p2 $0x1082  }
0x22: {  	[simem:s7], [sflag:s8] =	dma.local @!p0 [hbm:s6], $0xF7A  }
0x23: {  	s9 =	sor.u32 $0xD0000000, s2;
	s6 =	simm.s32 $0x108;
	_ =	swait.ge @!p0 [sflag:s8], $0x0  }
0x24: {  	s3 =	sadd.s32 $0x88, s3;
	s6 =	simm.s32 @!p1 $0x1082;
	[sflag:s4] =	ssyncset.s32 $0xFFFFF086  }
0x25: {  	[simem:s6], [sflag:s4] =	dma.local [hbm:s3], $0xF7A  }
0x26: {  	[smem:$0x3F71] =	sst s1;
	(tag) =	ssettag s2;
	_ =	strace s9  }
0x27: {  	s1 =	sld [smem:$0x3F81]  }
0x28: {  	s2 =	sld [smem:$0x3F82]  }
0x29: {  	s4 =	sld [smem:$0x3F84]  }
0x2a: {  	p0 =	seq.s32 s5, $0x0;
	s5 =	sld [smem:$0x3F85]  }
0x2b: {  	s6 =	sld [smem:$0x3F86]  }
0x2c: {  	s7 =	sld [smem:$0x3F87]  }
0x2d: {  	s3 =	simm.s32 $0x108;
	s8 =	sld [smem:$0x3F88]  }
0x2e: {  	s3 =	simm.s32 @!p0 $0x1082;
	s9 =	sld [smem:$0x3F89]  }
0x2f: {  	lr =	sadd.s32 s0, s3;
	s0 =	sld [smem:$0x3F80]  }
0x30: {  	s3 =	sld [smem:$0x3F83]  }
0x31: {  	[smem:$0x3F8C] =	sst s10  }
0x32: {  	s10 =	sld [smem:$0x3F8A];
	_ =	sdelay $0x3  }
0x33: {  	p0 =	seq.s32 s10, $0x1;
	s10 =	sld [smem:$0x3F8C];
	_ =	sdelay $0x3  }
0x34: {  	[smem:$0x3F8C] =	sst s10  }
0x35: {  	s10 =	sld [smem:$0x3F8B];
	_ =	sdelay $0x3  }
0x36: {  	p1 =	seq.s32 s10, $0x1;
	s10 =	sld [smem:$0x3F8C];
	_ =	sdelay $0x3  }
0x37: {  	[smem:$0x3F8C] =	sst s10  }
0x38: {  	s10 =	sld [smem:$0x3F8D]  }
0x39: {  	_ = 	snop;
	(pc) =	sbr.ind lr, $3  }
0x3a: {  	_ = 	snop  }
0x3b: {  	_ = 	snop  }
0x3c: {  	p2 =	seq.s32 s10, $0x1;
	s10 =	sld [smem:$0x3F8C]  }
0x3d: {  	_ =	shalt  }
0x3e: {  	_ =	shalt  }
0x3f: {  	_ =	shalt  }
0x40: {  	_ =	shalt  }
0x41: {  	_ =	shalt  }
0x42: {  	_ =	shalt  }
0x43: {  	_ =	shalt  }
0x44: {  	_ =	shalt  }
0x45: {  	_ =	shalt  }
0x46: {  	_ =	shalt  }
0x47: {  	_ =	shalt  }
0x48: {  	_ =	shalt  }
0x49: {  	_ =	shalt  }
0x4a: {  	_ =	shalt  }
0x4b: {  	_ =	shalt  }
0x4c: {  	_ =	shalt  }
0x4d: {  	_ =	shalt  }
0x4e: {  	_ =	shalt  }
0x4f: {  	_ =	shalt  }
0x50: {  	_ =	shalt  }
0x51: {  	_ =	shalt  }
0x52: {  	_ =	shalt  }
0x53: {  	_ =	shalt  }
0x54: {  	_ =	shalt  }
0x55: {  	_ =	shalt  }
0x56: {  	_ =	shalt  }
0x57: {  	_ =	shalt  }
0x58: {  	_ =	shalt  }
0x59: {  	_ =	shalt  }
0x5a: {  	_ =	shalt  }
0x5b: {  	_ =	shalt  }
0x5c: {  	_ =	shalt  }
0x5d: {  	_ =	shalt  }
0x5e: {  	_ =	shalt  }
0x5f: {  	_ =	shalt  }
0x60: {  	_ =	shalt  }
0x61: {  	_ =	shalt  }
0x62: {  	_ =	shalt  }
0x63: {  	_ =	shalt  }
0x64: {  	_ =	shalt  }
0x65: {  	_ =	shalt  }
0x66: {  	_ =	shalt  }
0x67: {  	_ =	shalt  }
0x68: {  	_ =	shalt  }
0x69: {  	_ =	shalt  }
0x6a: {  	_ =	shalt  }
0x6b: {  	_ =	shalt  }
0x6c: {  	_ =	shalt  }
0x6d: {  	_ =	shalt  }
0x6e: {  	_ =	shalt  }
0x6f: {  	_ =	shalt  }
0x70: {  	_ =	shalt  }
0x71: {  	_ =	shalt  }
0x72: {  	_ =	shalt  }
0x73: {  	_ =	shalt  }
0x74: {  	_ =	shalt  }
0x75: {  	_ =	shalt  }
0x76: {  	_ =	shalt  }
0x77: {  	_ =	shalt  }
0x78: {  	_ =	shalt  }
0x79: {  	_ =	shalt  }
0x7a: {  	_ =	shalt  }
0x7b: {  	_ =	shalt  }
0x7c: {  	_ =	shalt  }
0x7d: {  	_ =	shalt  }
0x7e: {  	_ =	shalt  }
0x7f: {  	_ =	shalt  }
0x80: {  	_ =	shalt  }
0x81: {  	_ =	shalt  }
0x82: {  	_ =	shalt  }
0x83: {  	_ =	shalt  }
0x84: {  	_ =	shalt  }
0x85: {  	_ =	shalt  }
0x86: {  	_ =	shalt  }
0x87: {  	_ =	shalt  }
.Lfunc_end0:
.L_simem_size_0:
called_computation.2_lowered:
.L_overlay_start_0:
0x88: {  	s2 =	sld [smem:$0x3FD9]  }
0x89: {  	s3 =	sld [smem:$0x3FFE];
	_ =	sdelay $0x1  }
0x8a: {  	s1 =	srdreg.scid  }
0x8b: {  	s0 =	sand.u32 $0x1, s1  }
0x8c: {  	s16 =	sshll.u32 s0, $0xA;
	s2 =	sadd.s32 s3, s2  }
0x8d: {  	s2 =	sadd.s32 s2, s16  }
0x8e: {  	[smem:$0x3F98] =	sst s2  }
0x8f: {  	_ = 	snop  }
0x90: {  	(tm) =	ssettm $0x1  }
0x91: {  	s17 =	sld [smem:$0x3FFB];
	_ =	sdelay $0x3  }
0x92: {  	_ =	strace s17  }
0x93: {  	s2 =	sld [smem:$0x3FFC];
	_ =	sdelay $0x3  }
0x94: {  	_ =	strace s2  }
0x95: {  	s2 =	sld [smem:$0x3FFD];
	_ =	sdelay $0x3  }
0x96: {  	_ =	strace s2  }
0x97: {  	_ =	strace $0x8FFFFFFF  }
0x98: {  	s18 =	sld [smem:$0x3FDB];
	_ =	sdelay $0x1  }
0x99: {  	s19 =	simm.s32 $_scs_section_size  }
0x9a: {  	s4 =	simm.s32 $_size__tile_overlayer_lowered;
	s5 =	simm.s32 $_tile_overlayer_lowered  }
0x9b: {  	s22 =	simm.s32 $0x1BFF;
	s21 =	sshll.u32 s5, $0x1;
	s2 =	sadd.s32 s19, s18  }
0x9c: {  	s6 =	simm.s32 $0x0;
	s20 =	sshll.u32 s4, $0x1;
	s4 =	sadd.s32 s21, s2  }
0x9d: {  	[timem:s6], [sflag:s22] =	dma.local [hbm:s4], s20  }
0x9e: {  	_ =	swait.ge [sflag:s22], s20  }
0x9f: {  	s3 =	ssub.s32 $0x0, s20;
	[sflag:s22] =	ssyncset.done $0x0  }
0xa0: {  	[sflag:s22] =	ssyncadd.s32 s3;
	_ =	sdelay $0x1  }
0xa1: {  	s23 =	simm.s32 $0x1B8B  }
0xa2: {  	_ =	swait.ge [sflag:s23], $0x1  }
0xa3: {  	[sflag:s23] =	ssyncset.done $0x0  }
0xa4: {  	s25 =	simm.s32 $0x1B8E;
	s24 =	sld [smem:$0x3FFE];
	[sflag:s23] =	ssyncadd.s32 $0xFFFFFFFF  }
0xa5: {  	s26 =	simm.s32 $execute0_lowered;
	[smem:$0x3FD2] =	sst s25  }
0xa6: {  	s4 =	sshll.u32 s26, $0x1;
	_ =	strace $0x8000004C;
	[dreg:$0x1] =	wrdreg $0xFFFFFFFF  }
0xa7: {  	s28 =	simm.s32 $_size_execute0_lowered;
	s2 =	sadd.s32 s2, s4;
	[dreg:$0x0] =	wrdreg $0x0  }
0xa8: {  	s4 =	sshll.u32 s28, $0x1;
	[dreg:$0x2] =	wrdreg s2  }
0xa9: {  	[dreg:$0x3] =	wrdreg s4  }
0xaa: {  	[dreg:$0x4] =	wrdreg $0xC0  }
0xab: {  	_ =	task [dreg:s6], $0x5FFFF  }
0xac: {  	[dreg:$0x1] =	wrdreg $0xFFFFFFFF  }
0xad: {  	[dreg:$0x0] =	wrdreg $0x60  }
0xae: {  	[dreg:$0x2] =	wrdreg s24  }
0xaf: {  	[dreg:$0x3] =	wrdreg $0x71000  }
0xb0: {  	[dreg:$0x4] =	wrdreg $0x9  }
0xb1: {  	_ =	task.clear_ibuf [dreg:s6], $0x5FFFF;
	_ =	strace $0x9000004C  }
0xb2: {  	s29 =	simm.s32 $0x9;
	_ =	strace $0x8000004E  }
0xb3: {  	_ =	swait.ge [sflag:s29], $0x1  }
0xb4: {  	[sflag:s29] =	ssyncadd.s32 $0xFFFFFFFF  }
0xb5: {  	_ =	strace $0x9000004E  }
0xb6: {  	_ =	sfence  }
0xb7: {  	s30 =	sld [smem:$0x0];
	_ =	sdelay $0x2  }
0xb8: {  	s31 =	sshll.u32 s1, $0xD;
	s1 =	sshrl.u32 s1, $0x2  }
0xb9: {  	s3 =	sand.u32 $0x4000, s31;
	s1 =	sadd.s32 s1, s30  }
0xba: {  	s0 =	sor.u32 s3, s0;
	s1 =	sshll.u32 s1, $0x11  }
0xbb: {  	s0 =	sor.u32 s1, s0  }
0xbc: {  	s0 =	sadd.s32 $0x8F2B, s0  }
0xbd: {  	[sflag:s0] =	ssyncadd.remote.s32 $0x1  }
0xbe: {  	_ =	sfence.sel $0xFFFF  }
0xbf: {  	[dreg:$0x0] =	wrdreg $0xFFFFFFFF;
	(pc) =	sbr.abs _section_cstart, $3  }
0xc0: {  	[dreg:$0x1] =	wrdreg $0xFFFFFFFF  }
0xc1: {  	_ =	task.clear_ibuf [dreg:s6], $0x2FFFF;
	_ =	strace $0x9FFFFFFF  }
0xc2: {  	(tm) =	ssettm $0x7FFFFFFF  }
0xc3: {  	_ =	shalt  }
tec
execute0_lowered:
.L_overlay_start_1:
0x0: {  	(tag) =	ssettag $0x1  }
0x1: {  	s10 =	rddreg [dreg:$0x0]  }
0x2: {  	s2 =	rddreg [dreg:$0x1]  }
0x3: {  	s0 =	rddreg [dreg:$0x2];
	s3 =	simm.s32 $0x0;
	s1 =	stileid.u32  }
0x4: {  	s4 =	srdreg.scid;
	s16 =	simm.s32 $0x3100;
	s17 =	simm.s32 $0x4100  }
0x5: {  	s18 =	simm.s32 $0x100;
	s19 =	simm.s32 $0x5100;
	s20 =	simm.s32 $0x180  }
0x6: {  	s21 =	simm.s32 $0x6100;
	s22 =	simm.s32 $0x1;
	s23 =	simm.s32 $0x0  }
0x7: {  	[smem:$0x7FF] =	sst s3;
	s8 =	smul.u32 $0x31000, s1;
	s6 =	sand.u32 $0x1, s4  }
0x8: {  	s4 =	sadd.s32 $0xE6A00, s10;
	s7 =	smul.u32 $0x3100, s1;
	s5 =	sadd.s32 $0x130200, s10  }
0x9: {  	s30 =	sshll.u32 s1, $0x6;
	_ =	strace $0x8000004D;
	s9 =	sshll.u32 s6, $0x4  }
0xa: {  	s11 =	smul.u32 $0x31000, s6;
	s6 =	ssub.s32 $0x2, s6;
	s9 =	sor.u32 s1, s9  }
0xb: {  	s12 =	sshrl.u32 s8, $0x4;
	s28 =	sshrl.u32 s6, $0x1;
	s31 =	sshrl.u32 s8, $0x1  }
0xc: {  	s9 =	smul.u32 $0xC35, s9;
	s12 =	sadd.s32 s12, s10;
	s7 =	sadd.s32 s7, s11  }
.Ltmp0:
0xd: {  	s14 =	ssub.s32 s6, s28;
	s15 =	sadd.s32 s31, s2;
	(pc) =	sbr.rel .LBB2_1-.Ltmp0, $4  }
0xe: {  	s13 =	sadd.s32 s7, s10;
	s8 =	sadd.s32 $0x148A00, s12;
	s10 =	sadd.s32 $0x13C550, s10  }
0xf: {  	s12 =	smax.u32 s14, $0x1;
	s14 =	simm.s32 $0x2;
	s29 =	sadd.s32 $0xC35, s9  }
0x10: {  	s6 =	sshrl.u32 s9, $0x5;
	s9 =	sor.u32 $0x1C02, s30;
	s11 =	sadd.s32 $0x1DBA00, s13  }
0x11: {  	s13 =	sshrl.u32 s15, $0x3;
	s15 =	simm.s32 $0x80;
	s7 =	sshrl.u32 s29, $0x5  }
.LBB2_13:
0x12: {  	s23 =	sadd.s32 $0x1, s23  }
0x13: {  	p0 =	sne.s32 s23, s12  }
.Ltmp1:
0x14: {  	[bflag:$0x0] =	sbarrier.arrive $0xFFFF;
	(pc) =	sbr.rel @!p0 .LBB2_14-.Ltmp1, $4  }
0x15: {  	[hbm:s11], [sflag:s9] =	dma.local [spmem:s13], $0x3100  }
0x16: {  	_ =	swait.ge [sflag:s14], $0x3100  }
0x17: {  	[sflag:s14] =	ssyncset.done $0x0  }
0x18: {  	[sflag:s14] =	ssyncadd.s32 $0xFFFFCF00  }
.LBB2_1:
0x19: {  	[spmem:s13], [sflag:s9] =	dma.local [hbm:s8], $0x3100  }
.Ltmp2:
0x1a: {  	_ =	swait.ge [sflag:s14], $0x3100;
	(pc) =	sbr.rel .LBB2_2-.Ltmp2, $4  }
0x1b: {  	[sflag:s14] =	ssyncset.done $0x0  }
0x1c: {  	[sflag:s14] =	ssyncadd.s32 $0xFFFFCF00  }
0x1d: {  	[bflag:$0x0] =	sbarrier.arrive $0xFFFF  }
0x1e: {  	p1 =	por $0x1, $0x1;
	s24 =	simm.s32 $0x0  }
.LBB2_12:
.Ltmp3:
0x1f: {  	(pc) =	sbr.rel @!p0 .LBB2_13-.Ltmp3, $2  }
0x20: {  	_ =	sdelay $0x2  }
0x21: {  	s24 =	simm.s32 $0x31;
	p1 =	por $0x0, $0x0  }
.LBB2_2:
0x22: {  	s25 =	sadd.s32 s6, s24  }
0x23: {  	s24 =	sshll.u32 s25, $0x4  }
0x24: {  	s26 =	sadd.s32 s5, s24  }
0x25: {  	[tilespmem:s3], [sflag:$0x2] =	stream.linear.gather [hbm4b:s26+s3], $0x1880, $0x38;
	[tilespmem:$0x1F900] =	vst v63  }
0x26: {  	_ =	swait.ge [sflag:s14], $0x1880  }
0x27: {  	[sflag:s14] =	ssyncset.done $0x0  }
0x28: {  	s31 =	sadd.s32 s24, s10;
	s24 =	simm.s32 $0x1880;
	[sflag:s14] =	ssyncadd.s32 $0xFFFFE780  }
0x29: {  	[tilespmem:s24], [sflag:$0x2] =	stream.linear.gather [hbm4b:s31+s3], $0x1880, $0x38;
	[tilespmem:$0x1F900] =	vst v63  }
0x2a: {  	_ =	swait.ge [sflag:s14], $0x1880  }
0x2b: {  	[sflag:s14] =	ssyncset.done $0x0  }
0x2c: {  	[sflag:s14] =	ssyncadd.s32 $0xFFFFE780  }
0x2d: {  	[tilespmem:s16], [sflag:$0x1] =	stream.indirect.gather [hbm4b:s4+s15], $0x20, s3, s15, $0xb8;
	[tilespmem:$0x1F900] =	vst v63  }
0x2e: {  	_ = 	snop  }
0x2f: {  	[tilespmem:s17], [sflag:$0x1] =	stream.indirect.gather [hbm4b:s4+s15], $0x20, s15, s15, $0xb8;
	[tilespmem:$0x1F900] =	vst v63  }
.Ltmp4:
0x30: {  	s25 =	ssub.s32 s7, s25;
	(pc) =	sbr.rel .LBB2_3-.Ltmp4, $4  }
0x31: {  	p0 =	por p1, p1;
	p2 =	slt.s32 s25, $0x31;
	s26 =	smov.u32 s25  }
0x32: {  	[tilespmem:s19], [sflag:$0x1] =	stream.indirect.gather [hbm4b:s4+s15], $0x20, s18, s15, $0xb8;
	[tilespmem:$0x1F900] =	vst v63  }
0x33: {  	s28 =	simm.s32 $0x200;
	s29 =	simm.s32 $0x4;
	s26 =	simm.s32 @!p2 $0x31  }
0x34: {  	[tilespmem:s21], [sflag:$0x1] =	stream.indirect.gather [hbm4b:s4+s15], $0x20, s20, s15, $0xb8;
	[tilespmem:$0x1F900] =	vst v63  }
.LBB2_10:
0x35: {  	[tilespmem:s30], [sflag:$0x1] =	stream.indirect.gather [hbm4b:s4+s15], $0x20, s28, s15, $0xb8;
	[tilespmem:$0x1F900] =	vst v63  }
.LBB2_11:
0x36: {  	s29 =	sadd.s32 $0x1, s29  }
0x37: {  	p1 =	sne.s32 s29, $0x35  }
.Ltmp5:
0x38: {  	_ = 	snop;
	(pc) =	sbr.rel @!p1 .LBB2_12-.Ltmp5, $2  }
0x39: {  	_ =	sdelay $0x2  }
0x3a: {  	s24 =	sadd.s32 $0x80, s24;
	s28 =	sadd.s32 $0x80, s28  }
.LBB2_3:
0x3b: {  	s31 =	sadd.s32 $0xFFFFFFFC, s29  }
0x3c: {  	s30 =	sand.u32 $0x3, s31;
	p1 =	sle.s32 s25, s31  }
0x3d: {  	p2 =	sne.s32 @!p1 s30, $0x0  }
0x3e: {  	p2 =	por p1, p2  }
.Ltmp6:
0x3f: {  	_ = 	snop;
	(pc) =	sbr.rel @p2 .LBB2_5-.Ltmp6, $1  }
0x40: {  	_ =	sdelay $0x3  }
0x41: {  	_ =	swait.ge [sflag:s22], $0x1000  }
0x42: {  	[sflag:s22] =	ssyncset.done $0x0  }
0x43: {  	s30 =	simm.s32 $0x3100;
	p1 =	slt.s32 s29, s26;
	[sflag:s22] =	ssyncadd.s32 $0xFFFFF000  }
0x44: {  	[spmem:s2] =	stream.indirect.scatter.add.bf16 [tilespmem:s30], [sflag:$0x2], $0x20, s24, s15, $0xb8;
	[tilespmem:$0x1F900] =	vst v63  }
.Ltmp7:
0x45: {  	_ = 	snop;
	(pc) =	sbr.rel @p1 .LBB2_10-.Ltmp7, $4  }
.Ltmp8:
0x46: {  	_ = 	snop;
	(pc) =	sbr.rel @!p1 .LBB2_11-.Ltmp8, $4  }
0x47: {  	_ =	swait.ge [sflag:s14], $0x1000  }
0x48: {  	[sflag:s14] =	ssyncset.done $0x0  }
0x49: {  	[sflag:s14] =	ssyncadd.s32 $0xFFFFF000  }
0x4a: {  	_ = 	snop  }
.LBB2_5:
0x4b: {  	p2 =	sne.s32 @!p1 s30, $0x1  }
0x4c: {  	p2 =	por p1, p2  }
.Ltmp9:
0x4d: {  	_ = 	snop;
	(pc) =	sbr.rel @p2 .LBB2_7-.Ltmp9, $1  }
0x4e: {  	_ =	sdelay $0x3  }
0x4f: {  	_ =	swait.ge [sflag:s22], $0x1000  }
0x50: {  	[sflag:s22] =	ssyncset.done $0x0  }
0x51: {  	s30 =	simm.s32 $0x4100;
	p1 =	slt.s32 s29, s26;
	[sflag:s22] =	ssyncadd.s32 $0xFFFFF000  }
0x52: {  	[spmem:s2] =	stream.indirect.scatter.add.bf16 [tilespmem:s30], [sflag:$0x2], $0x20, s24, s15, $0xb8;
	[tilespmem:$0x1F900] =	vst v63  }
.Ltmp10:
0x53: {  	_ = 	snop;
	(pc) =	sbr.rel @p1 .LBB2_10-.Ltmp10, $4  }
.Ltmp11:
0x54: {  	_ = 	snop;
	(pc) =	sbr.rel @!p1 .LBB2_11-.Ltmp11, $4  }
0x55: {  	_ =	swait.ge [sflag:s14], $0x1000  }
0x56: {  	[sflag:s14] =	ssyncset.done $0x0  }
0x57: {  	[sflag:s14] =	ssyncadd.s32 $0xFFFFF000  }
0x58: {  	_ = 	snop  }
.LBB2_7:
0x59: {  	p2 =	sne.s32 @!p1 s30, $0x2  }
0x5a: {  	p2 =	por p1, p2  }
.Ltmp12:
0x5b: {  	_ = 	snop;
	(pc) =	sbr.rel @p2 .LBB2_9-.Ltmp12, $1  }
0x5c: {  	_ =	sdelay $0x3  }
0x5d: {  	_ =	swait.ge [sflag:s22], $0x1000  }
0x5e: {  	[sflag:s22] =	ssyncset.done $0x0  }
0x5f: {  	s30 =	simm.s32 $0x5100;
	p1 =	slt.s32 s29, s26;
	[sflag:s22] =	ssyncadd.s32 $0xFFFFF000  }
0x60: {  	[spmem:s2] =	stream.indirect.scatter.add.bf16 [tilespmem:s30], [sflag:$0x2], $0x20, s24, s15, $0xb8;
	[tilespmem:$0x1F900] =	vst v63  }
.Ltmp13:
0x61: {  	_ = 	snop;
	(pc) =	sbr.rel @p1 .LBB2_10-.Ltmp13, $4  }
.Ltmp14:
0x62: {  	_ = 	snop;
	(pc) =	sbr.rel @!p1 .LBB2_11-.Ltmp14, $4  }
0x63: {  	_ =	swait.ge [sflag:s14], $0x1000  }
0x64: {  	[sflag:s14] =	ssyncset.done $0x0  }
0x65: {  	[sflag:s14] =	ssyncadd.s32 $0xFFFFF000  }
0x66: {  	_ = 	snop  }
.LBB2_9:
0x67: {  	p2 =	sne.s32 @!p1 s30, $0x3  }
0x68: {  	p1 =	por p1, p2  }
0x69: {  	s30 =	simm.s32 @!p1 $0x1  }
0x6a: {  	_ =	swait.ge @!p1 [sflag:s30], $0x1000  }
0x6b: {  	s31 =	simm.s32 @!p1 $0x80;
	p2 =	sge.s32 @!p1 s29, s26;
	[sflag:s30] =	ssyncset.done @!p1 $0x0  }
0x6c: {  	p2 =	por p1, p2;
	[sflag:s30] =	ssyncadd.s32 @!p1 $0xFFFFF000;
	s30 =	simm.s32 @!p1 $0x6100  }
0x6d: {  	[spmem:s2] =	stream.indirect.scatter.add.bf16 @!p1 [tilespmem:s30], [sflag:$0x2], $0x20, s24, s31, $0xb8;
	[tilespmem:$0x1F900] =	vst v63  }
.Ltmp15:
0x6e: {  	_ = 	snop;
	(pc) =	sbr.rel @p2 .LBB2_11-.Ltmp15, $4  }
.Ltmp16:
0x6f: {  	s31 =	simm.s32 @!p1 $0x2;
	(pc) =	sbr.rel @!p2 .LBB2_10-.Ltmp16, $4  }
0x70: {  	_ =	swait.ge @!p1 [sflag:s31], $0x1000  }
0x71: {  	[sflag:s31] =	ssyncset.done @!p1 $0x0  }
0x72: {  	[sflag:s31] =	ssyncadd.s32 @!p1 $0xFFFFF000  }
0x73: {  	_ = 	snop  }
.LBB2_14:
0x74: {  	_ =	sfence.sel $0x180000  }
0x75: {  	[bflag:$0x0] =	sbarrier.arrive $0xFFFF  }
0x76: {  	p0 =	sne.s32 s1, $0x0;
	_ =	strace $0x9000004D  }
0x77: {  	s0 =	sadd.s32 @!p0 $0x100000, s0;
	[bflag:$0x2] =	sbarrier.arrive $0xFFFF  }
0x78: {  	[sflag:s0] =	ssyncadd.tile.s32 @!p0 $0x1;
	_ =	shalt  }
.Lfunc_end2:
_tile_overlayer_lowered:
.L_overlay_start_2:
0x79: {  	(tag) =	ssettag $0x2  }
0x7a: {  	s0 =	rddreg [dreg:$0x0];
	s2 =	stileid.u32  }
0x7b: {  	s1 =	rddreg [dreg:$0x1];
	p0 =	sne.s32 s2, $0x0  }
0x7c: {  	s3 =	rddreg [dreg:$0x2];
	[bflag:$0x3] =	sbarrier.arrive $0xFFFF;
	s2 =	simm.s32 @!p0 $0x1C02  }
0x7d: {  	[timem:s3], [sflag:s2] =	dma.local @!p0 [hbm:s0], s1  }
0x7e: {  	s0 =	simm.s32 @!p0 $0x2  }
0x7f: {  	_ =	swait.ge @!p0 [sflag:s0], s1  }
0x80: {  	s1 =	ssub.s32 @!p0 $0x0, s1;
	[sflag:s0] =	ssyncset.done @!p0 $0x0  }
0x81: {  	[sflag:s0] =	ssyncadd.s32 @!p0 s1  }
0x82: {  	[bflag:$0x3] =	sbarrier.arrive $0xFFFF  }
0x83: {  	_ =	shalt  }

// kernel: kernel.31.cloned.1.call-start
scs
__scs_entry_jumppad:
0x0: {  	(pc) =	sbr.rel $0x88, $3  }
0x1: {  	(tag) =	ssettag $0x0;
	lr =	simm.s32 $0x1  }
0x2: {  	[smem:$0x3F71] =	sst lr;
	_ =	strace $0xD0000000  }
0x3: {  	_ = 	snop  }
0x4: {  	_ = 	snop  }
0x5: {  	_ = 	snop  }
0x6: {  	_ = 	snop  }
0x7: {  	_ = 	snop  }
__scs_overlays_trampoline_lowered:
0x8: {  	[smem:$0x3F80] =	sst s0  }
0x9: {  	[smem:$0x3F81] =	sst s1  }
0xa: {  	[smem:$0x3F82] =	sst s2  }
0xb: {  	[smem:$0x3F83] =	sst s3  }
0xc: {  	[smem:$0x3F84] =	sst s4  }
0xd: {  	[smem:$0x3F85] =	sst s5  }
0xe: {  	[smem:$0x3F86] =	sst s6  }
0xf: {  	[smem:$0x3F87] =	sst s7  }
0x10: {  	[smem:$0x3F88] =	sst s8  }
0x11: {  	[smem:$0x3F89] =	sst s9;
	s0 =	simm.s32 @!p0 $0x0  }
0x12: {  	s1 =	sld [smem:$0x3F6F];
	s0 =	simm.s32 @p0 $0x1  }
0x13: {  	[smem:$0x3F8A] =	sst s0;
	s0 =	simm.s32 @!p1 $0x0  }
0x14: {  	s2 =	sld [smem:$0x3F6E];
	s0 =	simm.s32 @p1 $0x1  }
0x15: {  	[smem:$0x3F8B] =	sst s0;
	s0 =	simm.s32 @!p2 $0x0  }
0x16: {  	s3 =	sld [smem:$0x3FDB];
	s0 =	simm.s32 @p2 $0x1  }
0x17: {  	s4 =	simm.s32 $0x1BF5;
	[smem:$0x3F8D] =	sst s0  }
0x18: {  	s0 =	sld [smem:$0x3F70];
	_ =	swait.ge [sflag:s4], $0x0  }
0x19: {  	s7 =	sld [smem:$0x3F71]  }
0x1a: {  	s8 =	sadd.s32 $0xFFFFE003, lr  }
0x1b: {  	s9 =	sadd.s32 $0xFFFFFEF7, lr;
	s5 =	simm.s32 $0xFFFFFFFF;
	p2 =	slt.u32 s8, $0xFFFFF086  }
0x1c: {  	p1 =	slt.u32 s9, $0xF7A;
	s5 =	simm.s32 @!p2 $0x0  }
0x1d: {  	s5 =	simm.s32 @p1 $0x1;
	p0 =	seq.s32 s7, s2  }
0x1e: {  	s7 =	smul.u32 @!p0 $0xF7A, s2;
	p2 =	seq.s32 @!p0 s5, $0x0  }
0x1f: {  	s9 =	smul.u32 $0xF7A, s1;
	s8 =	simm.s32 @!p0 $0x1BF5;
	p2 =	por !p2, p0  }
0x20: {  	[sflag:s8] =	ssyncset.s32 @!p0 $0xFFFFF086;
	s6 =	sadd.s32 @!p0 s3, s7;
	s7 =	simm.s32 @!p0 $0x108  }
0x21: {  	s3 =	sadd.s32 s3, s9;
	s6 =	sadd.s32 @!p0 $0x88, s6;
	s7 =	simm.s32 @p2 $0x1082  }
0x22: {  	[simem:s7], [sflag:s8] =	dma.local @!p0 [hbm:s6], $0xF7A  }
0x23: {  	s9 =	sor.u32 $0xD0000000, s2;
	s6 =	simm.s32 $0x108;
	_ =	swait.ge @!p0 [sflag:s8], $0x0  }
0x24: {  	s3 =	sadd.s32 $0x88, s3;
	s6 =	simm.s32 @!p1 $0x1082;
	[sflag:s4] =	ssyncset.s32 $0xFFFFF086  }
0x25: {  	[simem:s6], [sflag:s4] =	dma.local [hbm:s3], $0xF7A  }
0x26: {  	[smem:$0x3F71] =	sst s1;
	(tag) =	ssettag s2;
	_ =	strace s9  }
0x27: {  	s1 =	sld [smem:$0x3F81]  }
0x28: {  	s2 =	sld [smem:$0x3F82]  }
0x29: {  	s4 =	sld [smem:$0x3F84]  }
0x2a: {  	p0 =	seq.s32 s5, $0x0;
	s5 =	sld [smem:$0x3F85]  }
0x2b: {  	s6 =	sld [smem:$0x3F86]  }
0x2c: {  	s7 =	sld [smem:$0x3F87]  }
0x2d: {  	s3 =	simm.s32 $0x108;
	s8 =	sld [smem:$0x3F88]  }
0x2e: {  	s3 =	simm.s32 @!p0 $0x1082;
	s9 =	sld [smem:$0x3F89]  }
0x2f: {  	lr =	sadd.s32 s0, s3;
	s0 =	sld [smem:$0x3F80]  }
0x30: {  	s3 =	sld [smem:$0x3F83]  }
0x31: {  	[smem:$0x3F8C] =	sst s10  }
0x32: {  	s10 =	sld [smem:$0x3F8A];
	_ =	sdelay $0x3  }
0x33: {  	p0 =	seq.s32 s10, $0x1;
	s10 =	sld [smem:$0x3F8C];
	_ =	sdelay $0x3  }
0x34: {  	[smem:$0x3F8C] =	sst s10  }
0x35: {  	s10 =	sld [smem:$0x3F8B];
	_ =	sdelay $0x3  }
0x36: {  	p1 =	seq.s32 s10, $0x1;
	s10 =	sld [smem:$0x3F8C];
	_ =	sdelay $0x3  }
0x37: {  	[smem:$0x3F8C] =	sst s10  }
0x38: {  	s10 =	sld [smem:$0x3F8D]  }
0x39: {  	_ = 	snop;
	(pc) =	sbr.ind lr, $3  }
0x3a: {  	_ = 	snop  }
0x3b: {  	_ = 	snop  }
0x3c: {  	p2 =	seq.s32 s10, $0x1;
	s10 =	sld [smem:$0x3F8C]  }
0x3d: {  	_ =	shalt  }
0x3e: {  	_ =	shalt  }
0x3f: {  	_ =	shalt  }
0x40: {  	_ =	shalt  }
0x41: {  	_ =	shalt  }
0x42: {  	_ =	shalt  }
0x43: {  	_ =	shalt  }
0x44: {  	_ =	shalt  }
0x45: {  	_ =	shalt  }
0x46: {  	_ =	shalt  }
0x47: {  	_ =	shalt  }
0x48: {  	_ =	shalt  }
0x49: {  	_ =	shalt  }
0x4a: {  	_ =	shalt  }
0x4b: {  	_ =	shalt  }
0x4c: {  	_ =	shalt  }
0x4d: {  	_ =	shalt  }
0x4e: {  	_ =	shalt  }
0x4f: {  	_ =	shalt  }
0x50: {  	_ =	shalt  }
0x51: {  	_ =	shalt  }
0x52: {  	_ =	shalt  }
0x53: {  	_ =	shalt  }
0x54: {  	_ =	shalt  }
0x55: {  	_ =	shalt  }
0x56: {  	_ =	shalt  }
0x57: {  	_ =	shalt  }
0x58: {  	_ =	shalt  }
0x59: {  	_ =	shalt  }
0x5a: {  	_ =	shalt  }
0x5b: {  	_ =	shalt  }
0x5c: {  	_ =	shalt  }
0x5d: {  	_ =	shalt  }
0x5e: {  	_ =	shalt  }
0x5f: {  	_ =	shalt  }
0x60: {  	_ =	shalt  }
0x61: {  	_ =	shalt  }
0x62: {  	_ =	shalt  }
0x63: {  	_ =	shalt  }
0x64: {  	_ =	shalt  }
0x65: {  	_ =	shalt  }
0x66: {  	_ =	shalt  }
0x67: {  	_ =	shalt  }
0x68: {  	_ =	shalt  }
0x69: {  	_ =	shalt  }
0x6a: {  	_ =	shalt  }
0x6b: {  	_ =	shalt  }
0x6c: {  	_ =	shalt  }
0x6d: {  	_ =	shalt  }
0x6e: {  	_ =	shalt  }
0x6f: {  	_ =	shalt  }
0x70: {  	_ =	shalt  }
0x71: {  	_ =	shalt  }
0x72: {  	_ =	shalt  }
0x73: {  	_ =	shalt  }
0x74: {  	_ =	shalt  }
0x75: {  	_ =	shalt  }
0x76: {  	_ =	shalt  }
0x77: {  	_ =	shalt  }
0x78: {  	_ =	shalt  }
0x79: {  	_ =	shalt  }
0x7a: {  	_ =	shalt  }
0x7b: {  	_ =	shalt  }
0x7c: {  	_ =	shalt  }
0x7d: {  	_ =	shalt  }
0x7e: {  	_ =	shalt  }
0x7f: {  	_ =	shalt  }
0x80: {  	_ =	shalt  }
0x81: {  	_ =	shalt  }
0x82: {  	_ =	shalt  }
0x83: {  	_ =	shalt  }
0x84: {  	_ =	shalt  }
0x85: {  	_ =	shalt  }
0x86: {  	_ =	shalt  }
0x87: {  	_ =	shalt  }
.Lfunc_end0:
.L_simem_size_0:
called_computation.3_lowered:
.L_overlay_start_0:
0x88: {  	s2 =	sld [smem:$0x3FD9]  }
0x89: {  	s3 =	sld [smem:$0x3FFE];
	_ =	sdelay $0x1  }
0x8a: {  	s1 =	srdreg.scid  }
0x8b: {  	s0 =	sand.u32 $0x1, s1  }
0x8c: {  	s16 =	sshll.u32 s0, $0xA;
	s2 =	sadd.s32 s3, s2  }
0x8d: {  	s2 =	sadd.s32 s2, s16  }
0x8e: {  	[smem:$0x3F98] =	sst s2  }
0x8f: {  	_ = 	snop  }
0x90: {  	(tm) =	ssettm $0x1  }
0x91: {  	s17 =	sld [smem:$0x3FFB];
	_ =	sdelay $0x3  }
0x92: {  	_ =	strace s17  }
0x93: {  	s2 =	sld [smem:$0x3FFC];
	_ =	sdelay $0x3  }
0x94: {  	_ =	strace s2  }
0x95: {  	s2 =	sld [smem:$0x3FFD];
	_ =	sdelay $0x3  }
0x96: {  	_ =	strace s2  }
0x97: {  	_ =	strace $0x8FFFFFFF  }
0x98: {  	s18 =	sld [smem:$0x3FDB];
	_ =	sdelay $0x1  }
0x99: {  	s19 =	simm.s32 $_scs_section_size  }
0x9a: {  	s4 =	simm.s32 $_size__tile_overlayer_lowered;
	s5 =	simm.s32 $_tile_overlayer_lowered  }
0x9b: {  	s22 =	simm.s32 $0x1BFF;
	s21 =	sshll.u32 s5, $0x1;
	s2 =	sadd.s32 s19, s18  }
0x9c: {  	s6 =	simm.s32 $0x0;
	s20 =	sshll.u32 s4, $0x1;
	s4 =	sadd.s32 s21, s2  }
0x9d: {  	[timem:s6], [sflag:s22] =	dma.local [hbm:s4], s20  }
0x9e: {  	_ =	swait.ge [sflag:s22], s20  }
0x9f: {  	s3 =	ssub.s32 $0x0, s20;
	[sflag:s22] =	ssyncset.done $0x0  }
0xa0: {  	[sflag:s22] =	ssyncadd.s32 s3;
	_ =	sdelay $0x1  }
0xa1: {  	s23 =	simm.s32 $0x1B8B  }
0xa2: {  	_ =	swait.ge [sflag:s23], $0x1  }
0xa3: {  	[sflag:s23] =	ssyncset.done $0x0  }
0xa4: {  	s25 =	simm.s32 $0x1B8E;
	s24 =	sld [smem:$0x3FFE];
	[sflag:s23] =	ssyncadd.s32 $0xFFFFFFFF  }
0xa5: {  	s26 =	simm.s32 $execute0_lowered;
	[smem:$0x3FD2] =	sst s25  }
0xa6: {  	s4 =	sshll.u32 s26, $0x1;
	_ =	strace $0x8000004F;
	[dreg:$0x1] =	wrdreg $0xFFFFFFFF  }
0xa7: {  	s28 =	simm.s32 $_size_execute0_lowered;
	s2 =	sadd.s32 s2, s4;
	[dreg:$0x0] =	wrdreg $0x0  }
0xa8: {  	s4 =	sshll.u32 s28, $0x1;
	[dreg:$0x2] =	wrdreg s2  }
0xa9: {  	[dreg:$0x3] =	wrdreg s4  }
0xaa: {  	[dreg:$0x4] =	wrdreg $0xC0  }
0xab: {  	_ =	task [dreg:s6], $0x5FFFF  }
0xac: {  	[dreg:$0x1] =	wrdreg $0xFFFFFFFF  }
0xad: {  	[dreg:$0x0] =	wrdreg $0x60  }
0xae: {  	[dreg:$0x2] =	wrdreg s24  }
0xaf: {  	[dreg:$0x3] =	wrdreg $0x71000  }
0xb0: {  	[dreg:$0x4] =	wrdreg $0x9  }
0xb1: {  	_ =	task.clear_ibuf [dreg:s6], $0x5FFFF;
	_ =	strace $0x9000004F  }
0xb2: {  	s29 =	simm.s32 $0x9;
	_ =	strace $0x80000051  }
0xb3: {  	_ =	swait.ge [sflag:s29], $0x1  }
0xb4: {  	[sflag:s29] =	ssyncadd.s32 $0xFFFFFFFF  }
0xb5: {  	_ =	strace $0x90000051  }
0xb6: {  	_ =	sfence  }
0xb7: {  	s30 =	sld [smem:$0x0];
	_ =	sdelay $0x2  }
0xb8: {  	s31 =	sshll.u32 s1, $0xD;
	s1 =	sshrl.u32 s1, $0x2  }
0xb9: {  	s3 =	sand.u32 $0x4000, s31;
	s1 =	sadd.s32 s1, s30  }
0xba: {  	s0 =	sor.u32 s3, s0;
	s1 =	sshll.u32 s1, $0x11  }
0xbb: {  	s0 =	sor.u32 s1, s0  }
0xbc: {  	s0 =	sadd.s32 $0x8F2B, s0  }
0xbd: {  	[sflag:s0] =	ssyncadd.remote.s32 $0x1  }
0xbe: {  	_ =	sfence.sel $0xFFFF  }
0xbf: {  	[dreg:$0x0] =	wrdreg $0xFFFFFFFF;
	(pc) =	sbr.abs _section_cstart, $3  }
0xc0: {  	[dreg:$0x1] =	wrdreg $0xFFFFFFFF  }
0xc1: {  	_ =	task.clear_ibuf [dreg:s6], $0x2FFFF;
	_ =	strace $0x9FFFFFFF  }
0xc2: {  	(tm) =	ssettm $0x7FFFFFFF  }
0xc3: {  	_ =	shalt  }
tec
execute0_lowered:
.L_overlay_start_1:
0x0: {  	(tag) =	ssettag $0x1  }
0x1: {  	s6 =	rddreg [dreg:$0x0]  }
0x2: {  	s2 =	rddreg [dreg:$0x1]  }
0x3: {  	s0 =	rddreg [dreg:$0x2];
	s3 =	simm.s32 $0x0  }
0x4: {  	s1 =	stileid.u32;
	s8 =	srdreg.scid;
	s15 =	simm.s32 $0x3100  }
0x5: {  	s16 =	simm.s32 $0x4100;
	s17 =	simm.s32 $0x100;
	s18 =	simm.s32 $0x5100  }
0x6: {  	s19 =	simm.s32 $0x180;
	s20 =	simm.s32 $0x6100;
	s21 =	simm.s32 $0x1  }
0x7: {  	s22 =	simm.s32 $0x0;
	[smem:$0x7FF] =	sst s3;
	s7 =	smul.u32 $0x1880, s1  }
0x8: {  	s4 =	sadd.s32 $0xE6A00, s6;
	s5 =	sadd.s32 $0x22C00, s6;
	s8 =	sand.u32 $0x1, s8  }
0x9: {  	s12 =	smul.u32 $0x31000, s1;
	s31 =	sshll.u32 s1, $0x6;
	_ =	strace $0x80000050  }
0xa: {  	s10 =	smul.u32 $0x18800, s8;
	s11 =	sshll.u32 s8, $0x4;
	s8 =	ssub.s32 $0x2, s8  }
0xb: {  	s9 =	sadd.s32 s7, s6;
	s11 =	sor.u32 s1, s11;
	s25 =	sshrl.u32 s8, $0x1  }
0xc: {  	s26 =	sshrl.u32 s12, $0x2;
	s7 =	sadd.s32 s7, s10;
	s11 =	smul.u32 $0xC35, s11  }
.Ltmp0:
0xd: {  	s14 =	ssub.s32 s8, s25;
	s29 =	sadd.s32 s26, s2;
	(pc) =	sbr.rel .LBB2_1-.Ltmp0, $4  }
0xe: {  	s8 =	sadd.s32 $0xA400, s9;
	s9 =	sor.u32 $0x1C02, s31;
	s13 =	sadd.s32 s7, s6  }
0xf: {  	s30 =	sadd.s32 $0xC3500, s29;
	s6 =	sshrl.u32 s11, $0x5;
	s28 =	sadd.s32 $0xC35, s11  }
0x10: {  	s10 =	sadd.s32 $0x117A00, s13;
	s11 =	smax.u32 s14, $0x1;
	s12 =	sshrl.u32 s30, $0x3  }
0x11: {  	s13 =	simm.s32 $0x2;
	s14 =	simm.s32 $0x80;
	s7 =	sshrl.u32 s28, $0x5  }
.LBB2_13:
0x12: {  	s22 =	sadd.s32 $0x1, s22  }
0x13: {  	p0 =	sne.s32 s22, s11  }
.Ltmp1:
0x14: {  	[bflag:$0x0] =	sbarrier.arrive $0xFFFF;
	(pc) =	sbr.rel @!p0 .LBB2_14-.Ltmp1, $4  }
0x15: {  	[hbm:s10], [sflag:s9] =	dma.local [spmem:s12], $0x1880  }
0x16: {  	_ =	swait.ge [sflag:s13], $0x1880  }
0x17: {  	[sflag:s13] =	ssyncset.done $0x0  }
0x18: {  	[sflag:s13] =	ssyncadd.s32 $0xFFFFE780  }
.LBB2_1:
0x19: {  	[spmem:s12], [sflag:s9] =	dma.local [hbm:s8], $0x1880  }
.Ltmp2:
0x1a: {  	_ =	swait.ge [sflag:s13], $0x1880;
	(pc) =	sbr.rel .LBB2_2-.Ltmp2, $4  }
0x1b: {  	[sflag:s13] =	ssyncset.done $0x0  }
0x1c: {  	[sflag:s13] =	ssyncadd.s32 $0xFFFFE780  }
0x1d: {  	[bflag:$0x0] =	sbarrier.arrive $0xFFFF  }
0x1e: {  	p1 =	por $0x1, $0x1;
	s23 =	simm.s32 $0x0  }
.LBB2_12:
.Ltmp3:
0x1f: {  	(pc) =	sbr.rel @!p0 .LBB2_13-.Ltmp3, $2  }
0x20: {  	_ =	sdelay $0x2  }
0x21: {  	s23 =	simm.s32 $0x31;
	p1 =	por $0x0, $0x0  }
.LBB2_2:
0x22: {  	s24 =	sadd.s32 s6, s23  }
0x23: {  	s23 =	sshll.u32 s24, $0x4  }
0x24: {  	s23 =	sand.u32 $0x1FFFFFF0, s23  }
0x25: {  	s23 =	sadd.s32 s5, s23  }
0x26: {  	s25 =	sadd.s32 $0x186A0, s23  }
0x27: {  	[tilespmem:s3], [sflag:$0x2] =	stream.linear.gather [hbm4b:s25+s3], $0x1880, $0x38;
	[tilespmem:$0x1F900] =	vst v63  }
0x28: {  	_ =	swait.ge [sflag:s13], $0x1880  }
0x29: {  	[sflag:s13] =	ssyncset.done $0x0  }
0x2a: {  	s31 =	sadd.s32 $0x249F0, s23;
	s23 =	simm.s32 $0x1880;
	[sflag:s13] =	ssyncadd.s32 $0xFFFFE780  }
0x2b: {  	[tilespmem:s23], [sflag:$0x2] =	stream.linear.gather [hbm4b:s31+s3], $0x1880, $0x38;
	[tilespmem:$0x1F900] =	vst v63  }
0x2c: {  	_ =	swait.ge [sflag:s13], $0x1880  }
0x2d: {  	[sflag:s13] =	ssyncset.done $0x0  }
0x2e: {  	[sflag:s13] =	ssyncadd.s32 $0xFFFFE780  }
0x2f: {  	[tilespmem:s15], [sflag:$0x1] =	stream.indirect.gather [hbm4b:s4+s14], $0x20, s3, s14, $0xb8;
	[tilespmem:$0x1F900] =	vst v63  }
0x30: {  	_ = 	snop  }
0x31: {  	[tilespmem:s16], [sflag:$0x1] =	stream.indirect.gather [hbm4b:s4+s14], $0x20, s14, s14, $0xb8;
	[tilespmem:$0x1F900] =	vst v63  }
.Ltmp4:
0x32: {  	s24 =	ssub.s32 s7, s24;
	(pc) =	sbr.rel .LBB2_3-.Ltmp4, $4  }
0x33: {  	p0 =	por p1, p1;
	p2 =	slt.s32 s24, $0x31;
	s25 =	smov.u32 s24  }
0x34: {  	[tilespmem:s18], [sflag:$0x1] =	stream.indirect.gather [hbm4b:s4+s14], $0x20, s17, s14, $0xb8;
	[tilespmem:$0x1F900] =	vst v63  }
0x35: {  	s26 =	simm.s32 $0x200;
	s28 =	simm.s32 $0x4;
	s25 =	simm.s32 @!p2 $0x31  }
0x36: {  	[tilespmem:s20], [sflag:$0x1] =	stream.indirect.gather [hbm4b:s4+s14], $0x20, s19, s14, $0xb8;
	[tilespmem:$0x1F900] =	vst v63  }
.LBB2_10:
0x37: {  	[tilespmem:s29], [sflag:$0x1] =	stream.indirect.gather [hbm4b:s4+s14], $0x20, s26, s14, $0xb8;
	[tilespmem:$0x1F900] =	vst v63  }
.LBB2_11:
0x38: {  	s28 =	sadd.s32 $0x1, s28  }
0x39: {  	p1 =	sne.s32 s28, $0x35  }
.Ltmp5:
0x3a: {  	_ = 	snop;
	(pc) =	sbr.rel @!p1 .LBB2_12-.Ltmp5, $2  }
0x3b: {  	_ =	sdelay $0x2  }
0x3c: {  	s23 =	sadd.s32 $0x80, s23;
	s26 =	sadd.s32 $0x80, s26  }
.LBB2_3:
0x3d: {  	s30 =	sadd.s32 $0xFFFFFFFC, s28  }
0x3e: {  	s29 =	sand.u32 $0x3, s30;
	p1 =	sle.s32 s24, s30  }
0x3f: {  	p2 =	sne.s32 @!p1 s29, $0x0  }
0x40: {  	p2 =	por p1, p2  }
.Ltmp6:
0x41: {  	_ = 	snop;
	(pc) =	sbr.rel @p2 .LBB2_5-.Ltmp6, $1  }
0x42: {  	_ =	sdelay $0x3  }
0x43: {  	_ =	swait.ge [sflag:s21], $0x1000  }
0x44: {  	[sflag:s21] =	ssyncset.done $0x0  }
0x45: {  	s29 =	simm.s32 $0x3100;
	p1 =	slt.s32 s28, s25;
	[sflag:s21] =	ssyncadd.s32 $0xFFFFF000  }
0x46: {  	[spmem:s2] =	stream.indirect.scatter.add.bf16 [tilespmem:s29], [sflag:$0x2], $0x20, s23, s14, $0xb8;
	[tilespmem:$0x1F900] =	vst v63  }
.Ltmp7:
0x47: {  	_ = 	snop;
	(pc) =	sbr.rel @p1 .LBB2_10-.Ltmp7, $4  }
.Ltmp8:
0x48: {  	_ = 	snop;
	(pc) =	sbr.rel @!p1 .LBB2_11-.Ltmp8, $4  }
0x49: {  	_ =	swait.ge [sflag:s13], $0x1000  }
0x4a: {  	[sflag:s13] =	ssyncset.done $0x0  }
0x4b: {  	[sflag:s13] =	ssyncadd.s32 $0xFFFFF000  }
0x4c: {  	_ = 	snop  }
.LBB2_5:
0x4d: {  	p2 =	sne.s32 @!p1 s29, $0x1  }
0x4e: {  	p2 =	por p1, p2  }
.Ltmp9:
0x4f: {  	_ = 	snop;
	(pc) =	sbr.rel @p2 .LBB2_7-.Ltmp9, $1  }
0x50: {  	_ =	sdelay $0x3  }
0x51: {  	_ =	swait.ge [sflag:s21], $0x1000  }
0x52: {  	[sflag:s21] =	ssyncset.done $0x0  }
0x53: {  	s29 =	simm.s32 $0x4100;
	p1 =	slt.s32 s28, s25;
	[sflag:s21] =	ssyncadd.s32 $0xFFFFF000  }
0x54: {  	[spmem:s2] =	stream.indirect.scatter.add.bf16 [tilespmem:s29], [sflag:$0x2], $0x20, s23, s14, $0xb8;
	[tilespmem:$0x1F900] =	vst v63  }
.Ltmp10:
0x55: {  	_ = 	snop;
	(pc) =	sbr.rel @p1 .LBB2_10-.Ltmp10, $4  }
.Ltmp11:
0x56: {  	_ = 	snop;
	(pc) =	sbr.rel @!p1 .LBB2_11-.Ltmp11, $4  }
0x57: {  	_ =	swait.ge [sflag:s13], $0x1000  }
0x58: {  	[sflag:s13] =	ssyncset.done $0x0  }
0x59: {  	[sflag:s13] =	ssyncadd.s32 $0xFFFFF000  }
0x5a: {  	_ = 	snop  }
.LBB2_7:
0x5b: {  	p2 =	sne.s32 @!p1 s29, $0x2  }
0x5c: {  	p2 =	por p1, p2  }
.Ltmp12:
0x5d: {  	_ = 	snop;
	(pc) =	sbr.rel @p2 .LBB2_9-.Ltmp12, $1  }
0x5e: {  	_ =	sdelay $0x3  }
0x5f: {  	_ =	swait.ge [sflag:s21], $0x1000  }
0x60: {  	[sflag:s21] =	ssyncset.done $0x0  }
0x61: {  	s29 =	simm.s32 $0x5100;
	p1 =	slt.s32 s28, s25;
	[sflag:s21] =	ssyncadd.s32 $0xFFFFF000  }
0x62: {  	[spmem:s2] =	stream.indirect.scatter.add.bf16 [tilespmem:s29], [sflag:$0x2], $0x20, s23, s14, $0xb8;
	[tilespmem:$0x1F900] =	vst v63  }
.Ltmp13:
0x63: {  	_ = 	snop;
	(pc) =	sbr.rel @p1 .LBB2_10-.Ltmp13, $4  }
.Ltmp14:
0x64: {  	_ = 	snop;
	(pc) =	sbr.rel @!p1 .LBB2_11-.Ltmp14, $4  }
0x65: {  	_ =	swait.ge [sflag:s13], $0x1000  }
0x66: {  	[sflag:s13] =	ssyncset.done $0x0  }
0x67: {  	[sflag:s13] =	ssyncadd.s32 $0xFFFFF000  }
0x68: {  	_ = 	snop  }
.LBB2_9:
0x69: {  	p2 =	sne.s32 @!p1 s29, $0x3  }
0x6a: {  	p1 =	por p1, p2  }
0x6b: {  	s29 =	simm.s32 @!p1 $0x1  }
0x6c: {  	_ =	swait.ge @!p1 [sflag:s29], $0x1000  }
0x6d: {  	s30 =	simm.s32 @!p1 $0x80;
	p2 =	sge.s32 @!p1 s28, s25;
	[sflag:s29] =	ssyncset.done @!p1 $0x0  }
0x6e: {  	p2 =	por p1, p2;
	[sflag:s29] =	ssyncadd.s32 @!p1 $0xFFFFF000;
	s29 =	simm.s32 @!p1 $0x6100  }
0x6f: {  	[spmem:s2] =	stream.indirect.scatter.add.bf16 @!p1 [tilespmem:s29], [sflag:$0x2], $0x20, s23, s30, $0xb8;
	[tilespmem:$0x1F900] =	vst v63  }
.Ltmp15:
0x70: {  	_ = 	snop;
	(pc) =	sbr.rel @p2 .LBB2_11-.Ltmp15, $4  }
.Ltmp16:
0x71: {  	s30 =	simm.s32 @!p1 $0x2;
	(pc) =	sbr.rel @!p2 .LBB2_10-.Ltmp16, $4  }
0x72: {  	_ =	swait.ge @!p1 [sflag:s30], $0x1000  }
0x73: {  	[sflag:s30] =	ssyncset.done @!p1 $0x0  }
0x74: {  	[sflag:s30] =	ssyncadd.s32 @!p1 $0xFFFFF000  }
0x75: {  	_ = 	snop  }
.LBB2_14:
0x76: {  	_ =	sfence.sel $0x180000  }
0x77: {  	[bflag:$0x0] =	sbarrier.arrive $0xFFFF  }
0x78: {  	p0 =	sne.s32 s1, $0x0;
	_ =	strace $0x90000050  }
0x79: {  	s0 =	sadd.s32 @!p0 $0x100000, s0;
	[bflag:$0x2] =	sbarrier.arrive $0xFFFF  }
0x7a: {  	[sflag:s0] =	ssyncadd.tile.s32 @!p0 $0x1;
	_ =	shalt  }
.Lfunc_end2:
_tile_overlayer_lowered:
.L_overlay_start_2:
0x7b: {  	(tag) =	ssettag $0x2  }
0x7c: {  	s0 =	rddreg [dreg:$0x0];
	s2 =	stileid.u32  }
0x7d: {  	s1 =	rddreg [dreg:$0x1];
	p0 =	sne.s32 s2, $0x0  }
0x7e: {  	s3 =	rddreg [dreg:$0x2];
	[bflag:$0x3] =	sbarrier.arrive $0xFFFF;
	s2 =	simm.s32 @!p0 $0x1C02  }
0x7f: {  	[timem:s3], [sflag:s2] =	dma.local @!p0 [hbm:s0], s1  }
0x80: {  	s0 =	simm.s32 @!p0 $0x2  }
0x81: {  	_ =	swait.ge @!p0 [sflag:s0], s1  }
0x82: {  	s1 =	ssub.s32 @!p0 $0x0, s1;
	[sflag:s0] =	ssyncset.done @!p0 $0x0  }
0x83: {  	[sflag:s0] =	ssyncadd.s32 @!p0 s1  }
0x84: {  	[bflag:$0x3] =	sbarrier.arrive $0xFFFF  }
0x85: {  	_ =	shalt  }

// kernel: kernel.34.cloned.1.call-start
scs
__scs_entry_jumppad:
0x0: {  	(pc) =	sbr.rel $0x88, $3  }
0x1: {  	(tag) =	ssettag $0x0;
	lr =	simm.s32 $0x1  }
0x2: {  	[smem:$0x3F71] =	sst lr;
	_ =	strace $0xD0000000  }
0x3: {  	_ = 	snop  }
0x4: {  	_ = 	snop  }
0x5: {  	_ = 	snop  }
0x6: {  	_ = 	snop  }
0x7: {  	_ = 	snop  }
__scs_overlays_trampoline_lowered:
0x8: {  	[smem:$0x3F80] =	sst s0  }
0x9: {  	[smem:$0x3F81] =	sst s1  }
0xa: {  	[smem:$0x3F82] =	sst s2  }
0xb: {  	[smem:$0x3F83] =	sst s3  }
0xc: {  	[smem:$0x3F84] =	sst s4  }
0xd: {  	[smem:$0x3F85] =	sst s5  }
0xe: {  	[smem:$0x3F86] =	sst s6  }
0xf: {  	[smem:$0x3F87] =	sst s7  }
0x10: {  	[smem:$0x3F88] =	sst s8  }
0x11: {  	[smem:$0x3F89] =	sst s9;
	s0 =	simm.s32 @!p0 $0x0  }
0x12: {  	s1 =	sld [smem:$0x3F6F];
	s0 =	simm.s32 @p0 $0x1  }
0x13: {  	[smem:$0x3F8A] =	sst s0;
	s0 =	simm.s32 @!p1 $0x0  }
0x14: {  	s2 =	sld [smem:$0x3F6E];
	s0 =	simm.s32 @p1 $0x1  }
0x15: {  	[smem:$0x3F8B] =	sst s0;
	s0 =	simm.s32 @!p2 $0x0  }
0x16: {  	s3 =	sld [smem:$0x3FDB];
	s0 =	simm.s32 @p2 $0x1  }
0x17: {  	s4 =	simm.s32 $0x1BF5;
	[smem:$0x3F8D] =	sst s0  }
0x18: {  	s0 =	sld [smem:$0x3F70];
	_ =	swait.ge [sflag:s4], $0x0  }
0x19: {  	s7 =	sld [smem:$0x3F71]  }
0x1a: {  	s8 =	sadd.s32 $0xFFFFE003, lr  }
0x1b: {  	s9 =	sadd.s32 $0xFFFFFEF7, lr;
	s5 =	simm.s32 $0xFFFFFFFF;
	p2 =	slt.u32 s8, $0xFFFFF086  }
0x1c: {  	p1 =	slt.u32 s9, $0xF7A;
	s5 =	simm.s32 @!p2 $0x0  }
0x1d: {  	s5 =	simm.s32 @p1 $0x1;
	p0 =	seq.s32 s7, s2  }
0x1e: {  	s7 =	smul.u32 @!p0 $0xF7A, s2;
	p2 =	seq.s32 @!p0 s5, $0x0  }
0x1f: {  	s9 =	smul.u32 $0xF7A, s1;
	s8 =	simm.s32 @!p0 $0x1BF5;
	p2 =	por !p2, p0  }
0x20: {  	[sflag:s8] =	ssyncset.s32 @!p0 $0xFFFFF086;
	s6 =	sadd.s32 @!p0 s3, s7;
	s7 =	simm.s32 @!p0 $0x108  }
0x21: {  	s3 =	sadd.s32 s3, s9;
	s6 =	sadd.s32 @!p0 $0x88, s6;
	s7 =	simm.s32 @p2 $0x1082  }
0x22: {  	[simem:s7], [sflag:s8] =	dma.local @!p0 [hbm:s6], $0xF7A  }
0x23: {  	s9 =	sor.u32 $0xD0000000, s2;
	s6 =	simm.s32 $0x108;
	_ =	swait.ge @!p0 [sflag:s8], $0x0  }
0x24: {  	s3 =	sadd.s32 $0x88, s3;
	s6 =	simm.s32 @!p1 $0x1082;
	[sflag:s4] =	ssyncset.s32 $0xFFFFF086  }
0x25: {  	[simem:s6], [sflag:s4] =	dma.local [hbm:s3], $0xF7A  }
0x26: {  	[smem:$0x3F71] =	sst s1;
	(tag) =	ssettag s2;
	_ =	strace s9  }
0x27: {  	s1 =	sld [smem:$0x3F81]  }
0x28: {  	s2 =	sld [smem:$0x3F82]  }
0x29: {  	s4 =	sld [smem:$0x3F84]  }
0x2a: {  	p0 =	seq.s32 s5, $0x0;
	s5 =	sld [smem:$0x3F85]  }
0x2b: {  	s6 =	sld [smem:$0x3F86]  }
0x2c: {  	s7 =	sld [smem:$0x3F87]  }
0x2d: {  	s3 =	simm.s32 $0x108;
	s8 =	sld [smem:$0x3F88]  }
0x2e: {  	s3 =	simm.s32 @!p0 $0x1082;
	s9 =	sld [smem:$0x3F89]  }
0x2f: {  	lr =	sadd.s32 s0, s3;
	s0 =	sld [smem:$0x3F80]  }
0x30: {  	s3 =	sld [smem:$0x3F83]  }
0x31: {  	[smem:$0x3F8C] =	sst s10  }
0x32: {  	s10 =	sld [smem:$0x3F8A];
	_ =	sdelay $0x3  }
0x33: {  	p0 =	seq.s32 s10, $0x1;
	s10 =	sld [smem:$0x3F8C];
	_ =	sdelay $0x3  }
0x34: {  	[smem:$0x3F8C] =	sst s10  }
0x35: {  	s10 =	sld [smem:$0x3F8B];
	_ =	sdelay $0x3  }
0x36: {  	p1 =	seq.s32 s10, $0x1;
	s10 =	sld [smem:$0x3F8C];
	_ =	sdelay $0x3  }
0x37: {  	[smem:$0x3F8C] =	sst s10  }
0x38: {  	s10 =	sld [smem:$0x3F8D]  }
0x39: {  	_ = 	snop;
	(pc) =	sbr.ind lr, $3  }
0x3a: {  	_ = 	snop  }
0x3b: {  	_ = 	snop  }
0x3c: {  	p2 =	seq.s32 s10, $0x1;
	s10 =	sld [smem:$0x3F8C]  }
0x3d: {  	_ =	shalt  }
0x3e: {  	_ =	shalt  }
0x3f: {  	_ =	shalt  }
0x40: {  	_ =	shalt  }
0x41: {  	_ =	shalt  }
0x42: {  	_ =	shalt  }
0x43: {  	_ =	shalt  }
0x44: {  	_ =	shalt  }
0x45: {  	_ =	shalt  }
0x46: {  	_ =	shalt  }
0x47: {  	_ =	shalt  }
0x48: {  	_ =	shalt  }
0x49: {  	_ =	shalt  }
0x4a: {  	_ =	shalt  }
0x4b: {  	_ =	shalt  }
0x4c: {  	_ =	shalt  }
0x4d: {  	_ =	shalt  }
0x4e: {  	_ =	shalt  }
0x4f: {  	_ =	shalt  }
0x50: {  	_ =	shalt  }
0x51: {  	_ =	shalt  }
0x52: {  	_ =	shalt  }
0x53: {  	_ =	shalt  }
0x54: {  	_ =	shalt  }
0x55: {  	_ =	shalt  }
0x56: {  	_ =	shalt  }
0x57: {  	_ =	shalt  }
0x58: {  	_ =	shalt  }
0x59: {  	_ =	shalt  }
0x5a: {  	_ =	shalt  }
0x5b: {  	_ =	shalt  }
0x5c: {  	_ =	shalt  }
0x5d: {  	_ =	shalt  }
0x5e: {  	_ =	shalt  }
0x5f: {  	_ =	shalt  }
0x60: {  	_ =	shalt  }
0x61: {  	_ =	shalt  }
0x62: {  	_ =	shalt  }
0x63: {  	_ =	shalt  }
0x64: {  	_ =	shalt  }
0x65: {  	_ =	shalt  }
0x66: {  	_ =	shalt  }
0x67: {  	_ =	shalt  }
0x68: {  	_ =	shalt  }
0x69: {  	_ =	shalt  }
0x6a: {  	_ =	shalt  }
0x6b: {  	_ =	shalt  }
0x6c: {  	_ =	shalt  }
0x6d: {  	_ =	shalt  }
0x6e: {  	_ =	shalt  }
0x6f: {  	_ =	shalt  }
0x70: {  	_ =	shalt  }
0x71: {  	_ =	shalt  }
0x72: {  	_ =	shalt  }
0x73: {  	_ =	shalt  }
0x74: {  	_ =	shalt  }
0x75: {  	_ =	shalt  }
0x76: {  	_ =	shalt  }
0x77: {  	_ =	shalt  }
0x78: {  	_ =	shalt  }
0x79: {  	_ =	shalt  }
0x7a: {  	_ =	shalt  }
0x7b: {  	_ =	shalt  }
0x7c: {  	_ =	shalt  }
0x7d: {  	_ =	shalt  }
0x7e: {  	_ =	shalt  }
0x7f: {  	_ =	shalt  }
0x80: {  	_ =	shalt  }
0x81: {  	_ =	shalt  }
0x82: {  	_ =	shalt  }
0x83: {  	_ =	shalt  }
0x84: {  	_ =	shalt  }
0x85: {  	_ =	shalt  }
0x86: {  	_ =	shalt  }
0x87: {  	_ =	shalt  }
.Lfunc_end0:
.L_simem_size_0:
called_computation.4_lowered:
.L_overlay_start_0:
0x88: {  	s2 =	sld [smem:$0x3FD9]  }
0x89: {  	s3 =	sld [smem:$0x3FFE];
	_ =	sdelay $0x1  }
0x8a: {  	s1 =	srdreg.scid  }
0x8b: {  	s0 =	sand.u32 $0x1, s1  }
0x8c: {  	s16 =	sshll.u32 s0, $0xA;
	s2 =	sadd.s32 s3, s2  }
0x8d: {  	s2 =	sadd.s32 s2, s16  }
0x8e: {  	[smem:$0x3F98] =	sst s2  }
0x8f: {  	_ = 	snop  }
0x90: {  	(tm) =	ssettm $0x1  }
0x91: {  	s17 =	sld [smem:$0x3FFB];
	_ =	sdelay $0x3  }
0x92: {  	_ =	strace s17  }
0x93: {  	s2 =	sld [smem:$0x3FFC];
	_ =	sdelay $0x3  }
0x94: {  	_ =	strace s2  }
0x95: {  	s2 =	sld [smem:$0x3FFD];
	_ =	sdelay $0x3  }
0x96: {  	_ =	strace s2  }
0x97: {  	_ =	strace $0x8FFFFFFF  }
0x98: {  	s18 =	sld [smem:$0x3FDB];
	_ =	sdelay $0x1  }
0x99: {  	s19 =	simm.s32 $_scs_section_size  }
0x9a: {  	s4 =	simm.s32 $_size__tile_overlayer_lowered;
	s5 =	simm.s32 $_tile_overlayer_lowered  }
0x9b: {  	s22 =	simm.s32 $0x1BFF;
	s21 =	sshll.u32 s5, $0x1;
	s2 =	sadd.s32 s19, s18  }
0x9c: {  	s6 =	simm.s32 $0x0;
	s20 =	sshll.u32 s4, $0x1;
	s4 =	sadd.s32 s21, s2  }
0x9d: {  	[timem:s6], [sflag:s22] =	dma.local [hbm:s4], s20  }
0x9e: {  	_ =	swait.ge [sflag:s22], s20  }
0x9f: {  	s3 =	ssub.s32 $0x0, s20;
	[sflag:s22] =	ssyncset.done $0x0  }
0xa0: {  	[sflag:s22] =	ssyncadd.s32 s3;
	_ =	sdelay $0x1  }
0xa1: {  	s23 =	simm.s32 $0x1B8B  }
0xa2: {  	_ =	swait.ge [sflag:s23], $0x1  }
0xa3: {  	[sflag:s23] =	ssyncset.done $0x0  }
0xa4: {  	s25 =	simm.s32 $0x1B8E;
	s24 =	sld [smem:$0x3FFE];
	[sflag:s23] =	ssyncadd.s32 $0xFFFFFFFF  }
0xa5: {  	s26 =	simm.s32 $execute0_lowered;
	[smem:$0x3FD2] =	sst s25  }
0xa6: {  	s4 =	sshll.u32 s26, $0x1;
	_ =	strace $0x80000052;
	[dreg:$0x1] =	wrdreg $0xFFFFFFFF  }
0xa7: {  	s28 =	simm.s32 $_size_execute0_lowered;
	s2 =	sadd.s32 s2, s4;
	[dreg:$0x0] =	wrdreg $0x0  }
0xa8: {  	s4 =	sshll.u32 s28, $0x1;
	[dreg:$0x2] =	wrdreg s2  }
0xa9: {  	[dreg:$0x3] =	wrdreg s4  }
0xaa: {  	[dreg:$0x4] =	wrdreg $0xC0  }
0xab: {  	_ =	task [dreg:s6], $0x5FFFF  }
0xac: {  	[dreg:$0x1] =	wrdreg $0xFFFFFFFF  }
0xad: {  	[dreg:$0x0] =	wrdreg $0x60  }
0xae: {  	[dreg:$0x2] =	wrdreg s24  }
0xaf: {  	[dreg:$0x3] =	wrdreg $0x71000  }
0xb0: {  	[dreg:$0x4] =	wrdreg $0x9  }
0xb1: {  	_ =	task.clear_ibuf [dreg:s6], $0x5FFFF;
	_ =	strace $0x90000052  }
0xb2: {  	s29 =	simm.s32 $0x9;
	_ =	strace $0x80000054  }
0xb3: {  	_ =	swait.ge [sflag:s29], $0x1  }
0xb4: {  	[sflag:s29] =	ssyncadd.s32 $0xFFFFFFFF  }
0xb5: {  	_ =	strace $0x90000054  }
0xb6: {  	_ =	sfence  }
0xb7: {  	s30 =	sld [smem:$0x0];
	_ =	sdelay $0x2  }
0xb8: {  	s31 =	sshll.u32 s1, $0xD;
	s1 =	sshrl.u32 s1, $0x2  }
0xb9: {  	s3 =	sand.u32 $0x4000, s31;
	s1 =	sadd.s32 s1, s30  }
0xba: {  	s0 =	sor.u32 s3, s0;
	s1 =	sshll.u32 s1, $0x11  }
0xbb: {  	s0 =	sor.u32 s1, s0  }
0xbc: {  	s0 =	sadd.s32 $0x8F2B, s0  }
0xbd: {  	[sflag:s0] =	ssyncadd.remote.s32 $0x1  }
0xbe: {  	_ =	sfence.sel $0xFFFF  }
0xbf: {  	[dreg:$0x0] =	wrdreg $0xFFFFFFFF;
	(pc) =	sbr.abs _section_cstart, $3  }
0xc0: {  	[dreg:$0x1] =	wrdreg $0xFFFFFFFF  }
0xc1: {  	_ =	task.clear_ibuf [dreg:s6], $0x2FFFF;
	_ =	strace $0x9FFFFFFF  }
0xc2: {  	(tm) =	ssettm $0x7FFFFFFF  }
0xc3: {  	_ =	shalt  }
tec
execute0_lowered:
.L_overlay_start_1:
0x0: {  	(tag) =	ssettag $0x1  }
0x1: {  	s6 =	rddreg [dreg:$0x0]  }
0x2: {  	s2 =	rddreg [dreg:$0x1]  }
0x3: {  	s0 =	rddreg [dreg:$0x2];
	s4 =	srdreg.scid;
	s3 =	simm.s32 $0x0  }
0x4: {  	s1 =	stileid.u32;
	s15 =	simm.s32 $0x80;
	s16 =	simm.s32 $0x3100  }
0x5: {  	s17 =	simm.s32 $0x4100;
	s18 =	simm.s32 $0x100;
	s19 =	simm.s32 $0x5100  }
0x6: {  	s20 =	simm.s32 $0x180;
	s21 =	simm.s32 $0x6100;
	s22 =	simm.s32 $0x1  }
0x7: {  	s23 =	simm.s32 $0x0;
	s7 =	sand.u32 $0x1, s4;
	s8 =	smul.u32 $0x1880, s1  }
0x8: {  	[smem:$0x7FF] =	sst s3;
	s5 =	sadd.s32 $0x22C00, s6;
	s11 =	smul.u32 $0x31000, s1  }
0x9: {  	s31 =	sshll.u32 s1, $0x6;
	s4 =	sshll.u32 s7, $0x4;
	_ =	strace $0x80000053  }
0xa: {  	s9 =	smul.u32 $0x18800, s7;
	s7 =	ssub.s32 $0x2, s7;
	s10 =	sor.u32 s1, s4  }
0xb: {  	s4 =	sadd.s32 $0xE6A00, s6;
	s28 =	sshrl.u32 s7, $0x1;
	s30 =	sshrl.u32 s11, $0x2  }
0xc: {  	s10 =	smul.u32 $0xC35, s10;
	s9 =	sadd.s32 s8, s9;
	s8 =	sadd.s32 s8, s6  }
.Ltmp0:
0xd: {  	s13 =	ssub.s32 s7, s28;
	s12 =	sadd.s32 s9, s6;
	(pc) =	sbr.rel .LBB2_1-.Ltmp0, $4  }
0xe: {  	s9 =	sadd.s32 s30, s2;
	s8 =	sadd.s32 $0xA400, s8;
	s11 =	smax.u32 s13, $0x1  }
0xf: {  	s13 =	simm.s32 $0x2;
	s29 =	sadd.s32 $0xC35, s10;
	s6 =	sshrl.u32 s10, $0x5  }
0x10: {  	s14 =	sadd.s32 $0xC3500, s9;
	s9 =	sor.u32 $0x1C02, s31;
	s10 =	sadd.s32 $0xFF200, s12  }
0x11: {  	s7 =	sshrl.u32 s29, $0x5;
	s12 =	sshrl.u32 s14, $0x3;
	s14 =	simm.s32 $0x1880  }
.LBB2_15:
0x12: {  	s23 =	sadd.s32 $0x1, s23  }
0x13: {  	p0 =	sne.s32 s23, s11  }
.Ltmp1:
0x14: {  	[bflag:$0x0] =	sbarrier.arrive $0xFFFF;
	(pc) =	sbr.rel @!p0 .LBB2_16-.Ltmp1, $4  }
0x15: {  	[hbm:s10], [sflag:s9] =	dma.local [spmem:s12], $0x1880  }
0x16: {  	_ =	swait.ge [sflag:s13], $0x1880  }
0x17: {  	[sflag:s13] =	ssyncset.done $0x0  }
0x18: {  	[sflag:s13] =	ssyncadd.s32 $0xFFFFE780  }
.LBB2_1:
0x19: {  	[spmem:s12], [sflag:s9] =	dma.local [hbm:s8], $0x1880  }
.Ltmp2:
0x1a: {  	_ =	swait.ge [sflag:s13], $0x1880;
	(pc) =	sbr.rel .LBB2_2-.Ltmp2, $4  }
0x1b: {  	[sflag:s13] =	ssyncset.done $0x0  }
0x1c: {  	[sflag:s13] =	ssyncadd.s32 $0xFFFFE780  }
0x1d: {  	[bflag:$0x0] =	sbarrier.arrive $0xFFFF  }
0x1e: {  	p1 =	por $0x1, $0x1;
	s24 =	simm.s32 $0x0  }
.LBB2_14:
.Ltmp3:
0x1f: {  	(pc) =	sbr.rel @!p0 .LBB2_15-.Ltmp3, $2  }
0x20: {  	_ =	sdelay $0x2  }
0x21: {  	s24 =	simm.s32 $0x31;
	p1 =	por $0x0, $0x0  }
.LBB2_2:
0x22: {  	s24 =	sadd.s32 s6, s24  }
0x23: {  	s25 =	sshll.u32 s24, $0x4  }
0x24: {  	s25 =	sand.u32 $0x1FFFFFF0, s25  }
0x25: {  	s25 =	sadd.s32 s5, s25  }
0x26: {  	s28 =	simm.s32 $0x0;
	s26 =	sadd.s32 $0x186A0, s25  }
0x27: {  	[tilespmem:s28], [sflag:$0x2] =	stream.linear.gather [hbm4b:s26+s28], $0x1880, $0x38;
	[tilespmem:$0x1F900] =	vst v63  }
0x28: {  	_ =	swait.ge [sflag:s13], $0x1880  }
0x29: {  	[sflag:s13] =	ssyncset.done $0x0  }
0x2a: {  	s25 =	sadd.s32 $0x249F0, s25;
	[sflag:s13] =	ssyncadd.s32 $0xFFFFE780  }
0x2b: {  	[tilespmem:s14], [sflag:$0x2] =	stream.linear.gather [hbm4b:s25+s28], $0x1880, $0x38;
	[tilespmem:$0x1F900] =	vst v63  }
0x2c: {  	s30 =	sand.u32 $0x7E00, s28;
	_ =	swait.ge [sflag:s13], $0x1880  }
0x2d: {  	s31 =	sand.u32 $0x70, s28;
	s25 =	sshrl.u32 s30, $0x2;
	[sflag:s13] =	ssyncset.done $0x0  }
0x2e: {  	s25 =	sor.u32 s31, s25;
	[sflag:s13] =	ssyncadd.s32 $0xFFFFE780  }
0x2f: {  	v0 =	vld [tilespmem:s25+$0x0];
	_ =	sdelay $0x2  }
0x30: {  	p0 =	por p1, p1;
	s28 =	simm.s32 $0x40  }
0x31: {  	s26 =	simm.s32 $0x10;
	s29 =	sand.u32 $0x7E00, s28;
	s28 =	simm.s32 $0x80  }
.LBB2_3:
0x32: {  	p1 =	sne.s32 s28, $0x61C0;
	s30 =	sand.u32 $0x70, s26;
	s29 =	sshrl.u32 s29, $0x2;
	v0 =	vadd.s32 $0xFFFF9E58, v0  }
0x33: {  	[tilespmem:s25+$0x0] =	vst v0;
	s25 =	sor.u32 s30, s29  }
.Ltmp4:
0x34: {  	v0 =	vld [tilespmem:s25+$0x0];
	(pc) =	sbr.rel @p1 .LBB2_3-.Ltmp4, $2  }
0x35: {  	_ =	sdelay $0x2  }
0x36: {  	s26 =	sadd.s32 $0x10, s26;
	s29 =	sand.u32 $0x7E00, s28;
	s28 =	sadd.s32 $0x40, s28  }
0x37: {  	s26 =	sand.u32 $0x70, s26;
	s28 =	sshrl.u32 s29, $0x2;
	v0 =	vadd.s32 $0xFFFF9E58, v0  }
0x38: {  	s26 =	sor.u32 s26, s28;
	[tilespmem:s25+$0x0] =	vst v0  }
0x39: {  	v0 =	vld [tilespmem:s26+$0x0];
	_ =	sdelay $0x4  }
0x3a: {  	v0 =	vadd.s32 $0xFFFF9E58, v0  }
0x3b: {  	[tilespmem:s26+$0x0] =	vst v0  }
0x3c: {  	[tilespmem:s16], [sflag:$0x1] =	stream.indirect.gather [hbm4b:s4+s15], $0x20, s3, s15, $0xb8;
	[tilespmem:$0x1F900] =	vst v63  }
0x3d: {  	_ = 	snop  }
0x3e: {  	[tilespmem:s17], [sflag:$0x1] =	stream.indirect.gather [hbm4b:s4+s15], $0x20, s15, s15, $0xb8;
	[tilespmem:$0x1F900] =	vst v63  }
.Ltmp5:
0x3f: {  	s24 =	ssub.s32 s7, s24;
	(pc) =	sbr.rel .LBB2_5-.Ltmp5, $4  }
0x40: {  	s29 =	simm.s32 $0x4;
	p1 =	slt.s32 s24, $0x31;
	s25 =	smov.u32 s24  }
0x41: {  	[tilespmem:s19], [sflag:$0x1] =	stream.indirect.gather [hbm4b:s4+s15], $0x20, s18, s15, $0xb8;
	[tilespmem:$0x1F900] =	vst v63  }
0x42: {  	s28 =	simm.s32 $0x200;
	s25 =	simm.s32 @!p1 $0x31;
	s26 =	simm.s32 $0x1880  }
0x43: {  	[tilespmem:s21], [sflag:$0x1] =	stream.indirect.gather [hbm4b:s4+s15], $0x20, s20, s15, $0xb8;
	[tilespmem:$0x1F900] =	vst v63  }
.LBB2_12:
0x44: {  	[tilespmem:s30], [sflag:$0x1] =	stream.indirect.gather [hbm4b:s4+s15], $0x20, s28, s15, $0xb8;
	[tilespmem:$0x1F900] =	vst v63  }
.LBB2_13:
0x45: {  	s29 =	sadd.s32 $0x1, s29  }
0x46: {  	p1 =	sne.s32 s29, $0x35  }
.Ltmp6:
0x47: {  	_ = 	snop;
	(pc) =	sbr.rel @!p1 .LBB2_14-.Ltmp6, $2  }
0x48: {  	_ =	sdelay $0x2  }
0x49: {  	s26 =	sadd.s32 $0x80, s26;
	s28 =	sadd.s32 $0x80, s28  }
.LBB2_5:
0x4a: {  	s31 =	sadd.s32 $0xFFFFFFFC, s29  }
0x4b: {  	s30 =	sand.u32 $0x3, s31;
	p1 =	sle.s32 s24, s31  }
0x4c: {  	p2 =	sne.s32 @!p1 s30, $0x0  }
0x4d: {  	p2 =	por p1, p2  }
.Ltmp7:
0x4e: {  	_ = 	snop;
	(pc) =	sbr.rel @p2 .LBB2_7-.Ltmp7, $1  }
0x4f: {  	_ =	sdelay $0x3  }
0x50: {  	_ =	swait.ge [sflag:s22], $0x1000  }
0x51: {  	[sflag:s22] =	ssyncset.done $0x0  }
0x52: {  	s30 =	simm.s32 $0x3100;
	p1 =	slt.s32 s29, s25;
	[sflag:s22] =	ssyncadd.s32 $0xFFFFF000  }
0x53: {  	[spmem:s2] =	stream.indirect.scatter.add.bf16 [tilespmem:s30], [sflag:$0x2], $0x20, s26, s15, $0xb8;
	[tilespmem:$0x1F900] =	vst v63  }
.Ltmp8:
0x54: {  	_ = 	snop;
	(pc) =	sbr.rel @p1 .LBB2_12-.Ltmp8, $4  }
.Ltmp9:
0x55: {  	_ = 	snop;
	(pc) =	sbr.rel @!p1 .LBB2_13-.Ltmp9, $4  }
0x56: {  	_ =	swait.ge [sflag:s13], $0x1000  }
0x57: {  	[sflag:s13] =	ssyncset.done $0x0  }
0x58: {  	[sflag:s13] =	ssyncadd.s32 $0xFFFFF000  }
0x59: {  	_ = 	snop  }
.LBB2_7:
0x5a: {  	p2 =	sne.s32 @!p1 s30, $0x1  }
0x5b: {  	p2 =	por p1, p2  }
.Ltmp10:
0x5c: {  	_ = 	snop;
	(pc) =	sbr.rel @p2 .LBB2_9-.Ltmp10, $1  }
0x5d: {  	_ =	sdelay $0x3  }
0x5e: {  	_ =	swait.ge [sflag:s22], $0x1000  }
0x5f: {  	[sflag:s22] =	ssyncset.done $0x0  }
0x60: {  	s30 =	simm.s32 $0x4100;
	p1 =	slt.s32 s29, s25;
	[sflag:s22] =	ssyncadd.s32 $0xFFFFF000  }
0x61: {  	[spmem:s2] =	stream.indirect.scatter.add.bf16 [tilespmem:s30], [sflag:$0x2], $0x20, s26, s15, $0xb8;
	[tilespmem:$0x1F900] =	vst v63  }
.Ltmp11:
0x62: {  	_ = 	snop;
	(pc) =	sbr.rel @p1 .LBB2_12-.Ltmp11, $4  }
.Ltmp12:
0x63: {  	_ = 	snop;
	(pc) =	sbr.rel @!p1 .LBB2_13-.Ltmp12, $4  }
0x64: {  	_ =	swait.ge [sflag:s13], $0x1000  }
0x65: {  	[sflag:s13] =	ssyncset.done $0x0  }
0x66: {  	[sflag:s13] =	ssyncadd.s32 $0xFFFFF000  }
0x67: {  	_ = 	snop  }
.LBB2_9:
0x68: {  	p2 =	sne.s32 @!p1 s30, $0x2  }
0x69: {  	p2 =	por p1, p2  }
.Ltmp13:
0x6a: {  	_ = 	snop;
	(pc) =	sbr.rel @p2 .LBB2_11-.Ltmp13, $1  }
0x6b: {  	_ =	sdelay $0x3  }
0x6c: {  	_ =	swait.ge [sflag:s22], $0x1000  }
0x6d: {  	[sflag:s22] =	ssyncset.done $0x0  }
0x6e: {  	s30 =	simm.s32 $0x5100;
	p1 =	slt.s32 s29, s25;
	[sflag:s22] =	ssyncadd.s32 $0xFFFFF000  }
0x6f: {  	[spmem:s2] =	stream.indirect.scatter.add.bf16 [tilespmem:s30], [sflag:$0x2], $0x20, s26, s15, $0xb8;
	[tilespmem:$0x1F900] =	vst v63  }
.Ltmp14:
0x70: {  	_ = 	snop;
	(pc) =	sbr.rel @p1 .LBB2_12-.Ltmp14, $4  }
.Ltmp15:
0x71: {  	_ = 	snop;
	(pc) =	sbr.rel @!p1 .LBB2_13-.Ltmp15, $4  }
0x72: {  	_ =	swait.ge [sflag:s13], $0x1000  }
0x73: {  	[sflag:s13] =	ssyncset.done $0x0  }
0x74: {  	[sflag:s13] =	ssyncadd.s32 $0xFFFFF000  }
0x75: {  	_ = 	snop  }
.LBB2_11:
0x76: {  	p2 =	sne.s32 @!p1 s30, $0x3  }
0x77: {  	p1 =	por p1, p2  }
0x78: {  	s30 =	simm.s32 @!p1 $0x1  }
0x79: {  	_ =	swait.ge @!p1 [sflag:s30], $0x1000  }
0x7a: {  	s31 =	simm.s32 @!p1 $0x80;
	p2 =	sge.s32 @!p1 s29, s25;
	[sflag:s30] =	ssyncset.done @!p1 $0x0  }
0x7b: {  	p2 =	por p1, p2;
	[sflag:s30] =	ssyncadd.s32 @!p1 $0xFFFFF000;
	s30 =	simm.s32 @!p1 $0x6100  }
0x7c: {  	[spmem:s2] =	stream.indirect.scatter.add.bf16 @!p1 [tilespmem:s30], [sflag:$0x2], $0x20, s26, s31, $0xb8;
	[tilespmem:$0x1F900] =	vst v63  }
.Ltmp16:
0x7d: {  	_ = 	snop;
	(pc) =	sbr.rel @p2 .LBB2_13-.Ltmp16, $4  }
.Ltmp17:
0x7e: {  	s31 =	simm.s32 @!p1 $0x2;
	(pc) =	sbr.rel @!p2 .LBB2_12-.Ltmp17, $4  }
0x7f: {  	_ =	swait.ge @!p1 [sflag:s31], $0x1000  }
0x80: {  	[sflag:s31] =	ssyncset.done @!p1 $0x0  }
0x81: {  	[sflag:s31] =	ssyncadd.s32 @!p1 $0xFFFFF000  }
0x82: {  	_ = 	snop  }
.LBB2_16:
0x83: {  	_ =	sfence.sel $0x180000  }
0x84: {  	[bflag:$0x0] =	sbarrier.arrive $0xFFFF  }
0x85: {  	p0 =	sne.s32 s1, $0x0;
	_ =	strace $0x90000053  }
0x86: {  	s0 =	sadd.s32 @!p0 $0x100000, s0;
	[bflag:$0x2] =	sbarrier.arrive $0xFFFF  }
0x87: {  	[sflag:s0] =	ssyncadd.tile.s32 @!p0 $0x1;
	_ =	shalt  }
.Lfunc_end2:
_tile_overlayer_lowered:
.L_overlay_start_2:
0x88: {  	(tag) =	ssettag $0x2  }
0x89: {  	s0 =	rddreg [dreg:$0x0];
	s2 =	stileid.u32  }
0x8a: {  	s1 =	rddreg [dreg:$0x1];
	p0 =	sne.s32 s2, $0x0  }
0x8b: {  	s3 =	rddreg [dreg:$0x2];
	[bflag:$0x3] =	sbarrier.arrive $0xFFFF;
	s2 =	simm.s32 @!p0 $0x1C02  }
0x8c: {  	[timem:s3], [sflag:s2] =	dma.local @!p0 [hbm:s0], s1  }
0x8d: {  	s0 =	simm.s32 @!p0 $0x2  }
0x8e: {  	_ =	swait.ge @!p0 [sflag:s0], s1  }
0x8f: {  	s1 =	ssub.s32 @!p0 $0x0, s1;
	[sflag:s0] =	ssyncset.done @!p0 $0x0  }
0x90: {  	[sflag:s0] =	ssyncadd.s32 @!p0 s1  }
0x91: {  	[bflag:$0x3] =	sbarrier.arrive $0xFFFF  }
0x92: {  	_ =	shalt  }

</sc_bundles>
